<compile_context>
chip_gen: v7x
topology: tpu7x:2x2x1
jax: 0.10.2.dev20260603
libtpu: 0.0.44.dev20260713+nightly
codegen_flags: <defaults>
</compile_context>

<pallas_src>
import functools

import jax
import jax.numpy as jnp
from jax import lax
from jax.experimental import pallas as pl
from jax.experimental.pallas import tpu as pltpu
from jax.experimental.pallas import tpu_sc as plsc

N = 10000
E = 320000
NROW = 10240
G = 64
NC, NS = 2, 16
NW = NC * NS

_EMB_CH = 80
_EMB_PER_TILE = NROW // NW


def _sc_embed_body(ports_hbm, ptab2_hbm, epp_hbm, pidx, qidx, prow_v, sem):
    wid = lax.axis_index("s") * NC + lax.axis_index("c")
    base0 = wid * _EMB_PER_TILE
    for k in range(_EMB_PER_TILE // _EMB_CH):
        base = base0 + k * _EMB_CH
        pltpu.sync_copy(ports_hbm.at[pl.ds(base, _EMB_CH)], pidx)
        for g in range(_EMB_CH // 16):
            qidx[pl.ds(16 * g, 16)] = lax.shift_right_logical(
                pidx[pl.ds(16 * g, 16)], 3)
        pltpu.async_copy(ptab2_hbm.at[qidx], prow_v, sem).wait()
        pltpu.sync_copy(prow_v, epp_hbm.at[pl.ds(base, _EMB_CH)])


@functools.cache
def _sc_embed():
    return pl.kernel(
        _sc_embed_body,
        out_type=jax.ShapeDtypeStruct((NROW, 128), jnp.float32),
        mesh=plsc.VectorSubcoreMesh(core_axis_name="c", subcore_axis_name="s",
                                    num_cores=NC, num_subcores=NS),
        scratch_types=[pltpu.VMEM((_EMB_CH,), jnp.int32),
                       pltpu.VMEM((_EMB_CH,), jnp.int32),
                       pltpu.VMEM((_EMB_CH, 128), jnp.float32),
                       pltpu.SemaphoreType.DMA],
    )

_ECH = 128
_EPAD = 327680
_STG = 40
_SLOW_CID = 1
_SLOW_BLK = 2
_FAST_BLK = 2
_RPT = NROW // NS


def _sc_agg_body(m_hbm, src_hbm, dst_hbm, zro_hbm, o0_hbm, o1_hbm,
                 acc, srci, dsti, rows_a, rows_b,
                 zsem, isem, gsem_a, gsem_b, ssem_a, ssem_b):
    cid = lax.axis_index("c")
    sid = lax.axis_index("s")
    rbase = sid * _RPT

    def g_start(c, buf, sem):
        pltpu.async_copy(m_hbm.at[srci.at[c]], buf, sem)

    def g_wait(c, buf, sem):
        pltpu.make_async_copy(m_hbm.at[srci.at[c]], buf, sem).wait()

    def s_start(c, buf, sem):
        pltpu.async_copy(buf, acc.at[dsti.at[c]], sem, add=True)

    def s_wait(c, buf, sem):
        pltpu.make_async_copy(buf, acc.at[dsti.at[c]], sem).wait()

    def stage_idx(trow):
        pltpu.async_copy(src_hbm.at[pl.ds(trow, _STG)], srci, isem)
        pltpu.async_copy(dst_hbm.at[pl.ds(trow, _STG)], dsti, isem)
        pltpu.make_async_copy(src_hbm.at[pl.ds(trow, _STG)], srci, isem).wait()
        pltpu.make_async_copy(dst_hbm.at[pl.ds(trow, _STG)], dsti, isem).wait()

    def pair(j, carry):
        a = 2 * j
        b = a + 1
        g_wait(a, rows_a, gsem_a)
        s_start(a, rows_a, ssem_a)
        g_wait(b, rows_b, gsem_b)
        s_start(b, rows_b, ssem_b)
        s_wait(a, rows_a, ssem_a)
        g_start(a + 2, rows_a, gsem_a)
        s_wait(b, rows_b, ssem_b)
        g_start(b + 2, rows_b, gsem_b)
        return carry

    def run_block(trow):
        stage_idx(trow)
        g_start(0, rows_a, gsem_a)
        g_start(1, rows_b, gsem_b)
        lax.fori_loop(0, _STG // 2 - 1, pair, 0)
        a = _STG - 2
        g_wait(a, rows_a, gsem_a)
        s_start(a, rows_a, ssem_a)
        g_wait(a + 1, rows_b, gsem_b)
        s_start(a + 1, rows_b, ssem_b)
        s_wait(a, rows_a, ssem_a)
        s_wait(a + 1, rows_b, ssem_b)

    pltpu.async_copy(zro_hbm, acc.at[pl.ds(rbase, _RPT)], zsem)
    pltpu.make_async_copy(zro_hbm, acc.at[pl.ds(rbase, _RPT)], zsem).wait()
    plsc.subcore_barrier()

    @pl.when(cid == _SLOW_CID)
    def _():
        for st in range(_SLOW_BLK):
            run_block((sid * _SLOW_BLK + st) * _STG)

    @pl.when(cid != _SLOW_CID)
    def _():
        base = NS * _SLOW_BLK * _STG
        for st in range(_FAST_BLK):
            run_block(base + (sid * _FAST_BLK + st) * _STG)

    plsc.subcore_barrier()

    @pl.when(cid == 0)
    def _():
        pltpu.sync_copy(acc.at[pl.ds(rbase, _RPT)], o0_hbm.at[pl.ds(rbase, _RPT)])

    @pl.when(cid == 1)
    def _():
        pltpu.sync_copy(acc.at[pl.ds(rbase, _RPT)], o1_hbm.at[pl.ds(rbase, _RPT)])


@functools.cache
def _sc_agg():
    return pl.kernel(
        _sc_agg_body,
        out_type=(jax.ShapeDtypeStruct((NROW, 128), jnp.float32),
                  jax.ShapeDtypeStruct((NROW, 128), jnp.float32)),
        mesh=plsc.VectorSubcoreMesh(core_axis_name="c", subcore_axis_name="s",
                                    num_cores=NC, num_subcores=NS),
        scratch_types=[pltpu.VMEM_SHARED((NROW, 128), jnp.float32),
                       pltpu.VMEM((_STG, _ECH), jnp.int32),
                       pltpu.VMEM((_STG, _ECH), jnp.int32),
                       pltpu.VMEM((_ECH, 128), jnp.float32),
                       pltpu.VMEM((_ECH, 128), jnp.float32),
                       pltpu.SemaphoreType.DMA,
                       pltpu.SemaphoreType.DMA,
                       pltpu.SemaphoreType.DMA,
                       pltpu.SemaphoreType.DMA,
                       pltpu.SemaphoreType.DMA,
                       pltpu.SemaphoreType.DMA],
    )

_BR = 512
_GRID = NROW // _BR


def _dot(a, b):
    return jnp.dot(a, b, preferred_element_type=jnp.float32)


def _tc_in_body(x_ref, epp_ref, pc_ref, fc_ref, ttab_ref,
                wxr_ref, wpr_ref, wtr_ref, wxo_ref, wpo_ref, wto_ref,
                m_ref, r_ref):
    xa = x_ref[...]
    lane_grp = lax.shift_right_logical(
        lax.broadcasted_iota(jnp.int32, (_BR, 128), 1), 4)
    rem = pc_ref[...] & 7
    pm = jnp.where(lane_grp == rem, epp_ref[...], 0.0)
    lane = lax.broadcasted_iota(jnp.int32, (_BR, 128), 1)
    fl = fc_ref[...]
    oh1 = jnp.where(fl == lane, 1.0, 0.0)
    oh2 = jnp.where(fl == lane + 128, 1.0, 0.0)
    eta = _dot(oh1, ttab_ref[0:128]) + _dot(oh2, ttab_ref[128:256])
    m_ref[...] = (_dot(xa, wxr_ref[...]) + _dot(pm, wpr_ref[...])
                  + _dot(eta, wtr_ref[...]))
    r_ref[...] = (_dot(xa, wxo_ref[...]) + _dot(pm, wpo_ref[...])
                  + _dot(eta, wto_ref[...]))


_row_spec = pl.BlockSpec((_BR, 128), lambda i: (i, 0))
_emb_spec = pl.BlockSpec((_BR, 16), lambda i: (i, 0))
_w128_spec = pl.BlockSpec((128, 128), lambda i: (0, 0))
_w16_spec = pl.BlockSpec((16, 128), lambda i: (0, 0))
_b_spec = pl.BlockSpec((1, 128), lambda i: (0, 0))

_c1_spec = pl.BlockSpec((_BR, 1), lambda i: (i, 0))
_ttab_spec = pl.BlockSpec((256, 16), lambda i: (0, 0))

_tc_in = pl.pallas_call(
    _tc_in_body,
    grid=(_GRID,),
    in_specs=[_row_spec, _row_spec, _c1_spec, _c1_spec, _ttab_spec,
              _w128_spec, _w128_spec, _w16_spec,
              _w128_spec, _w128_spec, _w16_spec],
    out_specs=(_row_spec, _row_spec),
    out_shape=(jax.ShapeDtypeStruct((NROW, 128), jnp.float32),
               jax.ShapeDtypeStruct((NROW, 128), jnp.float32)),
)


def _tc_mid_body(a0_ref, a1_ref, r_ref, b_ref, wr_ref, wo_ref, m_ref, r2_ref):
    h = jnp.maximum(a0_ref[...] + a1_ref[...] + r_ref[...] + b_ref[...], 0.0)
    m_ref[...] = _dot(h, wr_ref[...])
    r2_ref[...] = _dot(h, wo_ref[...])


_tc_mid = pl.pallas_call(
    _tc_mid_body,
    grid=(_GRID,),
    in_specs=[_row_spec, _row_spec, _row_spec, _b_spec, _w128_spec, _w128_spec],
    out_specs=(_row_spec, _row_spec),
    out_shape=(jax.ShapeDtypeStruct((NROW, 128), jnp.float32),
               jax.ShapeDtypeStruct((NROW, 128), jnp.float32)),
)


def _tc_fin_body(a0_ref, a1_ref, r_ref, b_ref, bat_ref,
                 wf1_ref, bf1_ref, wf2_ref, bf2_ref, wf3_ref, bf3_ref,
                 out_ref, pooled):
    i = pl.program_id(0)

    @pl.when(i == 0)
    def _():
        pooled[...] = jnp.full((G, 128), -jnp.inf, jnp.float32)

    h = jnp.maximum(a0_ref[...] + a1_ref[...] + r_ref[...] + b_ref[...], 0.0)
    bat = bat_ref[...]
    gmin = jnp.min(bat)
    gmax = jnp.max(bat)

    def gbody(g, carry):
        sel = jnp.where(bat == g, h, -jnp.inf)
        loc = jnp.max(sel, axis=0, keepdims=True)
        gc = jnp.minimum(g, G - 1)

        @pl.when(g < G)
        def _():
            pooled[pl.ds(gc, 1), :] = jnp.maximum(pooled[pl.ds(gc, 1), :], loc)

        return carry

    lax.fori_loop(gmin, gmax + 1, gbody, 0)

    @pl.when(i == _GRID - 1)
    def _():
        p = pooled[...]
        z = jnp.maximum(_dot(p, wf1_ref[...]) + bf1_ref[...], 0.0)
        z = jnp.maximum(_dot(z, wf2_ref[...]) + bf2_ref[...], 0.0)
        out_ref[...] = _dot(z, wf3_ref[...]) + bf3_ref[...]


_tc_fin = pl.pallas_call(
    _tc_fin_body,
    grid=(_GRID,),
    in_specs=[_row_spec, _row_spec, _row_spec, _b_spec, _c1_spec,
              _w128_spec, _b_spec, _w128_spec, _b_spec, _w128_spec, _b_spec],
    out_specs=pl.BlockSpec((G, 128), lambda i: (0, 0)),
    out_shape=jax.ShapeDtypeStruct((G, 128), jnp.float32),
    scratch_shapes=[pltpu.VMEM((G, 128), jnp.float32)],
)


def kernel(x, dst_ports, tcp_flags, edge_index, batch, dst_table, tcp_table,
           Wr0, br0, Wo0, Wr1, br1, Wo1, Wr2, br2, Wo2,
           Wf1, bf1, Wf2, bf2, Wf3, bf3):
    ports = jnp.concatenate([dst_ports.astype(jnp.int32),
                             jnp.arange(NROW - N, dtype=jnp.int32) * 8])
    flags = jnp.pad(tcp_flags.astype(jnp.int32), (0, NROW - N))
    ptab2 = dst_table.reshape(8192, 128)
    epp = _sc_embed()(ports, ptab2)

    src_pad = jnp.arange(_EPAD - E, dtype=jnp.int32) % N
    src2d = jnp.concatenate(
        [edge_index[0].astype(jnp.int32), src_pad]).reshape(_EPAD // _ECH, _ECH)
    dst_pad = N + (jnp.arange(_EPAD - E, dtype=jnp.int32) % (NROW - N))
    dst2d = jnp.concatenate(
        [edge_index[1].astype(jnp.int32), dst_pad]).reshape(_EPAD // _ECH, _ECH)

    zrows = jnp.zeros((_RPT, 128), jnp.float32)
    ttab16 = jnp.pad(tcp_table, ((0, 0), (0, 14)))
    m, r = _tc_in(x, epp, ports[:, None], flags[:, None], ttab16,
                  Wr0[:128], jnp.tile(Wr0[128:144], (8, 1)),
                  jnp.pad(Wr0[144:146], ((0, 14), (0, 0))),
                  Wo0[:128], jnp.tile(Wo0[128:144], (8, 1)),
                  jnp.pad(Wo0[144:146], ((0, 14), (0, 0))))
    a0, a1 = _sc_agg()(m, src2d, dst2d, zrows)
    m, r = _tc_mid(a0, a1, r, br0.reshape(1, 128), Wr1, Wo1)
    a0, a1 = _sc_agg()(m, src2d, dst2d, zrows)
    m, r = _tc_mid(a0, a1, r, br1.reshape(1, 128), Wr2, Wo2)
    a0, a1 = _sc_agg()(m, src2d, dst2d, zrows)

    batp = jnp.pad(batch.astype(jnp.int32), (0, NROW - N),
                   constant_values=G)[:, None]
    outf = _tc_fin(a0, a1, r, br2.reshape(1, 128), batp,
                   Wf1, bf1.reshape(1, 128), Wf2, bf2.reshape(1, 128),
                   jnp.pad(Wf3, ((0, 0), (0, 118))),
                   jnp.pad(bf3, (0, 118)).reshape(1, 128))
    return outf[:, :10]

# --- scband reference (transcript-rebuilt; emitter-appended) ---
"""Pipeline reference for scband-repr1-classifier-7765300871371 (READ-ONLY COPY).

The authoritative reference and input builder live on the scoring server;
editing this copy changes nothing except your own understanding.
"""

import jax, jax.numpy as jnp
import numpy as np

N = 10000
E = 320000
D = 128
PORT_DIM = 16
TCP_DIM = 2
H = 128
C = 10
G = 64
IN_DIM = D + PORT_DIM + TCP_DIM


def setup_inputs(seed: int = 0):
    key = jax.random.key(seed)
    ks = jax.random.split(key, 24)
    inp = {}
    inp["x"] = jax.random.normal(ks[0], (N, D), jnp.float32)
    inp["dst_ports"] = jax.random.randint(ks[1], (N,), 0, 65536)
    inp["tcp_flags"] = jax.random.randint(ks[2], (N,), 0, 256)
    inp["edge_index"] = jax.random.randint(ks[3], (2, E), 0, N)
    inp["batch"] = jnp.sort(jax.random.randint(ks[4], (N,), 0, G))
    inp["dst_table"] = jax.random.normal(ks[5], (65536, PORT_DIM), jnp.float32) * 0.05
    inp["tcp_table"] = jax.random.normal(ks[6], (256, TCP_DIM), jnp.float32) * 0.05
    dims = [(IN_DIM, H), (H, H), (H, H)]
    for i, (di, do) in enumerate(dims):
        inp[f"Wr{i}"] = jax.random.normal(ks[7 + 3 * i], (di, do), jnp.float32) * (1.0 / np.sqrt(di))
        inp[f"br{i}"] = jnp.zeros((do,), jnp.float32)
        inp[f"Wo{i}"] = jax.random.normal(ks[8 + 3 * i], (di, do), jnp.float32) * (1.0 / np.sqrt(di))
    inp["Wf1"] = jax.random.normal(ks[16], (H, H), jnp.float32) * (1.0 / np.sqrt(H))
    inp["bf1"] = jnp.zeros((H,), jnp.float32)
    inp["Wf2"] = jax.random.normal(ks[17], (H, H), jnp.float32) * (1.0 / np.sqrt(H))
    inp["bf2"] = jnp.zeros((H,), jnp.float32)
    inp["Wf3"] = jax.random.normal(ks[18], (H, C), jnp.float32) * (1.0 / np.sqrt(H))
    inp["bf3"] = jnp.zeros((C,), jnp.float32)
    return inp


def reference(x, dst_ports, tcp_flags, edge_index, batch, dst_table, tcp_table,
              Wr0, br0, Wo0, Wr1, br1, Wo1, Wr2, br2, Wo2,
              Wf1, bf1, Wf2, bf2, Wf3, bf3):
    # embedding lookups + concat (dropout p=0.0 -> identity, eval mode)
    h = jnp.concatenate([x, dst_table[dst_ports], tcp_table[tcp_flags]], axis=1)
    src = edge_index[0]
    dst = edge_index[1]
    # PyG-style GraphConv: out = lin_rel(sum_{j->i} x_j) + lin_root(x_i)
    for Wr, br, Wo in ((Wr0, br0, Wo0), (Wr1, br1, Wo1), (Wr2, br2, Wo2)):
        agg = jax.ops.segment_sum(h[src], dst, num_segments=h.shape[0])
        h = jax.nn.relu(agg @ Wr + br + h @ Wo)
    pooled = jax.ops.segment_max(h, batch, num_segments=G)
    z = jax.nn.relu(pooled @ Wf1 + bf1)
    z = jax.nn.relu(z @ Wf2 + bf2)
    return z @ Wf3 + bf3

if __name__ == "__main__":
    import jax
    _d = setup_inputs()
    print(jax.jit(kernel)(*tuple(_d.values())))

</pallas_src>

<mosaic_0001>
#map = affine_map<(d0, d1) -> (0)>
#map1 = affine_map<(d0, d1) -> (0, 0)>
module attributes {stable_mosaic.version = 14 : i64} {
  func.func @_sc_embed_body(%arg0: i32, %arg1: i32, %arg2: memref<10240xi32, #tpu.memory_space<hbm>>, %arg3: memref<8192x128xf32, #tpu.memory_space<hbm>>, %arg4: memref<10240x128xf32, #tpu.memory_space<hbm>>, %arg5: memref<80xi32, #tpu.memory_space<vmem>>, %arg6: memref<80xi32, #tpu.memory_space<vmem>>, %arg7: memref<80x128xf32, #tpu.memory_space<vmem>>, %arg8: memref<!tpu.dma_semaphore, #tpu.memory_space<semaphore_mem>>) attributes {dimension_semantics = [#tpu.dimension_semantics<core_parallel>, #tpu.dimension_semantics<subcore_parallel>], iteration_bounds = array<i64: 2, 16>, scalar_prefetch = 0 : i64, scratch_operands = 4 : i64, tpu.core_type = #tpu.core_type<sc_vector_subcore>, window_params = [{transform_indices = #map}, {transform_indices = #map1}, {transform_indices = #map1}]} {
    %mul3A = arith.constant 2 : i32
    %mul3A_0 = arith.muli %arg1, %mul3A : i32
    %add3A = arith.addi %mul3A_0, %arg0 : i32
    %mul3A_1 = arith.constant 320 : i32
    %mul3A_2 = arith.muli %add3A, %mul3A_1 : i32
    %add3A_3 = arith.constant 0 : i32
    %add3A_4 = arith.addi %mul3A_2, %add3A_3 : i32
    "tpu.region"() ({
      %run_scoped3A = tpu.sem_alloc : memref<!tpu.dma_semaphore, #tpu.memory_space<semaphore_mem>>
      %dma_start3A_230 = tpu.memref_slice %arg2[%add3A_4] : memref<10240xi32, #tpu.memory_space<hbm>> -> memref<80xi32, #tpu.memory_space<hbm>>
      %dma_start3A_231 = tpu.memref_slice %arg2[%add3A_4] : memref<10240xi32, #tpu.memory_space<hbm>> -> memref<80xi32, #tpu.memory_space<hbm>>
      tpu.enqueue_dma source(%dma_start3A_231 : memref<80xi32, #tpu.memory_space<hbm>>) target(%arg5 : memref<80xi32, #tpu.memory_space<vmem>>) target_semaphore(%run_scoped3A : memref<!tpu.dma_semaphore, #tpu.memory_space<semaphore_mem>>)
      %dma_wait3A_232 = tpu.memref_slice %arg2[%add3A_4] : memref<10240xi32, #tpu.memory_space<hbm>> -> memref<80xi32, #tpu.memory_space<hbm>>
      %dma_wait3A_233 = tpu.memref_slice %arg2[%add3A_4] : memref<10240xi32, #tpu.memory_space<hbm>> -> memref<80xi32, #tpu.memory_space<hbm>>
      tpu.wait_dma2 semaphore(%run_scoped3A : memref<!tpu.dma_semaphore, #tpu.memory_space<semaphore_mem>>) src(%dma_wait3A_233 : memref<80xi32, #tpu.memory_space<hbm>>) dst(%arg5 : memref<80xi32, #tpu.memory_space<vmem>>)
      tpu.yield
    }) : () -> ()
    %get3A = arith.constant 0 : index
    %get3A_5 = tpu.vector_load %arg5[%get3A] {strides = array<i32>} : memref<80xi32, #tpu.memory_space<vmem>>, vector<16xi32>,
    %get3A_6 = vector.shape_cast %get3A_5 : vector<16xi32> to vector<16xi32>
    %shift_right_logical3A = arith.constant 3 : i32
    %shift_right_logical3A_7 = vector.broadcast %shift_right_logical3A : i32 to vector<16xi32>
    %shift_right_logical3A_8 = arith.shrui %get3A_6, %shift_right_logical3A_7 : vector<16xi32>
    %swap3A = arith.constant 0 : index
    %swap3A_9 = tpu.vector_load %arg6[%swap3A] {strides = array<i32>} : memref<80xi32, #tpu.memory_space<vmem>>, vector<16xi32>,
    %swap3A_10 = vector.shape_cast %swap3A_9 : vector<16xi32> to vector<16xi32>
    %swap3A_11 = vector.shape_cast %shift_right_logical3A_8 : vector<16xi32> to vector<16xi32>
    tpu.vector_store %arg6[%swap3A], %swap3A_11 {strides = array<i32>} : memref<80xi32, #tpu.memory_space<vmem>>, vector<16xi32>,
    %get3A_12 = arith.constant 16 : index
    %get3A_13 = tpu.vector_load %arg5[%get3A_12] {strides = array<i32>} : memref<80xi32, #tpu.memory_space<vmem>>, vector<16xi32>,
    %get3A_14 = vector.shape_cast %get3A_13 : vector<16xi32> to vector<16xi32>
    %shift_right_logical3A_15 = arith.constant 3 : i32
    %shift_right_logical3A_16 = vector.broadcast %shift_right_logical3A_15 : i32 to vector<16xi32>
    %shift_right_logical3A_17 = arith.shrui %get3A_14, %shift_right_logical3A_16 : vector<16xi32>
    %swap3A_18 = arith.constant 16 : index
    %swap3A_19 = tpu.vector_load %arg6[%swap3A_18] {strides = array<i32>} : memref<80xi32, #tpu.memory_space<vmem>>, vector<16xi32>,
    %swap3A_20 = vector.shape_cast %swap3A_19 : vector<16xi32> to vector<16xi32>
    %swap3A_21 = vector.shape_cast %shift_right_logical3A_17 : vector<16xi32> to vector<16xi32>
    tpu.vector_store %arg6[%swap3A_18], %swap3A_21 {strides = array<i32>} : memref<80xi32, #tpu.memory_space<vmem>>, vector<16xi32>,
    %get3A_22 = arith.constant 32 : index
    %get3A_23 = tpu.vector_load %arg5[%get3A_22] {strides = array<i32>} : memref<80xi32, #tpu.memory_space<vmem>>, vector<16xi32>,
    %get3A_24 = vector.shape_cast %get3A_23 : vector<16xi32> to vector<16xi32>
    %shift_right_logical3A_25 = arith.constant 3 : i32
    %shift_right_logical3A_26 = vector.broadcast %shift_right_logical3A_25 : i32 to vector<16xi32>
    %shift_right_logical3A_27 = arith.shrui %get3A_24, %shift_right_logical3A_26 : vector<16xi32>
    %swap3A_28 = arith.constant 32 : index
    %swap3A_29 = tpu.vector_load %arg6[%swap3A_28] {strides = array<i32>} : memref<80xi32, #tpu.memory_space<vmem>>, vector<16xi32>,
    %swap3A_30 = vector.shape_cast %swap3A_29 : vector<16xi32> to vector<16xi32>
    %swap3A_31 = vector.shape_cast %shift_right_logical3A_27 : vector<16xi32> to vector<16xi32>
    tpu.vector_store %arg6[%swap3A_28], %swap3A_31 {strides = array<i32>} : memref<80xi32, #tpu.memory_space<vmem>>, vector<16xi32>,
    %get3A_32 = arith.constant 48 : index
    %get3A_33 = tpu.vector_load %arg5[%get3A_32] {strides = array<i32>} : memref<80xi32, #tpu.memory_space<vmem>>, vector<16xi32>,
    %get3A_34 = vector.shape_cast %get3A_33 : vector<16xi32> to vector<16xi32>
    %shift_right_logical3A_35 = arith.constant 3 : i32
    %shift_right_logical3A_36 = vector.broadcast %shift_right_logical3A_35 : i32 to vector<16xi32>
    %shift_right_logical3A_37 = arith.shrui %get3A_34, %shift_right_logical3A_36 : vector<16xi32>
    %swap3A_38 = arith.constant 48 : index
    %swap3A_39 = tpu.vector_load %arg6[%swap3A_38] {strides = array<i32>} : memref<80xi32, #tpu.memory_space<vmem>>, vector<16xi32>,
    %swap3A_40 = vector.shape_cast %swap3A_39 : vector<16xi32> to vector<16xi32>
    %swap3A_41 = vector.shape_cast %shift_right_logical3A_37 : vector<16xi32> to vector<16xi32>
    tpu.vector_store %arg6[%swap3A_38], %swap3A_41 {strides = array<i32>} : memref<80xi32, #tpu.memory_space<vmem>>, vector<16xi32>,
    %get3A_42 = arith.constant 64 : index
    %get3A_43 = tpu.vector_load %arg5[%get3A_42] {strides = array<i32>} : memref<80xi32, #tpu.memory_space<vmem>>, vector<16xi32>,
    %get3A_44 = vector.shape_cast %get3A_43 : vector<16xi32> to vector<16xi32>
    %shift_right_logical3A_45 = arith.constant 3 : i32
    %shift_right_logical3A_46 = vector.broadcast %shift_right_logical3A_45 : i32 to vector<16xi32>
    %shift_right_logical3A_47 = arith.shrui %get3A_44, %shift_right_logical3A_46 : vector<16xi32>
    %swap3A_48 = arith.constant 64 : index
    %swap3A_49 = tpu.vector_load %arg6[%swap3A_48] {strides = array<i32>} : memref<80xi32, #tpu.memory_space<vmem>>, vector<16xi32>,
    %swap3A_50 = vector.shape_cast %swap3A_49 : vector<16xi32> to vector<16xi32>
    %swap3A_51 = vector.shape_cast %shift_right_logical3A_47 : vector<16xi32> to vector<16xi32>
    tpu.vector_store %arg6[%swap3A_48], %swap3A_51 {strides = array<i32>} : memref<80xi32, #tpu.memory_space<vmem>>, vector<16xi32>,
    %dma_start3A = arith.constant 0 : i32
    %dma_start3A_52 = arith.constant 0 : i32
    %dma_start3A_53 = tpu.memref_slice %arg3[%dma_start3A, %dma_start3A_52] : memref<8192x128xf32, #tpu.memory_space<hbm>> -> memref<8192x128xf32, #tpu.memory_space<hbm>>
    tpu.enqueue_indirect_dma source(%dma_start3A_53 : memref<8192x128xf32, #tpu.memory_space<hbm>>) target(%arg7 : memref<80x128xf32, #tpu.memory_space<vmem>>) offsets(%arg6 : memref<80xi32, #tpu.memory_space<vmem>>) semaphore(%arg8 : memref<!tpu.dma_semaphore, #tpu.memory_space<semaphore_mem>>)
    %dma_wait3A = arith.constant 0 : i32
    %dma_wait3A_54 = arith.constant 0 : i32
    %dma_wait3A_55 = tpu.memref_slice %arg3[%dma_wait3A, %dma_wait3A_54] : memref<8192x128xf32, #tpu.memory_space<hbm>> -> memref<8192x128xf32, #tpu.memory_space<hbm>>
    tpu.wait_indirect_dma semaphore(%arg8 : memref<!tpu.dma_semaphore, #tpu.memory_space<semaphore_mem>>) src(%dma_wait3A_55 : memref<8192x128xf32, #tpu.memory_space<hbm>>) dst(%arg7 : memref<80x128xf32, #tpu.memory_space<vmem>>)
    "tpu.region"() ({
      %run_scoped3A = tpu.sem_alloc : memref<!tpu.dma_semaphore, #tpu.memory_space<semaphore_mem>>
      %dma_start3A_230 = arith.constant 0 : i32
      %dma_start3A_231 = tpu.memref_slice %arg4[%add3A_4, %dma_start3A_230] : memref<10240x128xf32, #tpu.memory_space<hbm>> -> memref<80x128xf32, #tpu.memory_space<hbm>>
      %dma_start3A_232 = arith.constant 0 : i32
      %dma_start3A_233 = tpu.memref_slice %arg4[%add3A_4, %dma_start3A_232] : memref<10240x128xf32, #tpu.memory_space<hbm>> -> memref<80x128xf32, #tpu.memory_space<hbm>>
      tpu.enqueue_dma source(%arg7 : memref<80x128xf32, #tpu.memory_space<vmem>>) target(%dma_start3A_233 : memref<80x128xf32, #tpu.memory_space<hbm>>) target_semaphore(%run_scoped3A : memref<!tpu.dma_semaphore, #tpu.memory_space<semaphore_mem>>)
      %dma_wait3A_234 = arith.constant 0 : i32
      %dma_wait3A_235 = tpu.memref_slice %arg4[%add3A_4, %dma_wait3A_234] : memref<10240x128xf32, #tpu.memory_space<hbm>> -> memref<80x128xf32, #tpu.memory_space<hbm>>
      %dma_wait3A_236 = arith.constant 0 : i32
      %dma_wait3A_237 = tpu.memref_slice %arg4[%add3A_4, %dma_wait3A_236] : memref<10240x128xf32, #tpu.memory_space<hbm>> -> memref<80x128xf32, #tpu.memory_space<hbm>>
      tpu.wait_dma2 semaphore(%run_scoped3A : memref<!tpu.dma_semaphore, #tpu.memory_space<semaphore_mem>>) src(%arg7 : memref<80x128xf32, #tpu.memory_space<vmem>>) dst(%dma_wait3A_237 : memref<80x128xf32, #tpu.memory_space<hbm>>)
      tpu.yield
    }) : () -> ()
    %add3A_56 = arith.constant 80 : i32
    %add3A_57 = arith.addi %mul3A_2, %add3A_56 : i32
    "tpu.region"() ({
      %run_scoped3A = tpu.sem_alloc : memref<!tpu.dma_semaphore, #tpu.memory_space<semaphore_mem>>
      %dma_start3A_230 = tpu.memref_slice %arg2[%add3A_57] : memref<10240xi32, #tpu.memory_space<hbm>> -> memref<80xi32, #tpu.memory_space<hbm>>
      %dma_start3A_231 = tpu.memref_slice %arg2[%add3A_57] : memref<10240xi32, #tpu.memory_space<hbm>> -> memref<80xi32, #tpu.memory_space<hbm>>
      tpu.enqueue_dma source(%dma_start3A_231 : memref<80xi32, #tpu.memory_space<hbm>>) target(%arg5 : memref<80xi32, #tpu.memory_space<vmem>>) target_semaphore(%run_scoped3A : memref<!tpu.dma_semaphore, #tpu.memory_space<semaphore_mem>>)
      %dma_wait3A_232 = tpu.memref_slice %arg2[%add3A_57] : memref<10240xi32, #tpu.memory_space<hbm>> -> memref<80xi32, #tpu.memory_space<hbm>>
      %dma_wait3A_233 = tpu.memref_slice %arg2[%add3A_57] : memref<10240xi32, #tpu.memory_space<hbm>> -> memref<80xi32, #tpu.memory_space<hbm>>
      tpu.wait_dma2 semaphore(%run_scoped3A : memref<!tpu.dma_semaphore, #tpu.memory_space<semaphore_mem>>) src(%dma_wait3A_233 : memref<80xi32, #tpu.memory_space<hbm>>) dst(%arg5 : memref<80xi32, #tpu.memory_space<vmem>>)
      tpu.yield
    }) : () -> ()
    %get3A_58 = arith.constant 0 : index
    %get3A_59 = tpu.vector_load %arg5[%get3A_58] {strides = array<i32>} : memref<80xi32, #tpu.memory_space<vmem>>, vector<16xi32>,
    %get3A_60 = vector.shape_cast %get3A_59 : vector<16xi32> to vector<16xi32>
    %shift_right_logical3A_61 = arith.constant 3 : i32
    %shift_right_logical3A_62 = vector.broadcast %shift_right_logical3A_61 : i32 to vector<16xi32>
    %shift_right_logical3A_63 = arith.shrui %get3A_60, %shift_right_logical3A_62 : vector<16xi32>
    %swap3A_64 = arith.constant 0 : index
    %swap3A_65 = tpu.vector_load %arg6[%swap3A_64] {strides = array<i32>} : memref<80xi32, #tpu.memory_space<vmem>>, vector<16xi32>,
    %swap3A_66 = vector.shape_cast %swap3A_65 : vector<16xi32> to vector<16xi32>
    %swap3A_67 = vector.shape_cast %shift_right_logical3A_63 : vector<16xi32> to vector<16xi32>
    tpu.vector_store %arg6[%swap3A_64], %swap3A_67 {strides = array<i32>} : memref<80xi32, #tpu.memory_space<vmem>>, vector<16xi32>,
    %get3A_68 = arith.constant 16 : index
    %get3A_69 = tpu.vector_load %arg5[%get3A_68] {strides = array<i32>} : memref<80xi32, #tpu.memory_space<vmem>>, vector<16xi32>,
    %get3A_70 = vector.shape_cast %get3A_69 : vector<16xi32> to vector<16xi32>
    %shift_right_logical3A_71 = arith.constant 3 : i32
    %shift_right_logical3A_72 = vector.broadcast %shift_right_logical3A_71 : i32 to vector<16xi32>
    %shift_right_logical3A_73 = arith.shrui %get3A_70, %shift_right_logical3A_72 : vector<16xi32>
    %swap3A_74 = arith.constant 16 : index
    %swap3A_75 = tpu.vector_load %arg6[%swap3A_74] {strides = array<i32>} : memref<80xi32, #tpu.memory_space<vmem>>, vector<16xi32>,
    %swap3A_76 = vector.shape_cast %swap3A_75 : vector<16xi32> to vector<16xi32>
    %swap3A_77 = vector.shape_cast %shift_right_logical3A_73 : vector<16xi32> to vector<16xi32>
    tpu.vector_store %arg6[%swap3A_74], %swap3A_77 {strides = array<i32>} : memref<80xi32, #tpu.memory_space<vmem>>, vector<16xi32>,
    %get3A_78 = arith.constant 32 : index
    %get3A_79 = tpu.vector_load %arg5[%get3A_78] {strides = array<i32>} : memref<80xi32, #tpu.memory_space<vmem>>, vector<16xi32>,
    %get3A_80 = vector.shape_cast %get3A_79 : vector<16xi32> to vector<16xi32>
    %shift_right_logical3A_81 = arith.constant 3 : i32
    %shift_right_logical3A_82 = vector.broadcast %shift_right_logical3A_81 : i32 to vector<16xi32>
    %shift_right_logical3A_83 = arith.shrui %get3A_80, %shift_right_logical3A_82 : vector<16xi32>
    %swap3A_84 = arith.constant 32 : index
    %swap3A_85 = tpu.vector_load %arg6[%swap3A_84] {strides = array<i32>} : memref<80xi32, #tpu.memory_space<vmem>>, vector<16xi32>,
    %swap3A_86 = vector.shape_cast %swap3A_85 : vector<16xi32> to vector<16xi32>
    %swap3A_87 = vector.shape_cast %shift_right_logical3A_83 : vector<16xi32> to vector<16xi32>
    tpu.vector_store %arg6[%swap3A_84], %swap3A_87 {strides = array<i32>} : memref<80xi32, #tpu.memory_space<vmem>>, vector<16xi32>,
    %get3A_88 = arith.constant 48 : index
    %get3A_89 = tpu.vector_load %arg5[%get3A_88] {strides = array<i32>} : memref<80xi32, #tpu.memory_space<vmem>>, vector<16xi32>,
    %get3A_90 = vector.shape_cast %get3A_89 : vector<16xi32> to vector<16xi32>
    %shift_right_logical3A_91 = arith.constant 3 : i32
    %shift_right_logical3A_92 = vector.broadcast %shift_right_logical3A_91 : i32 to vector<16xi32>
    %shift_right_logical3A_93 = arith.shrui %get3A_90, %shift_right_logical3A_92 : vector<16xi32>
    %swap3A_94 = arith.constant 48 : index
    %swap3A_95 = tpu.vector_load %arg6[%swap3A_94] {strides = array<i32>} : memref<80xi32, #tpu.memory_space<vmem>>, vector<16xi32>,
    %swap3A_96 = vector.shape_cast %swap3A_95 : vector<16xi32> to vector<16xi32>
    %swap3A_97 = vector.shape_cast %shift_right_logical3A_93 : vector<16xi32> to vector<16xi32>
    tpu.vector_store %arg6[%swap3A_94], %swap3A_97 {strides = array<i32>} : memref<80xi32, #tpu.memory_space<vmem>>, vector<16xi32>,
    %get3A_98 = arith.constant 64 : index
    %get3A_99 = tpu.vector_load %arg5[%get3A_98] {strides = array<i32>} : memref<80xi32, #tpu.memory_space<vmem>>, vector<16xi32>,
    %get3A_100 = vector.shape_cast %get3A_99 : vector<16xi32> to vector<16xi32>
    %shift_right_logical3A_101 = arith.constant 3 : i32
    %shift_right_logical3A_102 = vector.broadcast %shift_right_logical3A_101 : i32 to vector<16xi32>
    %shift_right_logical3A_103 = arith.shrui %get3A_100, %shift_right_logical3A_102 : vector<16xi32>
    %swap3A_104 = arith.constant 64 : index
    %swap3A_105 = tpu.vector_load %arg6[%swap3A_104] {strides = array<i32>} : memref<80xi32, #tpu.memory_space<vmem>>, vector<16xi32>,
    %swap3A_106 = vector.shape_cast %swap3A_105 : vector<16xi32> to vector<16xi32>
    %swap3A_107 = vector.shape_cast %shift_right_logical3A_103 : vector<16xi32> to vector<16xi32>
    tpu.vector_store %arg6[%swap3A_104], %swap3A_107 {strides = array<i32>} : memref<80xi32, #tpu.memory_space<vmem>>, vector<16xi32>,
    %dma_start3A_108 = arith.constant 0 : i32
    %dma_start3A_109 = arith.constant 0 : i32
    %dma_start3A_110 = tpu.memref_slice %arg3[%dma_start3A_108, %dma_start3A_109] : memref<8192x128xf32, #tpu.memory_space<hbm>> -> memref<8192x128xf32, #tpu.memory_space<hbm>>
    tpu.enqueue_indirect_dma source(%dma_start3A_110 : memref<8192x128xf32, #tpu.memory_space<hbm>>) target(%arg7 : memref<80x128xf32, #tpu.memory_space<vmem>>) offsets(%arg6 : memref<80xi32, #tpu.memory_space<vmem>>) semaphore(%arg8 : memref<!tpu.dma_semaphore, #tpu.memory_space<semaphore_mem>>)
    %dma_wait3A_111 = arith.constant 0 : i32
    %dma_wait3A_112 = arith.constant 0 : i32
    %dma_wait3A_113 = tpu.memref_slice %arg3[%dma_wait3A_111, %dma_wait3A_112] : memref<8192x128xf32, #tpu.memory_space<hbm>> -> memref<8192x128xf32, #tpu.memory_space<hbm>>
    tpu.wait_indirect_dma semaphore(%arg8 : memref<!tpu.dma_semaphore, #tpu.memory_space<semaphore_mem>>) src(%dma_wait3A_113 : memref<8192x128xf32, #tpu.memory_space<hbm>>) dst(%arg7 : memref<80x128xf32, #tpu.memory_space<vmem>>)
    "tpu.region"() ({
      %run_scoped3A = tpu.sem_alloc : memref<!tpu.dma_semaphore, #tpu.memory_space<semaphore_mem>>
      %dma_start3A_230 = arith.constant 0 : i32
      %dma_start3A_231 = tpu.memref_slice %arg4[%add3A_57, %dma_start3A_230] : memref<10240x128xf32, #tpu.memory_space<hbm>> -> memref<80x128xf32, #tpu.memory_space<hbm>>
      %dma_start3A_232 = arith.constant 0 : i32
      %dma_start3A_233 = tpu.memref_slice %arg4[%add3A_57, %dma_start3A_232] : memref<10240x128xf32, #tpu.memory_space<hbm>> -> memref<80x128xf32, #tpu.memory_space<hbm>>
      tpu.enqueue_dma source(%arg7 : memref<80x128xf32, #tpu.memory_space<vmem>>) target(%dma_start3A_233 : memref<80x128xf32, #tpu.memory_space<hbm>>) target_semaphore(%run_scoped3A : memref<!tpu.dma_semaphore, #tpu.memory_space<semaphore_mem>>)
      %dma_wait3A_234 = arith.constant 0 : i32
      %dma_wait3A_235 = tpu.memref_slice %arg4[%add3A_57, %dma_wait3A_234] : memref<10240x128xf32, #tpu.memory_space<hbm>> -> memref<80x128xf32, #tpu.memory_space<hbm>>
      %dma_wait3A_236 = arith.constant 0 : i32
      %dma_wait3A_237 = tpu.memref_slice %arg4[%add3A_57, %dma_wait3A_236] : memref<10240x128xf32, #tpu.memory_space<hbm>> -> memref<80x128xf32, #tpu.memory_space<hbm>>
      tpu.wait_dma2 semaphore(%run_scoped3A : memref<!tpu.dma_semaphore, #tpu.memory_space<semaphore_mem>>) src(%arg7 : memref<80x128xf32, #tpu.memory_space<vmem>>) dst(%dma_wait3A_237 : memref<80x128xf32, #tpu.memory_space<hbm>>)
      tpu.yield
    }) : () -> ()
    %add3A_114 = arith.constant 160 : i32
    %add3A_115 = arith.addi %mul3A_2, %add3A_114 : i32
    "tpu.region"() ({
      %run_scoped3A = tpu.sem_alloc : memref<!tpu.dma_semaphore, #tpu.memory_space<semaphore_mem>>
      %dma_start3A_230 = tpu.memref_slice %arg2[%add3A_115] : memref<10240xi32, #tpu.memory_space<hbm>> -> memref<80xi32, #tpu.memory_space<hbm>>
      %dma_start3A_231 = tpu.memref_slice %arg2[%add3A_115] : memref<10240xi32, #tpu.memory_space<hbm>> -> memref<80xi32, #tpu.memory_space<hbm>>
      tpu.enqueue_dma source(%dma_start3A_231 : memref<80xi32, #tpu.memory_space<hbm>>) target(%arg5 : memref<80xi32, #tpu.memory_space<vmem>>) target_semaphore(%run_scoped3A : memref<!tpu.dma_semaphore, #tpu.memory_space<semaphore_mem>>)
      %dma_wait3A_232 = tpu.memref_slice %arg2[%add3A_115] : memref<10240xi32, #tpu.memory_space<hbm>> -> memref<80xi32, #tpu.memory_space<hbm>>
      %dma_wait3A_233 = tpu.memref_slice %arg2[%add3A_115] : memref<10240xi32, #tpu.memory_space<hbm>> -> memref<80xi32, #tpu.memory_space<hbm>>
      tpu.wait_dma2 semaphore(%run_scoped3A : memref<!tpu.dma_semaphore, #tpu.memory_space<semaphore_mem>>) src(%dma_wait3A_233 : memref<80xi32, #tpu.memory_space<hbm>>) dst(%arg5 : memref<80xi32, #tpu.memory_space<vmem>>)
      tpu.yield
    }) : () -> ()
    %get3A_116 = arith.constant 0 : index
    %get3A_117 = tpu.vector_load %arg5[%get3A_116] {strides = array<i32>} : memref<80xi32, #tpu.memory_space<vmem>>, vector<16xi32>,
    %get3A_118 = vector.shape_cast %get3A_117 : vector<16xi32> to vector<16xi32>
    %shift_right_logical3A_119 = arith.constant 3 : i32
    %shift_right_logical3A_120 = vector.broadcast %shift_right_logical3A_119 : i32 to vector<16xi32>
    %shift_right_logical3A_121 = arith.shrui %get3A_118, %shift_right_logical3A_120 : vector<16xi32>
    %swap3A_122 = arith.constant 0 : index
    %swap3A_123 = tpu.vector_load %arg6[%swap3A_122] {strides = array<i32>} : memref<80xi32, #tpu.memory_space<vmem>>, vector<16xi32>,
    %swap3A_124 = vector.shape_cast %swap3A_123 : vector<16xi32> to vector<16xi32>
    %swap3A_125 = vector.shape_cast %shift_right_logical3A_121 : vector<16xi32> to vector<16xi32>
    tpu.vector_store %arg6[%swap3A_122], %swap3A_125 {strides = array<i32>} : memref<80xi32, #tpu.memory_space<vmem>>, vector<16xi32>,
    %get3A_126 = arith.constant 16 : index
    %get3A_127 = tpu.vector_load %arg5[%get3A_126] {strides = array<i32>} : memref<80xi32, #tpu.memory_space<vmem>>, vector<16xi32>,
    %get3A_128 = vector.shape_cast %get3A_127 : vector<16xi32> to vector<16xi32>
    %shift_right_logical3A_129 = arith.constant 3 : i32
    %shift_right_logical3A_130 = vector.broadcast %shift_right_logical3A_129 : i32 to vector<16xi32>
    %shift_right_logical3A_131 = arith.shrui %get3A_128, %shift_right_logical3A_130 : vector<16xi32>
    %swap3A_132 = arith.constant 16 : index
    %swap3A_133 = tpu.vector_load %arg6[%swap3A_132] {strides = array<i32>} : memref<80xi32, #tpu.memory_space<vmem>>, vector<16xi32>,
    %swap3A_134 = vector.shape_cast %swap3A_133 : vector<16xi32> to vector<16xi32>
    %swap3A_135 = vector.shape_cast %shift_right_logical3A_131 : vector<16xi32> to vector<16xi32>
    tpu.vector_store %arg6[%swap3A_132], %swap3A_135 {strides = array<i32>} : memref<80xi32, #tpu.memory_space<vmem>>, vector<16xi32>,
    %get3A_136 = arith.constant 32 : index
    %get3A_137 = tpu.vector_load %arg5[%get3A_136] {strides = array<i32>} : memref<80xi32, #tpu.memory_space<vmem>>, vector<16xi32>,
    %get3A_138 = vector.shape_cast %get3A_137 : vector<16xi32> to vector<16xi32>
    %shift_right_logical3A_139 = arith.constant 3 : i32
    %shift_right_logical3A_140 = vector.broadcast %shift_right_logical3A_139 : i32 to vector<16xi32>
    %shift_right_logical3A_141 = arith.shrui %get3A_138, %shift_right_logical3A_140 : vector<16xi32>
    %swap3A_142 = arith.constant 32 : index
    %swap3A_143 = tpu.vector_load %arg6[%swap3A_142] {strides = array<i32>} : memref<80xi32, #tpu.memory_space<vmem>>, vector<16xi32>,
    %swap3A_144 = vector.shape_cast %swap3A_143 : vector<16xi32> to vector<16xi32>
    %swap3A_145 = vector.shape_cast %shift_right_logical3A_141 : vector<16xi32> to vector<16xi32>
    tpu.vector_store %arg6[%swap3A_142], %swap3A_145 {strides = array<i32>} : memref<80xi32, #tpu.memory_space<vmem>>, vector<16xi32>,
    %get3A_146 = arith.constant 48 : index
    %get3A_147 = tpu.vector_load %arg5[%get3A_146] {strides = array<i32>} : memref<80xi32, #tpu.memory_space<vmem>>, vector<16xi32>,
    %get3A_148 = vector.shape_cast %get3A_147 : vector<16xi32> to vector<16xi32>
    %shift_right_logical3A_149 = arith.constant 3 : i32
    %shift_right_logical3A_150 = vector.broadcast %shift_right_logical3A_149 : i32 to vector<16xi32>
    %shift_right_logical3A_151 = arith.shrui %get3A_148, %shift_right_logical3A_150 : vector<16xi32>
    %swap3A_152 = arith.constant 48 : index
    %swap3A_153 = tpu.vector_load %arg6[%swap3A_152] {strides = array<i32>} : memref<80xi32, #tpu.memory_space<vmem>>, vector<16xi32>,
    %swap3A_154 = vector.shape_cast %swap3A_153 : vector<16xi32> to vector<16xi32>
    %swap3A_155 = vector.shape_cast %shift_right_logical3A_151 : vector<16xi32> to vector<16xi32>
    tpu.vector_store %arg6[%swap3A_152], %swap3A_155 {strides = array<i32>} : memref<80xi32, #tpu.memory_space<vmem>>, vector<16xi32>,
    %get3A_156 = arith.constant 64 : index
    %get3A_157 = tpu.vector_load %arg5[%get3A_156] {strides = array<i32>} : memref<80xi32, #tpu.memory_space<vmem>>, vector<16xi32>,
    %get3A_158 = vector.shape_cast %get3A_157 : vector<16xi32> to vector<16xi32>
    %shift_right_logical3A_159 = arith.constant 3 : i32
    %shift_right_logical3A_160 = vector.broadcast %shift_right_logical3A_159 : i32 to vector<16xi32>
    %shift_right_logical3A_161 = arith.shrui %get3A_158, %shift_right_logical3A_160 : vector<16xi32>
    %swap3A_162 = arith.constant 64 : index
    %swap3A_163 = tpu.vector_load %arg6[%swap3A_162] {strides = array<i32>} : memref<80xi32, #tpu.memory_space<vmem>>, vector<16xi32>,
    %swap3A_164 = vector.shape_cast %swap3A_163 : vector<16xi32> to vector<16xi32>
    %swap3A_165 = vector.shape_cast %shift_right_logical3A_161 : vector<16xi32> to vector<16xi32>
    tpu.vector_store %arg6[%swap3A_162], %swap3A_165 {strides = array<i32>} : memref<80xi32, #tpu.memory_space<vmem>>, vector<16xi32>,
    %dma_start3A_166 = arith.constant 0 : i32
    %dma_start3A_167 = arith.constant 0 : i32
    %dma_start3A_168 = tpu.memref_slice %arg3[%dma_start3A_166, %dma_start3A_167] : memref<8192x128xf32, #tpu.memory_space<hbm>> -> memref<8192x128xf32, #tpu.memory_space<hbm>>
    tpu.enqueue_indirect_dma source(%dma_start3A_168 : memref<8192x128xf32, #tpu.memory_space<hbm>>) target(%arg7 : memref<80x128xf32, #tpu.memory_space<vmem>>) offsets(%arg6 : memref<80xi32, #tpu.memory_space<vmem>>) semaphore(%arg8 : memref<!tpu.dma_semaphore, #tpu.memory_space<semaphore_mem>>)
    %dma_wait3A_169 = arith.constant 0 : i32
    %dma_wait3A_170 = arith.constant 0 : i32
    %dma_wait3A_171 = tpu.memref_slice %arg3[%dma_wait3A_169, %dma_wait3A_170] : memref<8192x128xf32, #tpu.memory_space<hbm>> -> memref<8192x128xf32, #tpu.memory_space<hbm>>
    tpu.wait_indirect_dma semaphore(%arg8 : memref<!tpu.dma_semaphore, #tpu.memory_space<semaphore_mem>>) src(%dma_wait3A_171 : memref<8192x128xf32, #tpu.memory_space<hbm>>) dst(%arg7 : memref<80x128xf32, #tpu.memory_space<vmem>>)
    "tpu.region"() ({
      %run_scoped3A = tpu.sem_alloc : memref<!tpu.dma_semaphore, #tpu.memory_space<semaphore_mem>>
      %dma_start3A_230 = arith.constant 0 : i32
      %dma_start3A_231 = tpu.memref_slice %arg4[%add3A_115, %dma_start3A_230] : memref<10240x128xf32, #tpu.memory_space<hbm>> -> memref<80x128xf32, #tpu.memory_space<hbm>>
      %dma_start3A_232 = arith.constant 0 : i32
      %dma_start3A_233 = tpu.memref_slice %arg4[%add3A_115, %dma_start3A_232] : memref<10240x128xf32, #tpu.memory_space<hbm>> -> memref<80x128xf32, #tpu.memory_space<hbm>>
      tpu.enqueue_dma source(%arg7 : memref<80x128xf32, #tpu.memory_space<vmem>>) target(%dma_start3A_233 : memref<80x128xf32, #tpu.memory_space<hbm>>) target_semaphore(%run_scoped3A : memref<!tpu.dma_semaphore, #tpu.memory_space<semaphore_mem>>)
      %dma_wait3A_234 = arith.constant 0 : i32
      %dma_wait3A_235 = tpu.memref_slice %arg4[%add3A_115, %dma_wait3A_234] : memref<10240x128xf32, #tpu.memory_space<hbm>> -> memref<80x128xf32, #tpu.memory_space<hbm>>
      %dma_wait3A_236 = arith.constant 0 : i32
      %dma_wait3A_237 = tpu.memref_slice %arg4[%add3A_115, %dma_wait3A_236] : memref<10240x128xf32, #tpu.memory_space<hbm>> -> memref<80x128xf32, #tpu.memory_space<hbm>>
      tpu.wait_dma2 semaphore(%run_scoped3A : memref<!tpu.dma_semaphore, #tpu.memory_space<semaphore_mem>>) src(%arg7 : memref<80x128xf32, #tpu.memory_space<vmem>>) dst(%dma_wait3A_237 : memref<80x128xf32, #tpu.memory_space<hbm>>)
      tpu.yield
    }) : () -> ()
    %add3A_172 = arith.constant 240 : i32
    %add3A_173 = arith.addi %mul3A_2, %add3A_172 : i32
    "tpu.region"() ({
      %run_scoped3A = tpu.sem_alloc : memref<!tpu.dma_semaphore, #tpu.memory_space<semaphore_mem>>
      %dma_start3A_230 = tpu.memref_slice %arg2[%add3A_173] : memref<10240xi32, #tpu.memory_space<hbm>> -> memref<80xi32, #tpu.memory_space<hbm>>
      %dma_start3A_231 = tpu.memref_slice %arg2[%add3A_173] : memref<10240xi32, #tpu.memory_space<hbm>> -> memref<80xi32, #tpu.memory_space<hbm>>
      tpu.enqueue_dma source(%dma_start3A_231 : memref<80xi32, #tpu.memory_space<hbm>>) target(%arg5 : memref<80xi32, #tpu.memory_space<vmem>>) target_semaphore(%run_scoped3A : memref<!tpu.dma_semaphore, #tpu.memory_space<semaphore_mem>>)
      %dma_wait3A_232 = tpu.memref_slice %arg2[%add3A_173] : memref<10240xi32, #tpu.memory_space<hbm>> -> memref<80xi32, #tpu.memory_space<hbm>>
      %dma_wait3A_233 = tpu.memref_slice %arg2[%add3A_173] : memref<10240xi32, #tpu.memory_space<hbm>> -> memref<80xi32, #tpu.memory_space<hbm>>
      tpu.wait_dma2 semaphore(%run_scoped3A : memref<!tpu.dma_semaphore, #tpu.memory_space<semaphore_mem>>) src(%dma_wait3A_233 : memref<80xi32, #tpu.memory_space<hbm>>) dst(%arg5 : memref<80xi32, #tpu.memory_space<vmem>>)
      tpu.yield
    }) : () -> ()
    %get3A_174 = arith.constant 0 : index
    %get3A_175 = tpu.vector_load %arg5[%get3A_174] {strides = array<i32>} : memref<80xi32, #tpu.memory_space<vmem>>, vector<16xi32>,
    %get3A_176 = vector.shape_cast %get3A_175 : vector<16xi32> to vector<16xi32>
    %shift_right_logical3A_177 = arith.constant 3 : i32
    %shift_right_logical3A_178 = vector.broadcast %shift_right_logical3A_177 : i32 to vector<16xi32>
    %shift_right_logical3A_179 = arith.shrui %get3A_176, %shift_right_logical3A_178 : vector<16xi32>
    %swap3A_180 = arith.constant 0 : index
    %swap3A_181 = tpu.vector_load %arg6[%swap3A_180] {strides = array<i32>} : memref<80xi32, #tpu.memory_space<vmem>>, vector<16xi32>,
    %swap3A_182 = vector.shape_cast %swap3A_181 : vector<16xi32> to vector<16xi32>
    %swap3A_183 = vector.shape_cast %shift_right_logical3A_179 : vector<16xi32> to vector<16xi32>
    tpu.vector_store %arg6[%swap3A_180], %swap3A_183 {strides = array<i32>} : memref<80xi32, #tpu.memory_space<vmem>>, vector<16xi32>,
    %get3A_184 = arith.constant 16 : index
    %get3A_185 = tpu.vector_load %arg5[%get3A_184] {strides = array<i32>} : memref<80xi32, #tpu.memory_space<vmem>>, vector<16xi32>,
    %get3A_186 = vector.shape_cast %get3A_185 : vector<16xi32> to vector<16xi32>
    %shift_right_logical3A_187 = arith.constant 3 : i32
    %shift_right_logical3A_188 = vector.broadcast %shift_right_logical3A_187 : i32 to vector<16xi32>
    %shift_right_logical3A_189 = arith.shrui %get3A_186, %shift_right_logical3A_188 : vector<16xi32>
    %swap3A_190 = arith.constant 16 : index
    %swap3A_191 = tpu.vector_load %arg6[%swap3A_190] {strides = array<i32>} : memref<80xi32, #tpu.memory_space<vmem>>, vector<16xi32>,
    %swap3A_192 = vector.shape_cast %swap3A_191 : vector<16xi32> to vector<16xi32>
    %swap3A_193 = vector.shape_cast %shift_right_logical3A_189 : vector<16xi32> to vector<16xi32>
    tpu.vector_store %arg6[%swap3A_190], %swap3A_193 {strides = array<i32>} : memref<80xi32, #tpu.memory_space<vmem>>, vector<16xi32>,
    %get3A_194 = arith.constant 32 : index
    %get3A_195 = tpu.vector_load %arg5[%get3A_194] {strides = array<i32>} : memref<80xi32, #tpu.memory_space<vmem>>, vector<16xi32>,
    %get3A_196 = vector.shape_cast %get3A_195 : vector<16xi32> to vector<16xi32>
    %shift_right_logical3A_197 = arith.constant 3 : i32
    %shift_right_logical3A_198 = vector.broadcast %shift_right_logical3A_197 : i32 to vector<16xi32>
    %shift_right_logical3A_199 = arith.shrui %get3A_196, %shift_right_logical3A_198 : vector<16xi32>
    %swap3A_200 = arith.constant 32 : index
    %swap3A_201 = tpu.vector_load %arg6[%swap3A_200] {strides = array<i32>} : memref<80xi32, #tpu.memory_space<vmem>>, vector<16xi32>,
    %swap3A_202 = vector.shape_cast %swap3A_201 : vector<16xi32> to vector<16xi32>
    %swap3A_203 = vector.shape_cast %shift_right_logical3A_199 : vector<16xi32> to vector<16xi32>
    tpu.vector_store %arg6[%swap3A_200], %swap3A_203 {strides = array<i32>} : memref<80xi32, #tpu.memory_space<vmem>>, vector<16xi32>,
    %get3A_204 = arith.constant 48 : index
    %get3A_205 = tpu.vector_load %arg5[%get3A_204] {strides = array<i32>} : memref<80xi32, #tpu.memory_space<vmem>>, vector<16xi32>,
    %get3A_206 = vector.shape_cast %get3A_205 : vector<16xi32> to vector<16xi32>
    %shift_right_logical3A_207 = arith.constant 3 : i32
    %shift_right_logical3A_208 = vector.broadcast %shift_right_logical3A_207 : i32 to vector<16xi32>
    %shift_right_logical3A_209 = arith.shrui %get3A_206, %shift_right_logical3A_208 : vector<16xi32>
    %swap3A_210 = arith.constant 48 : index
    %swap3A_211 = tpu.vector_load %arg6[%swap3A_210] {strides = array<i32>} : memref<80xi32, #tpu.memory_space<vmem>>, vector<16xi32>,
    %swap3A_212 = vector.shape_cast %swap3A_211 : vector<16xi32> to vector<16xi32>
    %swap3A_213 = vector.shape_cast %shift_right_logical3A_209 : vector<16xi32> to vector<16xi32>
    tpu.vector_store %arg6[%swap3A_210], %swap3A_213 {strides = array<i32>} : memref<80xi32, #tpu.memory_space<vmem>>, vector<16xi32>,
    %get3A_214 = arith.constant 64 : index
    %get3A_215 = tpu.vector_load %arg5[%get3A_214] {strides = array<i32>} : memref<80xi32, #tpu.memory_space<vmem>>, vector<16xi32>,
    %get3A_216 = vector.shape_cast %get3A_215 : vector<16xi32> to vector<16xi32>
    %shift_right_logical3A_217 = arith.constant 3 : i32
    %shift_right_logical3A_218 = vector.broadcast %shift_right_logical3A_217 : i32 to vector<16xi32>
    %shift_right_logical3A_219 = arith.shrui %get3A_216, %shift_right_logical3A_218 : vector<16xi32>
    %swap3A_220 = arith.constant 64 : index
    %swap3A_221 = tpu.vector_load %arg6[%swap3A_220] {strides = array<i32>} : memref<80xi32, #tpu.memory_space<vmem>>, vector<16xi32>,
    %swap3A_222 = vector.shape_cast %swap3A_221 : vector<16xi32> to vector<16xi32>
    %swap3A_223 = vector.shape_cast %shift_right_logical3A_219 : vector<16xi32> to vector<16xi32>
    tpu.vector_store %arg6[%swap3A_220], %swap3A_223 {strides = array<i32>} : memref<80xi32, #tpu.memory_space<vmem>>, vector<16xi32>,
    %dma_start3A_224 = arith.constant 0 : i32
    %dma_start3A_225 = arith.constant 0 : i32
    %dma_start3A_226 = tpu.memref_slice %arg3[%dma_start3A_224, %dma_start3A_225] : memref<8192x128xf32, #tpu.memory_space<hbm>> -> memref<8192x128xf32, #tpu.memory_space<hbm>>
    tpu.enqueue_indirect_dma source(%dma_start3A_226 : memref<8192x128xf32, #tpu.memory_space<hbm>>) target(%arg7 : memref<80x128xf32, #tpu.memory_space<vmem>>) offsets(%arg6 : memref<80xi32, #tpu.memory_space<vmem>>) semaphore(%arg8 : memref<!tpu.dma_semaphore, #tpu.memory_space<semaphore_mem>>)
    %dma_wait3A_227 = arith.constant 0 : i32
    %dma_wait3A_228 = arith.constant 0 : i32
    %dma_wait3A_229 = tpu.memref_slice %arg3[%dma_wait3A_227, %dma_wait3A_228] : memref<8192x128xf32, #tpu.memory_space<hbm>> -> memref<8192x128xf32, #tpu.memory_space<hbm>>
    tpu.wait_indirect_dma semaphore(%arg8 : memref<!tpu.dma_semaphore, #tpu.memory_space<semaphore_mem>>) src(%dma_wait3A_229 : memref<8192x128xf32, #tpu.memory_space<hbm>>) dst(%arg7 : memref<80x128xf32, #tpu.memory_space<vmem>>)
    "tpu.region"() ({
      %run_scoped3A = tpu.sem_alloc : memref<!tpu.dma_semaphore, #tpu.memory_space<semaphore_mem>>
      %dma_start3A_230 = arith.constant 0 : i32
      %dma_start3A_231 = tpu.memref_slice %arg4[%add3A_173, %dma_start3A_230] : memref<10240x128xf32, #tpu.memory_space<hbm>> -> memref<80x128xf32, #tpu.memory_space<hbm>>
      %dma_start3A_232 = arith.constant 0 : i32
      %dma_start3A_233 = tpu.memref_slice %arg4[%add3A_173, %dma_start3A_232] : memref<10240x128xf32, #tpu.memory_space<hbm>> -> memref<80x128xf32, #tpu.memory_space<hbm>>
      tpu.enqueue_dma source(%arg7 : memref<80x128xf32, #tpu.memory_space<vmem>>) target(%dma_start3A_233 : memref<80x128xf32, #tpu.memory_space<hbm>>) target_semaphore(%run_scoped3A : memref<!tpu.dma_semaphore, #tpu.memory_space<semaphore_mem>>)
      %dma_wait3A_234 = arith.constant 0 : i32
      %dma_wait3A_235 = tpu.memref_slice %arg4[%add3A_173, %dma_wait3A_234] : memref<10240x128xf32, #tpu.memory_space<hbm>> -> memref<80x128xf32, #tpu.memory_space<hbm>>
      %dma_wait3A_236 = arith.constant 0 : i32
      %dma_wait3A_237 = tpu.memref_slice %arg4[%add3A_173, %dma_wait3A_236] : memref<10240x128xf32, #tpu.memory_space<hbm>> -> memref<80x128xf32, #tpu.memory_space<hbm>>
      tpu.wait_dma2 semaphore(%run_scoped3A : memref<!tpu.dma_semaphore, #tpu.memory_space<semaphore_mem>>) src(%arg7 : memref<80x128xf32, #tpu.memory_space<vmem>>) dst(%dma_wait3A_237 : memref<80x128xf32, #tpu.memory_space<hbm>>)
      tpu.yield
    }) : () -> ()
    return
  }
}

#map = affine_map<(d0, d1) -> (0, 0)>
module attributes {stable_mosaic.version = 14 : i64} {
  func.func @_sc_agg_body(%arg0: i32, %arg1: i32, %arg2: memref<10240x128xf32, #tpu.memory_space<hbm>>, %arg3: memref<2560x128xi32, #tpu.memory_space<hbm>>, %arg4: memref<2560x128xi32, #tpu.memory_space<hbm>>, %arg5: memref<640x128xf32, #tpu.memory_space<hbm>>, %arg6: memref<10240x128xf32, #tpu.memory_space<hbm>>, %arg7: memref<10240x128xf32, #tpu.memory_space<hbm>>, %arg8: memref<10240x128xf32, #tpu.memory_space<vmem_shared>>, %arg9: memref<40x128xi32, #tpu.memory_space<vmem>>, %arg10: memref<40x128xi32, #tpu.memory_space<vmem>>, %arg11: memref<128x128xf32, #tpu.memory_space<vmem>>, %arg12: memref<128x128xf32, #tpu.memory_space<vmem>>, %arg13: memref<!tpu.dma_semaphore, #tpu.memory_space<semaphore_mem>>, %arg14: memref<!tpu.dma_semaphore, #tpu.memory_space<semaphore_mem>>, %arg15: memref<!tpu.dma_semaphore, #tpu.memory_space<semaphore_mem>>, %arg16: memref<!tpu.dma_semaphore, #tpu.memory_space<semaphore_mem>>, %arg17: memref<!tpu.dma_semaphore, #tpu.memory_space<semaphore_mem>>, %arg18: memref<!tpu.dma_semaphore, #tpu.memory_space<semaphore_mem>>) attributes {dimension_semantics = [#tpu.dimension_semantics<core_parallel>, #tpu.dimension_semantics<subcore_parallel>], iteration_bounds = array<i64: 2, 16>, scalar_prefetch = 0 : i64, scratch_operands = 11 : i64, tpu.core_type = #tpu.core_type<sc_vector_subcore>, window_params = [{transform_indices = #map}, {transform_indices = #map}, {transform_indices = #map}, {transform_indices = #map}, {transform_indices = #map}, {transform_indices = #map}]} {
    %mul3A = arith.constant 640 : i32
    %mul3A_0 = arith.muli %arg1, %mul3A : i32
    %dma_start3A = arith.constant 0 : i32
    %dma_start3A_1 = tpu.memref_slice %arg8[%mul3A_0, %dma_start3A] : memref<10240x128xf32, #tpu.memory_space<vmem_shared>> -> memref<640x128xf32, #tpu.memory_space<vmem_shared>>
    tpu.enqueue_dma source(%arg5 : memref<640x128xf32, #tpu.memory_space<hbm>>) target(%dma_start3A_1 : memref<640x128xf32, #tpu.memory_space<vmem_shared>>) target_semaphore(%arg13 : memref<!tpu.dma_semaphore, #tpu.memory_space<semaphore_mem>>)
    %dma_wait3A = arith.constant 0 : i32
    %dma_wait3A_2 = tpu.memref_slice %arg8[%mul3A_0, %dma_wait3A] : memref<10240x128xf32, #tpu.memory_space<vmem_shared>> -> memref<640x128xf32, #tpu.memory_space<vmem_shared>>
    tpu.wait_dma2 semaphore(%arg13 : memref<!tpu.dma_semaphore, #tpu.memory_space<semaphore_mem>>) src(%arg5 : memref<640x128xf32, #tpu.memory_space<hbm>>) dst(%dma_wait3A_2 : memref<640x128xf32, #tpu.memory_space<vmem_shared>>)
    %barrier3A = arith.constant 0 : index
    tpu.barrier barrier_id(%barrier3A)
    %eq3A = arith.constant 1 : i32
    %eq3A_3 = arith.cmpi eq, %arg0, %eq3A : i32
    %convert_element_type3A = arith.extui %eq3A_3 : i1 to i32
    %cond3A = arith.constant 0 : i32
    %cond3A_4 = arith.cmpi ne, %convert_element_type3A, %cond3A : i32
    scf.if %cond3A_4 {
      %mul3A_20 = arith.constant 2 : i32
      %mul3A_21 = arith.muli %arg1, %mul3A_20 : i32
      %add3A = arith.constant 0 : i32
      %add3A_22 = arith.addi %mul3A_21, %add3A : i32
      %mul3A_23 = arith.constant 40 : i32
      %mul3A_24 = arith.muli %add3A_22, %mul3A_23 : i32
      %dma_start3A_25 = arith.constant 0 : i32
      %dma_start3A_26 = tpu.memref_slice %arg3[%mul3A_24, %dma_start3A_25] : memref<2560x128xi32, #tpu.memory_space<hbm>> -> memref<40x128xi32, #tpu.memory_space<hbm>>
      %dma_start3A_27 = arith.constant 0 : i32
      %dma_start3A_28 = tpu.memref_slice %arg3[%mul3A_24, %dma_start3A_27] : memref<2560x128xi32, #tpu.memory_space<hbm>> -> memref<40x128xi32, #tpu.memory_space<hbm>>
      tpu.enqueue_dma source(%dma_start3A_28 : memref<40x128xi32, #tpu.memory_space<hbm>>) target(%arg9 : memref<40x128xi32, #tpu.memory_space<vmem>>) target_semaphore(%arg14 : memref<!tpu.dma_semaphore, #tpu.memory_space<semaphore_mem>>)
      %dma_start3A_29 = arith.constant 0 : i32
      %dma_start3A_30 = tpu.memref_slice %arg4[%mul3A_24, %dma_start3A_29] : memref<2560x128xi32, #tpu.memory_space<hbm>> -> memref<40x128xi32, #tpu.memory_space<hbm>>
      %dma_start3A_31 = arith.constant 0 : i32
      %dma_start3A_32 = tpu.memref_slice %arg4[%mul3A_24, %dma_start3A_31] : memref<2560x128xi32, #tpu.memory_space<hbm>> -> memref<40x128xi32, #tpu.memory_space<hbm>>
      tpu.enqueue_dma source(%dma_start3A_32 : memref<40x128xi32, #tpu.memory_space<hbm>>) target(%arg10 : memref<40x128xi32, #tpu.memory_space<vmem>>) target_semaphore(%arg14 : memref<!tpu.dma_semaphore, #tpu.memory_space<semaphore_mem>>)
      %dma_wait3A_33 = arith.constant 0 : i32
      %dma_wait3A_34 = tpu.memref_slice %arg3[%mul3A_24, %dma_wait3A_33] : memref<2560x128xi32, #tpu.memory_space<hbm>> -> memref<40x128xi32, #tpu.memory_space<hbm>>
      %dma_wait3A_35 = arith.constant 0 : i32
      %dma_wait3A_36 = tpu.memref_slice %arg3[%mul3A_24, %dma_wait3A_35] : memref<2560x128xi32, #tpu.memory_space<hbm>> -> memref<40x128xi32, #tpu.memory_space<hbm>>
      tpu.wait_dma2 semaphore(%arg14 : memref<!tpu.dma_semaphore, #tpu.memory_space<semaphore_mem>>) src(%dma_wait3A_36 : memref<40x128xi32, #tpu.memory_space<hbm>>) dst(%arg9 : memref<40x128xi32, #tpu.memory_space<vmem>>)
      %dma_wait3A_37 = arith.constant 0 : i32
      %dma_wait3A_38 = tpu.memref_slice %arg4[%mul3A_24, %dma_wait3A_37] : memref<2560x128xi32, #tpu.memory_space<hbm>> -> memref<40x128xi32, #tpu.memory_space<hbm>>
      %dma_wait3A_39 = arith.constant 0 : i32
      %dma_wait3A_40 = tpu.memref_slice %arg4[%mul3A_24, %dma_wait3A_39] : memref<2560x128xi32, #tpu.memory_space<hbm>> -> memref<40x128xi32, #tpu.memory_space<hbm>>
      tpu.wait_dma2 semaphore(%arg14 : memref<!tpu.dma_semaphore, #tpu.memory_space<semaphore_mem>>) src(%dma_wait3A_40 : memref<40x128xi32, #tpu.memory_space<hbm>>) dst(%arg10 : memref<40x128xi32, #tpu.memory_space<vmem>>)
      %dma_start3A_41 = arith.constant 0 : i32
      %dma_start3A_42 = arith.constant 0 : i32
      %dma_start3A_43 = tpu.memref_slice %arg9[%dma_start3A_41, %dma_start3A_42] : memref<40x128xi32, #tpu.memory_space<vmem>> -> memref<1x128xi32, #tpu.memory_space<vmem>>
      %dma_start3A_44 = tpu.memref_squeeze %dma_start3A_43 : memref<1x128xi32, #tpu.memory_space<vmem>> -> memref<128xi32, #tpu.memory_space<vmem>>
      %dma_start3A_45 = arith.constant 0 : i32
      %dma_start3A_46 = arith.constant 0 : i32
      %dma_start3A_47 = tpu.memref_slice %arg2[%dma_start3A_45, %dma_start3A_46] : memref<10240x128xf32, #tpu.memory_space<hbm>> -> memref<10240x128xf32, #tpu.memory_space<hbm>>
      tpu.enqueue_indirect_dma source(%dma_start3A_47 : memref<10240x128xf32, #tpu.memory_space<hbm>>) target(%arg11 : memref<128x128xf32, #tpu.memory_space<vmem>>) offsets(%dma_start3A_44 : memref<128xi32, #tpu.memory_space<vmem>>) semaphore(%arg15 : memref<!tpu.dma_semaphore, #tpu.memory_space<semaphore_mem>>)
      %dma_start3A_48 = arith.constant 1 : i32
      %dma_start3A_49 = arith.constant 0 : i32
      %dma_start3A_50 = tpu.memref_slice %arg9[%dma_start3A_48, %dma_start3A_49] : memref<40x128xi32, #tpu.memory_space<vmem>> -> memref<1x128xi32, #tpu.memory_space<vmem>>
      %dma_start3A_51 = tpu.memref_squeeze %dma_start3A_50 : memref<1x128xi32, #tpu.memory_space<vmem>> -> memref<128xi32, #tpu.memory_space<vmem>>
      %dma_start3A_52 = arith.constant 0 : i32
      %dma_start3A_53 = arith.constant 0 : i32
      %dma_start3A_54 = tpu.memref_slice %arg2[%dma_start3A_52, %dma_start3A_53] : memref<10240x128xf32, #tpu.memory_space<hbm>> -> memref<10240x128xf32, #tpu.memory_space<hbm>>
      tpu.enqueue_indirect_dma source(%dma_start3A_54 : memref<10240x128xf32, #tpu.memory_space<hbm>>) target(%arg12 : memref<128x128xf32, #tpu.memory_space<vmem>>) offsets(%dma_start3A_51 : memref<128xi32, #tpu.memory_space<vmem>>) semaphore(%arg16 : memref<!tpu.dma_semaphore, #tpu.memory_space<semaphore_mem>>)
      %scan3A = arith.constant 0 : i32
      %scan3A_55 = arith.constant 0 : i32
      %scan3A_56 = arith.constant 19 : i32
      %scan3A_57 = arith.addi %scan3A_55, %scan3A_56 : i32
      %scan3A_58 = arith.constant 1 : i32
      scf.for %scan3A_186 = %scan3A_55 to %scan3A_57 step %scan3A_58  : i32 {
        %mul3A_187 = arith.constant 2 : i32
        %mul3A_188 = arith.muli %mul3A_187, %scan3A_186 : i32
        %add3A_189 = arith.constant 1 : i32
        %add3A_190 = arith.addi %mul3A_188, %add3A_189 : i32
        %dma_wait3A_191 = arith.constant 0 : i32
        %dma_wait3A_192 = tpu.memref_slice %arg9[%mul3A_188, %dma_wait3A_191] : memref<40x128xi32, #tpu.memory_space<vmem>> -> memref<1x128xi32, #tpu.memory_space<vmem>>
        %dma_wait3A_193 = tpu.memref_squeeze %dma_wait3A_192 : memref<1x128xi32, #tpu.memory_space<vmem>> -> memref<128xi32, #tpu.memory_space<vmem>>
        %dma_wait3A_194 = arith.constant 0 : i32
        %dma_wait3A_195 = arith.constant 0 : i32
        %dma_wait3A_196 = tpu.memref_slice %arg2[%dma_wait3A_194, %dma_wait3A_195] : memref<10240x128xf32, #tpu.memory_space<hbm>> -> memref<10240x128xf32, #tpu.memory_space<hbm>>
        tpu.wait_indirect_dma semaphore(%arg15 : memref<!tpu.dma_semaphore, #tpu.memory_space<semaphore_mem>>) src(%dma_wait3A_196 : memref<10240x128xf32, #tpu.memory_space<hbm>>) dst(%arg11 : memref<128x128xf32, #tpu.memory_space<vmem>>)
        %dma_start3A_197 = arith.constant 0 : i32
        %dma_start3A_198 = tpu.memref_slice %arg10[%mul3A_188, %dma_start3A_197] : memref<40x128xi32, #tpu.memory_space<vmem>> -> memref<1x128xi32, #tpu.memory_space<vmem>>
        %dma_start3A_199 = tpu.memref_squeeze %dma_start3A_198 : memref<1x128xi32, #tpu.memory_space<vmem>> -> memref<128xi32, #tpu.memory_space<vmem>>
        %dma_start3A_200 = arith.constant 0 : i32
        %dma_start3A_201 = arith.constant 0 : i32
        %dma_start3A_202 = tpu.memref_slice %arg8[%dma_start3A_200, %dma_start3A_201] : memref<10240x128xf32, #tpu.memory_space<vmem_shared>> -> memref<10240x128xf32, #tpu.memory_space<vmem_shared>>
        tpu.enqueue_indirect_dma source(%arg11 : memref<128x128xf32, #tpu.memory_space<vmem>>) target(%dma_start3A_202 : memref<10240x128xf32, #tpu.memory_space<vmem_shared>>) offsets(%dma_start3A_199 : memref<128xi32, #tpu.memory_space<vmem>>) semaphore(%arg17 : memref<!tpu.dma_semaphore, #tpu.memory_space<semaphore_mem>>) {add = true}
        %dma_wait3A_203 = arith.constant 0 : i32
        %dma_wait3A_204 = tpu.memref_slice %arg9[%add3A_190, %dma_wait3A_203] : memref<40x128xi32, #tpu.memory_space<vmem>> -> memref<1x128xi32, #tpu.memory_space<vmem>>
        %dma_wait3A_205 = tpu.memref_squeeze %dma_wait3A_204 : memref<1x128xi32, #tpu.memory_space<vmem>> -> memref<128xi32, #tpu.memory_space<vmem>>
        %dma_wait3A_206 = arith.constant 0 : i32
        %dma_wait3A_207 = arith.constant 0 : i32
        %dma_wait3A_208 = tpu.memref_slice %arg2[%dma_wait3A_206, %dma_wait3A_207] : memref<10240x128xf32, #tpu.memory_space<hbm>> -> memref<10240x128xf32, #tpu.memory_space<hbm>>
        tpu.wait_indirect_dma semaphore(%arg16 : memref<!tpu.dma_semaphore, #tpu.memory_space<semaphore_mem>>) src(%dma_wait3A_208 : memref<10240x128xf32, #tpu.memory_space<hbm>>) dst(%arg12 : memref<128x128xf32, #tpu.memory_space<vmem>>)
        %dma_start3A_209 = arith.constant 0 : i32
        %dma_start3A_210 = tpu.memref_slice %arg10[%add3A_190, %dma_start3A_209] : memref<40x128xi32, #tpu.memory_space<vmem>> -> memref<1x128xi32, #tpu.memory_space<vmem>>
        %dma_start3A_211 = tpu.memref_squeeze %dma_start3A_210 : memref<1x128xi32, #tpu.memory_space<vmem>> -> memref<128xi32, #tpu.memory_space<vmem>>
        %dma_start3A_212 = arith.constant 0 : i32
        %dma_start3A_213 = arith.constant 0 : i32
        %dma_start3A_214 = tpu.memref_slice %arg8[%dma_start3A_212, %dma_start3A_213] : memref<10240x128xf32, #tpu.memory_space<vmem_shared>> -> memref<10240x128xf32, #tpu.memory_space<vmem_shared>>
        tpu.enqueue_indirect_dma source(%arg12 : memref<128x128xf32, #tpu.memory_space<vmem>>) target(%dma_start3A_214 : memref<10240x128xf32, #tpu.memory_space<vmem_shared>>) offsets(%dma_start3A_211 : memref<128xi32, #tpu.memory_space<vmem>>) semaphore(%arg18 : memref<!tpu.dma_semaphore, #tpu.memory_space<semaphore_mem>>) {add = true}
        %dma_wait3A_215 = arith.constant 0 : i32
        %dma_wait3A_216 = tpu.memref_slice %arg10[%mul3A_188, %dma_wait3A_215] : memref<40x128xi32, #tpu.memory_space<vmem>> -> memref<1x128xi32, #tpu.memory_space<vmem>>
        %dma_wait3A_217 = tpu.memref_squeeze %dma_wait3A_216 : memref<1x128xi32, #tpu.memory_space<vmem>> -> memref<128xi32, #tpu.memory_space<vmem>>
        %dma_wait3A_218 = arith.constant 0 : i32
        %dma_wait3A_219 = arith.constant 0 : i32
        %dma_wait3A_220 = tpu.memref_slice %arg8[%dma_wait3A_218, %dma_wait3A_219] : memref<10240x128xf32, #tpu.memory_space<vmem_shared>> -> memref<10240x128xf32, #tpu.memory_space<vmem_shared>>
        tpu.wait_indirect_dma semaphore(%arg17 : memref<!tpu.dma_semaphore, #tpu.memory_space<semaphore_mem>>) src(%arg11 : memref<128x128xf32, #tpu.memory_space<vmem>>) dst(%dma_wait3A_220 : memref<10240x128xf32, #tpu.memory_space<vmem_shared>>)
        %add3A_221 = arith.constant 2 : i32
        %add3A_222 = arith.addi %mul3A_188, %add3A_221 : i32
        %dma_start3A_223 = arith.constant 0 : i32
        %dma_start3A_224 = tpu.memref_slice %arg9[%add3A_222, %dma_start3A_223] : memref<40x128xi32, #tpu.memory_space<vmem>> -> memref<1x128xi32, #tpu.memory_space<vmem>>
        %dma_start3A_225 = tpu.memref_squeeze %dma_start3A_224 : memref<1x128xi32, #tpu.memory_space<vmem>> -> memref<128xi32, #tpu.memory_space<vmem>>
        %dma_start3A_226 = arith.constant 0 : i32
        %dma_start3A_227 = arith.constant 0 : i32
        %dma_start3A_228 = tpu.memref_slice %arg2[%dma_start3A_226, %dma_start3A_227] : memref<10240x128xf32, #tpu.memory_space<hbm>> -> memref<10240x128xf32, #tpu.memory_space<hbm>>
        tpu.enqueue_indirect_dma source(%dma_start3A_228 : memref<10240x128xf32, #tpu.memory_space<hbm>>) target(%arg11 : memref<128x128xf32, #tpu.memory_space<vmem>>) offsets(%dma_start3A_225 : memref<128xi32, #tpu.memory_space<vmem>>) semaphore(%arg15 : memref<!tpu.dma_semaphore, #tpu.memory_space<semaphore_mem>>)
        %dma_wait3A_229 = arith.constant 0 : i32
        %dma_wait3A_230 = tpu.memref_slice %arg10[%add3A_190, %dma_wait3A_229] : memref<40x128xi32, #tpu.memory_space<vmem>> -> memref<1x128xi32, #tpu.memory_space<vmem>>
        %dma_wait3A_231 = tpu.memref_squeeze %dma_wait3A_230 : memref<1x128xi32, #tpu.memory_space<vmem>> -> memref<128xi32, #tpu.memory_space<vmem>>
        %dma_wait3A_232 = arith.constant 0 : i32
        %dma_wait3A_233 = arith.constant 0 : i32
        %dma_wait3A_234 = tpu.memref_slice %arg8[%dma_wait3A_232, %dma_wait3A_233] : memref<10240x128xf32, #tpu.memory_space<vmem_shared>> -> memref<10240x128xf32, #tpu.memory_space<vmem_shared>>
        tpu.wait_indirect_dma semaphore(%arg18 : memref<!tpu.dma_semaphore, #tpu.memory_space<semaphore_mem>>) src(%arg12 : memref<128x128xf32, #tpu.memory_space<vmem>>) dst(%dma_wait3A_234 : memref<10240x128xf32, #tpu.memory_space<vmem_shared>>)
        %add3A_235 = arith.constant 2 : i32
        %add3A_236 = arith.addi %add3A_190, %add3A_235 : i32
        %dma_start3A_237 = arith.constant 0 : i32
        %dma_start3A_238 = tpu.memref_slice %arg9[%add3A_236, %dma_start3A_237] : memref<40x128xi32, #tpu.memory_space<vmem>> -> memref<1x128xi32, #tpu.memory_space<vmem>>
        %dma_start3A_239 = tpu.memref_squeeze %dma_start3A_238 : memref<1x128xi32, #tpu.memory_space<vmem>> -> memref<128xi32, #tpu.memory_space<vmem>>
        %dma_start3A_240 = arith.constant 0 : i32
        %dma_start3A_241 = arith.constant 0 : i32
        %dma_start3A_242 = tpu.memref_slice %arg2[%dma_start3A_240, %dma_start3A_241] : memref<10240x128xf32, #tpu.memory_space<hbm>> -> memref<10240x128xf32, #tpu.memory_space<hbm>>
        tpu.enqueue_indirect_dma source(%dma_start3A_242 : memref<10240x128xf32, #tpu.memory_space<hbm>>) target(%arg12 : memref<128x128xf32, #tpu.memory_space<vmem>>) offsets(%dma_start3A_239 : memref<128xi32, #tpu.memory_space<vmem>>) semaphore(%arg16 : memref<!tpu.dma_semaphore, #tpu.memory_space<semaphore_mem>>)
      }
      %scan3A_59 = arith.constant 19 : i32
      %dma_wait3A_60 = arith.constant 38 : i32
      %dma_wait3A_61 = arith.constant 0 : i32
      %dma_wait3A_62 = tpu.memref_slice %arg9[%dma_wait3A_60, %dma_wait3A_61] : memref<40x128xi32, #tpu.memory_space<vmem>> -> memref<1x128xi32, #tpu.memory_space<vmem>>
      %dma_wait3A_63 = tpu.memref_squeeze %dma_wait3A_62 : memref<1x128xi32, #tpu.memory_space<vmem>> -> memref<128xi32, #tpu.memory_space<vmem>>
      %dma_wait3A_64 = arith.constant 0 : i32
      %dma_wait3A_65 = arith.constant 0 : i32
      %dma_wait3A_66 = tpu.memref_slice %arg2[%dma_wait3A_64, %dma_wait3A_65] : memref<10240x128xf32, #tpu.memory_space<hbm>> -> memref<10240x128xf32, #tpu.memory_space<hbm>>
      tpu.wait_indirect_dma semaphore(%arg15 : memref<!tpu.dma_semaphore, #tpu.memory_space<semaphore_mem>>) src(%dma_wait3A_66 : memref<10240x128xf32, #tpu.memory_space<hbm>>) dst(%arg11 : memref<128x128xf32, #tpu.memory_space<vmem>>)
      %dma_start3A_67 = arith.constant 38 : i32
      %dma_start3A_68 = arith.constant 0 : i32
      %dma_start3A_69 = tpu.memref_slice %arg10[%dma_start3A_67, %dma_start3A_68] : memref<40x128xi32, #tpu.memory_space<vmem>> -> memref<1x128xi32, #tpu.memory_space<vmem>>
      %dma_start3A_70 = tpu.memref_squeeze %dma_start3A_69 : memref<1x128xi32, #tpu.memory_space<vmem>> -> memref<128xi32, #tpu.memory_space<vmem>>
      %dma_start3A_71 = arith.constant 0 : i32
      %dma_start3A_72 = arith.constant 0 : i32
      %dma_start3A_73 = tpu.memref_slice %arg8[%dma_start3A_71, %dma_start3A_72] : memref<10240x128xf32, #tpu.memory_space<vmem_shared>> -> memref<10240x128xf32, #tpu.memory_space<vmem_shared>>
      tpu.enqueue_indirect_dma source(%arg11 : memref<128x128xf32, #tpu.memory_space<vmem>>) target(%dma_start3A_73 : memref<10240x128xf32, #tpu.memory_space<vmem_shared>>) offsets(%dma_start3A_70 : memref<128xi32, #tpu.memory_space<vmem>>) semaphore(%arg17 : memref<!tpu.dma_semaphore, #tpu.memory_space<semaphore_mem>>) {add = true}
      %dma_wait3A_74 = arith.constant 39 : i32
      %dma_wait3A_75 = arith.constant 0 : i32
      %dma_wait3A_76 = tpu.memref_slice %arg9[%dma_wait3A_74, %dma_wait3A_75] : memref<40x128xi32, #tpu.memory_space<vmem>> -> memref<1x128xi32, #tpu.memory_space<vmem>>
      %dma_wait3A_77 = tpu.memref_squeeze %dma_wait3A_76 : memref<1x128xi32, #tpu.memory_space<vmem>> -> memref<128xi32, #tpu.memory_space<vmem>>
      %dma_wait3A_78 = arith.constant 0 : i32
      %dma_wait3A_79 = arith.constant 0 : i32
      %dma_wait3A_80 = tpu.memref_slice %arg2[%dma_wait3A_78, %dma_wait3A_79] : memref<10240x128xf32, #tpu.memory_space<hbm>> -> memref<10240x128xf32, #tpu.memory_space<hbm>>
      tpu.wait_indirect_dma semaphore(%arg16 : memref<!tpu.dma_semaphore, #tpu.memory_space<semaphore_mem>>) src(%dma_wait3A_80 : memref<10240x128xf32, #tpu.memory_space<hbm>>) dst(%arg12 : memref<128x128xf32, #tpu.memory_space<vmem>>)
      %dma_start3A_81 = arith.constant 39 : i32
      %dma_start3A_82 = arith.constant 0 : i32
      %dma_start3A_83 = tpu.memref_slice %arg10[%dma_start3A_81, %dma_start3A_82] : memref<40x128xi32, #tpu.memory_space<vmem>> -> memref<1x128xi32, #tpu.memory_space<vmem>>
      %dma_start3A_84 = tpu.memref_squeeze %dma_start3A_83 : memref<1x128xi32, #tpu.memory_space<vmem>> -> memref<128xi32, #tpu.memory_space<vmem>>
      %dma_start3A_85 = arith.constant 0 : i32
      %dma_start3A_86 = arith.constant 0 : i32
      %dma_start3A_87 = tpu.memref_slice %arg8[%dma_start3A_85, %dma_start3A_86] : memref<10240x128xf32, #tpu.memory_space<vmem_shared>> -> memref<10240x128xf32, #tpu.memory_space<vmem_shared>>
      tpu.enqueue_indirect_dma source(%arg12 : memref<128x128xf32, #tpu.memory_space<vmem>>) target(%dma_start3A_87 : memref<10240x128xf32, #tpu.memory_space<vmem_shared>>) offsets(%dma_start3A_84 : memref<128xi32, #tpu.memory_space<vmem>>) semaphore(%arg18 : memref<!tpu.dma_semaphore, #tpu.memory_space<semaphore_mem>>) {add = true}
      %dma_wait3A_88 = arith.constant 38 : i32
      %dma_wait3A_89 = arith.constant 0 : i32
      %dma_wait3A_90 = tpu.memref_slice %arg10[%dma_wait3A_88, %dma_wait3A_89] : memref<40x128xi32, #tpu.memory_space<vmem>> -> memref<1x128xi32, #tpu.memory_space<vmem>>
      %dma_wait3A_91 = tpu.memref_squeeze %dma_wait3A_90 : memref<1x128xi32, #tpu.memory_space<vmem>> -> memref<128xi32, #tpu.memory_space<vmem>>
      %dma_wait3A_92 = arith.constant 0 : i32
      %dma_wait3A_93 = arith.constant 0 : i32
      %dma_wait3A_94 = tpu.memref_slice %arg8[%dma_wait3A_92, %dma_wait3A_93] : memref<10240x128xf32, #tpu.memory_space<vmem_shared>> -> memref<10240x128xf32, #tpu.memory_space<vmem_shared>>
      tpu.wait_indirect_dma semaphore(%arg17 : memref<!tpu.dma_semaphore, #tpu.memory_space<semaphore_mem>>) src(%arg11 : memref<128x128xf32, #tpu.memory_space<vmem>>) dst(%dma_wait3A_94 : memref<10240x128xf32, #tpu.memory_space<vmem_shared>>)
      %dma_wait3A_95 = arith.constant 39 : i32
      %dma_wait3A_96 = arith.constant 0 : i32
      %dma_wait3A_97 = tpu.memref_slice %arg10[%dma_wait3A_95, %dma_wait3A_96] : memref<40x128xi32, #tpu.memory_space<vmem>> -> memref<1x128xi32, #tpu.memory_space<vmem>>
      %dma_wait3A_98 = tpu.memref_squeeze %dma_wait3A_97 : memref<1x128xi32, #tpu.memory_space<vmem>> -> memref<128xi32, #tpu.memory_space<vmem>>
      %dma_wait3A_99 = arith.constant 0 : i32
      %dma_wait3A_100 = arith.constant 0 : i32
      %dma_wait3A_101 = tpu.memref_slice %arg8[%dma_wait3A_99, %dma_wait3A_100] : memref<10240x128xf32, #tpu.memory_space<vmem_shared>> -> memref<10240x128xf32, #tpu.memory_space<vmem_shared>>
      tpu.wait_indirect_dma semaphore(%arg18 : memref<!tpu.dma_semaphore, #tpu.memory_space<semaphore_mem>>) src(%arg12 : memref<128x128xf32, #tpu.memory_space<vmem>>) dst(%dma_wait3A_101 : memref<10240x128xf32, #tpu.memory_space<vmem_shared>>)
      %mul3A_102 = arith.constant 2 : i32
      %mul3A_103 = arith.muli %arg1, %mul3A_102 : i32
      %add3A_104 = arith.constant 1 : i32
      %add3A_105 = arith.addi %mul3A_103, %add3A_104 : i32
      %mul3A_106 = arith.constant 40 : i32
      %mul3A_107 = arith.muli %add3A_105, %mul3A_106 : i32
      %dma_start3A_108 = arith.constant 0 : i32
      %dma_start3A_109 = tpu.memref_slice %arg3[%mul3A_107, %dma_start3A_108] : memref<2560x128xi32, #tpu.memory_space<hbm>> -> memref<40x128xi32, #tpu.memory_space<hbm>>
      %dma_start3A_110 = arith.constant 0 : i32
      %dma_start3A_111 = tpu.memref_slice %arg3[%mul3A_107, %dma_start3A_110] : memref<2560x128xi32, #tpu.memory_space<hbm>> -> memref<40x128xi32, #tpu.memory_space<hbm>>
      tpu.enqueue_dma source(%dma_start3A_111 : memref<40x128xi32, #tpu.memory_space<hbm>>) target(%arg9 : memref<40x128xi32, #tpu.memory_space<vmem>>) target_semaphore(%arg14 : memref<!tpu.dma_semaphore, #tpu.memory_space<semaphore_mem>>)
      %dma_start3A_112 = arith.constant 0 : i32
      %dma_start3A_113 = tpu.memref_slice %arg4[%mul3A_107, %dma_start3A_112] : memref<2560x128xi32, #tpu.memory_space<hbm>> -> memref<40x128xi32, #tpu.memory_space<hbm>>
      %dma_start3A_114 = arith.constant 0 : i32
      %dma_start3A_115 = tpu.memref_slice %arg4[%mul3A_107, %dma_start3A_114] : memref<2560x128xi32, #tpu.memory_space<hbm>> -> memref<40x128xi32, #tpu.memory_space<hbm>>
      tpu.enqueue_dma source(%dma_start3A_115 : memref<40x128xi32, #tpu.memory_space<hbm>>) target(%arg10 : memref<40x128xi32, #tpu.memory_space<vmem>>) target_semaphore(%arg14 : memref<!tpu.dma_semaphore, #tpu.memory_space<semaphore_mem>>)
      %dma_wait3A_116 = arith.constant 0 : i32
      %dma_wait3A_117 = tpu.memref_slice %arg3[%mul3A_107, %dma_wait3A_116] : memref<2560x128xi32, #tpu.memory_space<hbm>> -> memref<40x128xi32, #tpu.memory_space<hbm>>
      %dma_wait3A_118 = arith.constant 0 : i32
      %dma_wait3A_119 = tpu.memref_slice %arg3[%mul3A_107, %dma_wait3A_118] : memref<2560x128xi32, #tpu.memory_space<hbm>> -> memref<40x128xi32, #tpu.memory_space<hbm>>
      tpu.wait_dma2 semaphore(%arg14 : memref<!tpu.dma_semaphore, #tpu.memory_space<semaphore_mem>>) src(%dma_wait3A_119 : memref<40x128xi32, #tpu.memory_space<hbm>>) dst(%arg9 : memref<40x128xi32, #tpu.memory_space<vmem>>)
      %dma_wait3A_120 = arith.constant 0 : i32
      %dma_wait3A_121 = tpu.memref_slice %arg4[%mul3A_107, %dma_wait3A_120] : memref<2560x128xi32, #tpu.memory_space<hbm>> -> memref<40x128xi32, #tpu.memory_space<hbm>>
      %dma_wait3A_122 = arith.constant 0 : i32
      %dma_wait3A_123 = tpu.memref_slice %arg4[%mul3A_107, %dma_wait3A_122] : memref<2560x128xi32, #tpu.memory_space<hbm>> -> memref<40x128xi32, #tpu.memory_space<hbm>>
      tpu.wait_dma2 semaphore(%arg14 : memref<!tpu.dma_semaphore, #tpu.memory_space<semaphore_mem>>) src(%dma_wait3A_123 : memref<40x128xi32, #tpu.memory_space<hbm>>) dst(%arg10 : memref<40x128xi32, #tpu.memory_space<vmem>>)
      %dma_start3A_124 = arith.constant 0 : i32
      %dma_start3A_125 = arith.constant 0 : i32
      %dma_start3A_126 = tpu.memref_slice %arg9[%dma_start3A_124, %dma_start3A_125] : memref<40x128xi32, #tpu.memory_space<vmem>> -> memref<1x128xi32, #tpu.memory_space<vmem>>
      %dma_start3A_127 = tpu.memref_squeeze %dma_start3A_126 : memref<1x128xi32, #tpu.memory_space<vmem>> -> memref<128xi32, #tpu.memory_space<vmem>>
      %dma_start3A_128 = arith.constant 0 : i32
      %dma_start3A_129 = arith.constant 0 : i32
      %dma_start3A_130 = tpu.memref_slice %arg2[%dma_start3A_128, %dma_start3A_129] : memref<10240x128xf32, #tpu.memory_space<hbm>> -> memref<10240x128xf32, #tpu.memory_space<hbm>>
      tpu.enqueue_indirect_dma source(%dma_start3A_130 : memref<10240x128xf32, #tpu.memory_space<hbm>>) target(%arg11 : memref<128x128xf32, #tpu.memory_space<vmem>>) offsets(%dma_start3A_127 : memref<128xi32, #tpu.memory_space<vmem>>) semaphore(%arg15 : memref<!tpu.dma_semaphore, #tpu.memory_space<semaphore_mem>>)
      %dma_start3A_131 = arith.constant 1 : i32
      %dma_start3A_132 = arith.constant 0 : i32
      %dma_start3A_133 = tpu.memref_slice %arg9[%dma_start3A_131, %dma_start3A_132] : memref<40x128xi32, #tpu.memory_space<vmem>> -> memref<1x128xi32, #tpu.memory_space<vmem>>
      %dma_start3A_134 = tpu.memref_squeeze %dma_start3A_133 : memref<1x128xi32, #tpu.memory_space<vmem>> -> memref<128xi32, #tpu.memory_space<vmem>>
      %dma_start3A_135 = arith.constant 0 : i32
      %dma_start3A_136 = arith.constant 0 : i32
      %dma_start3A_137 = tpu.memref_slice %arg2[%dma_start3A_135, %dma_start3A_136] : memref<10240x128xf32, #tpu.memory_space<hbm>> -> memref<10240x128xf32, #tpu.memory_space<hbm>>
      tpu.enqueue_indirect_dma source(%dma_start3A_137 : memref<10240x128xf32, #tpu.memory_space<hbm>>) target(%arg12 : memref<128x128xf32, #tpu.memory_space<vmem>>) offsets(%dma_start3A_134 : memref<128xi32, #tpu.memory_space<vmem>>) semaphore(%arg16 : memref<!tpu.dma_semaphore, #tpu.memory_space<semaphore_mem>>)
      %scan3A_138 = arith.constant 0 : i32
      %scan3A_139 = arith.constant 0 : i32
      %scan3A_140 = arith.constant 19 : i32
      %scan3A_141 = arith.addi %scan3A_139, %scan3A_140 : i32
      %scan3A_142 = arith.constant 1 : i32
      scf.for %scan3A_186 = %scan3A_139 to %scan3A_141 step %scan3A_142  : i32 {
        %mul3A_187 = arith.constant 2 : i32
        %mul3A_188 = arith.muli %mul3A_187, %scan3A_186 : i32
        %add3A_189 = arith.constant 1 : i32
        %add3A_190 = arith.addi %mul3A_188, %add3A_189 : i32
        %dma_wait3A_191 = arith.constant 0 : i32
        %dma_wait3A_192 = tpu.memref_slice %arg9[%mul3A_188, %dma_wait3A_191] : memref<40x128xi32, #tpu.memory_space<vmem>> -> memref<1x128xi32, #tpu.memory_space<vmem>>
        %dma_wait3A_193 = tpu.memref_squeeze %dma_wait3A_192 : memref<1x128xi32, #tpu.memory_space<vmem>> -> memref<128xi32, #tpu.memory_space<vmem>>
        %dma_wait3A_194 = arith.constant 0 : i32
        %dma_wait3A_195 = arith.constant 0 : i32
        %dma_wait3A_196 = tpu.memref_slice %arg2[%dma_wait3A_194, %dma_wait3A_195] : memref<10240x128xf32, #tpu.memory_space<hbm>> -> memref<10240x128xf32, #tpu.memory_space<hbm>>
        tpu.wait_indirect_dma semaphore(%arg15 : memref<!tpu.dma_semaphore, #tpu.memory_space<semaphore_mem>>) src(%dma_wait3A_196 : memref<10240x128xf32, #tpu.memory_space<hbm>>) dst(%arg11 : memref<128x128xf32, #tpu.memory_space<vmem>>)
        %dma_start3A_197 = arith.constant 0 : i32
        %dma_start3A_198 = tpu.memref_slice %arg10[%mul3A_188, %dma_start3A_197] : memref<40x128xi32, #tpu.memory_space<vmem>> -> memref<1x128xi32, #tpu.memory_space<vmem>>
        %dma_start3A_199 = tpu.memref_squeeze %dma_start3A_198 : memref<1x128xi32, #tpu.memory_space<vmem>> -> memref<128xi32, #tpu.memory_space<vmem>>
        %dma_start3A_200 = arith.constant 0 : i32
        %dma_start3A_201 = arith.constant 0 : i32
        %dma_start3A_202 = tpu.memref_slice %arg8[%dma_start3A_200, %dma_start3A_201] : memref<10240x128xf32, #tpu.memory_space<vmem_shared>> -> memref<10240x128xf32, #tpu.memory_space<vmem_shared>>
        tpu.enqueue_indirect_dma source(%arg11 : memref<128x128xf32, #tpu.memory_space<vmem>>) target(%dma_start3A_202 : memref<10240x128xf32, #tpu.memory_space<vmem_shared>>) offsets(%dma_start3A_199 : memref<128xi32, #tpu.memory_space<vmem>>) semaphore(%arg17 : memref<!tpu.dma_semaphore, #tpu.memory_space<semaphore_mem>>) {add = true}
        %dma_wait3A_203 = arith.constant 0 : i32
        %dma_wait3A_204 = tpu.memref_slice %arg9[%add3A_190, %dma_wait3A_203] : memref<40x128xi32, #tpu.memory_space<vmem>> -> memref<1x128xi32, #tpu.memory_space<vmem>>
        %dma_wait3A_205 = tpu.memref_squeeze %dma_wait3A_204 : memref<1x128xi32, #tpu.memory_space<vmem>> -> memref<128xi32, #tpu.memory_space<vmem>>
        %dma_wait3A_206 = arith.constant 0 : i32
        %dma_wait3A_207 = arith.constant 0 : i32
        %dma_wait3A_208 = tpu.memref_slice %arg2[%dma_wait3A_206, %dma_wait3A_207] : memref<10240x128xf32, #tpu.memory_space<hbm>> -> memref<10240x128xf32, #tpu.memory_space<hbm>>
        tpu.wait_indirect_dma semaphore(%arg16 : memref<!tpu.dma_semaphore, #tpu.memory_space<semaphore_mem>>) src(%dma_wait3A_208 : memref<10240x128xf32, #tpu.memory_space<hbm>>) dst(%arg12 : memref<128x128xf32, #tpu.memory_space<vmem>>)
        %dma_start3A_209 = arith.constant 0 : i32
        %dma_start3A_210 = tpu.memref_slice %arg10[%add3A_190, %dma_start3A_209] : memref<40x128xi32, #tpu.memory_space<vmem>> -> memref<1x128xi32, #tpu.memory_space<vmem>>
        %dma_start3A_211 = tpu.memref_squeeze %dma_start3A_210 : memref<1x128xi32, #tpu.memory_space<vmem>> -> memref<128xi32, #tpu.memory_space<vmem>>
        %dma_start3A_212 = arith.constant 0 : i32
        %dma_start3A_213 = arith.constant 0 : i32
        %dma_start3A_214 = tpu.memref_slice %arg8[%dma_start3A_212, %dma_start3A_213] : memref<10240x128xf32, #tpu.memory_space<vmem_shared>> -> memref<10240x128xf32, #tpu.memory_space<vmem_shared>>
        tpu.enqueue_indirect_dma source(%arg12 : memref<128x128xf32, #tpu.memory_space<vmem>>) target(%dma_start3A_214 : memref<10240x128xf32, #tpu.memory_space<vmem_shared>>) offsets(%dma_start3A_211 : memref<128xi32, #tpu.memory_space<vmem>>) semaphore(%arg18 : memref<!tpu.dma_semaphore, #tpu.memory_space<semaphore_mem>>) {add = true}
        %dma_wait3A_215 = arith.constant 0 : i32
        %dma_wait3A_216 = tpu.memref_slice %arg10[%mul3A_188, %dma_wait3A_215] : memref<40x128xi32, #tpu.memory_space<vmem>> -> memref<1x128xi32, #tpu.memory_space<vmem>>
        %dma_wait3A_217 = tpu.memref_squeeze %dma_wait3A_216 : memref<1x128xi32, #tpu.memory_space<vmem>> -> memref<128xi32, #tpu.memory_space<vmem>>
        %dma_wait3A_218 = arith.constant 0 : i32
        %dma_wait3A_219 = arith.constant 0 : i32
        %dma_wait3A_220 = tpu.memref_slice %arg8[%dma_wait3A_218, %dma_wait3A_219] : memref<10240x128xf32, #tpu.memory_space<vmem_shared>> -> memref<10240x128xf32, #tpu.memory_space<vmem_shared>>
        tpu.wait_indirect_dma semaphore(%arg17 : memref<!tpu.dma_semaphore, #tpu.memory_space<semaphore_mem>>) src(%arg11 : memref<128x128xf32, #tpu.memory_space<vmem>>) dst(%dma_wait3A_220 : memref<10240x128xf32, #tpu.memory_space<vmem_shared>>)
        %add3A_221 = arith.constant 2 : i32
        %add3A_222 = arith.addi %mul3A_188, %add3A_221 : i32
        %dma_start3A_223 = arith.constant 0 : i32
        %dma_start3A_224 = tpu.memref_slice %arg9[%add3A_222, %dma_start3A_223] : memref<40x128xi32, #tpu.memory_space<vmem>> -> memref<1x128xi32, #tpu.memory_space<vmem>>
        %dma_start3A_225 = tpu.memref_squeeze %dma_start3A_224 : memref<1x128xi32, #tpu.memory_space<vmem>> -> memref<128xi32, #tpu.memory_space<vmem>>
        %dma_start3A_226 = arith.constant 0 : i32
        %dma_start3A_227 = arith.constant 0 : i32
        %dma_start3A_228 = tpu.memref_slice %arg2[%dma_start3A_226, %dma_start3A_227] : memref<10240x128xf32, #tpu.memory_space<hbm>> -> memref<10240x128xf32, #tpu.memory_space<hbm>>
        tpu.enqueue_indirect_dma source(%dma_start3A_228 : memref<10240x128xf32, #tpu.memory_space<hbm>>) target(%arg11 : memref<128x128xf32, #tpu.memory_space<vmem>>) offsets(%dma_start3A_225 : memref<128xi32, #tpu.memory_space<vmem>>) semaphore(%arg15 : memref<!tpu.dma_semaphore, #tpu.memory_space<semaphore_mem>>)
        %dma_wait3A_229 = arith.constant 0 : i32
        %dma_wait3A_230 = tpu.memref_slice %arg10[%add3A_190, %dma_wait3A_229] : memref<40x128xi32, #tpu.memory_space<vmem>> -> memref<1x128xi32, #tpu.memory_space<vmem>>
        %dma_wait3A_231 = tpu.memref_squeeze %dma_wait3A_230 : memref<1x128xi32, #tpu.memory_space<vmem>> -> memref<128xi32, #tpu.memory_space<vmem>>
        %dma_wait3A_232 = arith.constant 0 : i32
        %dma_wait3A_233 = arith.constant 0 : i32
        %dma_wait3A_234 = tpu.memref_slice %arg8[%dma_wait3A_232, %dma_wait3A_233] : memref<10240x128xf32, #tpu.memory_space<vmem_shared>> -> memref<10240x128xf32, #tpu.memory_space<vmem_shared>>
        tpu.wait_indirect_dma semaphore(%arg18 : memref<!tpu.dma_semaphore, #tpu.memory_space<semaphore_mem>>) src(%arg12 : memref<128x128xf32, #tpu.memory_space<vmem>>) dst(%dma_wait3A_234 : memref<10240x128xf32, #tpu.memory_space<vmem_shared>>)
        %add3A_235 = arith.constant 2 : i32
        %add3A_236 = arith.addi %add3A_190, %add3A_235 : i32
        %dma_start3A_237 = arith.constant 0 : i32
        %dma_start3A_238 = tpu.memref_slice %arg9[%add3A_236, %dma_start3A_237] : memref<40x128xi32, #tpu.memory_space<vmem>> -> memref<1x128xi32, #tpu.memory_space<vmem>>
        %dma_start3A_239 = tpu.memref_squeeze %dma_start3A_238 : memref<1x128xi32, #tpu.memory_space<vmem>> -> memref<128xi32, #tpu.memory_space<vmem>>
        %dma_start3A_240 = arith.constant 0 : i32
        %dma_start3A_241 = arith.constant 0 : i32
        %dma_start3A_242 = tpu.memref_slice %arg2[%dma_start3A_240, %dma_start3A_241] : memref<10240x128xf32, #tpu.memory_space<hbm>> -> memref<10240x128xf32, #tpu.memory_space<hbm>>
        tpu.enqueue_indirect_dma source(%dma_start3A_242 : memref<10240x128xf32, #tpu.memory_space<hbm>>) target(%arg12 : memref<128x128xf32, #tpu.memory_space<vmem>>) offsets(%dma_start3A_239 : memref<128xi32, #tpu.memory_space<vmem>>) semaphore(%arg16 : memref<!tpu.dma_semaphore, #tpu.memory_space<semaphore_mem>>)
      }
      %scan3A_143 = arith.constant 19 : i32
      %dma_wait3A_144 = arith.constant 38 : i32
      %dma_wait3A_145 = arith.constant 0 : i32
      %dma_wait3A_146 = tpu.memref_slice %arg9[%dma_wait3A_144, %dma_wait3A_145] : memref<40x128xi32, #tpu.memory_space<vmem>> -> memref<1x128xi32, #tpu.memory_space<vmem>>
      %dma_wait3A_147 = tpu.memref_squeeze %dma_wait3A_146 : memref<1x128xi32, #tpu.memory_space<vmem>> -> memref<128xi32, #tpu.memory_space<vmem>>
      %dma_wait3A_148 = arith.constant 0 : i32
      %dma_wait3A_149 = arith.constant 0 : i32
      %dma_wait3A_150 = tpu.memref_slice %arg2[%dma_wait3A_148, %dma_wait3A_149] : memref<10240x128xf32, #tpu.memory_space<hbm>> -> memref<10240x128xf32, #tpu.memory_space<hbm>>
      tpu.wait_indirect_dma semaphore(%arg15 : memref<!tpu.dma_semaphore, #tpu.memory_space<semaphore_mem>>) src(%dma_wait3A_150 : memref<10240x128xf32, #tpu.memory_space<hbm>>) dst(%arg11 : memref<128x128xf32, #tpu.memory_space<vmem>>)
      %dma_start3A_151 = arith.constant 38 : i32
      %dma_start3A_152 = arith.constant 0 : i32
      %dma_start3A_153 = tpu.memref_slice %arg10[%dma_start3A_151, %dma_start3A_152] : memref<40x128xi32, #tpu.memory_space<vmem>> -> memref<1x128xi32, #tpu.memory_space<vmem>>
      %dma_start3A_154 = tpu.memref_squeeze %dma_start3A_153 : memref<1x128xi32, #tpu.memory_space<vmem>> -> memref<128xi32, #tpu.memory_space<vmem>>
      %dma_start3A_155 = arith.constant 0 : i32
      %dma_start3A_156 = arith.constant 0 : i32
      %dma_start3A_157 = tpu.memref_slice %arg8[%dma_start3A_155, %dma_start3A_156] : memref<10240x128xf32, #tpu.memory_space<vmem_shared>> -> memref<10240x128xf32, #tpu.memory_space<vmem_shared>>
      tpu.enqueue_indirect_dma source(%arg11 : memref<128x128xf32, #tpu.memory_space<vmem>>) target(%dma_start3A_157 : memref<10240x128xf32, #tpu.memory_space<vmem_shared>>) offsets(%dma_start3A_154 : memref<128xi32, #tpu.memory_space<vmem>>) semaphore(%arg17 : memref<!tpu.dma_semaphore, #tpu.memory_space<semaphore_mem>>) {add = true}
      %dma_wait3A_158 = arith.constant 39 : i32
      %dma_wait3A_159 = arith.constant 0 : i32
      %dma_wait3A_160 = tpu.memref_slice %arg9[%dma_wait3A_158, %dma_wait3A_159] : memref<40x128xi32, #tpu.memory_space<vmem>> -> memref<1x128xi32, #tpu.memory_space<vmem>>
      %dma_wait3A_161 = tpu.memref_squeeze %dma_wait3A_160 : memref<1x128xi32, #tpu.memory_space<vmem>> -> memref<128xi32, #tpu.memory_space<vmem>>
      %dma_wait3A_162 = arith.constant 0 : i32
      %dma_wait3A_163 = arith.constant 0 : i32
      %dma_wait3A_164 = tpu.memref_slice %arg2[%dma_wait3A_162, %dma_wait3A_163] : memref<10240x128xf32, #tpu.memory_space<hbm>> -> memref<10240x128xf32, #tpu.memory_space<hbm>>
      tpu.wait_indirect_dma semaphore(%arg16 : memref<!tpu.dma_semaphore, #tpu.memory_space<semaphore_mem>>) src(%dma_wait3A_164 : memref<10240x128xf32, #tpu.memory_space<hbm>>) dst(%arg12 : memref<128x128xf32, #tpu.memory_space<vmem>>)
      %dma_start3A_165 = arith.constant 39 : i32
      %dma_start3A_166 = arith.constant 0 : i32
      %dma_start3A_167 = tpu.memref_slice %arg10[%dma_start3A_165, %dma_start3A_166] : memref<40x128xi32, #tpu.memory_space<vmem>> -> memref<1x128xi32, #tpu.memory_space<vmem>>
      %dma_start3A_168 = tpu.memref_squeeze %dma_start3A_167 : memref<1x128xi32, #tpu.memory_space<vmem>> -> memref<128xi32, #tpu.memory_space<vmem>>
      %dma_start3A_169 = arith.constant 0 : i32
      %dma_start3A_170 = arith.constant 0 : i32
      %dma_start3A_171 = tpu.memref_slice %arg8[%dma_start3A_169, %dma_start3A_170] : memref<10240x128xf32, #tpu.memory_space<vmem_shared>> -> memref<10240x128xf32, #tpu.memory_space<vmem_shared>>
      tpu.enqueue_indirect_dma source(%arg12 : memref<128x128xf32, #tpu.memory_space<vmem>>) target(%dma_start3A_171 : memref<10240x128xf32, #tpu.memory_space<vmem_shared>>) offsets(%dma_start3A_168 : memref<128xi32, #tpu.memory_space<vmem>>) semaphore(%arg18 : memref<!tpu.dma_semaphore, #tpu.memory_space<semaphore_mem>>) {add = true}
      %dma_wait3A_172 = arith.constant 38 : i32
      %dma_wait3A_173 = arith.constant 0 : i32
      %dma_wait3A_174 = tpu.memref_slice %arg10[%dma_wait3A_172, %dma_wait3A_173] : memref<40x128xi32, #tpu.memory_space<vmem>> -> memref<1x128xi32, #tpu.memory_space<vmem>>
      %dma_wait3A_175 = tpu.memref_squeeze %dma_wait3A_174 : memref<1x128xi32, #tpu.memory_space<vmem>> -> memref<128xi32, #tpu.memory_space<vmem>>
      %dma_wait3A_176 = arith.constant 0 : i32
      %dma_wait3A_177 = arith.constant 0 : i32
      %dma_wait3A_178 = tpu.memref_slice %arg8[%dma_wait3A_176, %dma_wait3A_177] : memref<10240x128xf32, #tpu.memory_space<vmem_shared>> -> memref<10240x128xf32, #tpu.memory_space<vmem_shared>>
      tpu.wait_indirect_dma semaphore(%arg17 : memref<!tpu.dma_semaphore, #tpu.memory_space<semaphore_mem>>) src(%arg11 : memref<128x128xf32, #tpu.memory_space<vmem>>) dst(%dma_wait3A_178 : memref<10240x128xf32, #tpu.memory_space<vmem_shared>>)
      %dma_wait3A_179 = arith.constant 39 : i32
      %dma_wait3A_180 = arith.constant 0 : i32
      %dma_wait3A_181 = tpu.memref_slice %arg10[%dma_wait3A_179, %dma_wait3A_180] : memref<40x128xi32, #tpu.memory_space<vmem>> -> memref<1x128xi32, #tpu.memory_space<vmem>>
      %dma_wait3A_182 = tpu.memref_squeeze %dma_wait3A_181 : memref<1x128xi32, #tpu.memory_space<vmem>> -> memref<128xi32, #tpu.memory_space<vmem>>
      %dma_wait3A_183 = arith.constant 0 : i32
      %dma_wait3A_184 = arith.constant 0 : i32
      %dma_wait3A_185 = tpu.memref_slice %arg8[%dma_wait3A_183, %dma_wait3A_184] : memref<10240x128xf32, #tpu.memory_space<vmem_shared>> -> memref<10240x128xf32, #tpu.memory_space<vmem_shared>>
      tpu.wait_indirect_dma semaphore(%arg18 : memref<!tpu.dma_semaphore, #tpu.memory_space<semaphore_mem>>) src(%arg12 : memref<128x128xf32, #tpu.memory_space<vmem>>) dst(%dma_wait3A_185 : memref<10240x128xf32, #tpu.memory_space<vmem_shared>>)
    } else {
    }
    %ne3A = arith.constant 1 : i32
    %ne3A_5 = arith.cmpi ne, %arg0, %ne3A : i32
    %convert_element_type3A_6 = arith.extui %ne3A_5 : i1 to i32
    %cond3A_7 = arith.constant 0 : i32
    %cond3A_8 = arith.cmpi ne, %convert_element_type3A_6, %cond3A_7 : i32
    scf.if %cond3A_8 {
      %mul3A_20 = arith.constant 2 : i32
      %mul3A_21 = arith.muli %arg1, %mul3A_20 : i32
      %add3A = arith.constant 0 : i32
      %add3A_22 = arith.addi %mul3A_21, %add3A : i32
      %mul3A_23 = arith.constant 40 : i32
      %mul3A_24 = arith.muli %add3A_22, %mul3A_23 : i32
      %add3A_25 = arith.constant 1280 : i32
      %add3A_26 = arith.addi %add3A_25, %mul3A_24 : i32
      %dma_start3A_27 = arith.constant 0 : i32
      %dma_start3A_28 = tpu.memref_slice %arg3[%add3A_26, %dma_start3A_27] : memref<2560x128xi32, #tpu.memory_space<hbm>> -> memref<40x128xi32, #tpu.memory_space<hbm>>
      %dma_start3A_29 = arith.constant 0 : i32
      %dma_start3A_30 = tpu.memref_slice %arg3[%add3A_26, %dma_start3A_29] : memref<2560x128xi32, #tpu.memory_space<hbm>> -> memref<40x128xi32, #tpu.memory_space<hbm>>
      tpu.enqueue_dma source(%dma_start3A_30 : memref<40x128xi32, #tpu.memory_space<hbm>>) target(%arg9 : memref<40x128xi32, #tpu.memory_space<vmem>>) target_semaphore(%arg14 : memref<!tpu.dma_semaphore, #tpu.memory_space<semaphore_mem>>)
      %dma_start3A_31 = arith.constant 0 : i32
      %dma_start3A_32 = tpu.memref_slice %arg4[%add3A_26, %dma_start3A_31] : memref<2560x128xi32, #tpu.memory_space<hbm>> -> memref<40x128xi32, #tpu.memory_space<hbm>>
      %dma_start3A_33 = arith.constant 0 : i32
      %dma_start3A_34 = tpu.memref_slice %arg4[%add3A_26, %dma_start3A_33] : memref<2560x128xi32, #tpu.memory_space<hbm>> -> memref<40x128xi32, #tpu.memory_space<hbm>>
      tpu.enqueue_dma source(%dma_start3A_34 : memref<40x128xi32, #tpu.memory_space<hbm>>) target(%arg10 : memref<40x128xi32, #tpu.memory_space<vmem>>) target_semaphore(%arg14 : memref<!tpu.dma_semaphore, #tpu.memory_space<semaphore_mem>>)
      %dma_wait3A_35 = arith.constant 0 : i32
      %dma_wait3A_36 = tpu.memref_slice %arg3[%add3A_26, %dma_wait3A_35] : memref<2560x128xi32, #tpu.memory_space<hbm>> -> memref<40x128xi32, #tpu.memory_space<hbm>>
      %dma_wait3A_37 = arith.constant 0 : i32
      %dma_wait3A_38 = tpu.memref_slice %arg3[%add3A_26, %dma_wait3A_37] : memref<2560x128xi32, #tpu.memory_space<hbm>> -> memref<40x128xi32, #tpu.memory_space<hbm>>
      tpu.wait_dma2 semaphore(%arg14 : memref<!tpu.dma_semaphore, #tpu.memory_space<semaphore_mem>>) src(%dma_wait3A_38 : memref<40x128xi32, #tpu.memory_space<hbm>>) dst(%arg9 : memref<40x128xi32, #tpu.memory_space<vmem>>)
      %dma_wait3A_39 = arith.constant 0 : i32
      %dma_wait3A_40 = tpu.memref_slice %arg4[%add3A_26, %dma_wait3A_39] : memref<2560x128xi32, #tpu.memory_space<hbm>> -> memref<40x128xi32, #tpu.memory_space<hbm>>
      %dma_wait3A_41 = arith.constant 0 : i32
      %dma_wait3A_42 = tpu.memref_slice %arg4[%add3A_26, %dma_wait3A_41] : memref<2560x128xi32, #tpu.memory_space<hbm>> -> memref<40x128xi32, #tpu.memory_space<hbm>>
      tpu.wait_dma2 semaphore(%arg14 : memref<!tpu.dma_semaphore, #tpu.memory_space<semaphore_mem>>) src(%dma_wait3A_42 : memref<40x128xi32, #tpu.memory_space<hbm>>) dst(%arg10 : memref<40x128xi32, #tpu.memory_space<vmem>>)
      %dma_start3A_43 = arith.constant 0 : i32
      %dma_start3A_44 = arith.constant 0 : i32
      %dma_start3A_45 = tpu.memref_slice %arg9[%dma_start3A_43, %dma_start3A_44] : memref<40x128xi32, #tpu.memory_space<vmem>> -> memref<1x128xi32, #tpu.memory_space<vmem>>
      %dma_start3A_46 = tpu.memref_squeeze %dma_start3A_45 : memref<1x128xi32, #tpu.memory_space<vmem>> -> memref<128xi32, #tpu.memory_space<vmem>>
      %dma_start3A_47 = arith.constant 0 : i32
      %dma_start3A_48 = arith.constant 0 : i32
      %dma_start3A_49 = tpu.memref_slice %arg2[%dma_start3A_47, %dma_start3A_48] : memref<10240x128xf32, #tpu.memory_space<hbm>> -> memref<10240x128xf32, #tpu.memory_space<hbm>>
      tpu.enqueue_indirect_dma source(%dma_start3A_49 : memref<10240x128xf32, #tpu.memory_space<hbm>>) target(%arg11 : memref<128x128xf32, #tpu.memory_space<vmem>>) offsets(%dma_start3A_46 : memref<128xi32, #tpu.memory_space<vmem>>) semaphore(%arg15 : memref<!tpu.dma_semaphore, #tpu.memory_space<semaphore_mem>>)
      %dma_start3A_50 = arith.constant 1 : i32
      %dma_start3A_51 = arith.constant 0 : i32
      %dma_start3A_52 = tpu.memref_slice %arg9[%dma_start3A_50, %dma_start3A_51] : memref<40x128xi32, #tpu.memory_space<vmem>> -> memref<1x128xi32, #tpu.memory_space<vmem>>
      %dma_start3A_53 = tpu.memref_squeeze %dma_start3A_52 : memref<1x128xi32, #tpu.memory_space<vmem>> -> memref<128xi32, #tpu.memory_space<vmem>>
      %dma_start3A_54 = arith.constant 0 : i32
      %dma_start3A_55 = arith.constant 0 : i32
      %dma_start3A_56 = tpu.memref_slice %arg2[%dma_start3A_54, %dma_start3A_55] : memref<10240x128xf32, #tpu.memory_space<hbm>> -> memref<10240x128xf32, #tpu.memory_space<hbm>>
      tpu.enqueue_indirect_dma source(%dma_start3A_56 : memref<10240x128xf32, #tpu.memory_space<hbm>>) target(%arg12 : memref<128x128xf32, #tpu.memory_space<vmem>>) offsets(%dma_start3A_53 : memref<128xi32, #tpu.memory_space<vmem>>) semaphore(%arg16 : memref<!tpu.dma_semaphore, #tpu.memory_space<semaphore_mem>>)
      %scan3A = arith.constant 0 : i32
      %scan3A_57 = arith.constant 0 : i32
      %scan3A_58 = arith.constant 19 : i32
      %scan3A_59 = arith.addi %scan3A_57, %scan3A_58 : i32
      %scan3A_60 = arith.constant 1 : i32
      scf.for %scan3A_190 = %scan3A_57 to %scan3A_59 step %scan3A_60  : i32 {
        %mul3A_191 = arith.constant 2 : i32
        %mul3A_192 = arith.muli %mul3A_191, %scan3A_190 : i32
        %add3A_193 = arith.constant 1 : i32
        %add3A_194 = arith.addi %mul3A_192, %add3A_193 : i32
        %dma_wait3A_195 = arith.constant 0 : i32
        %dma_wait3A_196 = tpu.memref_slice %arg9[%mul3A_192, %dma_wait3A_195] : memref<40x128xi32, #tpu.memory_space<vmem>> -> memref<1x128xi32, #tpu.memory_space<vmem>>
        %dma_wait3A_197 = tpu.memref_squeeze %dma_wait3A_196 : memref<1x128xi32, #tpu.memory_space<vmem>> -> memref<128xi32, #tpu.memory_space<vmem>>
        %dma_wait3A_198 = arith.constant 0 : i32
        %dma_wait3A_199 = arith.constant 0 : i32
        %dma_wait3A_200 = tpu.memref_slice %arg2[%dma_wait3A_198, %dma_wait3A_199] : memref<10240x128xf32, #tpu.memory_space<hbm>> -> memref<10240x128xf32, #tpu.memory_space<hbm>>
        tpu.wait_indirect_dma semaphore(%arg15 : memref<!tpu.dma_semaphore, #tpu.memory_space<semaphore_mem>>) src(%dma_wait3A_200 : memref<10240x128xf32, #tpu.memory_space<hbm>>) dst(%arg11 : memref<128x128xf32, #tpu.memory_space<vmem>>)
        %dma_start3A_201 = arith.constant 0 : i32
        %dma_start3A_202 = tpu.memref_slice %arg10[%mul3A_192, %dma_start3A_201] : memref<40x128xi32, #tpu.memory_space<vmem>> -> memref<1x128xi32, #tpu.memory_space<vmem>>
        %dma_start3A_203 = tpu.memref_squeeze %dma_start3A_202 : memref<1x128xi32, #tpu.memory_space<vmem>> -> memref<128xi32, #tpu.memory_space<vmem>>
        %dma_start3A_204 = arith.constant 0 : i32
        %dma_start3A_205 = arith.constant 0 : i32
        %dma_start3A_206 = tpu.memref_slice %arg8[%dma_start3A_204, %dma_start3A_205] : memref<10240x128xf32, #tpu.memory_space<vmem_shared>> -> memref<10240x128xf32, #tpu.memory_space<vmem_shared>>
        tpu.enqueue_indirect_dma source(%arg11 : memref<128x128xf32, #tpu.memory_space<vmem>>) target(%dma_start3A_206 : memref<10240x128xf32, #tpu.memory_space<vmem_shared>>) offsets(%dma_start3A_203 : memref<128xi32, #tpu.memory_space<vmem>>) semaphore(%arg17 : memref<!tpu.dma_semaphore, #tpu.memory_space<semaphore_mem>>) {add = true}
        %dma_wait3A_207 = arith.constant 0 : i32
        %dma_wait3A_208 = tpu.memref_slice %arg9[%add3A_194, %dma_wait3A_207] : memref<40x128xi32, #tpu.memory_space<vmem>> -> memref<1x128xi32, #tpu.memory_space<vmem>>
        %dma_wait3A_209 = tpu.memref_squeeze %dma_wait3A_208 : memref<1x128xi32, #tpu.memory_space<vmem>> -> memref<128xi32, #tpu.memory_space<vmem>>
        %dma_wait3A_210 = arith.constant 0 : i32
        %dma_wait3A_211 = arith.constant 0 : i32
        %dma_wait3A_212 = tpu.memref_slice %arg2[%dma_wait3A_210, %dma_wait3A_211] : memref<10240x128xf32, #tpu.memory_space<hbm>> -> memref<10240x128xf32, #tpu.memory_space<hbm>>
        tpu.wait_indirect_dma semaphore(%arg16 : memref<!tpu.dma_semaphore, #tpu.memory_space<semaphore_mem>>) src(%dma_wait3A_212 : memref<10240x128xf32, #tpu.memory_space<hbm>>) dst(%arg12 : memref<128x128xf32, #tpu.memory_space<vmem>>)
        %dma_start3A_213 = arith.constant 0 : i32
        %dma_start3A_214 = tpu.memref_slice %arg10[%add3A_194, %dma_start3A_213] : memref<40x128xi32, #tpu.memory_space<vmem>> -> memref<1x128xi32, #tpu.memory_space<vmem>>
        %dma_start3A_215 = tpu.memref_squeeze %dma_start3A_214 : memref<1x128xi32, #tpu.memory_space<vmem>> -> memref<128xi32, #tpu.memory_space<vmem>>
        %dma_start3A_216 = arith.constant 0 : i32
        %dma_start3A_217 = arith.constant 0 : i32
        %dma_start3A_218 = tpu.memref_slice %arg8[%dma_start3A_216, %dma_start3A_217] : memref<10240x128xf32, #tpu.memory_space<vmem_shared>> -> memref<10240x128xf32, #tpu.memory_space<vmem_shared>>
        tpu.enqueue_indirect_dma source(%arg12 : memref<128x128xf32, #tpu.memory_space<vmem>>) target(%dma_start3A_218 : memref<10240x128xf32, #tpu.memory_space<vmem_shared>>) offsets(%dma_start3A_215 : memref<128xi32, #tpu.memory_space<vmem>>) semaphore(%arg18 : memref<!tpu.dma_semaphore, #tpu.memory_space<semaphore_mem>>) {add = true}
        %dma_wait3A_219 = arith.constant 0 : i32
        %dma_wait3A_220 = tpu.memref_slice %arg10[%mul3A_192, %dma_wait3A_219] : memref<40x128xi32, #tpu.memory_space<vmem>> -> memref<1x128xi32, #tpu.memory_space<vmem>>
        %dma_wait3A_221 = tpu.memref_squeeze %dma_wait3A_220 : memref<1x128xi32, #tpu.memory_space<vmem>> -> memref<128xi32, #tpu.memory_space<vmem>>
        %dma_wait3A_222 = arith.constant 0 : i32
        %dma_wait3A_223 = arith.constant 0 : i32
        %dma_wait3A_224 = tpu.memref_slice %arg8[%dma_wait3A_222, %dma_wait3A_223] : memref<10240x128xf32, #tpu.memory_space<vmem_shared>> -> memref<10240x128xf32, #tpu.memory_space<vmem_shared>>
        tpu.wait_indirect_dma semaphore(%arg17 : memref<!tpu.dma_semaphore, #tpu.memory_space<semaphore_mem>>) src(%arg11 : memref<128x128xf32, #tpu.memory_space<vmem>>) dst(%dma_wait3A_224 : memref<10240x128xf32, #tpu.memory_space<vmem_shared>>)
        %add3A_225 = arith.constant 2 : i32
        %add3A_226 = arith.addi %mul3A_192, %add3A_225 : i32
        %dma_start3A_227 = arith.constant 0 : i32
        %dma_start3A_228 = tpu.memref_slice %arg9[%add3A_226, %dma_start3A_227] : memref<40x128xi32, #tpu.memory_space<vmem>> -> memref<1x128xi32, #tpu.memory_space<vmem>>
        %dma_start3A_229 = tpu.memref_squeeze %dma_start3A_228 : memref<1x128xi32, #tpu.memory_space<vmem>> -> memref<128xi32, #tpu.memory_space<vmem>>
        %dma_start3A_230 = arith.constant 0 : i32
        %dma_start3A_231 = arith.constant 0 : i32
        %dma_start3A_232 = tpu.memref_slice %arg2[%dma_start3A_230, %dma_start3A_231] : memref<10240x128xf32, #tpu.memory_space<hbm>> -> memref<10240x128xf32, #tpu.memory_space<hbm>>
        tpu.enqueue_indirect_dma source(%dma_start3A_232 : memref<10240x128xf32, #tpu.memory_space<hbm>>) target(%arg11 : memref<128x128xf32, #tpu.memory_space<vmem>>) offsets(%dma_start3A_229 : memref<128xi32, #tpu.memory_space<vmem>>) semaphore(%arg15 : memref<!tpu.dma_semaphore, #tpu.memory_space<semaphore_mem>>)
        %dma_wait3A_233 = arith.constant 0 : i32
        %dma_wait3A_234 = tpu.memref_slice %arg10[%add3A_194, %dma_wait3A_233] : memref<40x128xi32, #tpu.memory_space<vmem>> -> memref<1x128xi32, #tpu.memory_space<vmem>>
        %dma_wait3A_235 = tpu.memref_squeeze %dma_wait3A_234 : memref<1x128xi32, #tpu.memory_space<vmem>> -> memref<128xi32, #tpu.memory_space<vmem>>
        %dma_wait3A_236 = arith.constant 0 : i32
        %dma_wait3A_237 = arith.constant 0 : i32
        %dma_wait3A_238 = tpu.memref_slice %arg8[%dma_wait3A_236, %dma_wait3A_237] : memref<10240x128xf32, #tpu.memory_space<vmem_shared>> -> memref<10240x128xf32, #tpu.memory_space<vmem_shared>>
        tpu.wait_indirect_dma semaphore(%arg18 : memref<!tpu.dma_semaphore, #tpu.memory_space<semaphore_mem>>) src(%arg12 : memref<128x128xf32, #tpu.memory_space<vmem>>) dst(%dma_wait3A_238 : memref<10240x128xf32, #tpu.memory_space<vmem_shared>>)
        %add3A_239 = arith.constant 2 : i32
        %add3A_240 = arith.addi %add3A_194, %add3A_239 : i32
        %dma_start3A_241 = arith.constant 0 : i32
        %dma_start3A_242 = tpu.memref_slice %arg9[%add3A_240, %dma_start3A_241] : memref<40x128xi32, #tpu.memory_space<vmem>> -> memref<1x128xi32, #tpu.memory_space<vmem>>
        %dma_start3A_243 = tpu.memref_squeeze %dma_start3A_242 : memref<1x128xi32, #tpu.memory_space<vmem>> -> memref<128xi32, #tpu.memory_space<vmem>>
        %dma_start3A_244 = arith.constant 0 : i32
        %dma_start3A_245 = arith.constant 0 : i32
        %dma_start3A_246 = tpu.memref_slice %arg2[%dma_start3A_244, %dma_start3A_245] : memref<10240x128xf32, #tpu.memory_space<hbm>> -> memref<10240x128xf32, #tpu.memory_space<hbm>>
        tpu.enqueue_indirect_dma source(%dma_start3A_246 : memref<10240x128xf32, #tpu.memory_space<hbm>>) target(%arg12 : memref<128x128xf32, #tpu.memory_space<vmem>>) offsets(%dma_start3A_243 : memref<128xi32, #tpu.memory_space<vmem>>) semaphore(%arg16 : memref<!tpu.dma_semaphore, #tpu.memory_space<semaphore_mem>>)
      }
      %scan3A_61 = arith.constant 19 : i32
      %dma_wait3A_62 = arith.constant 38 : i32
      %dma_wait3A_63 = arith.constant 0 : i32
      %dma_wait3A_64 = tpu.memref_slice %arg9[%dma_wait3A_62, %dma_wait3A_63] : memref<40x128xi32, #tpu.memory_space<vmem>> -> memref<1x128xi32, #tpu.memory_space<vmem>>
      %dma_wait3A_65 = tpu.memref_squeeze %dma_wait3A_64 : memref<1x128xi32, #tpu.memory_space<vmem>> -> memref<128xi32, #tpu.memory_space<vmem>>
      %dma_wait3A_66 = arith.constant 0 : i32
      %dma_wait3A_67 = arith.constant 0 : i32
      %dma_wait3A_68 = tpu.memref_slice %arg2[%dma_wait3A_66, %dma_wait3A_67] : memref<10240x128xf32, #tpu.memory_space<hbm>> -> memref<10240x128xf32, #tpu.memory_space<hbm>>
      tpu.wait_indirect_dma semaphore(%arg15 : memref<!tpu.dma_semaphore, #tpu.memory_space<semaphore_mem>>) src(%dma_wait3A_68 : memref<10240x128xf32, #tpu.memory_space<hbm>>) dst(%arg11 : memref<128x128xf32, #tpu.memory_space<vmem>>)
      %dma_start3A_69 = arith.constant 38 : i32
      %dma_start3A_70 = arith.constant 0 : i32
      %dma_start3A_71 = tpu.memref_slice %arg10[%dma_start3A_69, %dma_start3A_70] : memref<40x128xi32, #tpu.memory_space<vmem>> -> memref<1x128xi32, #tpu.memory_space<vmem>>
      %dma_start3A_72 = tpu.memref_squeeze %dma_start3A_71 : memref<1x128xi32, #tpu.memory_space<vmem>> -> memref<128xi32, #tpu.memory_space<vmem>>
      %dma_start3A_73 = arith.constant 0 : i32
      %dma_start3A_74 = arith.constant 0 : i32
      %dma_start3A_75 = tpu.memref_slice %arg8[%dma_start3A_73, %dma_start3A_74] : memref<10240x128xf32, #tpu.memory_space<vmem_shared>> -> memref<10240x128xf32, #tpu.memory_space<vmem_shared>>
      tpu.enqueue_indirect_dma source(%arg11 : memref<128x128xf32, #tpu.memory_space<vmem>>) target(%dma_start3A_75 : memref<10240x128xf32, #tpu.memory_space<vmem_shared>>) offsets(%dma_start3A_72 : memref<128xi32, #tpu.memory_space<vmem>>) semaphore(%arg17 : memref<!tpu.dma_semaphore, #tpu.memory_space<semaphore_mem>>) {add = true}
      %dma_wait3A_76 = arith.constant 39 : i32
      %dma_wait3A_77 = arith.constant 0 : i32
      %dma_wait3A_78 = tpu.memref_slice %arg9[%dma_wait3A_76, %dma_wait3A_77] : memref<40x128xi32, #tpu.memory_space<vmem>> -> memref<1x128xi32, #tpu.memory_space<vmem>>
      %dma_wait3A_79 = tpu.memref_squeeze %dma_wait3A_78 : memref<1x128xi32, #tpu.memory_space<vmem>> -> memref<128xi32, #tpu.memory_space<vmem>>
      %dma_wait3A_80 = arith.constant 0 : i32
      %dma_wait3A_81 = arith.constant 0 : i32
      %dma_wait3A_82 = tpu.memref_slice %arg2[%dma_wait3A_80, %dma_wait3A_81] : memref<10240x128xf32, #tpu.memory_space<hbm>> -> memref<10240x128xf32, #tpu.memory_space<hbm>>
      tpu.wait_indirect_dma semaphore(%arg16 : memref<!tpu.dma_semaphore, #tpu.memory_space<semaphore_mem>>) src(%dma_wait3A_82 : memref<10240x128xf32, #tpu.memory_space<hbm>>) dst(%arg12 : memref<128x128xf32, #tpu.memory_space<vmem>>)
      %dma_start3A_83 = arith.constant 39 : i32
      %dma_start3A_84 = arith.constant 0 : i32
      %dma_start3A_85 = tpu.memref_slice %arg10[%dma_start3A_83, %dma_start3A_84] : memref<40x128xi32, #tpu.memory_space<vmem>> -> memref<1x128xi32, #tpu.memory_space<vmem>>
      %dma_start3A_86 = tpu.memref_squeeze %dma_start3A_85 : memref<1x128xi32, #tpu.memory_space<vmem>> -> memref<128xi32, #tpu.memory_space<vmem>>
      %dma_start3A_87 = arith.constant 0 : i32
      %dma_start3A_88 = arith.constant 0 : i32
      %dma_start3A_89 = tpu.memref_slice %arg8[%dma_start3A_87, %dma_start3A_88] : memref<10240x128xf32, #tpu.memory_space<vmem_shared>> -> memref<10240x128xf32, #tpu.memory_space<vmem_shared>>
      tpu.enqueue_indirect_dma source(%arg12 : memref<128x128xf32, #tpu.memory_space<vmem>>) target(%dma_start3A_89 : memref<10240x128xf32, #tpu.memory_space<vmem_shared>>) offsets(%dma_start3A_86 : memref<128xi32, #tpu.memory_space<vmem>>) semaphore(%arg18 : memref<!tpu.dma_semaphore, #tpu.memory_space<semaphore_mem>>) {add = true}
      %dma_wait3A_90 = arith.constant 38 : i32
      %dma_wait3A_91 = arith.constant 0 : i32
      %dma_wait3A_92 = tpu.memref_slice %arg10[%dma_wait3A_90, %dma_wait3A_91] : memref<40x128xi32, #tpu.memory_space<vmem>> -> memref<1x128xi32, #tpu.memory_space<vmem>>
      %dma_wait3A_93 = tpu.memref_squeeze %dma_wait3A_92 : memref<1x128xi32, #tpu.memory_space<vmem>> -> memref<128xi32, #tpu.memory_space<vmem>>
      %dma_wait3A_94 = arith.constant 0 : i32
      %dma_wait3A_95 = arith.constant 0 : i32
      %dma_wait3A_96 = tpu.memref_slice %arg8[%dma_wait3A_94, %dma_wait3A_95] : memref<10240x128xf32, #tpu.memory_space<vmem_shared>> -> memref<10240x128xf32, #tpu.memory_space<vmem_shared>>
      tpu.wait_indirect_dma semaphore(%arg17 : memref<!tpu.dma_semaphore, #tpu.memory_space<semaphore_mem>>) src(%arg11 : memref<128x128xf32, #tpu.memory_space<vmem>>) dst(%dma_wait3A_96 : memref<10240x128xf32, #tpu.memory_space<vmem_shared>>)
      %dma_wait3A_97 = arith.constant 39 : i32
      %dma_wait3A_98 = arith.constant 0 : i32
      %dma_wait3A_99 = tpu.memref_slice %arg10[%dma_wait3A_97, %dma_wait3A_98] : memref<40x128xi32, #tpu.memory_space<vmem>> -> memref<1x128xi32, #tpu.memory_space<vmem>>
      %dma_wait3A_100 = tpu.memref_squeeze %dma_wait3A_99 : memref<1x128xi32, #tpu.memory_space<vmem>> -> memref<128xi32, #tpu.memory_space<vmem>>
      %dma_wait3A_101 = arith.constant 0 : i32
      %dma_wait3A_102 = arith.constant 0 : i32
      %dma_wait3A_103 = tpu.memref_slice %arg8[%dma_wait3A_101, %dma_wait3A_102] : memref<10240x128xf32, #tpu.memory_space<vmem_shared>> -> memref<10240x128xf32, #tpu.memory_space<vmem_shared>>
      tpu.wait_indirect_dma semaphore(%arg18 : memref<!tpu.dma_semaphore, #tpu.memory_space<semaphore_mem>>) src(%arg12 : memref<128x128xf32, #tpu.memory_space<vmem>>) dst(%dma_wait3A_103 : memref<10240x128xf32, #tpu.memory_space<vmem_shared>>)
      %mul3A_104 = arith.constant 2 : i32
      %mul3A_105 = arith.muli %arg1, %mul3A_104 : i32
      %add3A_106 = arith.constant 1 : i32
      %add3A_107 = arith.addi %mul3A_105, %add3A_106 : i32
      %mul3A_108 = arith.constant 40 : i32
      %mul3A_109 = arith.muli %add3A_107, %mul3A_108 : i32
      %add3A_110 = arith.constant 1280 : i32
      %add3A_111 = arith.addi %add3A_110, %mul3A_109 : i32
      %dma_start3A_112 = arith.constant 0 : i32
      %dma_start3A_113 = tpu.memref_slice %arg3[%add3A_111, %dma_start3A_112] : memref<2560x128xi32, #tpu.memory_space<hbm>> -> memref<40x128xi32, #tpu.memory_space<hbm>>
      %dma_start3A_114 = arith.constant 0 : i32
      %dma_start3A_115 = tpu.memref_slice %arg3[%add3A_111, %dma_start3A_114] : memref<2560x128xi32, #tpu.memory_space<hbm>> -> memref<40x128xi32, #tpu.memory_space<hbm>>
      tpu.enqueue_dma source(%dma_start3A_115 : memref<40x128xi32, #tpu.memory_space<hbm>>) target(%arg9 : memref<40x128xi32, #tpu.memory_space<vmem>>) target_semaphore(%arg14 : memref<!tpu.dma_semaphore, #tpu.memory_space<semaphore_mem>>)
      %dma_start3A_116 = arith.constant 0 : i32
      %dma_start3A_117 = tpu.memref_slice %arg4[%add3A_111, %dma_start3A_116] : memref<2560x128xi32, #tpu.memory_space<hbm>> -> memref<40x128xi32, #tpu.memory_space<hbm>>
      %dma_start3A_118 = arith.constant 0 : i32
      %dma_start3A_119 = tpu.memref_slice %arg4[%add3A_111, %dma_start3A_118] : memref<2560x128xi32, #tpu.memory_space<hbm>> -> memref<40x128xi32, #tpu.memory_space<hbm>>
      tpu.enqueue_dma source(%dma_start3A_119 : memref<40x128xi32, #tpu.memory_space<hbm>>) target(%arg10 : memref<40x128xi32, #tpu.memory_space<vmem>>) target_semaphore(%arg14 : memref<!tpu.dma_semaphore, #tpu.memory_space<semaphore_mem>>)
      %dma_wait3A_120 = arith.constant 0 : i32
      %dma_wait3A_121 = tpu.memref_slice %arg3[%add3A_111, %dma_wait3A_120] : memref<2560x128xi32, #tpu.memory_space<hbm>> -> memref<40x128xi32, #tpu.memory_space<hbm>>
      %dma_wait3A_122 = arith.constant 0 : i32
      %dma_wait3A_123 = tpu.memref_slice %arg3[%add3A_111, %dma_wait3A_122] : memref<2560x128xi32, #tpu.memory_space<hbm>> -> memref<40x128xi32, #tpu.memory_space<hbm>>
      tpu.wait_dma2 semaphore(%arg14 : memref<!tpu.dma_semaphore, #tpu.memory_space<semaphore_mem>>) src(%dma_wait3A_123 : memref<40x128xi32, #tpu.memory_space<hbm>>) dst(%arg9 : memref<40x128xi32, #tpu.memory_space<vmem>>)
      %dma_wait3A_124 = arith.constant 0 : i32
      %dma_wait3A_125 = tpu.memref_slice %arg4[%add3A_111, %dma_wait3A_124] : memref<2560x128xi32, #tpu.memory_space<hbm>> -> memref<40x128xi32, #tpu.memory_space<hbm>>
      %dma_wait3A_126 = arith.constant 0 : i32
      %dma_wait3A_127 = tpu.memref_slice %arg4[%add3A_111, %dma_wait3A_126] : memref<2560x128xi32, #tpu.memory_space<hbm>> -> memref<40x128xi32, #tpu.memory_space<hbm>>
      tpu.wait_dma2 semaphore(%arg14 : memref<!tpu.dma_semaphore, #tpu.memory_space<semaphore_mem>>) src(%dma_wait3A_127 : memref<40x128xi32, #tpu.memory_space<hbm>>) dst(%arg10 : memref<40x128xi32, #tpu.memory_space<vmem>>)
      %dma_start3A_128 = arith.constant 0 : i32
      %dma_start3A_129 = arith.constant 0 : i32
      %dma_start3A_130 = tpu.memref_slice %arg9[%dma_start3A_128, %dma_start3A_129] : memref<40x128xi32, #tpu.memory_space<vmem>> -> memref<1x128xi32, #tpu.memory_space<vmem>>
      %dma_start3A_131 = tpu.memref_squeeze %dma_start3A_130 : memref<1x128xi32, #tpu.memory_space<vmem>> -> memref<128xi32, #tpu.memory_space<vmem>>
      %dma_start3A_132 = arith.constant 0 : i32
      %dma_start3A_133 = arith.constant 0 : i32
      %dma_start3A_134 = tpu.memref_slice %arg2[%dma_start3A_132, %dma_start3A_133] : memref<10240x128xf32, #tpu.memory_space<hbm>> -> memref<10240x128xf32, #tpu.memory_space<hbm>>
      tpu.enqueue_indirect_dma source(%dma_start3A_134 : memref<10240x128xf32, #tpu.memory_space<hbm>>) target(%arg11 : memref<128x128xf32, #tpu.memory_space<vmem>>) offsets(%dma_start3A_131 : memref<128xi32, #tpu.memory_space<vmem>>) semaphore(%arg15 : memref<!tpu.dma_semaphore, #tpu.memory_space<semaphore_mem>>)
      %dma_start3A_135 = arith.constant 1 : i32
      %dma_start3A_136 = arith.constant 0 : i32
      %dma_start3A_137 = tpu.memref_slice %arg9[%dma_start3A_135, %dma_start3A_136] : memref<40x128xi32, #tpu.memory_space<vmem>> -> memref<1x128xi32, #tpu.memory_space<vmem>>
      %dma_start3A_138 = tpu.memref_squeeze %dma_start3A_137 : memref<1x128xi32, #tpu.memory_space<vmem>> -> memref<128xi32, #tpu.memory_space<vmem>>
      %dma_start3A_139 = arith.constant 0 : i32
      %dma_start3A_140 = arith.constant 0 : i32
      %dma_start3A_141 = tpu.memref_slice %arg2[%dma_start3A_139, %dma_start3A_140] : memref<10240x128xf32, #tpu.memory_space<hbm>> -> memref<10240x128xf32, #tpu.memory_space<hbm>>
      tpu.enqueue_indirect_dma source(%dma_start3A_141 : memref<10240x128xf32, #tpu.memory_space<hbm>>) target(%arg12 : memref<128x128xf32, #tpu.memory_space<vmem>>) offsets(%dma_start3A_138 : memref<128xi32, #tpu.memory_space<vmem>>) semaphore(%arg16 : memref<!tpu.dma_semaphore, #tpu.memory_space<semaphore_mem>>)
      %scan3A_142 = arith.constant 0 : i32
      %scan3A_143 = arith.constant 0 : i32
      %scan3A_144 = arith.constant 19 : i32
      %scan3A_145 = arith.addi %scan3A_143, %scan3A_144 : i32
      %scan3A_146 = arith.constant 1 : i32
      scf.for %scan3A_190 = %scan3A_143 to %scan3A_145 step %scan3A_146  : i32 {
        %mul3A_191 = arith.constant 2 : i32
        %mul3A_192 = arith.muli %mul3A_191, %scan3A_190 : i32
        %add3A_193 = arith.constant 1 : i32
        %add3A_194 = arith.addi %mul3A_192, %add3A_193 : i32
        %dma_wait3A_195 = arith.constant 0 : i32
        %dma_wait3A_196 = tpu.memref_slice %arg9[%mul3A_192, %dma_wait3A_195] : memref<40x128xi32, #tpu.memory_space<vmem>> -> memref<1x128xi32, #tpu.memory_space<vmem>>
        %dma_wait3A_197 = tpu.memref_squeeze %dma_wait3A_196 : memref<1x128xi32, #tpu.memory_space<vmem>> -> memref<128xi32, #tpu.memory_space<vmem>>
        %dma_wait3A_198 = arith.constant 0 : i32
        %dma_wait3A_199 = arith.constant 0 : i32
        %dma_wait3A_200 = tpu.memref_slice %arg2[%dma_wait3A_198, %dma_wait3A_199] : memref<10240x128xf32, #tpu.memory_space<hbm>> -> memref<10240x128xf32, #tpu.memory_space<hbm>>
        tpu.wait_indirect_dma semaphore(%arg15 : memref<!tpu.dma_semaphore, #tpu.memory_space<semaphore_mem>>) src(%dma_wait3A_200 : memref<10240x128xf32, #tpu.memory_space<hbm>>) dst(%arg11 : memref<128x128xf32, #tpu.memory_space<vmem>>)
        %dma_start3A_201 = arith.constant 0 : i32
        %dma_start3A_202 = tpu.memref_slice %arg10[%mul3A_192, %dma_start3A_201] : memref<40x128xi32, #tpu.memory_space<vmem>> -> memref<1x128xi32, #tpu.memory_space<vmem>>
        %dma_start3A_203 = tpu.memref_squeeze %dma_start3A_202 : memref<1x128xi32, #tpu.memory_space<vmem>> -> memref<128xi32, #tpu.memory_space<vmem>>
        %dma_start3A_204 = arith.constant 0 : i32
        %dma_start3A_205 = arith.constant 0 : i32
        %dma_start3A_206 = tpu.memref_slice %arg8[%dma_start3A_204, %dma_start3A_205] : memref<10240x128xf32, #tpu.memory_space<vmem_shared>> -> memref<10240x128xf32, #tpu.memory_space<vmem_shared>>
        tpu.enqueue_indirect_dma source(%arg11 : memref<128x128xf32, #tpu.memory_space<vmem>>) target(%dma_start3A_206 : memref<10240x128xf32, #tpu.memory_space<vmem_shared>>) offsets(%dma_start3A_203 : memref<128xi32, #tpu.memory_space<vmem>>) semaphore(%arg17 : memref<!tpu.dma_semaphore, #tpu.memory_space<semaphore_mem>>) {add = true}
        %dma_wait3A_207 = arith.constant 0 : i32
        %dma_wait3A_208 = tpu.memref_slice %arg9[%add3A_194, %dma_wait3A_207] : memref<40x128xi32, #tpu.memory_space<vmem>> -> memref<1x128xi32, #tpu.memory_space<vmem>>
        %dma_wait3A_209 = tpu.memref_squeeze %dma_wait3A_208 : memref<1x128xi32, #tpu.memory_space<vmem>> -> memref<128xi32, #tpu.memory_space<vmem>>
        %dma_wait3A_210 = arith.constant 0 : i32
        %dma_wait3A_211 = arith.constant 0 : i32
        %dma_wait3A_212 = tpu.memref_slice %arg2[%dma_wait3A_210, %dma_wait3A_211] : memref<10240x128xf32, #tpu.memory_space<hbm>> -> memref<10240x128xf32, #tpu.memory_space<hbm>>
        tpu.wait_indirect_dma semaphore(%arg16 : memref<!tpu.dma_semaphore, #tpu.memory_space<semaphore_mem>>) src(%dma_wait3A_212 : memref<10240x128xf32, #tpu.memory_space<hbm>>) dst(%arg12 : memref<128x128xf32, #tpu.memory_space<vmem>>)
        %dma_start3A_213 = arith.constant 0 : i32
        %dma_start3A_214 = tpu.memref_slice %arg10[%add3A_194, %dma_start3A_213] : memref<40x128xi32, #tpu.memory_space<vmem>> -> memref<1x128xi32, #tpu.memory_space<vmem>>
        %dma_start3A_215 = tpu.memref_squeeze %dma_start3A_214 : memref<1x128xi32, #tpu.memory_space<vmem>> -> memref<128xi32, #tpu.memory_space<vmem>>
        %dma_start3A_216 = arith.constant 0 : i32
        %dma_start3A_217 = arith.constant 0 : i32
        %dma_start3A_218 = tpu.memref_slice %arg8[%dma_start3A_216, %dma_start3A_217] : memref<10240x128xf32, #tpu.memory_space<vmem_shared>> -> memref<10240x128xf32, #tpu.memory_space<vmem_shared>>
        tpu.enqueue_indirect_dma source(%arg12 : memref<128x128xf32, #tpu.memory_space<vmem>>) target(%dma_start3A_218 : memref<10240x128xf32, #tpu.memory_space<vmem_shared>>) offsets(%dma_start3A_215 : memref<128xi32, #tpu.memory_space<vmem>>) semaphore(%arg18 : memref<!tpu.dma_semaphore, #tpu.memory_space<semaphore_mem>>) {add = true}
        %dma_wait3A_219 = arith.constant 0 : i32
        %dma_wait3A_220 = tpu.memref_slice %arg10[%mul3A_192, %dma_wait3A_219] : memref<40x128xi32, #tpu.memory_space<vmem>> -> memref<1x128xi32, #tpu.memory_space<vmem>>
        %dma_wait3A_221 = tpu.memref_squeeze %dma_wait3A_220 : memref<1x128xi32, #tpu.memory_space<vmem>> -> memref<128xi32, #tpu.memory_space<vmem>>
        %dma_wait3A_222 = arith.constant 0 : i32
        %dma_wait3A_223 = arith.constant 0 : i32
        %dma_wait3A_224 = tpu.memref_slice %arg8[%dma_wait3A_222, %dma_wait3A_223] : memref<10240x128xf32, #tpu.memory_space<vmem_shared>> -> memref<10240x128xf32, #tpu.memory_space<vmem_shared>>
        tpu.wait_indirect_dma semaphore(%arg17 : memref<!tpu.dma_semaphore, #tpu.memory_space<semaphore_mem>>) src(%arg11 : memref<128x128xf32, #tpu.memory_space<vmem>>) dst(%dma_wait3A_224 : memref<10240x128xf32, #tpu.memory_space<vmem_shared>>)
        %add3A_225 = arith.constant 2 : i32
        %add3A_226 = arith.addi %mul3A_192, %add3A_225 : i32
        %dma_start3A_227 = arith.constant 0 : i32
        %dma_start3A_228 = tpu.memref_slice %arg9[%add3A_226, %dma_start3A_227] : memref<40x128xi32, #tpu.memory_space<vmem>> -> memref<1x128xi32, #tpu.memory_space<vmem>>
        %dma_start3A_229 = tpu.memref_squeeze %dma_start3A_228 : memref<1x128xi32, #tpu.memory_space<vmem>> -> memref<128xi32, #tpu.memory_space<vmem>>
        %dma_start3A_230 = arith.constant 0 : i32
        %dma_start3A_231 = arith.constant 0 : i32
        %dma_start3A_232 = tpu.memref_slice %arg2[%dma_start3A_230, %dma_start3A_231] : memref<10240x128xf32, #tpu.memory_space<hbm>> -> memref<10240x128xf32, #tpu.memory_space<hbm>>
        tpu.enqueue_indirect_dma source(%dma_start3A_232 : memref<10240x128xf32, #tpu.memory_space<hbm>>) target(%arg11 : memref<128x128xf32, #tpu.memory_space<vmem>>) offsets(%dma_start3A_229 : memref<128xi32, #tpu.memory_space<vmem>>) semaphore(%arg15 : memref<!tpu.dma_semaphore, #tpu.memory_space<semaphore_mem>>)
        %dma_wait3A_233 = arith.constant 0 : i32
        %dma_wait3A_234 = tpu.memref_slice %arg10[%add3A_194, %dma_wait3A_233] : memref<40x128xi32, #tpu.memory_space<vmem>> -> memref<1x128xi32, #tpu.memory_space<vmem>>
        %dma_wait3A_235 = tpu.memref_squeeze %dma_wait3A_234 : memref<1x128xi32, #tpu.memory_space<vmem>> -> memref<128xi32, #tpu.memory_space<vmem>>
        %dma_wait3A_236 = arith.constant 0 : i32
        %dma_wait3A_237 = arith.constant 0 : i32
        %dma_wait3A_238 = tpu.memref_slice %arg8[%dma_wait3A_236, %dma_wait3A_237] : memref<10240x128xf32, #tpu.memory_space<vmem_shared>> -> memref<10240x128xf32, #tpu.memory_space<vmem_shared>>
        tpu.wait_indirect_dma semaphore(%arg18 : memref<!tpu.dma_semaphore, #tpu.memory_space<semaphore_mem>>) src(%arg12 : memref<128x128xf32, #tpu.memory_space<vmem>>) dst(%dma_wait3A_238 : memref<10240x128xf32, #tpu.memory_space<vmem_shared>>)
        %add3A_239 = arith.constant 2 : i32
        %add3A_240 = arith.addi %add3A_194, %add3A_239 : i32
        %dma_start3A_241 = arith.constant 0 : i32
        %dma_start3A_242 = tpu.memref_slice %arg9[%add3A_240, %dma_start3A_241] : memref<40x128xi32, #tpu.memory_space<vmem>> -> memref<1x128xi32, #tpu.memory_space<vmem>>
        %dma_start3A_243 = tpu.memref_squeeze %dma_start3A_242 : memref<1x128xi32, #tpu.memory_space<vmem>> -> memref<128xi32, #tpu.memory_space<vmem>>
        %dma_start3A_244 = arith.constant 0 : i32
        %dma_start3A_245 = arith.constant 0 : i32
        %dma_start3A_246 = tpu.memref_slice %arg2[%dma_start3A_244, %dma_start3A_245] : memref<10240x128xf32, #tpu.memory_space<hbm>> -> memref<10240x128xf32, #tpu.memory_space<hbm>>
        tpu.enqueue_indirect_dma source(%dma_start3A_246 : memref<10240x128xf32, #tpu.memory_space<hbm>>) target(%arg12 : memref<128x128xf32, #tpu.memory_space<vmem>>) offsets(%dma_start3A_243 : memref<128xi32, #tpu.memory_space<vmem>>) semaphore(%arg16 : memref<!tpu.dma_semaphore, #tpu.memory_space<semaphore_mem>>)
      }
      %scan3A_147 = arith.constant 19 : i32
      %dma_wait3A_148 = arith.constant 38 : i32
      %dma_wait3A_149 = arith.constant 0 : i32
      %dma_wait3A_150 = tpu.memref_slice %arg9[%dma_wait3A_148, %dma_wait3A_149] : memref<40x128xi32, #tpu.memory_space<vmem>> -> memref<1x128xi32, #tpu.memory_space<vmem>>
      %dma_wait3A_151 = tpu.memref_squeeze %dma_wait3A_150 : memref<1x128xi32, #tpu.memory_space<vmem>> -> memref<128xi32, #tpu.memory_space<vmem>>
      %dma_wait3A_152 = arith.constant 0 : i32
      %dma_wait3A_153 = arith.constant 0 : i32
      %dma_wait3A_154 = tpu.memref_slice %arg2[%dma_wait3A_152, %dma_wait3A_153] : memref<10240x128xf32, #tpu.memory_space<hbm>> -> memref<10240x128xf32, #tpu.memory_space<hbm>>
      tpu.wait_indirect_dma semaphore(%arg15 : memref<!tpu.dma_semaphore, #tpu.memory_space<semaphore_mem>>) src(%dma_wait3A_154 : memref<10240x128xf32, #tpu.memory_space<hbm>>) dst(%arg11 : memref<128x128xf32, #tpu.memory_space<vmem>>)
      %dma_start3A_155 = arith.constant 38 : i32
      %dma_start3A_156 = arith.constant 0 : i32
      %dma_start3A_157 = tpu.memref_slice %arg10[%dma_start3A_155, %dma_start3A_156] : memref<40x128xi32, #tpu.memory_space<vmem>> -> memref<1x128xi32, #tpu.memory_space<vmem>>
      %dma_start3A_158 = tpu.memref_squeeze %dma_start3A_157 : memref<1x128xi32, #tpu.memory_space<vmem>> -> memref<128xi32, #tpu.memory_space<vmem>>
      %dma_start3A_159 = arith.constant 0 : i32
      %dma_start3A_160 = arith.constant 0 : i32
      %dma_start3A_161 = tpu.memref_slice %arg8[%dma_start3A_159, %dma_start3A_160] : memref<10240x128xf32, #tpu.memory_space<vmem_shared>> -> memref<10240x128xf32, #tpu.memory_space<vmem_shared>>
      tpu.enqueue_indirect_dma source(%arg11 : memref<128x128xf32, #tpu.memory_space<vmem>>) target(%dma_start3A_161 : memref<10240x128xf32, #tpu.memory_space<vmem_shared>>) offsets(%dma_start3A_158 : memref<128xi32, #tpu.memory_space<vmem>>) semaphore(%arg17 : memref<!tpu.dma_semaphore, #tpu.memory_space<semaphore_mem>>) {add = true}
      %dma_wait3A_162 = arith.constant 39 : i32
      %dma_wait3A_163 = arith.constant 0 : i32
      %dma_wait3A_164 = tpu.memref_slice %arg9[%dma_wait3A_162, %dma_wait3A_163] : memref<40x128xi32, #tpu.memory_space<vmem>> -> memref<1x128xi32, #tpu.memory_space<vmem>>
      %dma_wait3A_165 = tpu.memref_squeeze %dma_wait3A_164 : memref<1x128xi32, #tpu.memory_space<vmem>> -> memref<128xi32, #tpu.memory_space<vmem>>
      %dma_wait3A_166 = arith.constant 0 : i32
      %dma_wait3A_167 = arith.constant 0 : i32
      %dma_wait3A_168 = tpu.memref_slice %arg2[%dma_wait3A_166, %dma_wait3A_167] : memref<10240x128xf32, #tpu.memory_space<hbm>> -> memref<10240x128xf32, #tpu.memory_space<hbm>>
      tpu.wait_indirect_dma semaphore(%arg16 : memref<!tpu.dma_semaphore, #tpu.memory_space<semaphore_mem>>) src(%dma_wait3A_168 : memref<10240x128xf32, #tpu.memory_space<hbm>>) dst(%arg12 : memref<128x128xf32, #tpu.memory_space<vmem>>)
      %dma_start3A_169 = arith.constant 39 : i32
      %dma_start3A_170 = arith.constant 0 : i32
      %dma_start3A_171 = tpu.memref_slice %arg10[%dma_start3A_169, %dma_start3A_170] : memref<40x128xi32, #tpu.memory_space<vmem>> -> memref<1x128xi32, #tpu.memory_space<vmem>>
      %dma_start3A_172 = tpu.memref_squeeze %dma_start3A_171 : memref<1x128xi32, #tpu.memory_space<vmem>> -> memref<128xi32, #tpu.memory_space<vmem>>
      %dma_start3A_173 = arith.constant 0 : i32
      %dma_start3A_174 = arith.constant 0 : i32
      %dma_start3A_175 = tpu.memref_slice %arg8[%dma_start3A_173, %dma_start3A_174] : memref<10240x128xf32, #tpu.memory_space<vmem_shared>> -> memref<10240x128xf32, #tpu.memory_space<vmem_shared>>
      tpu.enqueue_indirect_dma source(%arg12 : memref<128x128xf32, #tpu.memory_space<vmem>>) target(%dma_start3A_175 : memref<10240x128xf32, #tpu.memory_space<vmem_shared>>) offsets(%dma_start3A_172 : memref<128xi32, #tpu.memory_space<vmem>>) semaphore(%arg18 : memref<!tpu.dma_semaphore, #tpu.memory_space<semaphore_mem>>) {add = true}
      %dma_wait3A_176 = arith.constant 38 : i32
      %dma_wait3A_177 = arith.constant 0 : i32
      %dma_wait3A_178 = tpu.memref_slice %arg10[%dma_wait3A_176, %dma_wait3A_177] : memref<40x128xi32, #tpu.memory_space<vmem>> -> memref<1x128xi32, #tpu.memory_space<vmem>>
      %dma_wait3A_179 = tpu.memref_squeeze %dma_wait3A_178 : memref<1x128xi32, #tpu.memory_space<vmem>> -> memref<128xi32, #tpu.memory_space<vmem>>
      %dma_wait3A_180 = arith.constant 0 : i32
      %dma_wait3A_181 = arith.constant 0 : i32
      %dma_wait3A_182 = tpu.memref_slice %arg8[%dma_wait3A_180, %dma_wait3A_181] : memref<10240x128xf32, #tpu.memory_space<vmem_shared>> -> memref<10240x128xf32, #tpu.memory_space<vmem_shared>>
      tpu.wait_indirect_dma semaphore(%arg17 : memref<!tpu.dma_semaphore, #tpu.memory_space<semaphore_mem>>) src(%arg11 : memref<128x128xf32, #tpu.memory_space<vmem>>) dst(%dma_wait3A_182 : memref<10240x128xf32, #tpu.memory_space<vmem_shared>>)
      %dma_wait3A_183 = arith.constant 39 : i32
      %dma_wait3A_184 = arith.constant 0 : i32
      %dma_wait3A_185 = tpu.memref_slice %arg10[%dma_wait3A_183, %dma_wait3A_184] : memref<40x128xi32, #tpu.memory_space<vmem>> -> memref<1x128xi32, #tpu.memory_space<vmem>>
      %dma_wait3A_186 = tpu.memref_squeeze %dma_wait3A_185 : memref<1x128xi32, #tpu.memory_space<vmem>> -> memref<128xi32, #tpu.memory_space<vmem>>
      %dma_wait3A_187 = arith.constant 0 : i32
      %dma_wait3A_188 = arith.constant 0 : i32
      %dma_wait3A_189 = tpu.memref_slice %arg8[%dma_wait3A_187, %dma_wait3A_188] : memref<10240x128xf32, #tpu.memory_space<vmem_shared>> -> memref<10240x128xf32, #tpu.memory_space<vmem_shared>>
      tpu.wait_indirect_dma semaphore(%arg18 : memref<!tpu.dma_semaphore, #tpu.memory_space<semaphore_mem>>) src(%arg12 : memref<128x128xf32, #tpu.memory_space<vmem>>) dst(%dma_wait3A_189 : memref<10240x128xf32, #tpu.memory_space<vmem_shared>>)
    } else {
    }
    %barrier3A_9 = arith.constant 0 : index
    tpu.barrier barrier_id(%barrier3A_9)
    %eq3A_10 = arith.constant 0 : i32
    %eq3A_11 = arith.cmpi eq, %arg0, %eq3A_10 : i32
    %convert_element_type3A_12 = arith.extui %eq3A_11 : i1 to i32
    %cond3A_13 = arith.constant 0 : i32
    %cond3A_14 = arith.cmpi ne, %convert_element_type3A_12, %cond3A_13 : i32
    scf.if %cond3A_14 {
      "tpu.region"() ({
        %run_scoped3A = tpu.sem_alloc : memref<!tpu.dma_semaphore, #tpu.memory_space<semaphore_mem>>
        %dma_start3A_20 = arith.constant 0 : i32
        %dma_start3A_21 = tpu.memref_slice %arg6[%mul3A_0, %dma_start3A_20] : memref<10240x128xf32, #tpu.memory_space<hbm>> -> memref<640x128xf32, #tpu.memory_space<hbm>>
        %dma_start3A_22 = arith.constant 0 : i32
        %dma_start3A_23 = tpu.memref_slice %arg8[%mul3A_0, %dma_start3A_22] : memref<10240x128xf32, #tpu.memory_space<vmem_shared>> -> memref<640x128xf32, #tpu.memory_space<vmem_shared>>
        tpu.enqueue_dma source(%dma_start3A_23 : memref<640x128xf32, #tpu.memory_space<vmem_shared>>) target(%dma_start3A_21 : memref<640x128xf32, #tpu.memory_space<hbm>>) target_semaphore(%run_scoped3A : memref<!tpu.dma_semaphore, #tpu.memory_space<semaphore_mem>>)
        %dma_wait3A_24 = arith.constant 0 : i32
        %dma_wait3A_25 = tpu.memref_slice %arg6[%mul3A_0, %dma_wait3A_24] : memref<10240x128xf32, #tpu.memory_space<hbm>> -> memref<640x128xf32, #tpu.memory_space<hbm>>
        %dma_wait3A_26 = arith.constant 0 : i32
        %dma_wait3A_27 = tpu.memref_slice %arg8[%mul3A_0, %dma_wait3A_26] : memref<10240x128xf32, #tpu.memory_space<vmem_shared>> -> memref<640x128xf32, #tpu.memory_space<vmem_shared>>
        tpu.wait_dma2 semaphore(%run_scoped3A : memref<!tpu.dma_semaphore, #tpu.memory_space<semaphore_mem>>) src(%dma_wait3A_27 : memref<640x128xf32, #tpu.memory_space<vmem_shared>>) dst(%dma_wait3A_25 : memref<640x128xf32, #tpu.memory_space<hbm>>)
        tpu.yield
      }) : () -> ()
    } else {
    }
    %eq3A_15 = arith.constant 1 : i32
    %eq3A_16 = arith.cmpi eq, %arg0, %eq3A_15 : i32
    %convert_element_type3A_17 = arith.extui %eq3A_16 : i1 to i32
    %cond3A_18 = arith.constant 0 : i32
    %cond3A_19 = arith.cmpi ne, %convert_element_type3A_17, %cond3A_18 : i32
    scf.if %cond3A_19 {
      "tpu.region"() ({
        %run_scoped3A = tpu.sem_alloc : memref<!tpu.dma_semaphore, #tpu.memory_space<semaphore_mem>>
        %dma_start3A_20 = arith.constant 0 : i32
        %dma_start3A_21 = tpu.memref_slice %arg7[%mul3A_0, %dma_start3A_20] : memref<10240x128xf32, #tpu.memory_space<hbm>> -> memref<640x128xf32, #tpu.memory_space<hbm>>
        %dma_start3A_22 = arith.constant 0 : i32
        %dma_start3A_23 = tpu.memref_slice %arg8[%mul3A_0, %dma_start3A_22] : memref<10240x128xf32, #tpu.memory_space<vmem_shared>> -> memref<640x128xf32, #tpu.memory_space<vmem_shared>>
        tpu.enqueue_dma source(%dma_start3A_23 : memref<640x128xf32, #tpu.memory_space<vmem_shared>>) target(%dma_start3A_21 : memref<640x128xf32, #tpu.memory_space<hbm>>) target_semaphore(%run_scoped3A : memref<!tpu.dma_semaphore, #tpu.memory_space<semaphore_mem>>)
        %dma_wait3A_24 = arith.constant 0 : i32
        %dma_wait3A_25 = tpu.memref_slice %arg7[%mul3A_0, %dma_wait3A_24] : memref<10240x128xf32, #tpu.memory_space<hbm>> -> memref<640x128xf32, #tpu.memory_space<hbm>>
        %dma_wait3A_26 = arith.constant 0 : i32
        %dma_wait3A_27 = tpu.memref_slice %arg8[%mul3A_0, %dma_wait3A_26] : memref<10240x128xf32, #tpu.memory_space<vmem_shared>> -> memref<640x128xf32, #tpu.memory_space<vmem_shared>>
        tpu.wait_dma2 semaphore(%run_scoped3A : memref<!tpu.dma_semaphore, #tpu.memory_space<semaphore_mem>>) src(%dma_wait3A_27 : memref<640x128xf32, #tpu.memory_space<vmem_shared>>) dst(%dma_wait3A_25 : memref<640x128xf32, #tpu.memory_space<hbm>>)
        tpu.yield
      }) : () -> ()
    } else {
    }
    return
  }
}

#map = affine_map<(d0, d1) -> (0, 0)>
module attributes {stable_mosaic.version = 14 : i64} {
  func.func @_sc_agg_body(%arg0: i32, %arg1: i32, %arg2: memref<10240x128xf32, #tpu.memory_space<hbm>>, %arg3: memref<2560x128xi32, #tpu.memory_space<hbm>>, %arg4: memref<2560x128xi32, #tpu.memory_space<hbm>>, %arg5: memref<640x128xf32, #tpu.memory_space<hbm>>, %arg6: memref<10240x128xf32, #tpu.memory_space<hbm>>, %arg7: memref<10240x128xf32, #tpu.memory_space<hbm>>, %arg8: memref<10240x128xf32, #tpu.memory_space<vmem_shared>>, %arg9: memref<40x128xi32, #tpu.memory_space<vmem>>, %arg10: memref<40x128xi32, #tpu.memory_space<vmem>>, %arg11: memref<128x128xf32, #tpu.memory_space<vmem>>, %arg12: memref<128x128xf32, #tpu.memory_space<vmem>>, %arg13: memref<!tpu.dma_semaphore, #tpu.memory_space<semaphore_mem>>, %arg14: memref<!tpu.dma_semaphore, #tpu.memory_space<semaphore_mem>>, %arg15: memref<!tpu.dma_semaphore, #tpu.memory_space<semaphore_mem>>, %arg16: memref<!tpu.dma_semaphore, #tpu.memory_space<semaphore_mem>>, %arg17: memref<!tpu.dma_semaphore, #tpu.memory_space<semaphore_mem>>, %arg18: memref<!tpu.dma_semaphore, #tpu.memory_space<semaphore_mem>>) attributes {dimension_semantics = [#tpu.dimension_semantics<core_parallel>, #tpu.dimension_semantics<subcore_parallel>], iteration_bounds = array<i64: 2, 16>, scalar_prefetch = 0 : i64, scratch_operands = 11 : i64, tpu.core_type = #tpu.core_type<sc_vector_subcore>, window_params = [{transform_indices = #map}, {transform_indices = #map}, {transform_indices = #map}, {transform_indices = #map}, {transform_indices = #map}, {transform_indices = #map}]} {
    %mul3A = arith.constant 640 : i32
    %mul3A_0 = arith.muli %arg1, %mul3A : i32
    %dma_start3A = arith.constant 0 : i32
    %dma_start3A_1 = tpu.memref_slice %arg8[%mul3A_0, %dma_start3A] : memref<10240x128xf32, #tpu.memory_space<vmem_shared>> -> memref<640x128xf32, #tpu.memory_space<vmem_shared>>
    tpu.enqueue_dma source(%arg5 : memref<640x128xf32, #tpu.memory_space<hbm>>) target(%dma_start3A_1 : memref<640x128xf32, #tpu.memory_space<vmem_shared>>) target_semaphore(%arg13 : memref<!tpu.dma_semaphore, #tpu.memory_space<semaphore_mem>>)
    %dma_wait3A = arith.constant 0 : i32
    %dma_wait3A_2 = tpu.memref_slice %arg8[%mul3A_0, %dma_wait3A] : memref<10240x128xf32, #tpu.memory_space<vmem_shared>> -> memref<640x128xf32, #tpu.memory_space<vmem_shared>>
    tpu.wait_dma2 semaphore(%arg13 : memref<!tpu.dma_semaphore, #tpu.memory_space<semaphore_mem>>) src(%arg5 : memref<640x128xf32, #tpu.memory_space<hbm>>) dst(%dma_wait3A_2 : memref<640x128xf32, #tpu.memory_space<vmem_shared>>)
    %barrier3A = arith.constant 0 : index
    tpu.barrier barrier_id(%barrier3A)
    %eq3A = arith.constant 1 : i32
    %eq3A_3 = arith.cmpi eq, %arg0, %eq3A : i32
    %convert_element_type3A = arith.extui %eq3A_3 : i1 to i32
    %cond3A = arith.constant 0 : i32
    %cond3A_4 = arith.cmpi ne, %convert_element_type3A, %cond3A : i32
    scf.if %cond3A_4 {
      %mul3A_20 = arith.constant 2 : i32
      %mul3A_21 = arith.muli %arg1, %mul3A_20 : i32
      %add3A = arith.constant 0 : i32
      %add3A_22 = arith.addi %mul3A_21, %add3A : i32
      %mul3A_23 = arith.constant 40 : i32
      %mul3A_24 = arith.muli %add3A_22, %mul3A_23 : i32
      %dma_start3A_25 = arith.constant 0 : i32
      %dma_start3A_26 = tpu.memref_slice %arg3[%mul3A_24, %dma_start3A_25] : memref<2560x128xi32, #tpu.memory_space<hbm>> -> memref<40x128xi32, #tpu.memory_space<hbm>>
      %dma_start3A_27 = arith.constant 0 : i32
      %dma_start3A_28 = tpu.memref_slice %arg3[%mul3A_24, %dma_start3A_27] : memref<2560x128xi32, #tpu.memory_space<hbm>> -> memref<40x128xi32, #tpu.memory_space<hbm>>
      tpu.enqueue_dma source(%dma_start3A_28 : memref<40x128xi32, #tpu.memory_space<hbm>>) target(%arg9 : memref<40x128xi32, #tpu.memory_space<vmem>>) target_semaphore(%arg14 : memref<!tpu.dma_semaphore, #tpu.memory_space<semaphore_mem>>)
      %dma_start3A_29 = arith.constant 0 : i32
      %dma_start3A_30 = tpu.memref_slice %arg4[%mul3A_24, %dma_start3A_29] : memref<2560x128xi32, #tpu.memory_space<hbm>> -> memref<40x128xi32, #tpu.memory_space<hbm>>
      %dma_start3A_31 = arith.constant 0 : i32
      %dma_start3A_32 = tpu.memref_slice %arg4[%mul3A_24, %dma_start3A_31] : memref<2560x128xi32, #tpu.memory_space<hbm>> -> memref<40x128xi32, #tpu.memory_space<hbm>>
      tpu.enqueue_dma source(%dma_start3A_32 : memref<40x128xi32, #tpu.memory_space<hbm>>) target(%arg10 : memref<40x128xi32, #tpu.memory_space<vmem>>) target_semaphore(%arg14 : memref<!tpu.dma_semaphore, #tpu.memory_space<semaphore_mem>>)
      %dma_wait3A_33 = arith.constant 0 : i32
      %dma_wait3A_34 = tpu.memref_slice %arg3[%mul3A_24, %dma_wait3A_33] : memref<2560x128xi32, #tpu.memory_space<hbm>> -> memref<40x128xi32, #tpu.memory_space<hbm>>
      %dma_wait3A_35 = arith.constant 0 : i32
      %dma_wait3A_36 = tpu.memref_slice %arg3[%mul3A_24, %dma_wait3A_35] : memref<2560x128xi32, #tpu.memory_space<hbm>> -> memref<40x128xi32, #tpu.memory_space<hbm>>
      tpu.wait_dma2 semaphore(%arg14 : memref<!tpu.dma_semaphore, #tpu.memory_space<semaphore_mem>>) src(%dma_wait3A_36 : memref<40x128xi32, #tpu.memory_space<hbm>>) dst(%arg9 : memref<40x128xi32, #tpu.memory_space<vmem>>)
      %dma_wait3A_37 = arith.constant 0 : i32
      %dma_wait3A_38 = tpu.memref_slice %arg4[%mul3A_24, %dma_wait3A_37] : memref<2560x128xi32, #tpu.memory_space<hbm>> -> memref<40x128xi32, #tpu.memory_space<hbm>>
      %dma_wait3A_39 = arith.constant 0 : i32
      %dma_wait3A_40 = tpu.memref_slice %arg4[%mul3A_24, %dma_wait3A_39] : memref<2560x128xi32, #tpu.memory_space<hbm>> -> memref<40x128xi32, #tpu.memory_space<hbm>>
      tpu.wait_dma2 semaphore(%arg14 : memref<!tpu.dma_semaphore, #tpu.memory_space<semaphore_mem>>) src(%dma_wait3A_40 : memref<40x128xi32, #tpu.memory_space<hbm>>) dst(%arg10 : memref<40x128xi32, #tpu.memory_space<vmem>>)
      %dma_start3A_41 = arith.constant 0 : i32
      %dma_start3A_42 = arith.constant 0 : i32
      %dma_start3A_43 = tpu.memref_slice %arg9[%dma_start3A_41, %dma_start3A_42] : memref<40x128xi32, #tpu.memory_space<vmem>> -> memref<1x128xi32, #tpu.memory_space<vmem>>
      %dma_start3A_44 = tpu.memref_squeeze %dma_start3A_43 : memref<1x128xi32, #tpu.memory_space<vmem>> -> memref<128xi32, #tpu.memory_space<vmem>>
      %dma_start3A_45 = arith.constant 0 : i32
      %dma_start3A_46 = arith.constant 0 : i32
      %dma_start3A_47 = tpu.memref_slice %arg2[%dma_start3A_45, %dma_start3A_46] : memref<10240x128xf32, #tpu.memory_space<hbm>> -> memref<10240x128xf32, #tpu.memory_space<hbm>>
      tpu.enqueue_indirect_dma source(%dma_start3A_47 : memref<10240x128xf32, #tpu.memory_space<hbm>>) target(%arg11 : memref<128x128xf32, #tpu.memory_space<vmem>>) offsets(%dma_start3A_44 : memref<128xi32, #tpu.memory_space<vmem>>) semaphore(%arg15 : memref<!tpu.dma_semaphore, #tpu.memory_space<semaphore_mem>>)
      %dma_start3A_48 = arith.constant 1 : i32
      %dma_start3A_49 = arith.constant 0 : i32
      %dma_start3A_50 = tpu.memref_slice %arg9[%dma_start3A_48, %dma_start3A_49] : memref<40x128xi32, #tpu.memory_space<vmem>> -> memref<1x128xi32, #tpu.memory_space<vmem>>
      %dma_start3A_51 = tpu.memref_squeeze %dma_start3A_50 : memref<1x128xi32, #tpu.memory_space<vmem>> -> memref<128xi32, #tpu.memory_space<vmem>>
      %dma_start3A_52 = arith.constant 0 : i32
      %dma_start3A_53 = arith.constant 0 : i32
      %dma_start3A_54 = tpu.memref_slice %arg2[%dma_start3A_52, %dma_start3A_53] : memref<10240x128xf32, #tpu.memory_space<hbm>> -> memref<10240x128xf32, #tpu.memory_space<hbm>>
      tpu.enqueue_indirect_dma source(%dma_start3A_54 : memref<10240x128xf32, #tpu.memory_space<hbm>>) target(%arg12 : memref<128x128xf32, #tpu.memory_space<vmem>>) offsets(%dma_start3A_51 : memref<128xi32, #tpu.memory_space<vmem>>) semaphore(%arg16 : memref<!tpu.dma_semaphore, #tpu.memory_space<semaphore_mem>>)
      %scan3A = arith.constant 0 : i32
      %scan3A_55 = arith.constant 0 : i32
      %scan3A_56 = arith.constant 19 : i32
      %scan3A_57 = arith.addi %scan3A_55, %scan3A_56 : i32
      %scan3A_58 = arith.constant 1 : i32
      scf.for %scan3A_186 = %scan3A_55 to %scan3A_57 step %scan3A_58  : i32 {
        %mul3A_187 = arith.constant 2 : i32
        %mul3A_188 = arith.muli %mul3A_187, %scan3A_186 : i32
        %add3A_189 = arith.constant 1 : i32
        %add3A_190 = arith.addi %mul3A_188, %add3A_189 : i32
        %dma_wait3A_191 = arith.constant 0 : i32
        %dma_wait3A_192 = tpu.memref_slice %arg9[%mul3A_188, %dma_wait3A_191] : memref<40x128xi32, #tpu.memory_space<vmem>> -> memref<1x128xi32, #tpu.memory_space<vmem>>
        %dma_wait3A_193 = tpu.memref_squeeze %dma_wait3A_192 : memref<1x128xi32, #tpu.memory_space<vmem>> -> memref<128xi32, #tpu.memory_space<vmem>>
        %dma_wait3A_194 = arith.constant 0 : i32
        %dma_wait3A_195 = arith.constant 0 : i32
        %dma_wait3A_196 = tpu.memref_slice %arg2[%dma_wait3A_194, %dma_wait3A_195] : memref<10240x128xf32, #tpu.memory_space<hbm>> -> memref<10240x128xf32, #tpu.memory_space<hbm>>
        tpu.wait_indirect_dma semaphore(%arg15 : memref<!tpu.dma_semaphore, #tpu.memory_space<semaphore_mem>>) src(%dma_wait3A_196 : memref<10240x128xf32, #tpu.memory_space<hbm>>) dst(%arg11 : memref<128x128xf32, #tpu.memory_space<vmem>>)
        %dma_start3A_197 = arith.constant 0 : i32
        %dma_start3A_198 = tpu.memref_slice %arg10[%mul3A_188, %dma_start3A_197] : memref<40x128xi32, #tpu.memory_space<vmem>> -> memref<1x128xi32, #tpu.memory_space<vmem>>
        %dma_start3A_199 = tpu.memref_squeeze %dma_start3A_198 : memref<1x128xi32, #tpu.memory_space<vmem>> -> memref<128xi32, #tpu.memory_space<vmem>>
        %dma_start3A_200 = arith.constant 0 : i32
        %dma_start3A_201 = arith.constant 0 : i32
        %dma_start3A_202 = tpu.memref_slice %arg8[%dma_start3A_200, %dma_start3A_201] : memref<10240x128xf32, #tpu.memory_space<vmem_shared>> -> memref<10240x128xf32, #tpu.memory_space<vmem_shared>>
        tpu.enqueue_indirect_dma source(%arg11 : memref<128x128xf32, #tpu.memory_space<vmem>>) target(%dma_start3A_202 : memref<10240x128xf32, #tpu.memory_space<vmem_shared>>) offsets(%dma_start3A_199 : memref<128xi32, #tpu.memory_space<vmem>>) semaphore(%arg17 : memref<!tpu.dma_semaphore, #tpu.memory_space<semaphore_mem>>) {add = true}
        %dma_wait3A_203 = arith.constant 0 : i32
        %dma_wait3A_204 = tpu.memref_slice %arg9[%add3A_190, %dma_wait3A_203] : memref<40x128xi32, #tpu.memory_space<vmem>> -> memref<1x128xi32, #tpu.memory_space<vmem>>
        %dma_wait3A_205 = tpu.memref_squeeze %dma_wait3A_204 : memref<1x128xi32, #tpu.memory_space<vmem>> -> memref<128xi32, #tpu.memory_space<vmem>>
        %dma_wait3A_206 = arith.constant 0 : i32
        %dma_wait3A_207 = arith.constant 0 : i32
        %dma_wait3A_208 = tpu.memref_slice %arg2[%dma_wait3A_206, %dma_wait3A_207] : memref<10240x128xf32, #tpu.memory_space<hbm>> -> memref<10240x128xf32, #tpu.memory_space<hbm>>
        tpu.wait_indirect_dma semaphore(%arg16 : memref<!tpu.dma_semaphore, #tpu.memory_space<semaphore_mem>>) src(%dma_wait3A_208 : memref<10240x128xf32, #tpu.memory_space<hbm>>) dst(%arg12 : memref<128x128xf32, #tpu.memory_space<vmem>>)
        %dma_start3A_209 = arith.constant 0 : i32
        %dma_start3A_210 = tpu.memref_slice %arg10[%add3A_190, %dma_start3A_209] : memref<40x128xi32, #tpu.memory_space<vmem>> -> memref<1x128xi32, #tpu.memory_space<vmem>>
        %dma_start3A_211 = tpu.memref_squeeze %dma_start3A_210 : memref<1x128xi32, #tpu.memory_space<vmem>> -> memref<128xi32, #tpu.memory_space<vmem>>
        %dma_start3A_212 = arith.constant 0 : i32
        %dma_start3A_213 = arith.constant 0 : i32
        %dma_start3A_214 = tpu.memref_slice %arg8[%dma_start3A_212, %dma_start3A_213] : memref<10240x128xf32, #tpu.memory_space<vmem_shared>> -> memref<10240x128xf32, #tpu.memory_space<vmem_shared>>
        tpu.enqueue_indirect_dma source(%arg12 : memref<128x128xf32, #tpu.memory_space<vmem>>) target(%dma_start3A_214 : memref<10240x128xf32, #tpu.memory_space<vmem_shared>>) offsets(%dma_start3A_211 : memref<128xi32, #tpu.memory_space<vmem>>) semaphore(%arg18 : memref<!tpu.dma_semaphore, #tpu.memory_space<semaphore_mem>>) {add = true}
        %dma_wait3A_215 = arith.constant 0 : i32
        %dma_wait3A_216 = tpu.memref_slice %arg10[%mul3A_188, %dma_wait3A_215] : memref<40x128xi32, #tpu.memory_space<vmem>> -> memref<1x128xi32, #tpu.memory_space<vmem>>
        %dma_wait3A_217 = tpu.memref_squeeze %dma_wait3A_216 : memref<1x128xi32, #tpu.memory_space<vmem>> -> memref<128xi32, #tpu.memory_space<vmem>>
        %dma_wait3A_218 = arith.constant 0 : i32
        %dma_wait3A_219 = arith.constant 0 : i32
        %dma_wait3A_220 = tpu.memref_slice %arg8[%dma_wait3A_218, %dma_wait3A_219] : memref<10240x128xf32, #tpu.memory_space<vmem_shared>> -> memref<10240x128xf32, #tpu.memory_space<vmem_shared>>
        tpu.wait_indirect_dma semaphore(%arg17 : memref<!tpu.dma_semaphore, #tpu.memory_space<semaphore_mem>>) src(%arg11 : memref<128x128xf32, #tpu.memory_space<vmem>>) dst(%dma_wait3A_220 : memref<10240x128xf32, #tpu.memory_space<vmem_shared>>)
        %add3A_221 = arith.constant 2 : i32
        %add3A_222 = arith.addi %mul3A_188, %add3A_221 : i32
        %dma_start3A_223 = arith.constant 0 : i32
        %dma_start3A_224 = tpu.memref_slice %arg9[%add3A_222, %dma_start3A_223] : memref<40x128xi32, #tpu.memory_space<vmem>> -> memref<1x128xi32, #tpu.memory_space<vmem>>
        %dma_start3A_225 = tpu.memref_squeeze %dma_start3A_224 : memref<1x128xi32, #tpu.memory_space<vmem>> -> memref<128xi32, #tpu.memory_space<vmem>>
        %dma_start3A_226 = arith.constant 0 : i32
        %dma_start3A_227 = arith.constant 0 : i32
        %dma_start3A_228 = tpu.memref_slice %arg2[%dma_start3A_226, %dma_start3A_227] : memref<10240x128xf32, #tpu.memory_space<hbm>> -> memref<10240x128xf32, #tpu.memory_space<hbm>>
        tpu.enqueue_indirect_dma source(%dma_start3A_228 : memref<10240x128xf32, #tpu.memory_space<hbm>>) target(%arg11 : memref<128x128xf32, #tpu.memory_space<vmem>>) offsets(%dma_start3A_225 : memref<128xi32, #tpu.memory_space<vmem>>) semaphore(%arg15 : memref<!tpu.dma_semaphore, #tpu.memory_space<semaphore_mem>>)
        %dma_wait3A_229 = arith.constant 0 : i32
        %dma_wait3A_230 = tpu.memref_slice %arg10[%add3A_190, %dma_wait3A_229] : memref<40x128xi32, #tpu.memory_space<vmem>> -> memref<1x128xi32, #tpu.memory_space<vmem>>
        %dma_wait3A_231 = tpu.memref_squeeze %dma_wait3A_230 : memref<1x128xi32, #tpu.memory_space<vmem>> -> memref<128xi32, #tpu.memory_space<vmem>>
        %dma_wait3A_232 = arith.constant 0 : i32
        %dma_wait3A_233 = arith.constant 0 : i32
        %dma_wait3A_234 = tpu.memref_slice %arg8[%dma_wait3A_232, %dma_wait3A_233] : memref<10240x128xf32, #tpu.memory_space<vmem_shared>> -> memref<10240x128xf32, #tpu.memory_space<vmem_shared>>
        tpu.wait_indirect_dma semaphore(%arg18 : memref<!tpu.dma_semaphore, #tpu.memory_space<semaphore_mem>>) src(%arg12 : memref<128x128xf32, #tpu.memory_space<vmem>>) dst(%dma_wait3A_234 : memref<10240x128xf32, #tpu.memory_space<vmem_shared>>)
        %add3A_235 = arith.constant 2 : i32
        %add3A_236 = arith.addi %add3A_190, %add3A_235 : i32
        %dma_start3A_237 = arith.constant 0 : i32
        %dma_start3A_238 = tpu.memref_slice %arg9[%add3A_236, %dma_start3A_237] : memref<40x128xi32, #tpu.memory_space<vmem>> -> memref<1x128xi32, #tpu.memory_space<vmem>>
        %dma_start3A_239 = tpu.memref_squeeze %dma_start3A_238 : memref<1x128xi32, #tpu.memory_space<vmem>> -> memref<128xi32, #tpu.memory_space<vmem>>
        %dma_start3A_240 = arith.constant 0 : i32
        %dma_start3A_241 = arith.constant 0 : i32
        %dma_start3A_242 = tpu.memref_slice %arg2[%dma_start3A_240, %dma_start3A_241] : memref<10240x128xf32, #tpu.memory_space<hbm>> -> memref<10240x128xf32, #tpu.memory_space<hbm>>
        tpu.enqueue_indirect_dma source(%dma_start3A_242 : memref<10240x128xf32, #tpu.memory_space<hbm>>) target(%arg12 : memref<128x128xf32, #tpu.memory_space<vmem>>) offsets(%dma_start3A_239 : memref<128xi32, #tpu.memory_space<vmem>>) semaphore(%arg16 : memref<!tpu.dma_semaphore, #tpu.memory_space<semaphore_mem>>)
      }
      %scan3A_59 = arith.constant 19 : i32
      %dma_wait3A_60 = arith.constant 38 : i32
      %dma_wait3A_61 = arith.constant 0 : i32
      %dma_wait3A_62 = tpu.memref_slice %arg9[%dma_wait3A_60, %dma_wait3A_61] : memref<40x128xi32, #tpu.memory_space<vmem>> -> memref<1x128xi32, #tpu.memory_space<vmem>>
      %dma_wait3A_63 = tpu.memref_squeeze %dma_wait3A_62 : memref<1x128xi32, #tpu.memory_space<vmem>> -> memref<128xi32, #tpu.memory_space<vmem>>
      %dma_wait3A_64 = arith.constant 0 : i32
      %dma_wait3A_65 = arith.constant 0 : i32
      %dma_wait3A_66 = tpu.memref_slice %arg2[%dma_wait3A_64, %dma_wait3A_65] : memref<10240x128xf32, #tpu.memory_space<hbm>> -> memref<10240x128xf32, #tpu.memory_space<hbm>>
      tpu.wait_indirect_dma semaphore(%arg15 : memref<!tpu.dma_semaphore, #tpu.memory_space<semaphore_mem>>) src(%dma_wait3A_66 : memref<10240x128xf32, #tpu.memory_space<hbm>>) dst(%arg11 : memref<128x128xf32, #tpu.memory_space<vmem>>)
      %dma_start3A_67 = arith.constant 38 : i32
      %dma_start3A_68 = arith.constant 0 : i32
      %dma_start3A_69 = tpu.memref_slice %arg10[%dma_start3A_67, %dma_start3A_68] : memref<40x128xi32, #tpu.memory_space<vmem>> -> memref<1x128xi32, #tpu.memory_space<vmem>>
      %dma_start3A_70 = tpu.memref_squeeze %dma_start3A_69 : memref<1x128xi32, #tpu.memory_space<vmem>> -> memref<128xi32, #tpu.memory_space<vmem>>
      %dma_start3A_71 = arith.constant 0 : i32
      %dma_start3A_72 = arith.constant 0 : i32
      %dma_start3A_73 = tpu.memref_slice %arg8[%dma_start3A_71, %dma_start3A_72] : memref<10240x128xf32, #tpu.memory_space<vmem_shared>> -> memref<10240x128xf32, #tpu.memory_space<vmem_shared>>
      tpu.enqueue_indirect_dma source(%arg11 : memref<128x128xf32, #tpu.memory_space<vmem>>) target(%dma_start3A_73 : memref<10240x128xf32, #tpu.memory_space<vmem_shared>>) offsets(%dma_start3A_70 : memref<128xi32, #tpu.memory_space<vmem>>) semaphore(%arg17 : memref<!tpu.dma_semaphore, #tpu.memory_space<semaphore_mem>>) {add = true}
      %dma_wait3A_74 = arith.constant 39 : i32
      %dma_wait3A_75 = arith.constant 0 : i32
      %dma_wait3A_76 = tpu.memref_slice %arg9[%dma_wait3A_74, %dma_wait3A_75] : memref<40x128xi32, #tpu.memory_space<vmem>> -> memref<1x128xi32, #tpu.memory_space<vmem>>
      %dma_wait3A_77 = tpu.memref_squeeze %dma_wait3A_76 : memref<1x128xi32, #tpu.memory_space<vmem>> -> memref<128xi32, #tpu.memory_space<vmem>>
      %dma_wait3A_78 = arith.constant 0 : i32
      %dma_wait3A_79 = arith.constant 0 : i32
      %dma_wait3A_80 = tpu.memref_slice %arg2[%dma_wait3A_78, %dma_wait3A_79] : memref<10240x128xf32, #tpu.memory_space<hbm>> -> memref<10240x128xf32, #tpu.memory_space<hbm>>
      tpu.wait_indirect_dma semaphore(%arg16 : memref<!tpu.dma_semaphore, #tpu.memory_space<semaphore_mem>>) src(%dma_wait3A_80 : memref<10240x128xf32, #tpu.memory_space<hbm>>) dst(%arg12 : memref<128x128xf32, #tpu.memory_space<vmem>>)
      %dma_start3A_81 = arith.constant 39 : i32
      %dma_start3A_82 = arith.constant 0 : i32
      %dma_start3A_83 = tpu.memref_slice %arg10[%dma_start3A_81, %dma_start3A_82] : memref<40x128xi32, #tpu.memory_space<vmem>> -> memref<1x128xi32, #tpu.memory_space<vmem>>
      %dma_start3A_84 = tpu.memref_squeeze %dma_start3A_83 : memref<1x128xi32, #tpu.memory_space<vmem>> -> memref<128xi32, #tpu.memory_space<vmem>>
      %dma_start3A_85 = arith.constant 0 : i32
      %dma_start3A_86 = arith.constant 0 : i32
      %dma_start3A_87 = tpu.memref_slice %arg8[%dma_start3A_85, %dma_start3A_86] : memref<10240x128xf32, #tpu.memory_space<vmem_shared>> -> memref<10240x128xf32, #tpu.memory_space<vmem_shared>>
      tpu.enqueue_indirect_dma source(%arg12 : memref<128x128xf32, #tpu.memory_space<vmem>>) target(%dma_start3A_87 : memref<10240x128xf32, #tpu.memory_space<vmem_shared>>) offsets(%dma_start3A_84 : memref<128xi32, #tpu.memory_space<vmem>>) semaphore(%arg18 : memref<!tpu.dma_semaphore, #tpu.memory_space<semaphore_mem>>) {add = true}
      %dma_wait3A_88 = arith.constant 38 : i32
      %dma_wait3A_89 = arith.constant 0 : i32
      %dma_wait3A_90 = tpu.memref_slice %arg10[%dma_wait3A_88, %dma_wait3A_89] : memref<40x128xi32, #tpu.memory_space<vmem>> -> memref<1x128xi32, #tpu.memory_space<vmem>>
      %dma_wait3A_91 = tpu.memref_squeeze %dma_wait3A_90 : memref<1x128xi32, #tpu.memory_space<vmem>> -> memref<128xi32, #tpu.memory_space<vmem>>
      %dma_wait3A_92 = arith.constant 0 : i32
      %dma_wait3A_93 = arith.constant 0 : i32
      %dma_wait3A_94 = tpu.memref_slice %arg8[%dma_wait3A_92, %dma_wait3A_93] : memref<10240x128xf32, #tpu.memory_space<vmem_shared>> -> memref<10240x128xf32, #tpu.memory_space<vmem_shared>>
      tpu.wait_indirect_dma semaphore(%arg17 : memref<!tpu.dma_semaphore, #tpu.memory_space<semaphore_mem>>) src(%arg11 : memref<128x128xf32, #tpu.memory_space<vmem>>) dst(%dma_wait3A_94 : memref<10240x128xf32, #tpu.memory_space<vmem_shared>>)
      %dma_wait3A_95 = arith.constant 39 : i32
      %dma_wait3A_96 = arith.constant 0 : i32
      %dma_wait3A_97 = tpu.memref_slice %arg10[%dma_wait3A_95, %dma_wait3A_96] : memref<40x128xi32, #tpu.memory_space<vmem>> -> memref<1x128xi32, #tpu.memory_space<vmem>>
      %dma_wait3A_98 = tpu.memref_squeeze %dma_wait3A_97 : memref<1x128xi32, #tpu.memory_space<vmem>> -> memref<128xi32, #tpu.memory_space<vmem>>
      %dma_wait3A_99 = arith.constant 0 : i32
      %dma_wait3A_100 = arith.constant 0 : i32
      %dma_wait3A_101 = tpu.memref_slice %arg8[%dma_wait3A_99, %dma_wait3A_100] : memref<10240x128xf32, #tpu.memory_space<vmem_shared>> -> memref<10240x128xf32, #tpu.memory_space<vmem_shared>>
      tpu.wait_indirect_dma semaphore(%arg18 : memref<!tpu.dma_semaphore, #tpu.memory_space<semaphore_mem>>) src(%arg12 : memref<128x128xf32, #tpu.memory_space<vmem>>) dst(%dma_wait3A_101 : memref<10240x128xf32, #tpu.memory_space<vmem_shared>>)
      %mul3A_102 = arith.constant 2 : i32
      %mul3A_103 = arith.muli %arg1, %mul3A_102 : i32
      %add3A_104 = arith.constant 1 : i32
      %add3A_105 = arith.addi %mul3A_103, %add3A_104 : i32
      %mul3A_106 = arith.constant 40 : i32
      %mul3A_107 = arith.muli %add3A_105, %mul3A_106 : i32
      %dma_start3A_108 = arith.constant 0 : i32
      %dma_start3A_109 = tpu.memref_slice %arg3[%mul3A_107, %dma_start3A_108] : memref<2560x128xi32, #tpu.memory_space<hbm>> -> memref<40x128xi32, #tpu.memory_space<hbm>>
      %dma_start3A_110 = arith.constant 0 : i32
      %dma_start3A_111 = tpu.memref_slice %arg3[%mul3A_107, %dma_start3A_110] : memref<2560x128xi32, #tpu.memory_space<hbm>> -> memref<40x128xi32, #tpu.memory_space<hbm>>
      tpu.enqueue_dma source(%dma_start3A_111 : memref<40x128xi32, #tpu.memory_space<hbm>>) target(%arg9 : memref<40x128xi32, #tpu.memory_space<vmem>>) target_semaphore(%arg14 : memref<!tpu.dma_semaphore, #tpu.memory_space<semaphore_mem>>)
      %dma_start3A_112 = arith.constant 0 : i32
      %dma_start3A_113 = tpu.memref_slice %arg4[%mul3A_107, %dma_start3A_112] : memref<2560x128xi32, #tpu.memory_space<hbm>> -> memref<40x128xi32, #tpu.memory_space<hbm>>
      %dma_start3A_114 = arith.constant 0 : i32
      %dma_start3A_115 = tpu.memref_slice %arg4[%mul3A_107, %dma_start3A_114] : memref<2560x128xi32, #tpu.memory_space<hbm>> -> memref<40x128xi32, #tpu.memory_space<hbm>>
      tpu.enqueue_dma source(%dma_start3A_115 : memref<40x128xi32, #tpu.memory_space<hbm>>) target(%arg10 : memref<40x128xi32, #tpu.memory_space<vmem>>) target_semaphore(%arg14 : memref<!tpu.dma_semaphore, #tpu.memory_space<semaphore_mem>>)
      %dma_wait3A_116 = arith.constant 0 : i32
      %dma_wait3A_117 = tpu.memref_slice %arg3[%mul3A_107, %dma_wait3A_116] : memref<2560x128xi32, #tpu.memory_space<hbm>> -> memref<40x128xi32, #tpu.memory_space<hbm>>
      %dma_wait3A_118 = arith.constant 0 : i32
      %dma_wait3A_119 = tpu.memref_slice %arg3[%mul3A_107, %dma_wait3A_118] : memref<2560x128xi32, #tpu.memory_space<hbm>> -> memref<40x128xi32, #tpu.memory_space<hbm>>
      tpu.wait_dma2 semaphore(%arg14 : memref<!tpu.dma_semaphore, #tpu.memory_space<semaphore_mem>>) src(%dma_wait3A_119 : memref<40x128xi32, #tpu.memory_space<hbm>>) dst(%arg9 : memref<40x128xi32, #tpu.memory_space<vmem>>)
      %dma_wait3A_120 = arith.constant 0 : i32
      %dma_wait3A_121 = tpu.memref_slice %arg4[%mul3A_107, %dma_wait3A_120] : memref<2560x128xi32, #tpu.memory_space<hbm>> -> memref<40x128xi32, #tpu.memory_space<hbm>>
      %dma_wait3A_122 = arith.constant 0 : i32
      %dma_wait3A_123 = tpu.memref_slice %arg4[%mul3A_107, %dma_wait3A_122] : memref<2560x128xi32, #tpu.memory_space<hbm>> -> memref<40x128xi32, #tpu.memory_space<hbm>>
      tpu.wait_dma2 semaphore(%arg14 : memref<!tpu.dma_semaphore, #tpu.memory_space<semaphore_mem>>) src(%dma_wait3A_123 : memref<40x128xi32, #tpu.memory_space<hbm>>) dst(%arg10 : memref<40x128xi32, #tpu.memory_space<vmem>>)
      %dma_start3A_124 = arith.constant 0 : i32
      %dma_start3A_125 = arith.constant 0 : i32
      %dma_start3A_126 = tpu.memref_slice %arg9[%dma_start3A_124, %dma_start3A_125] : memref<40x128xi32, #tpu.memory_space<vmem>> -> memref<1x128xi32, #tpu.memory_space<vmem>>
      %dma_start3A_127 = tpu.memref_squeeze %dma_start3A_126 : memref<1x128xi32, #tpu.memory_space<vmem>> -> memref<128xi32, #tpu.memory_space<vmem>>
      %dma_start3A_128 = arith.constant 0 : i32
      %dma_start3A_129 = arith.constant 0 : i32
      %dma_start3A_130 = tpu.memref_slice %arg2[%dma_start3A_128, %dma_start3A_129] : memref<10240x128xf32, #tpu.memory_space<hbm>> -> memref<10240x128xf32, #tpu.memory_space<hbm>>
      tpu.enqueue_indirect_dma source(%dma_start3A_130 : memref<10240x128xf32, #tpu.memory_space<hbm>>) target(%arg11 : memref<128x128xf32, #tpu.memory_space<vmem>>) offsets(%dma_start3A_127 : memref<128xi32, #tpu.memory_space<vmem>>) semaphore(%arg15 : memref<!tpu.dma_semaphore, #tpu.memory_space<semaphore_mem>>)
      %dma_start3A_131 = arith.constant 1 : i32
      %dma_start3A_132 = arith.constant 0 : i32
      %dma_start3A_133 = tpu.memref_slice %arg9[%dma_start3A_131, %dma_start3A_132] : memref<40x128xi32, #tpu.memory_space<vmem>> -> memref<1x128xi32, #tpu.memory_space<vmem>>
      %dma_start3A_134 = tpu.memref_squeeze %dma_start3A_133 : memref<1x128xi32, #tpu.memory_space<vmem>> -> memref<128xi32, #tpu.memory_space<vmem>>
      %dma_start3A_135 = arith.constant 0 : i32
      %dma_start3A_136 = arith.constant 0 : i32
      %dma_start3A_137 = tpu.memref_slice %arg2[%dma_start3A_135, %dma_start3A_136] : memref<10240x128xf32, #tpu.memory_space<hbm>> -> memref<10240x128xf32, #tpu.memory_space<hbm>>
      tpu.enqueue_indirect_dma source(%dma_start3A_137 : memref<10240x128xf32, #tpu.memory_space<hbm>>) target(%arg12 : memref<128x128xf32, #tpu.memory_space<vmem>>) offsets(%dma_start3A_134 : memref<128xi32, #tpu.memory_space<vmem>>) semaphore(%arg16 : memref<!tpu.dma_semaphore, #tpu.memory_space<semaphore_mem>>)
      %scan3A_138 = arith.constant 0 : i32
      %scan3A_139 = arith.constant 0 : i32
      %scan3A_140 = arith.constant 19 : i32
      %scan3A_141 = arith.addi %scan3A_139, %scan3A_140 : i32
      %scan3A_142 = arith.constant 1 : i32
      scf.for %scan3A_186 = %scan3A_139 to %scan3A_141 step %scan3A_142  : i32 {
        %mul3A_187 = arith.constant 2 : i32
        %mul3A_188 = arith.muli %mul3A_187, %scan3A_186 : i32
        %add3A_189 = arith.constant 1 : i32
        %add3A_190 = arith.addi %mul3A_188, %add3A_189 : i32
        %dma_wait3A_191 = arith.constant 0 : i32
        %dma_wait3A_192 = tpu.memref_slice %arg9[%mul3A_188, %dma_wait3A_191] : memref<40x128xi32, #tpu.memory_space<vmem>> -> memref<1x128xi32, #tpu.memory_space<vmem>>
        %dma_wait3A_193 = tpu.memref_squeeze %dma_wait3A_192 : memref<1x128xi32, #tpu.memory_space<vmem>> -> memref<128xi32, #tpu.memory_space<vmem>>
        %dma_wait3A_194 = arith.constant 0 : i32
        %dma_wait3A_195 = arith.constant 0 : i32
        %dma_wait3A_196 = tpu.memref_slice %arg2[%dma_wait3A_194, %dma_wait3A_195] : memref<10240x128xf32, #tpu.memory_space<hbm>> -> memref<10240x128xf32, #tpu.memory_space<hbm>>
        tpu.wait_indirect_dma semaphore(%arg15 : memref<!tpu.dma_semaphore, #tpu.memory_space<semaphore_mem>>) src(%dma_wait3A_196 : memref<10240x128xf32, #tpu.memory_space<hbm>>) dst(%arg11 : memref<128x128xf32, #tpu.memory_space<vmem>>)
        %dma_start3A_197 = arith.constant 0 : i32
        %dma_start3A_198 = tpu.memref_slice %arg10[%mul3A_188, %dma_start3A_197] : memref<40x128xi32, #tpu.memory_space<vmem>> -> memref<1x128xi32, #tpu.memory_space<vmem>>
        %dma_start3A_199 = tpu.memref_squeeze %dma_start3A_198 : memref<1x128xi32, #tpu.memory_space<vmem>> -> memref<128xi32, #tpu.memory_space<vmem>>
        %dma_start3A_200 = arith.constant 0 : i32
        %dma_start3A_201 = arith.constant 0 : i32
        %dma_start3A_202 = tpu.memref_slice %arg8[%dma_start3A_200, %dma_start3A_201] : memref<10240x128xf32, #tpu.memory_space<vmem_shared>> -> memref<10240x128xf32, #tpu.memory_space<vmem_shared>>
        tpu.enqueue_indirect_dma source(%arg11 : memref<128x128xf32, #tpu.memory_space<vmem>>) target(%dma_start3A_202 : memref<10240x128xf32, #tpu.memory_space<vmem_shared>>) offsets(%dma_start3A_199 : memref<128xi32, #tpu.memory_space<vmem>>) semaphore(%arg17 : memref<!tpu.dma_semaphore, #tpu.memory_space<semaphore_mem>>) {add = true}
        %dma_wait3A_203 = arith.constant 0 : i32
        %dma_wait3A_204 = tpu.memref_slice %arg9[%add3A_190, %dma_wait3A_203] : memref<40x128xi32, #tpu.memory_space<vmem>> -> memref<1x128xi32, #tpu.memory_space<vmem>>
        %dma_wait3A_205 = tpu.memref_squeeze %dma_wait3A_204 : memref<1x128xi32, #tpu.memory_space<vmem>> -> memref<128xi32, #tpu.memory_space<vmem>>
        %dma_wait3A_206 = arith.constant 0 : i32
        %dma_wait3A_207 = arith.constant 0 : i32
        %dma_wait3A_208 = tpu.memref_slice %arg2[%dma_wait3A_206, %dma_wait3A_207] : memref<10240x128xf32, #tpu.memory_space<hbm>> -> memref<10240x128xf32, #tpu.memory_space<hbm>>
        tpu.wait_indirect_dma semaphore(%arg16 : memref<!tpu.dma_semaphore, #tpu.memory_space<semaphore_mem>>) src(%dma_wait3A_208 : memref<10240x128xf32, #tpu.memory_space<hbm>>) dst(%arg12 : memref<128x128xf32, #tpu.memory_space<vmem>>)
        %dma_start3A_209 = arith.constant 0 : i32
        %dma_start3A_210 = tpu.memref_slice %arg10[%add3A_190, %dma_start3A_209] : memref<40x128xi32, #tpu.memory_space<vmem>> -> memref<1x128xi32, #tpu.memory_space<vmem>>
        %dma_start3A_211 = tpu.memref_squeeze %dma_start3A_210 : memref<1x128xi32, #tpu.memory_space<vmem>> -> memref<128xi32, #tpu.memory_space<vmem>>
        %dma_start3A_212 = arith.constant 0 : i32
        %dma_start3A_213 = arith.constant 0 : i32
        %dma_start3A_214 = tpu.memref_slice %arg8[%dma_start3A_212, %dma_start3A_213] : memref<10240x128xf32, #tpu.memory_space<vmem_shared>> -> memref<10240x128xf32, #tpu.memory_space<vmem_shared>>
        tpu.enqueue_indirect_dma source(%arg12 : memref<128x128xf32, #tpu.memory_space<vmem>>) target(%dma_start3A_214 : memref<10240x128xf32, #tpu.memory_space<vmem_shared>>) offsets(%dma_start3A_211 : memref<128xi32, #tpu.memory_space<vmem>>) semaphore(%arg18 : memref<!tpu.dma_semaphore, #tpu.memory_space<semaphore_mem>>) {add = true}
        %dma_wait3A_215 = arith.constant 0 : i32
        %dma_wait3A_216 = tpu.memref_slice %arg10[%mul3A_188, %dma_wait3A_215] : memref<40x128xi32, #tpu.memory_space<vmem>> -> memref<1x128xi32, #tpu.memory_space<vmem>>
        %dma_wait3A_217 = tpu.memref_squeeze %dma_wait3A_216 : memref<1x128xi32, #tpu.memory_space<vmem>> -> memref<128xi32, #tpu.memory_space<vmem>>
        %dma_wait3A_218 = arith.constant 0 : i32
        %dma_wait3A_219 = arith.constant 0 : i32
        %dma_wait3A_220 = tpu.memref_slice %arg8[%dma_wait3A_218, %dma_wait3A_219] : memref<10240x128xf32, #tpu.memory_space<vmem_shared>> -> memref<10240x128xf32, #tpu.memory_space<vmem_shared>>
        tpu.wait_indirect_dma semaphore(%arg17 : memref<!tpu.dma_semaphore, #tpu.memory_space<semaphore_mem>>) src(%arg11 : memref<128x128xf32, #tpu.memory_space<vmem>>) dst(%dma_wait3A_220 : memref<10240x128xf32, #tpu.memory_space<vmem_shared>>)
        %add3A_221 = arith.constant 2 : i32
        %add3A_222 = arith.addi %mul3A_188, %add3A_221 : i32
        %dma_start3A_223 = arith.constant 0 : i32
        %dma_start3A_224 = tpu.memref_slice %arg9[%add3A_222, %dma_start3A_223] : memref<40x128xi32, #tpu.memory_space<vmem>> -> memref<1x128xi32, #tpu.memory_space<vmem>>
        %dma_start3A_225 = tpu.memref_squeeze %dma_start3A_224 : memref<1x128xi32, #tpu.memory_space<vmem>> -> memref<128xi32, #tpu.memory_space<vmem>>
        %dma_start3A_226 = arith.constant 0 : i32
        %dma_start3A_227 = arith.constant 0 : i32
        %dma_start3A_228 = tpu.memref_slice %arg2[%dma_start3A_226, %dma_start3A_227] : memref<10240x128xf32, #tpu.memory_space<hbm>> -> memref<10240x128xf32, #tpu.memory_space<hbm>>
        tpu.enqueue_indirect_dma source(%dma_start3A_228 : memref<10240x128xf32, #tpu.memory_space<hbm>>) target(%arg11 : memref<128x128xf32, #tpu.memory_space<vmem>>) offsets(%dma_start3A_225 : memref<128xi32, #tpu.memory_space<vmem>>) semaphore(%arg15 : memref<!tpu.dma_semaphore, #tpu.memory_space<semaphore_mem>>)
        %dma_wait3A_229 = arith.constant 0 : i32
        %dma_wait3A_230 = tpu.memref_slice %arg10[%add3A_190, %dma_wait3A_229] : memref<40x128xi32, #tpu.memory_space<vmem>> -> memref<1x128xi32, #tpu.memory_space<vmem>>
        %dma_wait3A_231 = tpu.memref_squeeze %dma_wait3A_230 : memref<1x128xi32, #tpu.memory_space<vmem>> -> memref<128xi32, #tpu.memory_space<vmem>>
        %dma_wait3A_232 = arith.constant 0 : i32
        %dma_wait3A_233 = arith.constant 0 : i32
        %dma_wait3A_234 = tpu.memref_slice %arg8[%dma_wait3A_232, %dma_wait3A_233] : memref<10240x128xf32, #tpu.memory_space<vmem_shared>> -> memref<10240x128xf32, #tpu.memory_space<vmem_shared>>
        tpu.wait_indirect_dma semaphore(%arg18 : memref<!tpu.dma_semaphore, #tpu.memory_space<semaphore_mem>>) src(%arg12 : memref<128x128xf32, #tpu.memory_space<vmem>>) dst(%dma_wait3A_234 : memref<10240x128xf32, #tpu.memory_space<vmem_shared>>)
        %add3A_235 = arith.constant 2 : i32
        %add3A_236 = arith.addi %add3A_190, %add3A_235 : i32
        %dma_start3A_237 = arith.constant 0 : i32
        %dma_start3A_238 = tpu.memref_slice %arg9[%add3A_236, %dma_start3A_237] : memref<40x128xi32, #tpu.memory_space<vmem>> -> memref<1x128xi32, #tpu.memory_space<vmem>>
        %dma_start3A_239 = tpu.memref_squeeze %dma_start3A_238 : memref<1x128xi32, #tpu.memory_space<vmem>> -> memref<128xi32, #tpu.memory_space<vmem>>
        %dma_start3A_240 = arith.constant 0 : i32
        %dma_start3A_241 = arith.constant 0 : i32
        %dma_start3A_242 = tpu.memref_slice %arg2[%dma_start3A_240, %dma_start3A_241] : memref<10240x128xf32, #tpu.memory_space<hbm>> -> memref<10240x128xf32, #tpu.memory_space<hbm>>
        tpu.enqueue_indirect_dma source(%dma_start3A_242 : memref<10240x128xf32, #tpu.memory_space<hbm>>) target(%arg12 : memref<128x128xf32, #tpu.memory_space<vmem>>) offsets(%dma_start3A_239 : memref<128xi32, #tpu.memory_space<vmem>>) semaphore(%arg16 : memref<!tpu.dma_semaphore, #tpu.memory_space<semaphore_mem>>)
      }
      %scan3A_143 = arith.constant 19 : i32
      %dma_wait3A_144 = arith.constant 38 : i32
      %dma_wait3A_145 = arith.constant 0 : i32
      %dma_wait3A_146 = tpu.memref_slice %arg9[%dma_wait3A_144, %dma_wait3A_145] : memref<40x128xi32, #tpu.memory_space<vmem>> -> memref<1x128xi32, #tpu.memory_space<vmem>>
      %dma_wait3A_147 = tpu.memref_squeeze %dma_wait3A_146 : memref<1x128xi32, #tpu.memory_space<vmem>> -> memref<128xi32, #tpu.memory_space<vmem>>
      %dma_wait3A_148 = arith.constant 0 : i32
      %dma_wait3A_149 = arith.constant 0 : i32
      %dma_wait3A_150 = tpu.memref_slice %arg2[%dma_wait3A_148, %dma_wait3A_149] : memref<10240x128xf32, #tpu.memory_space<hbm>> -> memref<10240x128xf32, #tpu.memory_space<hbm>>
      tpu.wait_indirect_dma semaphore(%arg15 : memref<!tpu.dma_semaphore, #tpu.memory_space<semaphore_mem>>) src(%dma_wait3A_150 : memref<10240x128xf32, #tpu.memory_space<hbm>>) dst(%arg11 : memref<128x128xf32, #tpu.memory_space<vmem>>)
      %dma_start3A_151 = arith.constant 38 : i32
      %dma_start3A_152 = arith.constant 0 : i32
      %dma_start3A_153 = tpu.memref_slice %arg10[%dma_start3A_151, %dma_start3A_152] : memref<40x128xi32, #tpu.memory_space<vmem>> -> memref<1x128xi32, #tpu.memory_space<vmem>>
      %dma_start3A_154 = tpu.memref_squeeze %dma_start3A_153 : memref<1x128xi32, #tpu.memory_space<vmem>> -> memref<128xi32, #tpu.memory_space<vmem>>
      %dma_start3A_155 = arith.constant 0 : i32
      %dma_start3A_156 = arith.constant 0 : i32
      %dma_start3A_157 = tpu.memref_slice %arg8[%dma_start3A_155, %dma_start3A_156] : memref<10240x128xf32, #tpu.memory_space<vmem_shared>> -> memref<10240x128xf32, #tpu.memory_space<vmem_shared>>
      tpu.enqueue_indirect_dma source(%arg11 : memref<128x128xf32, #tpu.memory_space<vmem>>) target(%dma_start3A_157 : memref<10240x128xf32, #tpu.memory_space<vmem_shared>>) offsets(%dma_start3A_154 : memref<128xi32, #tpu.memory_space<vmem>>) semaphore(%arg17 : memref<!tpu.dma_semaphore, #tpu.memory_space<semaphore_mem>>) {add = true}
      %dma_wait3A_158 = arith.constant 39 : i32
      %dma_wait3A_159 = arith.constant 0 : i32
      %dma_wait3A_160 = tpu.memref_slice %arg9[%dma_wait3A_158, %dma_wait3A_159] : memref<40x128xi32, #tpu.memory_space<vmem>> -> memref<1x128xi32, #tpu.memory_space<vmem>>
      %dma_wait3A_161 = tpu.memref_squeeze %dma_wait3A_160 : memref<1x128xi32, #tpu.memory_space<vmem>> -> memref<128xi32, #tpu.memory_space<vmem>>
      %dma_wait3A_162 = arith.constant 0 : i32
      %dma_wait3A_163 = arith.constant 0 : i32
      %dma_wait3A_164 = tpu.memref_slice %arg2[%dma_wait3A_162, %dma_wait3A_163] : memref<10240x128xf32, #tpu.memory_space<hbm>> -> memref<10240x128xf32, #tpu.memory_space<hbm>>
      tpu.wait_indirect_dma semaphore(%arg16 : memref<!tpu.dma_semaphore, #tpu.memory_space<semaphore_mem>>) src(%dma_wait3A_164 : memref<10240x128xf32, #tpu.memory_space<hbm>>) dst(%arg12 : memref<128x128xf32, #tpu.memory_space<vmem>>)
      %dma_start3A_165 = arith.constant 39 : i32
      %dma_start3A_166 = arith.constant 0 : i32
      %dma_start3A_167 = tpu.memref_slice %arg10[%dma_start3A_165, %dma_start3A_166] : memref<40x128xi32, #tpu.memory_space<vmem>> -> memref<1x128xi32, #tpu.memory_space<vmem>>
      %dma_start3A_168 = tpu.memref_squeeze %dma_start3A_167 : memref<1x128xi32, #tpu.memory_space<vmem>> -> memref<128xi32, #tpu.memory_space<vmem>>
      %dma_start3A_169 = arith.constant 0 : i32
      %dma_start3A_170 = arith.constant 0 : i32
      %dma_start3A_171 = tpu.memref_slice %arg8[%dma_start3A_169, %dma_start3A_170] : memref<10240x128xf32, #tpu.memory_space<vmem_shared>> -> memref<10240x128xf32, #tpu.memory_space<vmem_shared>>
      tpu.enqueue_indirect_dma source(%arg12 : memref<128x128xf32, #tpu.memory_space<vmem>>) target(%dma_start3A_171 : memref<10240x128xf32, #tpu.memory_space<vmem_shared>>) offsets(%dma_start3A_168 : memref<128xi32, #tpu.memory_space<vmem>>) semaphore(%arg18 : memref<!tpu.dma_semaphore, #tpu.memory_space<semaphore_mem>>) {add = true}
      %dma_wait3A_172 = arith.constant 38 : i32
      %dma_wait3A_173 = arith.constant 0 : i32
      %dma_wait3A_174 = tpu.memref_slice %arg10[%dma_wait3A_172, %dma_wait3A_173] : memref<40x128xi32, #tpu.memory_space<vmem>> -> memref<1x128xi32, #tpu.memory_space<vmem>>
      %dma_wait3A_175 = tpu.memref_squeeze %dma_wait3A_174 : memref<1x128xi32, #tpu.memory_space<vmem>> -> memref<128xi32, #tpu.memory_space<vmem>>
      %dma_wait3A_176 = arith.constant 0 : i32
      %dma_wait3A_177 = arith.constant 0 : i32
      %dma_wait3A_178 = tpu.memref_slice %arg8[%dma_wait3A_176, %dma_wait3A_177] : memref<10240x128xf32, #tpu.memory_space<vmem_shared>> -> memref<10240x128xf32, #tpu.memory_space<vmem_shared>>
      tpu.wait_indirect_dma semaphore(%arg17 : memref<!tpu.dma_semaphore, #tpu.memory_space<semaphore_mem>>) src(%arg11 : memref<128x128xf32, #tpu.memory_space<vmem>>) dst(%dma_wait3A_178 : memref<10240x128xf32, #tpu.memory_space<vmem_shared>>)
      %dma_wait3A_179 = arith.constant 39 : i32
      %dma_wait3A_180 = arith.constant 0 : i32
      %dma_wait3A_181 = tpu.memref_slice %arg10[%dma_wait3A_179, %dma_wait3A_180] : memref<40x128xi32, #tpu.memory_space<vmem>> -> memref<1x128xi32, #tpu.memory_space<vmem>>
      %dma_wait3A_182 = tpu.memref_squeeze %dma_wait3A_181 : memref<1x128xi32, #tpu.memory_space<vmem>> -> memref<128xi32, #tpu.memory_space<vmem>>
      %dma_wait3A_183 = arith.constant 0 : i32
      %dma_wait3A_184 = arith.constant 0 : i32
      %dma_wait3A_185 = tpu.memref_slice %arg8[%dma_wait3A_183, %dma_wait3A_184] : memref<10240x128xf32, #tpu.memory_space<vmem_shared>> -> memref<10240x128xf32, #tpu.memory_space<vmem_shared>>
      tpu.wait_indirect_dma semaphore(%arg18 : memref<!tpu.dma_semaphore, #tpu.memory_space<semaphore_mem>>) src(%arg12 : memref<128x128xf32, #tpu.memory_space<vmem>>) dst(%dma_wait3A_185 : memref<10240x128xf32, #tpu.memory_space<vmem_shared>>)
    } else {
    }
    %ne3A = arith.constant 1 : i32
    %ne3A_5 = arith.cmpi ne, %arg0, %ne3A : i32
    %convert_element_type3A_6 = arith.extui %ne3A_5 : i1 to i32
    %cond3A_7 = arith.constant 0 : i32
    %cond3A_8 = arith.cmpi ne, %convert_element_type3A_6, %cond3A_7 : i32
    scf.if %cond3A_8 {
      %mul3A_20 = arith.constant 2 : i32
      %mul3A_21 = arith.muli %arg1, %mul3A_20 : i32
      %add3A = arith.constant 0 : i32
      %add3A_22 = arith.addi %mul3A_21, %add3A : i32
      %mul3A_23 = arith.constant 40 : i32
      %mul3A_24 = arith.muli %add3A_22, %mul3A_23 : i32
      %add3A_25 = arith.constant 1280 : i32
      %add3A_26 = arith.addi %add3A_25, %mul3A_24 : i32
      %dma_start3A_27 = arith.constant 0 : i32
      %dma_start3A_28 = tpu.memref_slice %arg3[%add3A_26, %dma_start3A_27] : memref<2560x128xi32, #tpu.memory_space<hbm>> -> memref<40x128xi32, #tpu.memory_space<hbm>>
      %dma_start3A_29 = arith.constant 0 : i32
      %dma_start3A_30 = tpu.memref_slice %arg3[%add3A_26, %dma_start3A_29] : memref<2560x128xi32, #tpu.memory_space<hbm>> -> memref<40x128xi32, #tpu.memory_space<hbm>>
      tpu.enqueue_dma source(%dma_start3A_30 : memref<40x128xi32, #tpu.memory_space<hbm>>) target(%arg9 : memref<40x128xi32, #tpu.memory_space<vmem>>) target_semaphore(%arg14 : memref<!tpu.dma_semaphore, #tpu.memory_space<semaphore_mem>>)
      %dma_start3A_31 = arith.constant 0 : i32
      %dma_start3A_32 = tpu.memref_slice %arg4[%add3A_26, %dma_start3A_31] : memref<2560x128xi32, #tpu.memory_space<hbm>> -> memref<40x128xi32, #tpu.memory_space<hbm>>
      %dma_start3A_33 = arith.constant 0 : i32
      %dma_start3A_34 = tpu.memref_slice %arg4[%add3A_26, %dma_start3A_33] : memref<2560x128xi32, #tpu.memory_space<hbm>> -> memref<40x128xi32, #tpu.memory_space<hbm>>
      tpu.enqueue_dma source(%dma_start3A_34 : memref<40x128xi32, #tpu.memory_space<hbm>>) target(%arg10 : memref<40x128xi32, #tpu.memory_space<vmem>>) target_semaphore(%arg14 : memref<!tpu.dma_semaphore, #tpu.memory_space<semaphore_mem>>)
      %dma_wait3A_35 = arith.constant 0 : i32
      %dma_wait3A_36 = tpu.memref_slice %arg3[%add3A_26, %dma_wait3A_35] : memref<2560x128xi32, #tpu.memory_space<hbm>> -> memref<40x128xi32, #tpu.memory_space<hbm>>
      %dma_wait3A_37 = arith.constant 0 : i32
      %dma_wait3A_38 = tpu.memref_slice %arg3[%add3A_26, %dma_wait3A_37] : memref<2560x128xi32, #tpu.memory_space<hbm>> -> memref<40x128xi32, #tpu.memory_space<hbm>>
      tpu.wait_dma2 semaphore(%arg14 : memref<!tpu.dma_semaphore, #tpu.memory_space<semaphore_mem>>) src(%dma_wait3A_38 : memref<40x128xi32, #tpu.memory_space<hbm>>) dst(%arg9 : memref<40x128xi32, #tpu.memory_space<vmem>>)
      %dma_wait3A_39 = arith.constant 0 : i32
      %dma_wait3A_40 = tpu.memref_slice %arg4[%add3A_26, %dma_wait3A_39] : memref<2560x128xi32, #tpu.memory_space<hbm>> -> memref<40x128xi32, #tpu.memory_space<hbm>>
      %dma_wait3A_41 = arith.constant 0 : i32
      %dma_wait3A_42 = tpu.memref_slice %arg4[%add3A_26, %dma_wait3A_41] : memref<2560x128xi32, #tpu.memory_space<hbm>> -> memref<40x128xi32, #tpu.memory_space<hbm>>
      tpu.wait_dma2 semaphore(%arg14 : memref<!tpu.dma_semaphore, #tpu.memory_space<semaphore_mem>>) src(%dma_wait3A_42 : memref<40x128xi32, #tpu.memory_space<hbm>>) dst(%arg10 : memref<40x128xi32, #tpu.memory_space<vmem>>)
      %dma_start3A_43 = arith.constant 0 : i32
      %dma_start3A_44 = arith.constant 0 : i32
      %dma_start3A_45 = tpu.memref_slice %arg9[%dma_start3A_43, %dma_start3A_44] : memref<40x128xi32, #tpu.memory_space<vmem>> -> memref<1x128xi32, #tpu.memory_space<vmem>>
      %dma_start3A_46 = tpu.memref_squeeze %dma_start3A_45 : memref<1x128xi32, #tpu.memory_space<vmem>> -> memref<128xi32, #tpu.memory_space<vmem>>
      %dma_start3A_47 = arith.constant 0 : i32
      %dma_start3A_48 = arith.constant 0 : i32
      %dma_start3A_49 = tpu.memref_slice %arg2[%dma_start3A_47, %dma_start3A_48] : memref<10240x128xf32, #tpu.memory_space<hbm>> -> memref<10240x128xf32, #tpu.memory_space<hbm>>
      tpu.enqueue_indirect_dma source(%dma_start3A_49 : memref<10240x128xf32, #tpu.memory_space<hbm>>) target(%arg11 : memref<128x128xf32, #tpu.memory_space<vmem>>) offsets(%dma_start3A_46 : memref<128xi32, #tpu.memory_space<vmem>>) semaphore(%arg15 : memref<!tpu.dma_semaphore, #tpu.memory_space<semaphore_mem>>)
      %dma_start3A_50 = arith.constant 1 : i32
      %dma_start3A_51 = arith.constant 0 : i32
      %dma_start3A_52 = tpu.memref_slice %arg9[%dma_start3A_50, %dma_start3A_51] : memref<40x128xi32, #tpu.memory_space<vmem>> -> memref<1x128xi32, #tpu.memory_space<vmem>>
      %dma_start3A_53 = tpu.memref_squeeze %dma_start3A_52 : memref<1x128xi32, #tpu.memory_space<vmem>> -> memref<128xi32, #tpu.memory_space<vmem>>
      %dma_start3A_54 = arith.constant 0 : i32
      %dma_start3A_55 = arith.constant 0 : i32
      %dma_start3A_56 = tpu.memref_slice %arg2[%dma_start3A_54, %dma_start3A_55] : memref<10240x128xf32, #tpu.memory_space<hbm>> -> memref<10240x128xf32, #tpu.memory_space<hbm>>
      tpu.enqueue_indirect_dma source(%dma_start3A_56 : memref<10240x128xf32, #tpu.memory_space<hbm>>) target(%arg12 : memref<128x128xf32, #tpu.memory_space<vmem>>) offsets(%dma_start3A_53 : memref<128xi32, #tpu.memory_space<vmem>>) semaphore(%arg16 : memref<!tpu.dma_semaphore, #tpu.memory_space<semaphore_mem>>)
      %scan3A = arith.constant 0 : i32
      %scan3A_57 = arith.constant 0 : i32
      %scan3A_58 = arith.constant 19 : i32
      %scan3A_59 = arith.addi %scan3A_57, %scan3A_58 : i32
      %scan3A_60 = arith.constant 1 : i32
      scf.for %scan3A_190 = %scan3A_57 to %scan3A_59 step %scan3A_60  : i32 {
        %mul3A_191 = arith.constant 2 : i32
        %mul3A_192 = arith.muli %mul3A_191, %scan3A_190 : i32
        %add3A_193 = arith.constant 1 : i32
        %add3A_194 = arith.addi %mul3A_192, %add3A_193 : i32
        %dma_wait3A_195 = arith.constant 0 : i32
        %dma_wait3A_196 = tpu.memref_slice %arg9[%mul3A_192, %dma_wait3A_195] : memref<40x128xi32, #tpu.memory_space<vmem>> -> memref<1x128xi32, #tpu.memory_space<vmem>>
        %dma_wait3A_197 = tpu.memref_squeeze %dma_wait3A_196 : memref<1x128xi32, #tpu.memory_space<vmem>> -> memref<128xi32, #tpu.memory_space<vmem>>
        %dma_wait3A_198 = arith.constant 0 : i32
        %dma_wait3A_199 = arith.constant 0 : i32
        %dma_wait3A_200 = tpu.memref_slice %arg2[%dma_wait3A_198, %dma_wait3A_199] : memref<10240x128xf32, #tpu.memory_space<hbm>> -> memref<10240x128xf32, #tpu.memory_space<hbm>>
        tpu.wait_indirect_dma semaphore(%arg15 : memref<!tpu.dma_semaphore, #tpu.memory_space<semaphore_mem>>) src(%dma_wait3A_200 : memref<10240x128xf32, #tpu.memory_space<hbm>>) dst(%arg11 : memref<128x128xf32, #tpu.memory_space<vmem>>)
        %dma_start3A_201 = arith.constant 0 : i32
        %dma_start3A_202 = tpu.memref_slice %arg10[%mul3A_192, %dma_start3A_201] : memref<40x128xi32, #tpu.memory_space<vmem>> -> memref<1x128xi32, #tpu.memory_space<vmem>>
        %dma_start3A_203 = tpu.memref_squeeze %dma_start3A_202 : memref<1x128xi32, #tpu.memory_space<vmem>> -> memref<128xi32, #tpu.memory_space<vmem>>
        %dma_start3A_204 = arith.constant 0 : i32
        %dma_start3A_205 = arith.constant 0 : i32
        %dma_start3A_206 = tpu.memref_slice %arg8[%dma_start3A_204, %dma_start3A_205] : memref<10240x128xf32, #tpu.memory_space<vmem_shared>> -> memref<10240x128xf32, #tpu.memory_space<vmem_shared>>
        tpu.enqueue_indirect_dma source(%arg11 : memref<128x128xf32, #tpu.memory_space<vmem>>) target(%dma_start3A_206 : memref<10240x128xf32, #tpu.memory_space<vmem_shared>>) offsets(%dma_start3A_203 : memref<128xi32, #tpu.memory_space<vmem>>) semaphore(%arg17 : memref<!tpu.dma_semaphore, #tpu.memory_space<semaphore_mem>>) {add = true}
        %dma_wait3A_207 = arith.constant 0 : i32
        %dma_wait3A_208 = tpu.memref_slice %arg9[%add3A_194, %dma_wait3A_207] : memref<40x128xi32, #tpu.memory_space<vmem>> -> memref<1x128xi32, #tpu.memory_space<vmem>>
        %dma_wait3A_209 = tpu.memref_squeeze %dma_wait3A_208 : memref<1x128xi32, #tpu.memory_space<vmem>> -> memref<128xi32, #tpu.memory_space<vmem>>
        %dma_wait3A_210 = arith.constant 0 : i32
        %dma_wait3A_211 = arith.constant 0 : i32
        %dma_wait3A_212 = tpu.memref_slice %arg2[%dma_wait3A_210, %dma_wait3A_211] : memref<10240x128xf32, #tpu.memory_space<hbm>> -> memref<10240x128xf32, #tpu.memory_space<hbm>>
        tpu.wait_indirect_dma semaphore(%arg16 : memref<!tpu.dma_semaphore, #tpu.memory_space<semaphore_mem>>) src(%dma_wait3A_212 : memref<10240x128xf32, #tpu.memory_space<hbm>>) dst(%arg12 : memref<128x128xf32, #tpu.memory_space<vmem>>)
        %dma_start3A_213 = arith.constant 0 : i32
        %dma_start3A_214 = tpu.memref_slice %arg10[%add3A_194, %dma_start3A_213] : memref<40x128xi32, #tpu.memory_space<vmem>> -> memref<1x128xi32, #tpu.memory_space<vmem>>
        %dma_start3A_215 = tpu.memref_squeeze %dma_start3A_214 : memref<1x128xi32, #tpu.memory_space<vmem>> -> memref<128xi32, #tpu.memory_space<vmem>>
        %dma_start3A_216 = arith.constant 0 : i32
        %dma_start3A_217 = arith.constant 0 : i32
        %dma_start3A_218 = tpu.memref_slice %arg8[%dma_start3A_216, %dma_start3A_217] : memref<10240x128xf32, #tpu.memory_space<vmem_shared>> -> memref<10240x128xf32, #tpu.memory_space<vmem_shared>>
        tpu.enqueue_indirect_dma source(%arg12 : memref<128x128xf32, #tpu.memory_space<vmem>>) target(%dma_start3A_218 : memref<10240x128xf32, #tpu.memory_space<vmem_shared>>) offsets(%dma_start3A_215 : memref<128xi32, #tpu.memory_space<vmem>>) semaphore(%arg18 : memref<!tpu.dma_semaphore, #tpu.memory_space<semaphore_mem>>) {add = true}
        %dma_wait3A_219 = arith.constant 0 : i32
        %dma_wait3A_220 = tpu.memref_slice %arg10[%mul3A_192, %dma_wait3A_219] : memref<40x128xi32, #tpu.memory_space<vmem>> -> memref<1x128xi32, #tpu.memory_space<vmem>>
        %dma_wait3A_221 = tpu.memref_squeeze %dma_wait3A_220 : memref<1x128xi32, #tpu.memory_space<vmem>> -> memref<128xi32, #tpu.memory_space<vmem>>
        %dma_wait3A_222 = arith.constant 0 : i32
        %dma_wait3A_223 = arith.constant 0 : i32
        %dma_wait3A_224 = tpu.memref_slice %arg8[%dma_wait3A_222, %dma_wait3A_223] : memref<10240x128xf32, #tpu.memory_space<vmem_shared>> -> memref<10240x128xf32, #tpu.memory_space<vmem_shared>>
        tpu.wait_indirect_dma semaphore(%arg17 : memref<!tpu.dma_semaphore, #tpu.memory_space<semaphore_mem>>) src(%arg11 : memref<128x128xf32, #tpu.memory_space<vmem>>) dst(%dma_wait3A_224 : memref<10240x128xf32, #tpu.memory_space<vmem_shared>>)
        %add3A_225 = arith.constant 2 : i32
        %add3A_226 = arith.addi %mul3A_192, %add3A_225 : i32
        %dma_start3A_227 = arith.constant 0 : i32
        %dma_start3A_228 = tpu.memref_slice %arg9[%add3A_226, %dma_start3A_227] : memref<40x128xi32, #tpu.memory_space<vmem>> -> memref<1x128xi32, #tpu.memory_space<vmem>>
        %dma_start3A_229 = tpu.memref_squeeze %dma_start3A_228 : memref<1x128xi32, #tpu.memory_space<vmem>> -> memref<128xi32, #tpu.memory_space<vmem>>
        %dma_start3A_230 = arith.constant 0 : i32
        %dma_start3A_231 = arith.constant 0 : i32
        %dma_start3A_232 = tpu.memref_slice %arg2[%dma_start3A_230, %dma_start3A_231] : memref<10240x128xf32, #tpu.memory_space<hbm>> -> memref<10240x128xf32, #tpu.memory_space<hbm>>
        tpu.enqueue_indirect_dma source(%dma_start3A_232 : memref<10240x128xf32, #tpu.memory_space<hbm>>) target(%arg11 : memref<128x128xf32, #tpu.memory_space<vmem>>) offsets(%dma_start3A_229 : memref<128xi32, #tpu.memory_space<vmem>>) semaphore(%arg15 : memref<!tpu.dma_semaphore, #tpu.memory_space<semaphore_mem>>)
        %dma_wait3A_233 = arith.constant 0 : i32
        %dma_wait3A_234 = tpu.memref_slice %arg10[%add3A_194, %dma_wait3A_233] : memref<40x128xi32, #tpu.memory_space<vmem>> -> memref<1x128xi32, #tpu.memory_space<vmem>>
        %dma_wait3A_235 = tpu.memref_squeeze %dma_wait3A_234 : memref<1x128xi32, #tpu.memory_space<vmem>> -> memref<128xi32, #tpu.memory_space<vmem>>
        %dma_wait3A_236 = arith.constant 0 : i32
        %dma_wait3A_237 = arith.constant 0 : i32
        %dma_wait3A_238 = tpu.memref_slice %arg8[%dma_wait3A_236, %dma_wait3A_237] : memref<10240x128xf32, #tpu.memory_space<vmem_shared>> -> memref<10240x128xf32, #tpu.memory_space<vmem_shared>>
        tpu.wait_indirect_dma semaphore(%arg18 : memref<!tpu.dma_semaphore, #tpu.memory_space<semaphore_mem>>) src(%arg12 : memref<128x128xf32, #tpu.memory_space<vmem>>) dst(%dma_wait3A_238 : memref<10240x128xf32, #tpu.memory_space<vmem_shared>>)
        %add3A_239 = arith.constant 2 : i32
        %add3A_240 = arith.addi %add3A_194, %add3A_239 : i32
        %dma_start3A_241 = arith.constant 0 : i32
        %dma_start3A_242 = tpu.memref_slice %arg9[%add3A_240, %dma_start3A_241] : memref<40x128xi32, #tpu.memory_space<vmem>> -> memref<1x128xi32, #tpu.memory_space<vmem>>
        %dma_start3A_243 = tpu.memref_squeeze %dma_start3A_242 : memref<1x128xi32, #tpu.memory_space<vmem>> -> memref<128xi32, #tpu.memory_space<vmem>>
        %dma_start3A_244 = arith.constant 0 : i32
        %dma_start3A_245 = arith.constant 0 : i32
        %dma_start3A_246 = tpu.memref_slice %arg2[%dma_start3A_244, %dma_start3A_245] : memref<10240x128xf32, #tpu.memory_space<hbm>> -> memref<10240x128xf32, #tpu.memory_space<hbm>>
        tpu.enqueue_indirect_dma source(%dma_start3A_246 : memref<10240x128xf32, #tpu.memory_space<hbm>>) target(%arg12 : memref<128x128xf32, #tpu.memory_space<vmem>>) offsets(%dma_start3A_243 : memref<128xi32, #tpu.memory_space<vmem>>) semaphore(%arg16 : memref<!tpu.dma_semaphore, #tpu.memory_space<semaphore_mem>>)
      }
      %scan3A_61 = arith.constant 19 : i32
      %dma_wait3A_62 = arith.constant 38 : i32
      %dma_wait3A_63 = arith.constant 0 : i32
      %dma_wait3A_64 = tpu.memref_slice %arg9[%dma_wait3A_62, %dma_wait3A_63] : memref<40x128xi32, #tpu.memory_space<vmem>> -> memref<1x128xi32, #tpu.memory_space<vmem>>
      %dma_wait3A_65 = tpu.memref_squeeze %dma_wait3A_64 : memref<1x128xi32, #tpu.memory_space<vmem>> -> memref<128xi32, #tpu.memory_space<vmem>>
      %dma_wait3A_66 = arith.constant 0 : i32
      %dma_wait3A_67 = arith.constant 0 : i32
      %dma_wait3A_68 = tpu.memref_slice %arg2[%dma_wait3A_66, %dma_wait3A_67] : memref<10240x128xf32, #tpu.memory_space<hbm>> -> memref<10240x128xf32, #tpu.memory_space<hbm>>
      tpu.wait_indirect_dma semaphore(%arg15 : memref<!tpu.dma_semaphore, #tpu.memory_space<semaphore_mem>>) src(%dma_wait3A_68 : memref<10240x128xf32, #tpu.memory_space<hbm>>) dst(%arg11 : memref<128x128xf32, #tpu.memory_space<vmem>>)
      %dma_start3A_69 = arith.constant 38 : i32
      %dma_start3A_70 = arith.constant 0 : i32
      %dma_start3A_71 = tpu.memref_slice %arg10[%dma_start3A_69, %dma_start3A_70] : memref<40x128xi32, #tpu.memory_space<vmem>> -> memref<1x128xi32, #tpu.memory_space<vmem>>
      %dma_start3A_72 = tpu.memref_squeeze %dma_start3A_71 : memref<1x128xi32, #tpu.memory_space<vmem>> -> memref<128xi32, #tpu.memory_space<vmem>>
      %dma_start3A_73 = arith.constant 0 : i32
      %dma_start3A_74 = arith.constant 0 : i32
      %dma_start3A_75 = tpu.memref_slice %arg8[%dma_start3A_73, %dma_start3A_74] : memref<10240x128xf32, #tpu.memory_space<vmem_shared>> -> memref<10240x128xf32, #tpu.memory_space<vmem_shared>>
      tpu.enqueue_indirect_dma source(%arg11 : memref<128x128xf32, #tpu.memory_space<vmem>>) target(%dma_start3A_75 : memref<10240x128xf32, #tpu.memory_space<vmem_shared>>) offsets(%dma_start3A_72 : memref<128xi32, #tpu.memory_space<vmem>>) semaphore(%arg17 : memref<!tpu.dma_semaphore, #tpu.memory_space<semaphore_mem>>) {add = true}
      %dma_wait3A_76 = arith.constant 39 : i32
      %dma_wait3A_77 = arith.constant 0 : i32
      %dma_wait3A_78 = tpu.memref_slice %arg9[%dma_wait3A_76, %dma_wait3A_77] : memref<40x128xi32, #tpu.memory_space<vmem>> -> memref<1x128xi32, #tpu.memory_space<vmem>>
      %dma_wait3A_79 = tpu.memref_squeeze %dma_wait3A_78 : memref<1x128xi32, #tpu.memory_space<vmem>> -> memref<128xi32, #tpu.memory_space<vmem>>
      %dma_wait3A_80 = arith.constant 0 : i32
      %dma_wait3A_81 = arith.constant 0 : i32
      %dma_wait3A_82 = tpu.memref_slice %arg2[%dma_wait3A_80, %dma_wait3A_81] : memref<10240x128xf32, #tpu.memory_space<hbm>> -> memref<10240x128xf32, #tpu.memory_space<hbm>>
      tpu.wait_indirect_dma semaphore(%arg16 : memref<!tpu.dma_semaphore, #tpu.memory_space<semaphore_mem>>) src(%dma_wait3A_82 : memref<10240x128xf32, #tpu.memory_space<hbm>>) dst(%arg12 : memref<128x128xf32, #tpu.memory_space<vmem>>)
      %dma_start3A_83 = arith.constant 39 : i32
      %dma_start3A_84 = arith.constant 0 : i32
      %dma_start3A_85 = tpu.memref_slice %arg10[%dma_start3A_83, %dma_start3A_84] : memref<40x128xi32, #tpu.memory_space<vmem>> -> memref<1x128xi32, #tpu.memory_space<vmem>>
      %dma_start3A_86 = tpu.memref_squeeze %dma_start3A_85 : memref<1x128xi32, #tpu.memory_space<vmem>> -> memref<128xi32, #tpu.memory_space<vmem>>
      %dma_start3A_87 = arith.constant 0 : i32
      %dma_start3A_88 = arith.constant 0 : i32
      %dma_start3A_89 = tpu.memref_slice %arg8[%dma_start3A_87, %dma_start3A_88] : memref<10240x128xf32, #tpu.memory_space<vmem_shared>> -> memref<10240x128xf32, #tpu.memory_space<vmem_shared>>
      tpu.enqueue_indirect_dma source(%arg12 : memref<128x128xf32, #tpu.memory_space<vmem>>) target(%dma_start3A_89 : memref<10240x128xf32, #tpu.memory_space<vmem_shared>>) offsets(%dma_start3A_86 : memref<128xi32, #tpu.memory_space<vmem>>) semaphore(%arg18 : memref<!tpu.dma_semaphore, #tpu.memory_space<semaphore_mem>>) {add = true}
      %dma_wait3A_90 = arith.constant 38 : i32
      %dma_wait3A_91 = arith.constant 0 : i32
      %dma_wait3A_92 = tpu.memref_slice %arg10[%dma_wait3A_90, %dma_wait3A_91] : memref<40x128xi32, #tpu.memory_space<vmem>> -> memref<1x128xi32, #tpu.memory_space<vmem>>
      %dma_wait3A_93 = tpu.memref_squeeze %dma_wait3A_92 : memref<1x128xi32, #tpu.memory_space<vmem>> -> memref<128xi32, #tpu.memory_space<vmem>>
      %dma_wait3A_94 = arith.constant 0 : i32
      %dma_wait3A_95 = arith.constant 0 : i32
      %dma_wait3A_96 = tpu.memref_slice %arg8[%dma_wait3A_94, %dma_wait3A_95] : memref<10240x128xf32, #tpu.memory_space<vmem_shared>> -> memref<10240x128xf32, #tpu.memory_space<vmem_shared>>
      tpu.wait_indirect_dma semaphore(%arg17 : memref<!tpu.dma_semaphore, #tpu.memory_space<semaphore_mem>>) src(%arg11 : memref<128x128xf32, #tpu.memory_space<vmem>>) dst(%dma_wait3A_96 : memref<10240x128xf32, #tpu.memory_space<vmem_shared>>)
      %dma_wait3A_97 = arith.constant 39 : i32
      %dma_wait3A_98 = arith.constant 0 : i32
      %dma_wait3A_99 = tpu.memref_slice %arg10[%dma_wait3A_97, %dma_wait3A_98] : memref<40x128xi32, #tpu.memory_space<vmem>> -> memref<1x128xi32, #tpu.memory_space<vmem>>
      %dma_wait3A_100 = tpu.memref_squeeze %dma_wait3A_99 : memref<1x128xi32, #tpu.memory_space<vmem>> -> memref<128xi32, #tpu.memory_space<vmem>>
      %dma_wait3A_101 = arith.constant 0 : i32
      %dma_wait3A_102 = arith.constant 0 : i32
      %dma_wait3A_103 = tpu.memref_slice %arg8[%dma_wait3A_101, %dma_wait3A_102] : memref<10240x128xf32, #tpu.memory_space<vmem_shared>> -> memref<10240x128xf32, #tpu.memory_space<vmem_shared>>
      tpu.wait_indirect_dma semaphore(%arg18 : memref<!tpu.dma_semaphore, #tpu.memory_space<semaphore_mem>>) src(%arg12 : memref<128x128xf32, #tpu.memory_space<vmem>>) dst(%dma_wait3A_103 : memref<10240x128xf32, #tpu.memory_space<vmem_shared>>)
      %mul3A_104 = arith.constant 2 : i32
      %mul3A_105 = arith.muli %arg1, %mul3A_104 : i32
      %add3A_106 = arith.constant 1 : i32
      %add3A_107 = arith.addi %mul3A_105, %add3A_106 : i32
      %mul3A_108 = arith.constant 40 : i32
      %mul3A_109 = arith.muli %add3A_107, %mul3A_108 : i32
      %add3A_110 = arith.constant 1280 : i32
      %add3A_111 = arith.addi %add3A_110, %mul3A_109 : i32
      %dma_start3A_112 = arith.constant 0 : i32
      %dma_start3A_113 = tpu.memref_slice %arg3[%add3A_111, %dma_start3A_112] : memref<2560x128xi32, #tpu.memory_space<hbm>> -> memref<40x128xi32, #tpu.memory_space<hbm>>
      %dma_start3A_114 = arith.constant 0 : i32
      %dma_start3A_115 = tpu.memref_slice %arg3[%add3A_111, %dma_start3A_114] : memref<2560x128xi32, #tpu.memory_space<hbm>> -> memref<40x128xi32, #tpu.memory_space<hbm>>
      tpu.enqueue_dma source(%dma_start3A_115 : memref<40x128xi32, #tpu.memory_space<hbm>>) target(%arg9 : memref<40x128xi32, #tpu.memory_space<vmem>>) target_semaphore(%arg14 : memref<!tpu.dma_semaphore, #tpu.memory_space<semaphore_mem>>)
      %dma_start3A_116 = arith.constant 0 : i32
      %dma_start3A_117 = tpu.memref_slice %arg4[%add3A_111, %dma_start3A_116] : memref<2560x128xi32, #tpu.memory_space<hbm>> -> memref<40x128xi32, #tpu.memory_space<hbm>>
      %dma_start3A_118 = arith.constant 0 : i32
      %dma_start3A_119 = tpu.memref_slice %arg4[%add3A_111, %dma_start3A_118] : memref<2560x128xi32, #tpu.memory_space<hbm>> -> memref<40x128xi32, #tpu.memory_space<hbm>>
      tpu.enqueue_dma source(%dma_start3A_119 : memref<40x128xi32, #tpu.memory_space<hbm>>) target(%arg10 : memref<40x128xi32, #tpu.memory_space<vmem>>) target_semaphore(%arg14 : memref<!tpu.dma_semaphore, #tpu.memory_space<semaphore_mem>>)
      %dma_wait3A_120 = arith.constant 0 : i32
      %dma_wait3A_121 = tpu.memref_slice %arg3[%add3A_111, %dma_wait3A_120] : memref<2560x128xi32, #tpu.memory_space<hbm>> -> memref<40x128xi32, #tpu.memory_space<hbm>>
      %dma_wait3A_122 = arith.constant 0 : i32
      %dma_wait3A_123 = tpu.memref_slice %arg3[%add3A_111, %dma_wait3A_122] : memref<2560x128xi32, #tpu.memory_space<hbm>> -> memref<40x128xi32, #tpu.memory_space<hbm>>
      tpu.wait_dma2 semaphore(%arg14 : memref<!tpu.dma_semaphore, #tpu.memory_space<semaphore_mem>>) src(%dma_wait3A_123 : memref<40x128xi32, #tpu.memory_space<hbm>>) dst(%arg9 : memref<40x128xi32, #tpu.memory_space<vmem>>)
      %dma_wait3A_124 = arith.constant 0 : i32
      %dma_wait3A_125 = tpu.memref_slice %arg4[%add3A_111, %dma_wait3A_124] : memref<2560x128xi32, #tpu.memory_space<hbm>> -> memref<40x128xi32, #tpu.memory_space<hbm>>
      %dma_wait3A_126 = arith.constant 0 : i32
      %dma_wait3A_127 = tpu.memref_slice %arg4[%add3A_111, %dma_wait3A_126] : memref<2560x128xi32, #tpu.memory_space<hbm>> -> memref<40x128xi32, #tpu.memory_space<hbm>>
      tpu.wait_dma2 semaphore(%arg14 : memref<!tpu.dma_semaphore, #tpu.memory_space<semaphore_mem>>) src(%dma_wait3A_127 : memref<40x128xi32, #tpu.memory_space<hbm>>) dst(%arg10 : memref<40x128xi32, #tpu.memory_space<vmem>>)
      %dma_start3A_128 = arith.constant 0 : i32
      %dma_start3A_129 = arith.constant 0 : i32
      %dma_start3A_130 = tpu.memref_slice %arg9[%dma_start3A_128, %dma_start3A_129] : memref<40x128xi32, #tpu.memory_space<vmem>> -> memref<1x128xi32, #tpu.memory_space<vmem>>
      %dma_start3A_131 = tpu.memref_squeeze %dma_start3A_130 : memref<1x128xi32, #tpu.memory_space<vmem>> -> memref<128xi32, #tpu.memory_space<vmem>>
      %dma_start3A_132 = arith.constant 0 : i32
      %dma_start3A_133 = arith.constant 0 : i32
      %dma_start3A_134 = tpu.memref_slice %arg2[%dma_start3A_132, %dma_start3A_133] : memref<10240x128xf32, #tpu.memory_space<hbm>> -> memref<10240x128xf32, #tpu.memory_space<hbm>>
      tpu.enqueue_indirect_dma source(%dma_start3A_134 : memref<10240x128xf32, #tpu.memory_space<hbm>>) target(%arg11 : memref<128x128xf32, #tpu.memory_space<vmem>>) offsets(%dma_start3A_131 : memref<128xi32, #tpu.memory_space<vmem>>) semaphore(%arg15 : memref<!tpu.dma_semaphore, #tpu.memory_space<semaphore_mem>>)
      %dma_start3A_135 = arith.constant 1 : i32
      %dma_start3A_136 = arith.constant 0 : i32
      %dma_start3A_137 = tpu.memref_slice %arg9[%dma_start3A_135, %dma_start3A_136] : memref<40x128xi32, #tpu.memory_space<vmem>> -> memref<1x128xi32, #tpu.memory_space<vmem>>
      %dma_start3A_138 = tpu.memref_squeeze %dma_start3A_137 : memref<1x128xi32, #tpu.memory_space<vmem>> -> memref<128xi32, #tpu.memory_space<vmem>>
      %dma_start3A_139 = arith.constant 0 : i32
      %dma_start3A_140 = arith.constant 0 : i32
      %dma_start3A_141 = tpu.memref_slice %arg2[%dma_start3A_139, %dma_start3A_140] : memref<10240x128xf32, #tpu.memory_space<hbm>> -> memref<10240x128xf32, #tpu.memory_space<hbm>>
      tpu.enqueue_indirect_dma source(%dma_start3A_141 : memref<10240x128xf32, #tpu.memory_space<hbm>>) target(%arg12 : memref<128x128xf32, #tpu.memory_space<vmem>>) offsets(%dma_start3A_138 : memref<128xi32, #tpu.memory_space<vmem>>) semaphore(%arg16 : memref<!tpu.dma_semaphore, #tpu.memory_space<semaphore_mem>>)
      %scan3A_142 = arith.constant 0 : i32
      %scan3A_143 = arith.constant 0 : i32
      %scan3A_144 = arith.constant 19 : i32
      %scan3A_145 = arith.addi %scan3A_143, %scan3A_144 : i32
      %scan3A_146 = arith.constant 1 : i32
      scf.for %scan3A_190 = %scan3A_143 to %scan3A_145 step %scan3A_146  : i32 {
        %mul3A_191 = arith.constant 2 : i32
        %mul3A_192 = arith.muli %mul3A_191, %scan3A_190 : i32
        %add3A_193 = arith.constant 1 : i32
        %add3A_194 = arith.addi %mul3A_192, %add3A_193 : i32
        %dma_wait3A_195 = arith.constant 0 : i32
        %dma_wait3A_196 = tpu.memref_slice %arg9[%mul3A_192, %dma_wait3A_195] : memref<40x128xi32, #tpu.memory_space<vmem>> -> memref<1x128xi32, #tpu.memory_space<vmem>>
        %dma_wait3A_197 = tpu.memref_squeeze %dma_wait3A_196 : memref<1x128xi32, #tpu.memory_space<vmem>> -> memref<128xi32, #tpu.memory_space<vmem>>
        %dma_wait3A_198 = arith.constant 0 : i32
        %dma_wait3A_199 = arith.constant 0 : i32
        %dma_wait3A_200 = tpu.memref_slice %arg2[%dma_wait3A_198, %dma_wait3A_199] : memref<10240x128xf32, #tpu.memory_space<hbm>> -> memref<10240x128xf32, #tpu.memory_space<hbm>>
        tpu.wait_indirect_dma semaphore(%arg15 : memref<!tpu.dma_semaphore, #tpu.memory_space<semaphore_mem>>) src(%dma_wait3A_200 : memref<10240x128xf32, #tpu.memory_space<hbm>>) dst(%arg11 : memref<128x128xf32, #tpu.memory_space<vmem>>)
        %dma_start3A_201 = arith.constant 0 : i32
        %dma_start3A_202 = tpu.memref_slice %arg10[%mul3A_192, %dma_start3A_201] : memref<40x128xi32, #tpu.memory_space<vmem>> -> memref<1x128xi32, #tpu.memory_space<vmem>>
        %dma_start3A_203 = tpu.memref_squeeze %dma_start3A_202 : memref<1x128xi32, #tpu.memory_space<vmem>> -> memref<128xi32, #tpu.memory_space<vmem>>
        %dma_start3A_204 = arith.constant 0 : i32
        %dma_start3A_205 = arith.constant 0 : i32
        %dma_start3A_206 = tpu.memref_slice %arg8[%dma_start3A_204, %dma_start3A_205] : memref<10240x128xf32, #tpu.memory_space<vmem_shared>> -> memref<10240x128xf32, #tpu.memory_space<vmem_shared>>
        tpu.enqueue_indirect_dma source(%arg11 : memref<128x128xf32, #tpu.memory_space<vmem>>) target(%dma_start3A_206 : memref<10240x128xf32, #tpu.memory_space<vmem_shared>>) offsets(%dma_start3A_203 : memref<128xi32, #tpu.memory_space<vmem>>) semaphore(%arg17 : memref<!tpu.dma_semaphore, #tpu.memory_space<semaphore_mem>>) {add = true}
        %dma_wait3A_207 = arith.constant 0 : i32
        %dma_wait3A_208 = tpu.memref_slice %arg9[%add3A_194, %dma_wait3A_207] : memref<40x128xi32, #tpu.memory_space<vmem>> -> memref<1x128xi32, #tpu.memory_space<vmem>>
        %dma_wait3A_209 = tpu.memref_squeeze %dma_wait3A_208 : memref<1x128xi32, #tpu.memory_space<vmem>> -> memref<128xi32, #tpu.memory_space<vmem>>
        %dma_wait3A_210 = arith.constant 0 : i32
        %dma_wait3A_211 = arith.constant 0 : i32
        %dma_wait3A_212 = tpu.memref_slice %arg2[%dma_wait3A_210, %dma_wait3A_211] : memref<10240x128xf32, #tpu.memory_space<hbm>> -> memref<10240x128xf32, #tpu.memory_space<hbm>>
        tpu.wait_indirect_dma semaphore(%arg16 : memref<!tpu.dma_semaphore, #tpu.memory_space<semaphore_mem>>) src(%dma_wait3A_212 : memref<10240x128xf32, #tpu.memory_space<hbm>>) dst(%arg12 : memref<128x128xf32, #tpu.memory_space<vmem>>)
        %dma_start3A_213 = arith.constant 0 : i32
        %dma_start3A_214 = tpu.memref_slice %arg10[%add3A_194, %dma_start3A_213] : memref<40x128xi32, #tpu.memory_space<vmem>> -> memref<1x128xi32, #tpu.memory_space<vmem>>
        %dma_start3A_215 = tpu.memref_squeeze %dma_start3A_214 : memref<1x128xi32, #tpu.memory_space<vmem>> -> memref<128xi32, #tpu.memory_space<vmem>>
        %dma_start3A_216 = arith.constant 0 : i32
        %dma_start3A_217 = arith.constant 0 : i32
        %dma_start3A_218 = tpu.memref_slice %arg8[%dma_start3A_216, %dma_start3A_217] : memref<10240x128xf32, #tpu.memory_space<vmem_shared>> -> memref<10240x128xf32, #tpu.memory_space<vmem_shared>>
        tpu.enqueue_indirect_dma source(%arg12 : memref<128x128xf32, #tpu.memory_space<vmem>>) target(%dma_start3A_218 : memref<10240x128xf32, #tpu.memory_space<vmem_shared>>) offsets(%dma_start3A_215 : memref<128xi32, #tpu.memory_space<vmem>>) semaphore(%arg18 : memref<!tpu.dma_semaphore, #tpu.memory_space<semaphore_mem>>) {add = true}
        %dma_wait3A_219 = arith.constant 0 : i32
        %dma_wait3A_220 = tpu.memref_slice %arg10[%mul3A_192, %dma_wait3A_219] : memref<40x128xi32, #tpu.memory_space<vmem>> -> memref<1x128xi32, #tpu.memory_space<vmem>>
        %dma_wait3A_221 = tpu.memref_squeeze %dma_wait3A_220 : memref<1x128xi32, #tpu.memory_space<vmem>> -> memref<128xi32, #tpu.memory_space<vmem>>
        %dma_wait3A_222 = arith.constant 0 : i32
        %dma_wait3A_223 = arith.constant 0 : i32
        %dma_wait3A_224 = tpu.memref_slice %arg8[%dma_wait3A_222, %dma_wait3A_223] : memref<10240x128xf32, #tpu.memory_space<vmem_shared>> -> memref<10240x128xf32, #tpu.memory_space<vmem_shared>>
        tpu.wait_indirect_dma semaphore(%arg17 : memref<!tpu.dma_semaphore, #tpu.memory_space<semaphore_mem>>) src(%arg11 : memref<128x128xf32, #tpu.memory_space<vmem>>) dst(%dma_wait3A_224 : memref<10240x128xf32, #tpu.memory_space<vmem_shared>>)
        %add3A_225 = arith.constant 2 : i32
        %add3A_226 = arith.addi %mul3A_192, %add3A_225 : i32
        %dma_start3A_227 = arith.constant 0 : i32
        %dma_start3A_228 = tpu.memref_slice %arg9[%add3A_226, %dma_start3A_227] : memref<40x128xi32, #tpu.memory_space<vmem>> -> memref<1x128xi32, #tpu.memory_space<vmem>>
        %dma_start3A_229 = tpu.memref_squeeze %dma_start3A_228 : memref<1x128xi32, #tpu.memory_space<vmem>> -> memref<128xi32, #tpu.memory_space<vmem>>
        %dma_start3A_230 = arith.constant 0 : i32
        %dma_start3A_231 = arith.constant 0 : i32
        %dma_start3A_232 = tpu.memref_slice %arg2[%dma_start3A_230, %dma_start3A_231] : memref<10240x128xf32, #tpu.memory_space<hbm>> -> memref<10240x128xf32, #tpu.memory_space<hbm>>
        tpu.enqueue_indirect_dma source(%dma_start3A_232 : memref<10240x128xf32, #tpu.memory_space<hbm>>) target(%arg11 : memref<128x128xf32, #tpu.memory_space<vmem>>) offsets(%dma_start3A_229 : memref<128xi32, #tpu.memory_space<vmem>>) semaphore(%arg15 : memref<!tpu.dma_semaphore, #tpu.memory_space<semaphore_mem>>)
        %dma_wait3A_233 = arith.constant 0 : i32
        %dma_wait3A_234 = tpu.memref_slice %arg10[%add3A_194, %dma_wait3A_233] : memref<40x128xi32, #tpu.memory_space<vmem>> -> memref<1x128xi32, #tpu.memory_space<vmem>>
        %dma_wait3A_235 = tpu.memref_squeeze %dma_wait3A_234 : memref<1x128xi32, #tpu.memory_space<vmem>> -> memref<128xi32, #tpu.memory_space<vmem>>
        %dma_wait3A_236 = arith.constant 0 : i32
        %dma_wait3A_237 = arith.constant 0 : i32
        %dma_wait3A_238 = tpu.memref_slice %arg8[%dma_wait3A_236, %dma_wait3A_237] : memref<10240x128xf32, #tpu.memory_space<vmem_shared>> -> memref<10240x128xf32, #tpu.memory_space<vmem_shared>>
        tpu.wait_indirect_dma semaphore(%arg18 : memref<!tpu.dma_semaphore, #tpu.memory_space<semaphore_mem>>) src(%arg12 : memref<128x128xf32, #tpu.memory_space<vmem>>) dst(%dma_wait3A_238 : memref<10240x128xf32, #tpu.memory_space<vmem_shared>>)
        %add3A_239 = arith.constant 2 : i32
        %add3A_240 = arith.addi %add3A_194, %add3A_239 : i32
        %dma_start3A_241 = arith.constant 0 : i32
        %dma_start3A_242 = tpu.memref_slice %arg9[%add3A_240, %dma_start3A_241] : memref<40x128xi32, #tpu.memory_space<vmem>> -> memref<1x128xi32, #tpu.memory_space<vmem>>
        %dma_start3A_243 = tpu.memref_squeeze %dma_start3A_242 : memref<1x128xi32, #tpu.memory_space<vmem>> -> memref<128xi32, #tpu.memory_space<vmem>>
        %dma_start3A_244 = arith.constant 0 : i32
        %dma_start3A_245 = arith.constant 0 : i32
        %dma_start3A_246 = tpu.memref_slice %arg2[%dma_start3A_244, %dma_start3A_245] : memref<10240x128xf32, #tpu.memory_space<hbm>> -> memref<10240x128xf32, #tpu.memory_space<hbm>>
        tpu.enqueue_indirect_dma source(%dma_start3A_246 : memref<10240x128xf32, #tpu.memory_space<hbm>>) target(%arg12 : memref<128x128xf32, #tpu.memory_space<vmem>>) offsets(%dma_start3A_243 : memref<128xi32, #tpu.memory_space<vmem>>) semaphore(%arg16 : memref<!tpu.dma_semaphore, #tpu.memory_space<semaphore_mem>>)
      }
      %scan3A_147 = arith.constant 19 : i32
      %dma_wait3A_148 = arith.constant 38 : i32
      %dma_wait3A_149 = arith.constant 0 : i32
      %dma_wait3A_150 = tpu.memref_slice %arg9[%dma_wait3A_148, %dma_wait3A_149] : memref<40x128xi32, #tpu.memory_space<vmem>> -> memref<1x128xi32, #tpu.memory_space<vmem>>
      %dma_wait3A_151 = tpu.memref_squeeze %dma_wait3A_150 : memref<1x128xi32, #tpu.memory_space<vmem>> -> memref<128xi32, #tpu.memory_space<vmem>>
      %dma_wait3A_152 = arith.constant 0 : i32
      %dma_wait3A_153 = arith.constant 0 : i32
      %dma_wait3A_154 = tpu.memref_slice %arg2[%dma_wait3A_152, %dma_wait3A_153] : memref<10240x128xf32, #tpu.memory_space<hbm>> -> memref<10240x128xf32, #tpu.memory_space<hbm>>
      tpu.wait_indirect_dma semaphore(%arg15 : memref<!tpu.dma_semaphore, #tpu.memory_space<semaphore_mem>>) src(%dma_wait3A_154 : memref<10240x128xf32, #tpu.memory_space<hbm>>) dst(%arg11 : memref<128x128xf32, #tpu.memory_space<vmem>>)
      %dma_start3A_155 = arith.constant 38 : i32
      %dma_start3A_156 = arith.constant 0 : i32
      %dma_start3A_157 = tpu.memref_slice %arg10[%dma_start3A_155, %dma_start3A_156] : memref<40x128xi32, #tpu.memory_space<vmem>> -> memref<1x128xi32, #tpu.memory_space<vmem>>
      %dma_start3A_158 = tpu.memref_squeeze %dma_start3A_157 : memref<1x128xi32, #tpu.memory_space<vmem>> -> memref<128xi32, #tpu.memory_space<vmem>>
      %dma_start3A_159 = arith.constant 0 : i32
      %dma_start3A_160 = arith.constant 0 : i32
      %dma_start3A_161 = tpu.memref_slice %arg8[%dma_start3A_159, %dma_start3A_160] : memref<10240x128xf32, #tpu.memory_space<vmem_shared>> -> memref<10240x128xf32, #tpu.memory_space<vmem_shared>>
      tpu.enqueue_indirect_dma source(%arg11 : memref<128x128xf32, #tpu.memory_space<vmem>>) target(%dma_start3A_161 : memref<10240x128xf32, #tpu.memory_space<vmem_shared>>) offsets(%dma_start3A_158 : memref<128xi32, #tpu.memory_space<vmem>>) semaphore(%arg17 : memref<!tpu.dma_semaphore, #tpu.memory_space<semaphore_mem>>) {add = true}
      %dma_wait3A_162 = arith.constant 39 : i32
      %dma_wait3A_163 = arith.constant 0 : i32
      %dma_wait3A_164 = tpu.memref_slice %arg9[%dma_wait3A_162, %dma_wait3A_163] : memref<40x128xi32, #tpu.memory_space<vmem>> -> memref<1x128xi32, #tpu.memory_space<vmem>>
      %dma_wait3A_165 = tpu.memref_squeeze %dma_wait3A_164 : memref<1x128xi32, #tpu.memory_space<vmem>> -> memref<128xi32, #tpu.memory_space<vmem>>
      %dma_wait3A_166 = arith.constant 0 : i32
      %dma_wait3A_167 = arith.constant 0 : i32
      %dma_wait3A_168 = tpu.memref_slice %arg2[%dma_wait3A_166, %dma_wait3A_167] : memref<10240x128xf32, #tpu.memory_space<hbm>> -> memref<10240x128xf32, #tpu.memory_space<hbm>>
      tpu.wait_indirect_dma semaphore(%arg16 : memref<!tpu.dma_semaphore, #tpu.memory_space<semaphore_mem>>) src(%dma_wait3A_168 : memref<10240x128xf32, #tpu.memory_space<hbm>>) dst(%arg12 : memref<128x128xf32, #tpu.memory_space<vmem>>)
      %dma_start3A_169 = arith.constant 39 : i32
      %dma_start3A_170 = arith.constant 0 : i32
      %dma_start3A_171 = tpu.memref_slice %arg10[%dma_start3A_169, %dma_start3A_170] : memref<40x128xi32, #tpu.memory_space<vmem>> -> memref<1x128xi32, #tpu.memory_space<vmem>>
      %dma_start3A_172 = tpu.memref_squeeze %dma_start3A_171 : memref<1x128xi32, #tpu.memory_space<vmem>> -> memref<128xi32, #tpu.memory_space<vmem>>
      %dma_start3A_173 = arith.constant 0 : i32
      %dma_start3A_174 = arith.constant 0 : i32
      %dma_start3A_175 = tpu.memref_slice %arg8[%dma_start3A_173, %dma_start3A_174] : memref<10240x128xf32, #tpu.memory_space<vmem_shared>> -> memref<10240x128xf32, #tpu.memory_space<vmem_shared>>
      tpu.enqueue_indirect_dma source(%arg12 : memref<128x128xf32, #tpu.memory_space<vmem>>) target(%dma_start3A_175 : memref<10240x128xf32, #tpu.memory_space<vmem_shared>>) offsets(%dma_start3A_172 : memref<128xi32, #tpu.memory_space<vmem>>) semaphore(%arg18 : memref<!tpu.dma_semaphore, #tpu.memory_space<semaphore_mem>>) {add = true}
      %dma_wait3A_176 = arith.constant 38 : i32
      %dma_wait3A_177 = arith.constant 0 : i32
      %dma_wait3A_178 = tpu.memref_slice %arg10[%dma_wait3A_176, %dma_wait3A_177] : memref<40x128xi32, #tpu.memory_space<vmem>> -> memref<1x128xi32, #tpu.memory_space<vmem>>
      %dma_wait3A_179 = tpu.memref_squeeze %dma_wait3A_178 : memref<1x128xi32, #tpu.memory_space<vmem>> -> memref<128xi32, #tpu.memory_space<vmem>>
      %dma_wait3A_180 = arith.constant 0 : i32
      %dma_wait3A_181 = arith.constant 0 : i32
      %dma_wait3A_182 = tpu.memref_slice %arg8[%dma_wait3A_180, %dma_wait3A_181] : memref<10240x128xf32, #tpu.memory_space<vmem_shared>> -> memref<10240x128xf32, #tpu.memory_space<vmem_shared>>
      tpu.wait_indirect_dma semaphore(%arg17 : memref<!tpu.dma_semaphore, #tpu.memory_space<semaphore_mem>>) src(%arg11 : memref<128x128xf32, #tpu.memory_space<vmem>>) dst(%dma_wait3A_182 : memref<10240x128xf32, #tpu.memory_space<vmem_shared>>)
      %dma_wait3A_183 = arith.constant 39 : i32
      %dma_wait3A_184 = arith.constant 0 : i32
      %dma_wait3A_185 = tpu.memref_slice %arg10[%dma_wait3A_183, %dma_wait3A_184] : memref<40x128xi32, #tpu.memory_space<vmem>> -> memref<1x128xi32, #tpu.memory_space<vmem>>
      %dma_wait3A_186 = tpu.memref_squeeze %dma_wait3A_185 : memref<1x128xi32, #tpu.memory_space<vmem>> -> memref<128xi32, #tpu.memory_space<vmem>>
      %dma_wait3A_187 = arith.constant 0 : i32
      %dma_wait3A_188 = arith.constant 0 : i32
      %dma_wait3A_189 = tpu.memref_slice %arg8[%dma_wait3A_187, %dma_wait3A_188] : memref<10240x128xf32, #tpu.memory_space<vmem_shared>> -> memref<10240x128xf32, #tpu.memory_space<vmem_shared>>
      tpu.wait_indirect_dma semaphore(%arg18 : memref<!tpu.dma_semaphore, #tpu.memory_space<semaphore_mem>>) src(%arg12 : memref<128x128xf32, #tpu.memory_space<vmem>>) dst(%dma_wait3A_189 : memref<10240x128xf32, #tpu.memory_space<vmem_shared>>)
    } else {
    }
    %barrier3A_9 = arith.constant 0 : index
    tpu.barrier barrier_id(%barrier3A_9)
    %eq3A_10 = arith.constant 0 : i32
    %eq3A_11 = arith.cmpi eq, %arg0, %eq3A_10 : i32
    %convert_element_type3A_12 = arith.extui %eq3A_11 : i1 to i32
    %cond3A_13 = arith.constant 0 : i32
    %cond3A_14 = arith.cmpi ne, %convert_element_type3A_12, %cond3A_13 : i32
    scf.if %cond3A_14 {
      "tpu.region"() ({
        %run_scoped3A = tpu.sem_alloc : memref<!tpu.dma_semaphore, #tpu.memory_space<semaphore_mem>>
        %dma_start3A_20 = arith.constant 0 : i32
        %dma_start3A_21 = tpu.memref_slice %arg6[%mul3A_0, %dma_start3A_20] : memref<10240x128xf32, #tpu.memory_space<hbm>> -> memref<640x128xf32, #tpu.memory_space<hbm>>
        %dma_start3A_22 = arith.constant 0 : i32
        %dma_start3A_23 = tpu.memref_slice %arg8[%mul3A_0, %dma_start3A_22] : memref<10240x128xf32, #tpu.memory_space<vmem_shared>> -> memref<640x128xf32, #tpu.memory_space<vmem_shared>>
        tpu.enqueue_dma source(%dma_start3A_23 : memref<640x128xf32, #tpu.memory_space<vmem_shared>>) target(%dma_start3A_21 : memref<640x128xf32, #tpu.memory_space<hbm>>) target_semaphore(%run_scoped3A : memref<!tpu.dma_semaphore, #tpu.memory_space<semaphore_mem>>)
        %dma_wait3A_24 = arith.constant 0 : i32
        %dma_wait3A_25 = tpu.memref_slice %arg6[%mul3A_0, %dma_wait3A_24] : memref<10240x128xf32, #tpu.memory_space<hbm>> -> memref<640x128xf32, #tpu.memory_space<hbm>>
        %dma_wait3A_26 = arith.constant 0 : i32
        %dma_wait3A_27 = tpu.memref_slice %arg8[%mul3A_0, %dma_wait3A_26] : memref<10240x128xf32, #tpu.memory_space<vmem_shared>> -> memref<640x128xf32, #tpu.memory_space<vmem_shared>>
        tpu.wait_dma2 semaphore(%run_scoped3A : memref<!tpu.dma_semaphore, #tpu.memory_space<semaphore_mem>>) src(%dma_wait3A_27 : memref<640x128xf32, #tpu.memory_space<vmem_shared>>) dst(%dma_wait3A_25 : memref<640x128xf32, #tpu.memory_space<hbm>>)
        tpu.yield
      }) : () -> ()
    } else {
    }
    %eq3A_15 = arith.constant 1 : i32
    %eq3A_16 = arith.cmpi eq, %arg0, %eq3A_15 : i32
    %convert_element_type3A_17 = arith.extui %eq3A_16 : i1 to i32
    %cond3A_18 = arith.constant 0 : i32
    %cond3A_19 = arith.cmpi ne, %convert_element_type3A_17, %cond3A_18 : i32
    scf.if %cond3A_19 {
      "tpu.region"() ({
        %run_scoped3A = tpu.sem_alloc : memref<!tpu.dma_semaphore, #tpu.memory_space<semaphore_mem>>
        %dma_start3A_20 = arith.constant 0 : i32
        %dma_start3A_21 = tpu.memref_slice %arg7[%mul3A_0, %dma_start3A_20] : memref<10240x128xf32, #tpu.memory_space<hbm>> -> memref<640x128xf32, #tpu.memory_space<hbm>>
        %dma_start3A_22 = arith.constant 0 : i32
        %dma_start3A_23 = tpu.memref_slice %arg8[%mul3A_0, %dma_start3A_22] : memref<10240x128xf32, #tpu.memory_space<vmem_shared>> -> memref<640x128xf32, #tpu.memory_space<vmem_shared>>
        tpu.enqueue_dma source(%dma_start3A_23 : memref<640x128xf32, #tpu.memory_space<vmem_shared>>) target(%dma_start3A_21 : memref<640x128xf32, #tpu.memory_space<hbm>>) target_semaphore(%run_scoped3A : memref<!tpu.dma_semaphore, #tpu.memory_space<semaphore_mem>>)
        %dma_wait3A_24 = arith.constant 0 : i32
        %dma_wait3A_25 = tpu.memref_slice %arg7[%mul3A_0, %dma_wait3A_24] : memref<10240x128xf32, #tpu.memory_space<hbm>> -> memref<640x128xf32, #tpu.memory_space<hbm>>
        %dma_wait3A_26 = arith.constant 0 : i32
        %dma_wait3A_27 = tpu.memref_slice %arg8[%mul3A_0, %dma_wait3A_26] : memref<10240x128xf32, #tpu.memory_space<vmem_shared>> -> memref<640x128xf32, #tpu.memory_space<vmem_shared>>
        tpu.wait_dma2 semaphore(%run_scoped3A : memref<!tpu.dma_semaphore, #tpu.memory_space<semaphore_mem>>) src(%dma_wait3A_27 : memref<640x128xf32, #tpu.memory_space<vmem_shared>>) dst(%dma_wait3A_25 : memref<640x128xf32, #tpu.memory_space<hbm>>)
        tpu.yield
      }) : () -> ()
    } else {
    }
    return
  }
}

#map = affine_map<(d0, d1) -> (0, 0)>
module attributes {stable_mosaic.version = 14 : i64} {
  func.func @_sc_agg_body(%arg0: i32, %arg1: i32, %arg2: memref<10240x128xf32, #tpu.memory_space<hbm>>, %arg3: memref<2560x128xi32, #tpu.memory_space<hbm>>, %arg4: memref<2560x128xi32, #tpu.memory_space<hbm>>, %arg5: memref<640x128xf32, #tpu.memory_space<hbm>>, %arg6: memref<10240x128xf32, #tpu.memory_space<hbm>>, %arg7: memref<10240x128xf32, #tpu.memory_space<hbm>>, %arg8: memref<10240x128xf32, #tpu.memory_space<vmem_shared>>, %arg9: memref<40x128xi32, #tpu.memory_space<vmem>>, %arg10: memref<40x128xi32, #tpu.memory_space<vmem>>, %arg11: memref<128x128xf32, #tpu.memory_space<vmem>>, %arg12: memref<128x128xf32, #tpu.memory_space<vmem>>, %arg13: memref<!tpu.dma_semaphore, #tpu.memory_space<semaphore_mem>>, %arg14: memref<!tpu.dma_semaphore, #tpu.memory_space<semaphore_mem>>, %arg15: memref<!tpu.dma_semaphore, #tpu.memory_space<semaphore_mem>>, %arg16: memref<!tpu.dma_semaphore, #tpu.memory_space<semaphore_mem>>, %arg17: memref<!tpu.dma_semaphore, #tpu.memory_space<semaphore_mem>>, %arg18: memref<!tpu.dma_semaphore, #tpu.memory_space<semaphore_mem>>) attributes {dimension_semantics = [#tpu.dimension_semantics<core_parallel>, #tpu.dimension_semantics<subcore_parallel>], iteration_bounds = array<i64: 2, 16>, scalar_prefetch = 0 : i64, scratch_operands = 11 : i64, tpu.core_type = #tpu.core_type<sc_vector_subcore>, window_params = [{transform_indices = #map}, {transform_indices = #map}, {transform_indices = #map}, {transform_indices = #map}, {transform_indices = #map}, {transform_indices = #map}]} {
    %mul3A = arith.constant 640 : i32
    %mul3A_0 = arith.muli %arg1, %mul3A : i32
    %dma_start3A = arith.constant 0 : i32
    %dma_start3A_1 = tpu.memref_slice %arg8[%mul3A_0, %dma_start3A] : memref<10240x128xf32, #tpu.memory_space<vmem_shared>> -> memref<640x128xf32, #tpu.memory_space<vmem_shared>>
    tpu.enqueue_dma source(%arg5 : memref<640x128xf32, #tpu.memory_space<hbm>>) target(%dma_start3A_1 : memref<640x128xf32, #tpu.memory_space<vmem_shared>>) target_semaphore(%arg13 : memref<!tpu.dma_semaphore, #tpu.memory_space<semaphore_mem>>)
    %dma_wait3A = arith.constant 0 : i32
    %dma_wait3A_2 = tpu.memref_slice %arg8[%mul3A_0, %dma_wait3A] : memref<10240x128xf32, #tpu.memory_space<vmem_shared>> -> memref<640x128xf32, #tpu.memory_space<vmem_shared>>
    tpu.wait_dma2 semaphore(%arg13 : memref<!tpu.dma_semaphore, #tpu.memory_space<semaphore_mem>>) src(%arg5 : memref<640x128xf32, #tpu.memory_space<hbm>>) dst(%dma_wait3A_2 : memref<640x128xf32, #tpu.memory_space<vmem_shared>>)
    %barrier3A = arith.constant 0 : index
    tpu.barrier barrier_id(%barrier3A)
    %eq3A = arith.constant 1 : i32
    %eq3A_3 = arith.cmpi eq, %arg0, %eq3A : i32
    %convert_element_type3A = arith.extui %eq3A_3 : i1 to i32
    %cond3A = arith.constant 0 : i32
    %cond3A_4 = arith.cmpi ne, %convert_element_type3A, %cond3A : i32
    scf.if %cond3A_4 {
      %mul3A_20 = arith.constant 2 : i32
      %mul3A_21 = arith.muli %arg1, %mul3A_20 : i32
      %add3A = arith.constant 0 : i32
      %add3A_22 = arith.addi %mul3A_21, %add3A : i32
      %mul3A_23 = arith.constant 40 : i32
      %mul3A_24 = arith.muli %add3A_22, %mul3A_23 : i32
      %dma_start3A_25 = arith.constant 0 : i32
      %dma_start3A_26 = tpu.memref_slice %arg3[%mul3A_24, %dma_start3A_25] : memref<2560x128xi32, #tpu.memory_space<hbm>> -> memref<40x128xi32, #tpu.memory_space<hbm>>
      %dma_start3A_27 = arith.constant 0 : i32
      %dma_start3A_28 = tpu.memref_slice %arg3[%mul3A_24, %dma_start3A_27] : memref<2560x128xi32, #tpu.memory_space<hbm>> -> memref<40x128xi32, #tpu.memory_space<hbm>>
      tpu.enqueue_dma source(%dma_start3A_28 : memref<40x128xi32, #tpu.memory_space<hbm>>) target(%arg9 : memref<40x128xi32, #tpu.memory_space<vmem>>) target_semaphore(%arg14 : memref<!tpu.dma_semaphore, #tpu.memory_space<semaphore_mem>>)
      %dma_start3A_29 = arith.constant 0 : i32
      %dma_start3A_30 = tpu.memref_slice %arg4[%mul3A_24, %dma_start3A_29] : memref<2560x128xi32, #tpu.memory_space<hbm>> -> memref<40x128xi32, #tpu.memory_space<hbm>>
      %dma_start3A_31 = arith.constant 0 : i32
      %dma_start3A_32 = tpu.memref_slice %arg4[%mul3A_24, %dma_start3A_31] : memref<2560x128xi32, #tpu.memory_space<hbm>> -> memref<40x128xi32, #tpu.memory_space<hbm>>
      tpu.enqueue_dma source(%dma_start3A_32 : memref<40x128xi32, #tpu.memory_space<hbm>>) target(%arg10 : memref<40x128xi32, #tpu.memory_space<vmem>>) target_semaphore(%arg14 : memref<!tpu.dma_semaphore, #tpu.memory_space<semaphore_mem>>)
      %dma_wait3A_33 = arith.constant 0 : i32
      %dma_wait3A_34 = tpu.memref_slice %arg3[%mul3A_24, %dma_wait3A_33] : memref<2560x128xi32, #tpu.memory_space<hbm>> -> memref<40x128xi32, #tpu.memory_space<hbm>>
      %dma_wait3A_35 = arith.constant 0 : i32
      %dma_wait3A_36 = tpu.memref_slice %arg3[%mul3A_24, %dma_wait3A_35] : memref<2560x128xi32, #tpu.memory_space<hbm>> -> memref<40x128xi32, #tpu.memory_space<hbm>>
      tpu.wait_dma2 semaphore(%arg14 : memref<!tpu.dma_semaphore, #tpu.memory_space<semaphore_mem>>) src(%dma_wait3A_36 : memref<40x128xi32, #tpu.memory_space<hbm>>) dst(%arg9 : memref<40x128xi32, #tpu.memory_space<vmem>>)
      %dma_wait3A_37 = arith.constant 0 : i32
      %dma_wait3A_38 = tpu.memref_slice %arg4[%mul3A_24, %dma_wait3A_37] : memref<2560x128xi32, #tpu.memory_space<hbm>> -> memref<40x128xi32, #tpu.memory_space<hbm>>
      %dma_wait3A_39 = arith.constant 0 : i32
      %dma_wait3A_40 = tpu.memref_slice %arg4[%mul3A_24, %dma_wait3A_39] : memref<2560x128xi32, #tpu.memory_space<hbm>> -> memref<40x128xi32, #tpu.memory_space<hbm>>
      tpu.wait_dma2 semaphore(%arg14 : memref<!tpu.dma_semaphore, #tpu.memory_space<semaphore_mem>>) src(%dma_wait3A_40 : memref<40x128xi32, #tpu.memory_space<hbm>>) dst(%arg10 : memref<40x128xi32, #tpu.memory_space<vmem>>)
      %dma_start3A_41 = arith.constant 0 : i32
      %dma_start3A_42 = arith.constant 0 : i32
      %dma_start3A_43 = tpu.memref_slice %arg9[%dma_start3A_41, %dma_start3A_42] : memref<40x128xi32, #tpu.memory_space<vmem>> -> memref<1x128xi32, #tpu.memory_space<vmem>>
      %dma_start3A_44 = tpu.memref_squeeze %dma_start3A_43 : memref<1x128xi32, #tpu.memory_space<vmem>> -> memref<128xi32, #tpu.memory_space<vmem>>
      %dma_start3A_45 = arith.constant 0 : i32
      %dma_start3A_46 = arith.constant 0 : i32
      %dma_start3A_47 = tpu.memref_slice %arg2[%dma_start3A_45, %dma_start3A_46] : memref<10240x128xf32, #tpu.memory_space<hbm>> -> memref<10240x128xf32, #tpu.memory_space<hbm>>
      tpu.enqueue_indirect_dma source(%dma_start3A_47 : memref<10240x128xf32, #tpu.memory_space<hbm>>) target(%arg11 : memref<128x128xf32, #tpu.memory_space<vmem>>) offsets(%dma_start3A_44 : memref<128xi32, #tpu.memory_space<vmem>>) semaphore(%arg15 : memref<!tpu.dma_semaphore, #tpu.memory_space<semaphore_mem>>)
      %dma_start3A_48 = arith.constant 1 : i32
      %dma_start3A_49 = arith.constant 0 : i32
      %dma_start3A_50 = tpu.memref_slice %arg9[%dma_start3A_48, %dma_start3A_49] : memref<40x128xi32, #tpu.memory_space<vmem>> -> memref<1x128xi32, #tpu.memory_space<vmem>>
      %dma_start3A_51 = tpu.memref_squeeze %dma_start3A_50 : memref<1x128xi32, #tpu.memory_space<vmem>> -> memref<128xi32, #tpu.memory_space<vmem>>
      %dma_start3A_52 = arith.constant 0 : i32
      %dma_start3A_53 = arith.constant 0 : i32
      %dma_start3A_54 = tpu.memref_slice %arg2[%dma_start3A_52, %dma_start3A_53] : memref<10240x128xf32, #tpu.memory_space<hbm>> -> memref<10240x128xf32, #tpu.memory_space<hbm>>
      tpu.enqueue_indirect_dma source(%dma_start3A_54 : memref<10240x128xf32, #tpu.memory_space<hbm>>) target(%arg12 : memref<128x128xf32, #tpu.memory_space<vmem>>) offsets(%dma_start3A_51 : memref<128xi32, #tpu.memory_space<vmem>>) semaphore(%arg16 : memref<!tpu.dma_semaphore, #tpu.memory_space<semaphore_mem>>)
      %scan3A = arith.constant 0 : i32
      %scan3A_55 = arith.constant 0 : i32
      %scan3A_56 = arith.constant 19 : i32
      %scan3A_57 = arith.addi %scan3A_55, %scan3A_56 : i32
      %scan3A_58 = arith.constant 1 : i32
      scf.for %scan3A_186 = %scan3A_55 to %scan3A_57 step %scan3A_58  : i32 {
        %mul3A_187 = arith.constant 2 : i32
        %mul3A_188 = arith.muli %mul3A_187, %scan3A_186 : i32
        %add3A_189 = arith.constant 1 : i32
        %add3A_190 = arith.addi %mul3A_188, %add3A_189 : i32
        %dma_wait3A_191 = arith.constant 0 : i32
        %dma_wait3A_192 = tpu.memref_slice %arg9[%mul3A_188, %dma_wait3A_191] : memref<40x128xi32, #tpu.memory_space<vmem>> -> memref<1x128xi32, #tpu.memory_space<vmem>>
        %dma_wait3A_193 = tpu.memref_squeeze %dma_wait3A_192 : memref<1x128xi32, #tpu.memory_space<vmem>> -> memref<128xi32, #tpu.memory_space<vmem>>
        %dma_wait3A_194 = arith.constant 0 : i32
        %dma_wait3A_195 = arith.constant 0 : i32
        %dma_wait3A_196 = tpu.memref_slice %arg2[%dma_wait3A_194, %dma_wait3A_195] : memref<10240x128xf32, #tpu.memory_space<hbm>> -> memref<10240x128xf32, #tpu.memory_space<hbm>>
        tpu.wait_indirect_dma semaphore(%arg15 : memref<!tpu.dma_semaphore, #tpu.memory_space<semaphore_mem>>) src(%dma_wait3A_196 : memref<10240x128xf32, #tpu.memory_space<hbm>>) dst(%arg11 : memref<128x128xf32, #tpu.memory_space<vmem>>)
        %dma_start3A_197 = arith.constant 0 : i32
        %dma_start3A_198 = tpu.memref_slice %arg10[%mul3A_188, %dma_start3A_197] : memref<40x128xi32, #tpu.memory_space<vmem>> -> memref<1x128xi32, #tpu.memory_space<vmem>>
        %dma_start3A_199 = tpu.memref_squeeze %dma_start3A_198 : memref<1x128xi32, #tpu.memory_space<vmem>> -> memref<128xi32, #tpu.memory_space<vmem>>
        %dma_start3A_200 = arith.constant 0 : i32
        %dma_start3A_201 = arith.constant 0 : i32
        %dma_start3A_202 = tpu.memref_slice %arg8[%dma_start3A_200, %dma_start3A_201] : memref<10240x128xf32, #tpu.memory_space<vmem_shared>> -> memref<10240x128xf32, #tpu.memory_space<vmem_shared>>
        tpu.enqueue_indirect_dma source(%arg11 : memref<128x128xf32, #tpu.memory_space<vmem>>) target(%dma_start3A_202 : memref<10240x128xf32, #tpu.memory_space<vmem_shared>>) offsets(%dma_start3A_199 : memref<128xi32, #tpu.memory_space<vmem>>) semaphore(%arg17 : memref<!tpu.dma_semaphore, #tpu.memory_space<semaphore_mem>>) {add = true}
        %dma_wait3A_203 = arith.constant 0 : i32
        %dma_wait3A_204 = tpu.memref_slice %arg9[%add3A_190, %dma_wait3A_203] : memref<40x128xi32, #tpu.memory_space<vmem>> -> memref<1x128xi32, #tpu.memory_space<vmem>>
        %dma_wait3A_205 = tpu.memref_squeeze %dma_wait3A_204 : memref<1x128xi32, #tpu.memory_space<vmem>> -> memref<128xi32, #tpu.memory_space<vmem>>
        %dma_wait3A_206 = arith.constant 0 : i32
        %dma_wait3A_207 = arith.constant 0 : i32
        %dma_wait3A_208 = tpu.memref_slice %arg2[%dma_wait3A_206, %dma_wait3A_207] : memref<10240x128xf32, #tpu.memory_space<hbm>> -> memref<10240x128xf32, #tpu.memory_space<hbm>>
        tpu.wait_indirect_dma semaphore(%arg16 : memref<!tpu.dma_semaphore, #tpu.memory_space<semaphore_mem>>) src(%dma_wait3A_208 : memref<10240x128xf32, #tpu.memory_space<hbm>>) dst(%arg12 : memref<128x128xf32, #tpu.memory_space<vmem>>)
        %dma_start3A_209 = arith.constant 0 : i32
        %dma_start3A_210 = tpu.memref_slice %arg10[%add3A_190, %dma_start3A_209] : memref<40x128xi32, #tpu.memory_space<vmem>> -> memref<1x128xi32, #tpu.memory_space<vmem>>
        %dma_start3A_211 = tpu.memref_squeeze %dma_start3A_210 : memref<1x128xi32, #tpu.memory_space<vmem>> -> memref<128xi32, #tpu.memory_space<vmem>>
        %dma_start3A_212 = arith.constant 0 : i32
        %dma_start3A_213 = arith.constant 0 : i32
        %dma_start3A_214 = tpu.memref_slice %arg8[%dma_start3A_212, %dma_start3A_213] : memref<10240x128xf32, #tpu.memory_space<vmem_shared>> -> memref<10240x128xf32, #tpu.memory_space<vmem_shared>>
        tpu.enqueue_indirect_dma source(%arg12 : memref<128x128xf32, #tpu.memory_space<vmem>>) target(%dma_start3A_214 : memref<10240x128xf32, #tpu.memory_space<vmem_shared>>) offsets(%dma_start3A_211 : memref<128xi32, #tpu.memory_space<vmem>>) semaphore(%arg18 : memref<!tpu.dma_semaphore, #tpu.memory_space<semaphore_mem>>) {add = true}
        %dma_wait3A_215 = arith.constant 0 : i32
        %dma_wait3A_216 = tpu.memref_slice %arg10[%mul3A_188, %dma_wait3A_215] : memref<40x128xi32, #tpu.memory_space<vmem>> -> memref<1x128xi32, #tpu.memory_space<vmem>>
        %dma_wait3A_217 = tpu.memref_squeeze %dma_wait3A_216 : memref<1x128xi32, #tpu.memory_space<vmem>> -> memref<128xi32, #tpu.memory_space<vmem>>
        %dma_wait3A_218 = arith.constant 0 : i32
        %dma_wait3A_219 = arith.constant 0 : i32
        %dma_wait3A_220 = tpu.memref_slice %arg8[%dma_wait3A_218, %dma_wait3A_219] : memref<10240x128xf32, #tpu.memory_space<vmem_shared>> -> memref<10240x128xf32, #tpu.memory_space<vmem_shared>>
        tpu.wait_indirect_dma semaphore(%arg17 : memref<!tpu.dma_semaphore, #tpu.memory_space<semaphore_mem>>) src(%arg11 : memref<128x128xf32, #tpu.memory_space<vmem>>) dst(%dma_wait3A_220 : memref<10240x128xf32, #tpu.memory_space<vmem_shared>>)
        %add3A_221 = arith.constant 2 : i32
        %add3A_222 = arith.addi %mul3A_188, %add3A_221 : i32
        %dma_start3A_223 = arith.constant 0 : i32
        %dma_start3A_224 = tpu.memref_slice %arg9[%add3A_222, %dma_start3A_223] : memref<40x128xi32, #tpu.memory_space<vmem>> -> memref<1x128xi32, #tpu.memory_space<vmem>>
        %dma_start3A_225 = tpu.memref_squeeze %dma_start3A_224 : memref<1x128xi32, #tpu.memory_space<vmem>> -> memref<128xi32, #tpu.memory_space<vmem>>
        %dma_start3A_226 = arith.constant 0 : i32
        %dma_start3A_227 = arith.constant 0 : i32
        %dma_start3A_228 = tpu.memref_slice %arg2[%dma_start3A_226, %dma_start3A_227] : memref<10240x128xf32, #tpu.memory_space<hbm>> -> memref<10240x128xf32, #tpu.memory_space<hbm>>
        tpu.enqueue_indirect_dma source(%dma_start3A_228 : memref<10240x128xf32, #tpu.memory_space<hbm>>) target(%arg11 : memref<128x128xf32, #tpu.memory_space<vmem>>) offsets(%dma_start3A_225 : memref<128xi32, #tpu.memory_space<vmem>>) semaphore(%arg15 : memref<!tpu.dma_semaphore, #tpu.memory_space<semaphore_mem>>)
        %dma_wait3A_229 = arith.constant 0 : i32
        %dma_wait3A_230 = tpu.memref_slice %arg10[%add3A_190, %dma_wait3A_229] : memref<40x128xi32, #tpu.memory_space<vmem>> -> memref<1x128xi32, #tpu.memory_space<vmem>>
        %dma_wait3A_231 = tpu.memref_squeeze %dma_wait3A_230 : memref<1x128xi32, #tpu.memory_space<vmem>> -> memref<128xi32, #tpu.memory_space<vmem>>
        %dma_wait3A_232 = arith.constant 0 : i32
        %dma_wait3A_233 = arith.constant 0 : i32
        %dma_wait3A_234 = tpu.memref_slice %arg8[%dma_wait3A_232, %dma_wait3A_233] : memref<10240x128xf32, #tpu.memory_space<vmem_shared>> -> memref<10240x128xf32, #tpu.memory_space<vmem_shared>>
        tpu.wait_indirect_dma semaphore(%arg18 : memref<!tpu.dma_semaphore, #tpu.memory_space<semaphore_mem>>) src(%arg12 : memref<128x128xf32, #tpu.memory_space<vmem>>) dst(%dma_wait3A_234 : memref<10240x128xf32, #tpu.memory_space<vmem_shared>>)
        %add3A_235 = arith.constant 2 : i32
        %add3A_236 = arith.addi %add3A_190, %add3A_235 : i32
        %dma_start3A_237 = arith.constant 0 : i32
        %dma_start3A_238 = tpu.memref_slice %arg9[%add3A_236, %dma_start3A_237] : memref<40x128xi32, #tpu.memory_space<vmem>> -> memref<1x128xi32, #tpu.memory_space<vmem>>
        %dma_start3A_239 = tpu.memref_squeeze %dma_start3A_238 : memref<1x128xi32, #tpu.memory_space<vmem>> -> memref<128xi32, #tpu.memory_space<vmem>>
        %dma_start3A_240 = arith.constant 0 : i32
        %dma_start3A_241 = arith.constant 0 : i32
        %dma_start3A_242 = tpu.memref_slice %arg2[%dma_start3A_240, %dma_start3A_241] : memref<10240x128xf32, #tpu.memory_space<hbm>> -> memref<10240x128xf32, #tpu.memory_space<hbm>>
        tpu.enqueue_indirect_dma source(%dma_start3A_242 : memref<10240x128xf32, #tpu.memory_space<hbm>>) target(%arg12 : memref<128x128xf32, #tpu.memory_space<vmem>>) offsets(%dma_start3A_239 : memref<128xi32, #tpu.memory_space<vmem>>) semaphore(%arg16 : memref<!tpu.dma_semaphore, #tpu.memory_space<semaphore_mem>>)
      }
      %scan3A_59 = arith.constant 19 : i32
      %dma_wait3A_60 = arith.constant 38 : i32
      %dma_wait3A_61 = arith.constant 0 : i32
      %dma_wait3A_62 = tpu.memref_slice %arg9[%dma_wait3A_60, %dma_wait3A_61] : memref<40x128xi32, #tpu.memory_space<vmem>> -> memref<1x128xi32, #tpu.memory_space<vmem>>
      %dma_wait3A_63 = tpu.memref_squeeze %dma_wait3A_62 : memref<1x128xi32, #tpu.memory_space<vmem>> -> memref<128xi32, #tpu.memory_space<vmem>>
      %dma_wait3A_64 = arith.constant 0 : i32
      %dma_wait3A_65 = arith.constant 0 : i32
      %dma_wait3A_66 = tpu.memref_slice %arg2[%dma_wait3A_64, %dma_wait3A_65] : memref<10240x128xf32, #tpu.memory_space<hbm>> -> memref<10240x128xf32, #tpu.memory_space<hbm>>
      tpu.wait_indirect_dma semaphore(%arg15 : memref<!tpu.dma_semaphore, #tpu.memory_space<semaphore_mem>>) src(%dma_wait3A_66 : memref<10240x128xf32, #tpu.memory_space<hbm>>) dst(%arg11 : memref<128x128xf32, #tpu.memory_space<vmem>>)
      %dma_start3A_67 = arith.constant 38 : i32
      %dma_start3A_68 = arith.constant 0 : i32
      %dma_start3A_69 = tpu.memref_slice %arg10[%dma_start3A_67, %dma_start3A_68] : memref<40x128xi32, #tpu.memory_space<vmem>> -> memref<1x128xi32, #tpu.memory_space<vmem>>
      %dma_start3A_70 = tpu.memref_squeeze %dma_start3A_69 : memref<1x128xi32, #tpu.memory_space<vmem>> -> memref<128xi32, #tpu.memory_space<vmem>>
      %dma_start3A_71 = arith.constant 0 : i32
      %dma_start3A_72 = arith.constant 0 : i32
      %dma_start3A_73 = tpu.memref_slice %arg8[%dma_start3A_71, %dma_start3A_72] : memref<10240x128xf32, #tpu.memory_space<vmem_shared>> -> memref<10240x128xf32, #tpu.memory_space<vmem_shared>>
      tpu.enqueue_indirect_dma source(%arg11 : memref<128x128xf32, #tpu.memory_space<vmem>>) target(%dma_start3A_73 : memref<10240x128xf32, #tpu.memory_space<vmem_shared>>) offsets(%dma_start3A_70 : memref<128xi32, #tpu.memory_space<vmem>>) semaphore(%arg17 : memref<!tpu.dma_semaphore, #tpu.memory_space<semaphore_mem>>) {add = true}
      %dma_wait3A_74 = arith.constant 39 : i32
      %dma_wait3A_75 = arith.constant 0 : i32
      %dma_wait3A_76 = tpu.memref_slice %arg9[%dma_wait3A_74, %dma_wait3A_75] : memref<40x128xi32, #tpu.memory_space<vmem>> -> memref<1x128xi32, #tpu.memory_space<vmem>>
      %dma_wait3A_77 = tpu.memref_squeeze %dma_wait3A_76 : memref<1x128xi32, #tpu.memory_space<vmem>> -> memref<128xi32, #tpu.memory_space<vmem>>
      %dma_wait3A_78 = arith.constant 0 : i32
      %dma_wait3A_79 = arith.constant 0 : i32
      %dma_wait3A_80 = tpu.memref_slice %arg2[%dma_wait3A_78, %dma_wait3A_79] : memref<10240x128xf32, #tpu.memory_space<hbm>> -> memref<10240x128xf32, #tpu.memory_space<hbm>>
      tpu.wait_indirect_dma semaphore(%arg16 : memref<!tpu.dma_semaphore, #tpu.memory_space<semaphore_mem>>) src(%dma_wait3A_80 : memref<10240x128xf32, #tpu.memory_space<hbm>>) dst(%arg12 : memref<128x128xf32, #tpu.memory_space<vmem>>)
      %dma_start3A_81 = arith.constant 39 : i32
      %dma_start3A_82 = arith.constant 0 : i32
      %dma_start3A_83 = tpu.memref_slice %arg10[%dma_start3A_81, %dma_start3A_82] : memref<40x128xi32, #tpu.memory_space<vmem>> -> memref<1x128xi32, #tpu.memory_space<vmem>>
      %dma_start3A_84 = tpu.memref_squeeze %dma_start3A_83 : memref<1x128xi32, #tpu.memory_space<vmem>> -> memref<128xi32, #tpu.memory_space<vmem>>
      %dma_start3A_85 = arith.constant 0 : i32
      %dma_start3A_86 = arith.constant 0 : i32
      %dma_start3A_87 = tpu.memref_slice %arg8[%dma_start3A_85, %dma_start3A_86] : memref<10240x128xf32, #tpu.memory_space<vmem_shared>> -> memref<10240x128xf32, #tpu.memory_space<vmem_shared>>
      tpu.enqueue_indirect_dma source(%arg12 : memref<128x128xf32, #tpu.memory_space<vmem>>) target(%dma_start3A_87 : memref<10240x128xf32, #tpu.memory_space<vmem_shared>>) offsets(%dma_start3A_84 : memref<128xi32, #tpu.memory_space<vmem>>) semaphore(%arg18 : memref<!tpu.dma_semaphore, #tpu.memory_space<semaphore_mem>>) {add = true}
      %dma_wait3A_88 = arith.constant 38 : i32
      %dma_wait3A_89 = arith.constant 0 : i32
      %dma_wait3A_90 = tpu.memref_slice %arg10[%dma_wait3A_88, %dma_wait3A_89] : memref<40x128xi32, #tpu.memory_space<vmem>> -> memref<1x128xi32, #tpu.memory_space<vmem>>
      %dma_wait3A_91 = tpu.memref_squeeze %dma_wait3A_90 : memref<1x128xi32, #tpu.memory_space<vmem>> -> memref<128xi32, #tpu.memory_space<vmem>>
      %dma_wait3A_92 = arith.constant 0 : i32
      %dma_wait3A_93 = arith.constant 0 : i32
      %dma_wait3A_94 = tpu.memref_slice %arg8[%dma_wait3A_92, %dma_wait3A_93] : memref<10240x128xf32, #tpu.memory_space<vmem_shared>> -> memref<10240x128xf32, #tpu.memory_space<vmem_shared>>
      tpu.wait_indirect_dma semaphore(%arg17 : memref<!tpu.dma_semaphore, #tpu.memory_space<semaphore_mem>>) src(%arg11 : memref<128x128xf32, #tpu.memory_space<vmem>>) dst(%dma_wait3A_94 : memref<10240x128xf32, #tpu.memory_space<vmem_shared>>)
      %dma_wait3A_95 = arith.constant 39 : i32
      %dma_wait3A_96 = arith.constant 0 : i32
      %dma_wait3A_97 = tpu.memref_slice %arg10[%dma_wait3A_95, %dma_wait3A_96] : memref<40x128xi32, #tpu.memory_space<vmem>> -> memref<1x128xi32, #tpu.memory_space<vmem>>
      %dma_wait3A_98 = tpu.memref_squeeze %dma_wait3A_97 : memref<1x128xi32, #tpu.memory_space<vmem>> -> memref<128xi32, #tpu.memory_space<vmem>>
      %dma_wait3A_99 = arith.constant 0 : i32
      %dma_wait3A_100 = arith.constant 0 : i32
      %dma_wait3A_101 = tpu.memref_slice %arg8[%dma_wait3A_99, %dma_wait3A_100] : memref<10240x128xf32, #tpu.memory_space<vmem_shared>> -> memref<10240x128xf32, #tpu.memory_space<vmem_shared>>
      tpu.wait_indirect_dma semaphore(%arg18 : memref<!tpu.dma_semaphore, #tpu.memory_space<semaphore_mem>>) src(%arg12 : memref<128x128xf32, #tpu.memory_space<vmem>>) dst(%dma_wait3A_101 : memref<10240x128xf32, #tpu.memory_space<vmem_shared>>)
      %mul3A_102 = arith.constant 2 : i32
      %mul3A_103 = arith.muli %arg1, %mul3A_102 : i32
      %add3A_104 = arith.constant 1 : i32
      %add3A_105 = arith.addi %mul3A_103, %add3A_104 : i32
      %mul3A_106 = arith.constant 40 : i32
      %mul3A_107 = arith.muli %add3A_105, %mul3A_106 : i32
      %dma_start3A_108 = arith.constant 0 : i32
      %dma_start3A_109 = tpu.memref_slice %arg3[%mul3A_107, %dma_start3A_108] : memref<2560x128xi32, #tpu.memory_space<hbm>> -> memref<40x128xi32, #tpu.memory_space<hbm>>
      %dma_start3A_110 = arith.constant 0 : i32
      %dma_start3A_111 = tpu.memref_slice %arg3[%mul3A_107, %dma_start3A_110] : memref<2560x128xi32, #tpu.memory_space<hbm>> -> memref<40x128xi32, #tpu.memory_space<hbm>>
      tpu.enqueue_dma source(%dma_start3A_111 : memref<40x128xi32, #tpu.memory_space<hbm>>) target(%arg9 : memref<40x128xi32, #tpu.memory_space<vmem>>) target_semaphore(%arg14 : memref<!tpu.dma_semaphore, #tpu.memory_space<semaphore_mem>>)
      %dma_start3A_112 = arith.constant 0 : i32
      %dma_start3A_113 = tpu.memref_slice %arg4[%mul3A_107, %dma_start3A_112] : memref<2560x128xi32, #tpu.memory_space<hbm>> -> memref<40x128xi32, #tpu.memory_space<hbm>>
      %dma_start3A_114 = arith.constant 0 : i32
      %dma_start3A_115 = tpu.memref_slice %arg4[%mul3A_107, %dma_start3A_114] : memref<2560x128xi32, #tpu.memory_space<hbm>> -> memref<40x128xi32, #tpu.memory_space<hbm>>
      tpu.enqueue_dma source(%dma_start3A_115 : memref<40x128xi32, #tpu.memory_space<hbm>>) target(%arg10 : memref<40x128xi32, #tpu.memory_space<vmem>>) target_semaphore(%arg14 : memref<!tpu.dma_semaphore, #tpu.memory_space<semaphore_mem>>)
      %dma_wait3A_116 = arith.constant 0 : i32
      %dma_wait3A_117 = tpu.memref_slice %arg3[%mul3A_107, %dma_wait3A_116] : memref<2560x128xi32, #tpu.memory_space<hbm>> -> memref<40x128xi32, #tpu.memory_space<hbm>>
      %dma_wait3A_118 = arith.constant 0 : i32
      %dma_wait3A_119 = tpu.memref_slice %arg3[%mul3A_107, %dma_wait3A_118] : memref<2560x128xi32, #tpu.memory_space<hbm>> -> memref<40x128xi32, #tpu.memory_space<hbm>>
      tpu.wait_dma2 semaphore(%arg14 : memref<!tpu.dma_semaphore, #tpu.memory_space<semaphore_mem>>) src(%dma_wait3A_119 : memref<40x128xi32, #tpu.memory_space<hbm>>) dst(%arg9 : memref<40x128xi32, #tpu.memory_space<vmem>>)
      %dma_wait3A_120 = arith.constant 0 : i32
      %dma_wait3A_121 = tpu.memref_slice %arg4[%mul3A_107, %dma_wait3A_120] : memref<2560x128xi32, #tpu.memory_space<hbm>> -> memref<40x128xi32, #tpu.memory_space<hbm>>
      %dma_wait3A_122 = arith.constant 0 : i32
      %dma_wait3A_123 = tpu.memref_slice %arg4[%mul3A_107, %dma_wait3A_122] : memref<2560x128xi32, #tpu.memory_space<hbm>> -> memref<40x128xi32, #tpu.memory_space<hbm>>
      tpu.wait_dma2 semaphore(%arg14 : memref<!tpu.dma_semaphore, #tpu.memory_space<semaphore_mem>>) src(%dma_wait3A_123 : memref<40x128xi32, #tpu.memory_space<hbm>>) dst(%arg10 : memref<40x128xi32, #tpu.memory_space<vmem>>)
      %dma_start3A_124 = arith.constant 0 : i32
      %dma_start3A_125 = arith.constant 0 : i32
      %dma_start3A_126 = tpu.memref_slice %arg9[%dma_start3A_124, %dma_start3A_125] : memref<40x128xi32, #tpu.memory_space<vmem>> -> memref<1x128xi32, #tpu.memory_space<vmem>>
      %dma_start3A_127 = tpu.memref_squeeze %dma_start3A_126 : memref<1x128xi32, #tpu.memory_space<vmem>> -> memref<128xi32, #tpu.memory_space<vmem>>
      %dma_start3A_128 = arith.constant 0 : i32
      %dma_start3A_129 = arith.constant 0 : i32
      %dma_start3A_130 = tpu.memref_slice %arg2[%dma_start3A_128, %dma_start3A_129] : memref<10240x128xf32, #tpu.memory_space<hbm>> -> memref<10240x128xf32, #tpu.memory_space<hbm>>
      tpu.enqueue_indirect_dma source(%dma_start3A_130 : memref<10240x128xf32, #tpu.memory_space<hbm>>) target(%arg11 : memref<128x128xf32, #tpu.memory_space<vmem>>) offsets(%dma_start3A_127 : memref<128xi32, #tpu.memory_space<vmem>>) semaphore(%arg15 : memref<!tpu.dma_semaphore, #tpu.memory_space<semaphore_mem>>)
      %dma_start3A_131 = arith.constant 1 : i32
      %dma_start3A_132 = arith.constant 0 : i32
      %dma_start3A_133 = tpu.memref_slice %arg9[%dma_start3A_131, %dma_start3A_132] : memref<40x128xi32, #tpu.memory_space<vmem>> -> memref<1x128xi32, #tpu.memory_space<vmem>>
      %dma_start3A_134 = tpu.memref_squeeze %dma_start3A_133 : memref<1x128xi32, #tpu.memory_space<vmem>> -> memref<128xi32, #tpu.memory_space<vmem>>
      %dma_start3A_135 = arith.constant 0 : i32
      %dma_start3A_136 = arith.constant 0 : i32
      %dma_start3A_137 = tpu.memref_slice %arg2[%dma_start3A_135, %dma_start3A_136] : memref<10240x128xf32, #tpu.memory_space<hbm>> -> memref<10240x128xf32, #tpu.memory_space<hbm>>
      tpu.enqueue_indirect_dma source(%dma_start3A_137 : memref<10240x128xf32, #tpu.memory_space<hbm>>) target(%arg12 : memref<128x128xf32, #tpu.memory_space<vmem>>) offsets(%dma_start3A_134 : memref<128xi32, #tpu.memory_space<vmem>>) semaphore(%arg16 : memref<!tpu.dma_semaphore, #tpu.memory_space<semaphore_mem>>)
      %scan3A_138 = arith.constant 0 : i32
      %scan3A_139 = arith.constant 0 : i32
      %scan3A_140 = arith.constant 19 : i32
      %scan3A_141 = arith.addi %scan3A_139, %scan3A_140 : i32
      %scan3A_142 = arith.constant 1 : i32
      scf.for %scan3A_186 = %scan3A_139 to %scan3A_141 step %scan3A_142  : i32 {
        %mul3A_187 = arith.constant 2 : i32
        %mul3A_188 = arith.muli %mul3A_187, %scan3A_186 : i32
        %add3A_189 = arith.constant 1 : i32
        %add3A_190 = arith.addi %mul3A_188, %add3A_189 : i32
        %dma_wait3A_191 = arith.constant 0 : i32
        %dma_wait3A_192 = tpu.memref_slice %arg9[%mul3A_188, %dma_wait3A_191] : memref<40x128xi32, #tpu.memory_space<vmem>> -> memref<1x128xi32, #tpu.memory_space<vmem>>
        %dma_wait3A_193 = tpu.memref_squeeze %dma_wait3A_192 : memref<1x128xi32, #tpu.memory_space<vmem>> -> memref<128xi32, #tpu.memory_space<vmem>>
        %dma_wait3A_194 = arith.constant 0 : i32
        %dma_wait3A_195 = arith.constant 0 : i32
        %dma_wait3A_196 = tpu.memref_slice %arg2[%dma_wait3A_194, %dma_wait3A_195] : memref<10240x128xf32, #tpu.memory_space<hbm>> -> memref<10240x128xf32, #tpu.memory_space<hbm>>
        tpu.wait_indirect_dma semaphore(%arg15 : memref<!tpu.dma_semaphore, #tpu.memory_space<semaphore_mem>>) src(%dma_wait3A_196 : memref<10240x128xf32, #tpu.memory_space<hbm>>) dst(%arg11 : memref<128x128xf32, #tpu.memory_space<vmem>>)
        %dma_start3A_197 = arith.constant 0 : i32
        %dma_start3A_198 = tpu.memref_slice %arg10[%mul3A_188, %dma_start3A_197] : memref<40x128xi32, #tpu.memory_space<vmem>> -> memref<1x128xi32, #tpu.memory_space<vmem>>
        %dma_start3A_199 = tpu.memref_squeeze %dma_start3A_198 : memref<1x128xi32, #tpu.memory_space<vmem>> -> memref<128xi32, #tpu.memory_space<vmem>>
        %dma_start3A_200 = arith.constant 0 : i32
        %dma_start3A_201 = arith.constant 0 : i32
        %dma_start3A_202 = tpu.memref_slice %arg8[%dma_start3A_200, %dma_start3A_201] : memref<10240x128xf32, #tpu.memory_space<vmem_shared>> -> memref<10240x128xf32, #tpu.memory_space<vmem_shared>>
        tpu.enqueue_indirect_dma source(%arg11 : memref<128x128xf32, #tpu.memory_space<vmem>>) target(%dma_start3A_202 : memref<10240x128xf32, #tpu.memory_space<vmem_shared>>) offsets(%dma_start3A_199 : memref<128xi32, #tpu.memory_space<vmem>>) semaphore(%arg17 : memref<!tpu.dma_semaphore, #tpu.memory_space<semaphore_mem>>) {add = true}
        %dma_wait3A_203 = arith.constant 0 : i32
        %dma_wait3A_204 = tpu.memref_slice %arg9[%add3A_190, %dma_wait3A_203] : memref<40x128xi32, #tpu.memory_space<vmem>> -> memref<1x128xi32, #tpu.memory_space<vmem>>
        %dma_wait3A_205 = tpu.memref_squeeze %dma_wait3A_204 : memref<1x128xi32, #tpu.memory_space<vmem>> -> memref<128xi32, #tpu.memory_space<vmem>>
        %dma_wait3A_206 = arith.constant 0 : i32
        %dma_wait3A_207 = arith.constant 0 : i32
        %dma_wait3A_208 = tpu.memref_slice %arg2[%dma_wait3A_206, %dma_wait3A_207] : memref<10240x128xf32, #tpu.memory_space<hbm>> -> memref<10240x128xf32, #tpu.memory_space<hbm>>
        tpu.wait_indirect_dma semaphore(%arg16 : memref<!tpu.dma_semaphore, #tpu.memory_space<semaphore_mem>>) src(%dma_wait3A_208 : memref<10240x128xf32, #tpu.memory_space<hbm>>) dst(%arg12 : memref<128x128xf32, #tpu.memory_space<vmem>>)
        %dma_start3A_209 = arith.constant 0 : i32
        %dma_start3A_210 = tpu.memref_slice %arg10[%add3A_190, %dma_start3A_209] : memref<40x128xi32, #tpu.memory_space<vmem>> -> memref<1x128xi32, #tpu.memory_space<vmem>>
        %dma_start3A_211 = tpu.memref_squeeze %dma_start3A_210 : memref<1x128xi32, #tpu.memory_space<vmem>> -> memref<128xi32, #tpu.memory_space<vmem>>
        %dma_start3A_212 = arith.constant 0 : i32
        %dma_start3A_213 = arith.constant 0 : i32
        %dma_start3A_214 = tpu.memref_slice %arg8[%dma_start3A_212, %dma_start3A_213] : memref<10240x128xf32, #tpu.memory_space<vmem_shared>> -> memref<10240x128xf32, #tpu.memory_space<vmem_shared>>
        tpu.enqueue_indirect_dma source(%arg12 : memref<128x128xf32, #tpu.memory_space<vmem>>) target(%dma_start3A_214 : memref<10240x128xf32, #tpu.memory_space<vmem_shared>>) offsets(%dma_start3A_211 : memref<128xi32, #tpu.memory_space<vmem>>) semaphore(%arg18 : memref<!tpu.dma_semaphore, #tpu.memory_space<semaphore_mem>>) {add = true}
        %dma_wait3A_215 = arith.constant 0 : i32
        %dma_wait3A_216 = tpu.memref_slice %arg10[%mul3A_188, %dma_wait3A_215] : memref<40x128xi32, #tpu.memory_space<vmem>> -> memref<1x128xi32, #tpu.memory_space<vmem>>
        %dma_wait3A_217 = tpu.memref_squeeze %dma_wait3A_216 : memref<1x128xi32, #tpu.memory_space<vmem>> -> memref<128xi32, #tpu.memory_space<vmem>>
        %dma_wait3A_218 = arith.constant 0 : i32
        %dma_wait3A_219 = arith.constant 0 : i32
        %dma_wait3A_220 = tpu.memref_slice %arg8[%dma_wait3A_218, %dma_wait3A_219] : memref<10240x128xf32, #tpu.memory_space<vmem_shared>> -> memref<10240x128xf32, #tpu.memory_space<vmem_shared>>
        tpu.wait_indirect_dma semaphore(%arg17 : memref<!tpu.dma_semaphore, #tpu.memory_space<semaphore_mem>>) src(%arg11 : memref<128x128xf32, #tpu.memory_space<vmem>>) dst(%dma_wait3A_220 : memref<10240x128xf32, #tpu.memory_space<vmem_shared>>)
        %add3A_221 = arith.constant 2 : i32
        %add3A_222 = arith.addi %mul3A_188, %add3A_221 : i32
        %dma_start3A_223 = arith.constant 0 : i32
        %dma_start3A_224 = tpu.memref_slice %arg9[%add3A_222, %dma_start3A_223] : memref<40x128xi32, #tpu.memory_space<vmem>> -> memref<1x128xi32, #tpu.memory_space<vmem>>
        %dma_start3A_225 = tpu.memref_squeeze %dma_start3A_224 : memref<1x128xi32, #tpu.memory_space<vmem>> -> memref<128xi32, #tpu.memory_space<vmem>>
        %dma_start3A_226 = arith.constant 0 : i32
        %dma_start3A_227 = arith.constant 0 : i32
        %dma_start3A_228 = tpu.memref_slice %arg2[%dma_start3A_226, %dma_start3A_227] : memref<10240x128xf32, #tpu.memory_space<hbm>> -> memref<10240x128xf32, #tpu.memory_space<hbm>>
        tpu.enqueue_indirect_dma source(%dma_start3A_228 : memref<10240x128xf32, #tpu.memory_space<hbm>>) target(%arg11 : memref<128x128xf32, #tpu.memory_space<vmem>>) offsets(%dma_start3A_225 : memref<128xi32, #tpu.memory_space<vmem>>) semaphore(%arg15 : memref<!tpu.dma_semaphore, #tpu.memory_space<semaphore_mem>>)
        %dma_wait3A_229 = arith.constant 0 : i32
        %dma_wait3A_230 = tpu.memref_slice %arg10[%add3A_190, %dma_wait3A_229] : memref<40x128xi32, #tpu.memory_space<vmem>> -> memref<1x128xi32, #tpu.memory_space<vmem>>
        %dma_wait3A_231 = tpu.memref_squeeze %dma_wait3A_230 : memref<1x128xi32, #tpu.memory_space<vmem>> -> memref<128xi32, #tpu.memory_space<vmem>>
        %dma_wait3A_232 = arith.constant 0 : i32
        %dma_wait3A_233 = arith.constant 0 : i32
        %dma_wait3A_234 = tpu.memref_slice %arg8[%dma_wait3A_232, %dma_wait3A_233] : memref<10240x128xf32, #tpu.memory_space<vmem_shared>> -> memref<10240x128xf32, #tpu.memory_space<vmem_shared>>
        tpu.wait_indirect_dma semaphore(%arg18 : memref<!tpu.dma_semaphore, #tpu.memory_space<semaphore_mem>>) src(%arg12 : memref<128x128xf32, #tpu.memory_space<vmem>>) dst(%dma_wait3A_234 : memref<10240x128xf32, #tpu.memory_space<vmem_shared>>)
        %add3A_235 = arith.constant 2 : i32
        %add3A_236 = arith.addi %add3A_190, %add3A_235 : i32
        %dma_start3A_237 = arith.constant 0 : i32
        %dma_start3A_238 = tpu.memref_slice %arg9[%add3A_236, %dma_start3A_237] : memref<40x128xi32, #tpu.memory_space<vmem>> -> memref<1x128xi32, #tpu.memory_space<vmem>>
        %dma_start3A_239 = tpu.memref_squeeze %dma_start3A_238 : memref<1x128xi32, #tpu.memory_space<vmem>> -> memref<128xi32, #tpu.memory_space<vmem>>
        %dma_start3A_240 = arith.constant 0 : i32
        %dma_start3A_241 = arith.constant 0 : i32
        %dma_start3A_242 = tpu.memref_slice %arg2[%dma_start3A_240, %dma_start3A_241] : memref<10240x128xf32, #tpu.memory_space<hbm>> -> memref<10240x128xf32, #tpu.memory_space<hbm>>
        tpu.enqueue_indirect_dma source(%dma_start3A_242 : memref<10240x128xf32, #tpu.memory_space<hbm>>) target(%arg12 : memref<128x128xf32, #tpu.memory_space<vmem>>) offsets(%dma_start3A_239 : memref<128xi32, #tpu.memory_space<vmem>>) semaphore(%arg16 : memref<!tpu.dma_semaphore, #tpu.memory_space<semaphore_mem>>)
      }
      %scan3A_143 = arith.constant 19 : i32
      %dma_wait3A_144 = arith.constant 38 : i32
      %dma_wait3A_145 = arith.constant 0 : i32
      %dma_wait3A_146 = tpu.memref_slice %arg9[%dma_wait3A_144, %dma_wait3A_145] : memref<40x128xi32, #tpu.memory_space<vmem>> -> memref<1x128xi32, #tpu.memory_space<vmem>>
      %dma_wait3A_147 = tpu.memref_squeeze %dma_wait3A_146 : memref<1x128xi32, #tpu.memory_space<vmem>> -> memref<128xi32, #tpu.memory_space<vmem>>
      %dma_wait3A_148 = arith.constant 0 : i32
      %dma_wait3A_149 = arith.constant 0 : i32
      %dma_wait3A_150 = tpu.memref_slice %arg2[%dma_wait3A_148, %dma_wait3A_149] : memref<10240x128xf32, #tpu.memory_space<hbm>> -> memref<10240x128xf32, #tpu.memory_space<hbm>>
      tpu.wait_indirect_dma semaphore(%arg15 : memref<!tpu.dma_semaphore, #tpu.memory_space<semaphore_mem>>) src(%dma_wait3A_150 : memref<10240x128xf32, #tpu.memory_space<hbm>>) dst(%arg11 : memref<128x128xf32, #tpu.memory_space<vmem>>)
      %dma_start3A_151 = arith.constant 38 : i32
      %dma_start3A_152 = arith.constant 0 : i32
      %dma_start3A_153 = tpu.memref_slice %arg10[%dma_start3A_151, %dma_start3A_152] : memref<40x128xi32, #tpu.memory_space<vmem>> -> memref<1x128xi32, #tpu.memory_space<vmem>>
      %dma_start3A_154 = tpu.memref_squeeze %dma_start3A_153 : memref<1x128xi32, #tpu.memory_space<vmem>> -> memref<128xi32, #tpu.memory_space<vmem>>
      %dma_start3A_155 = arith.constant 0 : i32
      %dma_start3A_156 = arith.constant 0 : i32
      %dma_start3A_157 = tpu.memref_slice %arg8[%dma_start3A_155, %dma_start3A_156] : memref<10240x128xf32, #tpu.memory_space<vmem_shared>> -> memref<10240x128xf32, #tpu.memory_space<vmem_shared>>
      tpu.enqueue_indirect_dma source(%arg11 : memref<128x128xf32, #tpu.memory_space<vmem>>) target(%dma_start3A_157 : memref<10240x128xf32, #tpu.memory_space<vmem_shared>>) offsets(%dma_start3A_154 : memref<128xi32, #tpu.memory_space<vmem>>) semaphore(%arg17 : memref<!tpu.dma_semaphore, #tpu.memory_space<semaphore_mem>>) {add = true}
      %dma_wait3A_158 = arith.constant 39 : i32
      %dma_wait3A_159 = arith.constant 0 : i32
      %dma_wait3A_160 = tpu.memref_slice %arg9[%dma_wait3A_158, %dma_wait3A_159] : memref<40x128xi32, #tpu.memory_space<vmem>> -> memref<1x128xi32, #tpu.memory_space<vmem>>
      %dma_wait3A_161 = tpu.memref_squeeze %dma_wait3A_160 : memref<1x128xi32, #tpu.memory_space<vmem>> -> memref<128xi32, #tpu.memory_space<vmem>>
      %dma_wait3A_162 = arith.constant 0 : i32
      %dma_wait3A_163 = arith.constant 0 : i32
      %dma_wait3A_164 = tpu.memref_slice %arg2[%dma_wait3A_162, %dma_wait3A_163] : memref<10240x128xf32, #tpu.memory_space<hbm>> -> memref<10240x128xf32, #tpu.memory_space<hbm>>
      tpu.wait_indirect_dma semaphore(%arg16 : memref<!tpu.dma_semaphore, #tpu.memory_space<semaphore_mem>>) src(%dma_wait3A_164 : memref<10240x128xf32, #tpu.memory_space<hbm>>) dst(%arg12 : memref<128x128xf32, #tpu.memory_space<vmem>>)
      %dma_start3A_165 = arith.constant 39 : i32
      %dma_start3A_166 = arith.constant 0 : i32
      %dma_start3A_167 = tpu.memref_slice %arg10[%dma_start3A_165, %dma_start3A_166] : memref<40x128xi32, #tpu.memory_space<vmem>> -> memref<1x128xi32, #tpu.memory_space<vmem>>
      %dma_start3A_168 = tpu.memref_squeeze %dma_start3A_167 : memref<1x128xi32, #tpu.memory_space<vmem>> -> memref<128xi32, #tpu.memory_space<vmem>>
      %dma_start3A_169 = arith.constant 0 : i32
      %dma_start3A_170 = arith.constant 0 : i32
      %dma_start3A_171 = tpu.memref_slice %arg8[%dma_start3A_169, %dma_start3A_170] : memref<10240x128xf32, #tpu.memory_space<vmem_shared>> -> memref<10240x128xf32, #tpu.memory_space<vmem_shared>>
      tpu.enqueue_indirect_dma source(%arg12 : memref<128x128xf32, #tpu.memory_space<vmem>>) target(%dma_start3A_171 : memref<10240x128xf32, #tpu.memory_space<vmem_shared>>) offsets(%dma_start3A_168 : memref<128xi32, #tpu.memory_space<vmem>>) semaphore(%arg18 : memref<!tpu.dma_semaphore, #tpu.memory_space<semaphore_mem>>) {add = true}
      %dma_wait3A_172 = arith.constant 38 : i32
      %dma_wait3A_173 = arith.constant 0 : i32
      %dma_wait3A_174 = tpu.memref_slice %arg10[%dma_wait3A_172, %dma_wait3A_173] : memref<40x128xi32, #tpu.memory_space<vmem>> -> memref<1x128xi32, #tpu.memory_space<vmem>>
      %dma_wait3A_175 = tpu.memref_squeeze %dma_wait3A_174 : memref<1x128xi32, #tpu.memory_space<vmem>> -> memref<128xi32, #tpu.memory_space<vmem>>
      %dma_wait3A_176 = arith.constant 0 : i32
      %dma_wait3A_177 = arith.constant 0 : i32
      %dma_wait3A_178 = tpu.memref_slice %arg8[%dma_wait3A_176, %dma_wait3A_177] : memref<10240x128xf32, #tpu.memory_space<vmem_shared>> -> memref<10240x128xf32, #tpu.memory_space<vmem_shared>>
      tpu.wait_indirect_dma semaphore(%arg17 : memref<!tpu.dma_semaphore, #tpu.memory_space<semaphore_mem>>) src(%arg11 : memref<128x128xf32, #tpu.memory_space<vmem>>) dst(%dma_wait3A_178 : memref<10240x128xf32, #tpu.memory_space<vmem_shared>>)
      %dma_wait3A_179 = arith.constant 39 : i32
      %dma_wait3A_180 = arith.constant 0 : i32
      %dma_wait3A_181 = tpu.memref_slice %arg10[%dma_wait3A_179, %dma_wait3A_180] : memref<40x128xi32, #tpu.memory_space<vmem>> -> memref<1x128xi32, #tpu.memory_space<vmem>>
      %dma_wait3A_182 = tpu.memref_squeeze %dma_wait3A_181 : memref<1x128xi32, #tpu.memory_space<vmem>> -> memref<128xi32, #tpu.memory_space<vmem>>
      %dma_wait3A_183 = arith.constant 0 : i32
      %dma_wait3A_184 = arith.constant 0 : i32
      %dma_wait3A_185 = tpu.memref_slice %arg8[%dma_wait3A_183, %dma_wait3A_184] : memref<10240x128xf32, #tpu.memory_space<vmem_shared>> -> memref<10240x128xf32, #tpu.memory_space<vmem_shared>>
      tpu.wait_indirect_dma semaphore(%arg18 : memref<!tpu.dma_semaphore, #tpu.memory_space<semaphore_mem>>) src(%arg12 : memref<128x128xf32, #tpu.memory_space<vmem>>) dst(%dma_wait3A_185 : memref<10240x128xf32, #tpu.memory_space<vmem_shared>>)
    } else {
    }
    %ne3A = arith.constant 1 : i32
    %ne3A_5 = arith.cmpi ne, %arg0, %ne3A : i32
    %convert_element_type3A_6 = arith.extui %ne3A_5 : i1 to i32
    %cond3A_7 = arith.constant 0 : i32
    %cond3A_8 = arith.cmpi ne, %convert_element_type3A_6, %cond3A_7 : i32
    scf.if %cond3A_8 {
      %mul3A_20 = arith.constant 2 : i32
      %mul3A_21 = arith.muli %arg1, %mul3A_20 : i32
      %add3A = arith.constant 0 : i32
      %add3A_22 = arith.addi %mul3A_21, %add3A : i32
      %mul3A_23 = arith.constant 40 : i32
      %mul3A_24 = arith.muli %add3A_22, %mul3A_23 : i32
      %add3A_25 = arith.constant 1280 : i32
      %add3A_26 = arith.addi %add3A_25, %mul3A_24 : i32
      %dma_start3A_27 = arith.constant 0 : i32
      %dma_start3A_28 = tpu.memref_slice %arg3[%add3A_26, %dma_start3A_27] : memref<2560x128xi32, #tpu.memory_space<hbm>> -> memref<40x128xi32, #tpu.memory_space<hbm>>
      %dma_start3A_29 = arith.constant 0 : i32
      %dma_start3A_30 = tpu.memref_slice %arg3[%add3A_26, %dma_start3A_29] : memref<2560x128xi32, #tpu.memory_space<hbm>> -> memref<40x128xi32, #tpu.memory_space<hbm>>
      tpu.enqueue_dma source(%dma_start3A_30 : memref<40x128xi32, #tpu.memory_space<hbm>>) target(%arg9 : memref<40x128xi32, #tpu.memory_space<vmem>>) target_semaphore(%arg14 : memref<!tpu.dma_semaphore, #tpu.memory_space<semaphore_mem>>)
      %dma_start3A_31 = arith.constant 0 : i32
      %dma_start3A_32 = tpu.memref_slice %arg4[%add3A_26, %dma_start3A_31] : memref<2560x128xi32, #tpu.memory_space<hbm>> -> memref<40x128xi32, #tpu.memory_space<hbm>>
      %dma_start3A_33 = arith.constant 0 : i32
      %dma_start3A_34 = tpu.memref_slice %arg4[%add3A_26, %dma_start3A_33] : memref<2560x128xi32, #tpu.memory_space<hbm>> -> memref<40x128xi32, #tpu.memory_space<hbm>>
      tpu.enqueue_dma source(%dma_start3A_34 : memref<40x128xi32, #tpu.memory_space<hbm>>) target(%arg10 : memref<40x128xi32, #tpu.memory_space<vmem>>) target_semaphore(%arg14 : memref<!tpu.dma_semaphore, #tpu.memory_space<semaphore_mem>>)
      %dma_wait3A_35 = arith.constant 0 : i32
      %dma_wait3A_36 = tpu.memref_slice %arg3[%add3A_26, %dma_wait3A_35] : memref<2560x128xi32, #tpu.memory_space<hbm>> -> memref<40x128xi32, #tpu.memory_space<hbm>>
      %dma_wait3A_37 = arith.constant 0 : i32
      %dma_wait3A_38 = tpu.memref_slice %arg3[%add3A_26, %dma_wait3A_37] : memref<2560x128xi32, #tpu.memory_space<hbm>> -> memref<40x128xi32, #tpu.memory_space<hbm>>
      tpu.wait_dma2 semaphore(%arg14 : memref<!tpu.dma_semaphore, #tpu.memory_space<semaphore_mem>>) src(%dma_wait3A_38 : memref<40x128xi32, #tpu.memory_space<hbm>>) dst(%arg9 : memref<40x128xi32, #tpu.memory_space<vmem>>)
      %dma_wait3A_39 = arith.constant 0 : i32
      %dma_wait3A_40 = tpu.memref_slice %arg4[%add3A_26, %dma_wait3A_39] : memref<2560x128xi32, #tpu.memory_space<hbm>> -> memref<40x128xi32, #tpu.memory_space<hbm>>
      %dma_wait3A_41 = arith.constant 0 : i32
      %dma_wait3A_42 = tpu.memref_slice %arg4[%add3A_26, %dma_wait3A_41] : memref<2560x128xi32, #tpu.memory_space<hbm>> -> memref<40x128xi32, #tpu.memory_space<hbm>>
      tpu.wait_dma2 semaphore(%arg14 : memref<!tpu.dma_semaphore, #tpu.memory_space<semaphore_mem>>) src(%dma_wait3A_42 : memref<40x128xi32, #tpu.memory_space<hbm>>) dst(%arg10 : memref<40x128xi32, #tpu.memory_space<vmem>>)
      %dma_start3A_43 = arith.constant 0 : i32
      %dma_start3A_44 = arith.constant 0 : i32
      %dma_start3A_45 = tpu.memref_slice %arg9[%dma_start3A_43, %dma_start3A_44] : memref<40x128xi32, #tpu.memory_space<vmem>> -> memref<1x128xi32, #tpu.memory_space<vmem>>
      %dma_start3A_46 = tpu.memref_squeeze %dma_start3A_45 : memref<1x128xi32, #tpu.memory_space<vmem>> -> memref<128xi32, #tpu.memory_space<vmem>>
      %dma_start3A_47 = arith.constant 0 : i32
      %dma_start3A_48 = arith.constant 0 : i32
      %dma_start3A_49 = tpu.memref_slice %arg2[%dma_start3A_47, %dma_start3A_48] : memref<10240x128xf32, #tpu.memory_space<hbm>> -> memref<10240x128xf32, #tpu.memory_space<hbm>>
      tpu.enqueue_indirect_dma source(%dma_start3A_49 : memref<10240x128xf32, #tpu.memory_space<hbm>>) target(%arg11 : memref<128x128xf32, #tpu.memory_space<vmem>>) offsets(%dma_start3A_46 : memref<128xi32, #tpu.memory_space<vmem>>) semaphore(%arg15 : memref<!tpu.dma_semaphore, #tpu.memory_space<semaphore_mem>>)
      %dma_start3A_50 = arith.constant 1 : i32
      %dma_start3A_51 = arith.constant 0 : i32
      %dma_start3A_52 = tpu.memref_slice %arg9[%dma_start3A_50, %dma_start3A_51] : memref<40x128xi32, #tpu.memory_space<vmem>> -> memref<1x128xi32, #tpu.memory_space<vmem>>
      %dma_start3A_53 = tpu.memref_squeeze %dma_start3A_52 : memref<1x128xi32, #tpu.memory_space<vmem>> -> memref<128xi32, #tpu.memory_space<vmem>>
      %dma_start3A_54 = arith.constant 0 : i32
      %dma_start3A_55 = arith.constant 0 : i32
      %dma_start3A_56 = tpu.memref_slice %arg2[%dma_start3A_54, %dma_start3A_55] : memref<10240x128xf32, #tpu.memory_space<hbm>> -> memref<10240x128xf32, #tpu.memory_space<hbm>>
      tpu.enqueue_indirect_dma source(%dma_start3A_56 : memref<10240x128xf32, #tpu.memory_space<hbm>>) target(%arg12 : memref<128x128xf32, #tpu.memory_space<vmem>>) offsets(%dma_start3A_53 : memref<128xi32, #tpu.memory_space<vmem>>) semaphore(%arg16 : memref<!tpu.dma_semaphore, #tpu.memory_space<semaphore_mem>>)
      %scan3A = arith.constant 0 : i32
      %scan3A_57 = arith.constant 0 : i32
      %scan3A_58 = arith.constant 19 : i32
      %scan3A_59 = arith.addi %scan3A_57, %scan3A_58 : i32
      %scan3A_60 = arith.constant 1 : i32
      scf.for %scan3A_190 = %scan3A_57 to %scan3A_59 step %scan3A_60  : i32 {
        %mul3A_191 = arith.constant 2 : i32
        %mul3A_192 = arith.muli %mul3A_191, %scan3A_190 : i32
        %add3A_193 = arith.constant 1 : i32
        %add3A_194 = arith.addi %mul3A_192, %add3A_193 : i32
        %dma_wait3A_195 = arith.constant 0 : i32
        %dma_wait3A_196 = tpu.memref_slice %arg9[%mul3A_192, %dma_wait3A_195] : memref<40x128xi32, #tpu.memory_space<vmem>> -> memref<1x128xi32, #tpu.memory_space<vmem>>
        %dma_wait3A_197 = tpu.memref_squeeze %dma_wait3A_196 : memref<1x128xi32, #tpu.memory_space<vmem>> -> memref<128xi32, #tpu.memory_space<vmem>>
        %dma_wait3A_198 = arith.constant 0 : i32
        %dma_wait3A_199 = arith.constant 0 : i32
        %dma_wait3A_200 = tpu.memref_slice %arg2[%dma_wait3A_198, %dma_wait3A_199] : memref<10240x128xf32, #tpu.memory_space<hbm>> -> memref<10240x128xf32, #tpu.memory_space<hbm>>
        tpu.wait_indirect_dma semaphore(%arg15 : memref<!tpu.dma_semaphore, #tpu.memory_space<semaphore_mem>>) src(%dma_wait3A_200 : memref<10240x128xf32, #tpu.memory_space<hbm>>) dst(%arg11 : memref<128x128xf32, #tpu.memory_space<vmem>>)
        %dma_start3A_201 = arith.constant 0 : i32
        %dma_start3A_202 = tpu.memref_slice %arg10[%mul3A_192, %dma_start3A_201] : memref<40x128xi32, #tpu.memory_space<vmem>> -> memref<1x128xi32, #tpu.memory_space<vmem>>
        %dma_start3A_203 = tpu.memref_squeeze %dma_start3A_202 : memref<1x128xi32, #tpu.memory_space<vmem>> -> memref<128xi32, #tpu.memory_space<vmem>>
        %dma_start3A_204 = arith.constant 0 : i32
        %dma_start3A_205 = arith.constant 0 : i32
        %dma_start3A_206 = tpu.memref_slice %arg8[%dma_start3A_204, %dma_start3A_205] : memref<10240x128xf32, #tpu.memory_space<vmem_shared>> -> memref<10240x128xf32, #tpu.memory_space<vmem_shared>>
        tpu.enqueue_indirect_dma source(%arg11 : memref<128x128xf32, #tpu.memory_space<vmem>>) target(%dma_start3A_206 : memref<10240x128xf32, #tpu.memory_space<vmem_shared>>) offsets(%dma_start3A_203 : memref<128xi32, #tpu.memory_space<vmem>>) semaphore(%arg17 : memref<!tpu.dma_semaphore, #tpu.memory_space<semaphore_mem>>) {add = true}
        %dma_wait3A_207 = arith.constant 0 : i32
        %dma_wait3A_208 = tpu.memref_slice %arg9[%add3A_194, %dma_wait3A_207] : memref<40x128xi32, #tpu.memory_space<vmem>> -> memref<1x128xi32, #tpu.memory_space<vmem>>
        %dma_wait3A_209 = tpu.memref_squeeze %dma_wait3A_208 : memref<1x128xi32, #tpu.memory_space<vmem>> -> memref<128xi32, #tpu.memory_space<vmem>>
        %dma_wait3A_210 = arith.constant 0 : i32
        %dma_wait3A_211 = arith.constant 0 : i32
        %dma_wait3A_212 = tpu.memref_slice %arg2[%dma_wait3A_210, %dma_wait3A_211] : memref<10240x128xf32, #tpu.memory_space<hbm>> -> memref<10240x128xf32, #tpu.memory_space<hbm>>
        tpu.wait_indirect_dma semaphore(%arg16 : memref<!tpu.dma_semaphore, #tpu.memory_space<semaphore_mem>>) src(%dma_wait3A_212 : memref<10240x128xf32, #tpu.memory_space<hbm>>) dst(%arg12 : memref<128x128xf32, #tpu.memory_space<vmem>>)
        %dma_start3A_213 = arith.constant 0 : i32
        %dma_start3A_214 = tpu.memref_slice %arg10[%add3A_194, %dma_start3A_213] : memref<40x128xi32, #tpu.memory_space<vmem>> -> memref<1x128xi32, #tpu.memory_space<vmem>>
        %dma_start3A_215 = tpu.memref_squeeze %dma_start3A_214 : memref<1x128xi32, #tpu.memory_space<vmem>> -> memref<128xi32, #tpu.memory_space<vmem>>
        %dma_start3A_216 = arith.constant 0 : i32
        %dma_start3A_217 = arith.constant 0 : i32
        %dma_start3A_218 = tpu.memref_slice %arg8[%dma_start3A_216, %dma_start3A_217] : memref<10240x128xf32, #tpu.memory_space<vmem_shared>> -> memref<10240x128xf32, #tpu.memory_space<vmem_shared>>
        tpu.enqueue_indirect_dma source(%arg12 : memref<128x128xf32, #tpu.memory_space<vmem>>) target(%dma_start3A_218 : memref<10240x128xf32, #tpu.memory_space<vmem_shared>>) offsets(%dma_start3A_215 : memref<128xi32, #tpu.memory_space<vmem>>) semaphore(%arg18 : memref<!tpu.dma_semaphore, #tpu.memory_space<semaphore_mem>>) {add = true}
        %dma_wait3A_219 = arith.constant 0 : i32
        %dma_wait3A_220 = tpu.memref_slice %arg10[%mul3A_192, %dma_wait3A_219] : memref<40x128xi32, #tpu.memory_space<vmem>> -> memref<1x128xi32, #tpu.memory_space<vmem>>
        %dma_wait3A_221 = tpu.memref_squeeze %dma_wait3A_220 : memref<1x128xi32, #tpu.memory_space<vmem>> -> memref<128xi32, #tpu.memory_space<vmem>>
        %dma_wait3A_222 = arith.constant 0 : i32
        %dma_wait3A_223 = arith.constant 0 : i32
        %dma_wait3A_224 = tpu.memref_slice %arg8[%dma_wait3A_222, %dma_wait3A_223] : memref<10240x128xf32, #tpu.memory_space<vmem_shared>> -> memref<10240x128xf32, #tpu.memory_space<vmem_shared>>
        tpu.wait_indirect_dma semaphore(%arg17 : memref<!tpu.dma_semaphore, #tpu.memory_space<semaphore_mem>>) src(%arg11 : memref<128x128xf32, #tpu.memory_space<vmem>>) dst(%dma_wait3A_224 : memref<10240x128xf32, #tpu.memory_space<vmem_shared>>)
        %add3A_225 = arith.constant 2 : i32
        %add3A_226 = arith.addi %mul3A_192, %add3A_225 : i32
        %dma_start3A_227 = arith.constant 0 : i32
        %dma_start3A_228 = tpu.memref_slice %arg9[%add3A_226, %dma_start3A_227] : memref<40x128xi32, #tpu.memory_space<vmem>> -> memref<1x128xi32, #tpu.memory_space<vmem>>
        %dma_start3A_229 = tpu.memref_squeeze %dma_start3A_228 : memref<1x128xi32, #tpu.memory_space<vmem>> -> memref<128xi32, #tpu.memory_space<vmem>>
        %dma_start3A_230 = arith.constant 0 : i32
        %dma_start3A_231 = arith.constant 0 : i32
        %dma_start3A_232 = tpu.memref_slice %arg2[%dma_start3A_230, %dma_start3A_231] : memref<10240x128xf32, #tpu.memory_space<hbm>> -> memref<10240x128xf32, #tpu.memory_space<hbm>>
        tpu.enqueue_indirect_dma source(%dma_start3A_232 : memref<10240x128xf32, #tpu.memory_space<hbm>>) target(%arg11 : memref<128x128xf32, #tpu.memory_space<vmem>>) offsets(%dma_start3A_229 : memref<128xi32, #tpu.memory_space<vmem>>) semaphore(%arg15 : memref<!tpu.dma_semaphore, #tpu.memory_space<semaphore_mem>>)
        %dma_wait3A_233 = arith.constant 0 : i32
        %dma_wait3A_234 = tpu.memref_slice %arg10[%add3A_194, %dma_wait3A_233] : memref<40x128xi32, #tpu.memory_space<vmem>> -> memref<1x128xi32, #tpu.memory_space<vmem>>
        %dma_wait3A_235 = tpu.memref_squeeze %dma_wait3A_234 : memref<1x128xi32, #tpu.memory_space<vmem>> -> memref<128xi32, #tpu.memory_space<vmem>>
        %dma_wait3A_236 = arith.constant 0 : i32
        %dma_wait3A_237 = arith.constant 0 : i32
        %dma_wait3A_238 = tpu.memref_slice %arg8[%dma_wait3A_236, %dma_wait3A_237] : memref<10240x128xf32, #tpu.memory_space<vmem_shared>> -> memref<10240x128xf32, #tpu.memory_space<vmem_shared>>
        tpu.wait_indirect_dma semaphore(%arg18 : memref<!tpu.dma_semaphore, #tpu.memory_space<semaphore_mem>>) src(%arg12 : memref<128x128xf32, #tpu.memory_space<vmem>>) dst(%dma_wait3A_238 : memref<10240x128xf32, #tpu.memory_space<vmem_shared>>)
        %add3A_239 = arith.constant 2 : i32
        %add3A_240 = arith.addi %add3A_194, %add3A_239 : i32
        %dma_start3A_241 = arith.constant 0 : i32
        %dma_start3A_242 = tpu.memref_slice %arg9[%add3A_240, %dma_start3A_241] : memref<40x128xi32, #tpu.memory_space<vmem>> -> memref<1x128xi32, #tpu.memory_space<vmem>>
        %dma_start3A_243 = tpu.memref_squeeze %dma_start3A_242 : memref<1x128xi32, #tpu.memory_space<vmem>> -> memref<128xi32, #tpu.memory_space<vmem>>
        %dma_start3A_244 = arith.constant 0 : i32
        %dma_start3A_245 = arith.constant 0 : i32
        %dma_start3A_246 = tpu.memref_slice %arg2[%dma_start3A_244, %dma_start3A_245] : memref<10240x128xf32, #tpu.memory_space<hbm>> -> memref<10240x128xf32, #tpu.memory_space<hbm>>
        tpu.enqueue_indirect_dma source(%dma_start3A_246 : memref<10240x128xf32, #tpu.memory_space<hbm>>) target(%arg12 : memref<128x128xf32, #tpu.memory_space<vmem>>) offsets(%dma_start3A_243 : memref<128xi32, #tpu.memory_space<vmem>>) semaphore(%arg16 : memref<!tpu.dma_semaphore, #tpu.memory_space<semaphore_mem>>)
      }
      %scan3A_61 = arith.constant 19 : i32
      %dma_wait3A_62 = arith.constant 38 : i32
      %dma_wait3A_63 = arith.constant 0 : i32
      %dma_wait3A_64 = tpu.memref_slice %arg9[%dma_wait3A_62, %dma_wait3A_63] : memref<40x128xi32, #tpu.memory_space<vmem>> -> memref<1x128xi32, #tpu.memory_space<vmem>>
      %dma_wait3A_65 = tpu.memref_squeeze %dma_wait3A_64 : memref<1x128xi32, #tpu.memory_space<vmem>> -> memref<128xi32, #tpu.memory_space<vmem>>
      %dma_wait3A_66 = arith.constant 0 : i32
      %dma_wait3A_67 = arith.constant 0 : i32
      %dma_wait3A_68 = tpu.memref_slice %arg2[%dma_wait3A_66, %dma_wait3A_67] : memref<10240x128xf32, #tpu.memory_space<hbm>> -> memref<10240x128xf32, #tpu.memory_space<hbm>>
      tpu.wait_indirect_dma semaphore(%arg15 : memref<!tpu.dma_semaphore, #tpu.memory_space<semaphore_mem>>) src(%dma_wait3A_68 : memref<10240x128xf32, #tpu.memory_space<hbm>>) dst(%arg11 : memref<128x128xf32, #tpu.memory_space<vmem>>)
      %dma_start3A_69 = arith.constant 38 : i32
      %dma_start3A_70 = arith.constant 0 : i32
      %dma_start3A_71 = tpu.memref_slice %arg10[%dma_start3A_69, %dma_start3A_70] : memref<40x128xi32, #tpu.memory_space<vmem>> -> memref<1x128xi32, #tpu.memory_space<vmem>>
      %dma_start3A_72 = tpu.memref_squeeze %dma_start3A_71 : memref<1x128xi32, #tpu.memory_space<vmem>> -> memref<128xi32, #tpu.memory_space<vmem>>
      %dma_start3A_73 = arith.constant 0 : i32
      %dma_start3A_74 = arith.constant 0 : i32
      %dma_start3A_75 = tpu.memref_slice %arg8[%dma_start3A_73, %dma_start3A_74] : memref<10240x128xf32, #tpu.memory_space<vmem_shared>> -> memref<10240x128xf32, #tpu.memory_space<vmem_shared>>
      tpu.enqueue_indirect_dma source(%arg11 : memref<128x128xf32, #tpu.memory_space<vmem>>) target(%dma_start3A_75 : memref<10240x128xf32, #tpu.memory_space<vmem_shared>>) offsets(%dma_start3A_72 : memref<128xi32, #tpu.memory_space<vmem>>) semaphore(%arg17 : memref<!tpu.dma_semaphore, #tpu.memory_space<semaphore_mem>>) {add = true}
      %dma_wait3A_76 = arith.constant 39 : i32
      %dma_wait3A_77 = arith.constant 0 : i32
      %dma_wait3A_78 = tpu.memref_slice %arg9[%dma_wait3A_76, %dma_wait3A_77] : memref<40x128xi32, #tpu.memory_space<vmem>> -> memref<1x128xi32, #tpu.memory_space<vmem>>
      %dma_wait3A_79 = tpu.memref_squeeze %dma_wait3A_78 : memref<1x128xi32, #tpu.memory_space<vmem>> -> memref<128xi32, #tpu.memory_space<vmem>>
      %dma_wait3A_80 = arith.constant 0 : i32
      %dma_wait3A_81 = arith.constant 0 : i32
      %dma_wait3A_82 = tpu.memref_slice %arg2[%dma_wait3A_80, %dma_wait3A_81] : memref<10240x128xf32, #tpu.memory_space<hbm>> -> memref<10240x128xf32, #tpu.memory_space<hbm>>
      tpu.wait_indirect_dma semaphore(%arg16 : memref<!tpu.dma_semaphore, #tpu.memory_space<semaphore_mem>>) src(%dma_wait3A_82 : memref<10240x128xf32, #tpu.memory_space<hbm>>) dst(%arg12 : memref<128x128xf32, #tpu.memory_space<vmem>>)
      %dma_start3A_83 = arith.constant 39 : i32
      %dma_start3A_84 = arith.constant 0 : i32
      %dma_start3A_85 = tpu.memref_slice %arg10[%dma_start3A_83, %dma_start3A_84] : memref<40x128xi32, #tpu.memory_space<vmem>> -> memref<1x128xi32, #tpu.memory_space<vmem>>
      %dma_start3A_86 = tpu.memref_squeeze %dma_start3A_85 : memref<1x128xi32, #tpu.memory_space<vmem>> -> memref<128xi32, #tpu.memory_space<vmem>>
      %dma_start3A_87 = arith.constant 0 : i32
      %dma_start3A_88 = arith.constant 0 : i32
      %dma_start3A_89 = tpu.memref_slice %arg8[%dma_start3A_87, %dma_start3A_88] : memref<10240x128xf32, #tpu.memory_space<vmem_shared>> -> memref<10240x128xf32, #tpu.memory_space<vmem_shared>>
      tpu.enqueue_indirect_dma source(%arg12 : memref<128x128xf32, #tpu.memory_space<vmem>>) target(%dma_start3A_89 : memref<10240x128xf32, #tpu.memory_space<vmem_shared>>) offsets(%dma_start3A_86 : memref<128xi32, #tpu.memory_space<vmem>>) semaphore(%arg18 : memref<!tpu.dma_semaphore, #tpu.memory_space<semaphore_mem>>) {add = true}
      %dma_wait3A_90 = arith.constant 38 : i32
      %dma_wait3A_91 = arith.constant 0 : i32
      %dma_wait3A_92 = tpu.memref_slice %arg10[%dma_wait3A_90, %dma_wait3A_91] : memref<40x128xi32, #tpu.memory_space<vmem>> -> memref<1x128xi32, #tpu.memory_space<vmem>>
      %dma_wait3A_93 = tpu.memref_squeeze %dma_wait3A_92 : memref<1x128xi32, #tpu.memory_space<vmem>> -> memref<128xi32, #tpu.memory_space<vmem>>
      %dma_wait3A_94 = arith.constant 0 : i32
      %dma_wait3A_95 = arith.constant 0 : i32
      %dma_wait3A_96 = tpu.memref_slice %arg8[%dma_wait3A_94, %dma_wait3A_95] : memref<10240x128xf32, #tpu.memory_space<vmem_shared>> -> memref<10240x128xf32, #tpu.memory_space<vmem_shared>>
      tpu.wait_indirect_dma semaphore(%arg17 : memref<!tpu.dma_semaphore, #tpu.memory_space<semaphore_mem>>) src(%arg11 : memref<128x128xf32, #tpu.memory_space<vmem>>) dst(%dma_wait3A_96 : memref<10240x128xf32, #tpu.memory_space<vmem_shared>>)
      %dma_wait3A_97 = arith.constant 39 : i32
      %dma_wait3A_98 = arith.constant 0 : i32
      %dma_wait3A_99 = tpu.memref_slice %arg10[%dma_wait3A_97, %dma_wait3A_98] : memref<40x128xi32, #tpu.memory_space<vmem>> -> memref<1x128xi32, #tpu.memory_space<vmem>>
      %dma_wait3A_100 = tpu.memref_squeeze %dma_wait3A_99 : memref<1x128xi32, #tpu.memory_space<vmem>> -> memref<128xi32, #tpu.memory_space<vmem>>
      %dma_wait3A_101 = arith.constant 0 : i32
      %dma_wait3A_102 = arith.constant 0 : i32
      %dma_wait3A_103 = tpu.memref_slice %arg8[%dma_wait3A_101, %dma_wait3A_102] : memref<10240x128xf32, #tpu.memory_space<vmem_shared>> -> memref<10240x128xf32, #tpu.memory_space<vmem_shared>>
      tpu.wait_indirect_dma semaphore(%arg18 : memref<!tpu.dma_semaphore, #tpu.memory_space<semaphore_mem>>) src(%arg12 : memref<128x128xf32, #tpu.memory_space<vmem>>) dst(%dma_wait3A_103 : memref<10240x128xf32, #tpu.memory_space<vmem_shared>>)
      %mul3A_104 = arith.constant 2 : i32
      %mul3A_105 = arith.muli %arg1, %mul3A_104 : i32
      %add3A_106 = arith.constant 1 : i32
      %add3A_107 = arith.addi %mul3A_105, %add3A_106 : i32
      %mul3A_108 = arith.constant 40 : i32
      %mul3A_109 = arith.muli %add3A_107, %mul3A_108 : i32
      %add3A_110 = arith.constant 1280 : i32
      %add3A_111 = arith.addi %add3A_110, %mul3A_109 : i32
      %dma_start3A_112 = arith.constant 0 : i32
      %dma_start3A_113 = tpu.memref_slice %arg3[%add3A_111, %dma_start3A_112] : memref<2560x128xi32, #tpu.memory_space<hbm>> -> memref<40x128xi32, #tpu.memory_space<hbm>>
      %dma_start3A_114 = arith.constant 0 : i32
      %dma_start3A_115 = tpu.memref_slice %arg3[%add3A_111, %dma_start3A_114] : memref<2560x128xi32, #tpu.memory_space<hbm>> -> memref<40x128xi32, #tpu.memory_space<hbm>>
      tpu.enqueue_dma source(%dma_start3A_115 : memref<40x128xi32, #tpu.memory_space<hbm>>) target(%arg9 : memref<40x128xi32, #tpu.memory_space<vmem>>) target_semaphore(%arg14 : memref<!tpu.dma_semaphore, #tpu.memory_space<semaphore_mem>>)
      %dma_start3A_116 = arith.constant 0 : i32
      %dma_start3A_117 = tpu.memref_slice %arg4[%add3A_111, %dma_start3A_116] : memref<2560x128xi32, #tpu.memory_space<hbm>> -> memref<40x128xi32, #tpu.memory_space<hbm>>
      %dma_start3A_118 = arith.constant 0 : i32
      %dma_start3A_119 = tpu.memref_slice %arg4[%add3A_111, %dma_start3A_118] : memref<2560x128xi32, #tpu.memory_space<hbm>> -> memref<40x128xi32, #tpu.memory_space<hbm>>
      tpu.enqueue_dma source(%dma_start3A_119 : memref<40x128xi32, #tpu.memory_space<hbm>>) target(%arg10 : memref<40x128xi32, #tpu.memory_space<vmem>>) target_semaphore(%arg14 : memref<!tpu.dma_semaphore, #tpu.memory_space<semaphore_mem>>)
      %dma_wait3A_120 = arith.constant 0 : i32
      %dma_wait3A_121 = tpu.memref_slice %arg3[%add3A_111, %dma_wait3A_120] : memref<2560x128xi32, #tpu.memory_space<hbm>> -> memref<40x128xi32, #tpu.memory_space<hbm>>
      %dma_wait3A_122 = arith.constant 0 : i32
      %dma_wait3A_123 = tpu.memref_slice %arg3[%add3A_111, %dma_wait3A_122] : memref<2560x128xi32, #tpu.memory_space<hbm>> -> memref<40x128xi32, #tpu.memory_space<hbm>>
      tpu.wait_dma2 semaphore(%arg14 : memref<!tpu.dma_semaphore, #tpu.memory_space<semaphore_mem>>) src(%dma_wait3A_123 : memref<40x128xi32, #tpu.memory_space<hbm>>) dst(%arg9 : memref<40x128xi32, #tpu.memory_space<vmem>>)
      %dma_wait3A_124 = arith.constant 0 : i32
      %dma_wait3A_125 = tpu.memref_slice %arg4[%add3A_111, %dma_wait3A_124] : memref<2560x128xi32, #tpu.memory_space<hbm>> -> memref<40x128xi32, #tpu.memory_space<hbm>>
      %dma_wait3A_126 = arith.constant 0 : i32
      %dma_wait3A_127 = tpu.memref_slice %arg4[%add3A_111, %dma_wait3A_126] : memref<2560x128xi32, #tpu.memory_space<hbm>> -> memref<40x128xi32, #tpu.memory_space<hbm>>
      tpu.wait_dma2 semaphore(%arg14 : memref<!tpu.dma_semaphore, #tpu.memory_space<semaphore_mem>>) src(%dma_wait3A_127 : memref<40x128xi32, #tpu.memory_space<hbm>>) dst(%arg10 : memref<40x128xi32, #tpu.memory_space<vmem>>)
      %dma_start3A_128 = arith.constant 0 : i32
      %dma_start3A_129 = arith.constant 0 : i32
      %dma_start3A_130 = tpu.memref_slice %arg9[%dma_start3A_128, %dma_start3A_129] : memref<40x128xi32, #tpu.memory_space<vmem>> -> memref<1x128xi32, #tpu.memory_space<vmem>>
      %dma_start3A_131 = tpu.memref_squeeze %dma_start3A_130 : memref<1x128xi32, #tpu.memory_space<vmem>> -> memref<128xi32, #tpu.memory_space<vmem>>
      %dma_start3A_132 = arith.constant 0 : i32
      %dma_start3A_133 = arith.constant 0 : i32
      %dma_start3A_134 = tpu.memref_slice %arg2[%dma_start3A_132, %dma_start3A_133] : memref<10240x128xf32, #tpu.memory_space<hbm>> -> memref<10240x128xf32, #tpu.memory_space<hbm>>
      tpu.enqueue_indirect_dma source(%dma_start3A_134 : memref<10240x128xf32, #tpu.memory_space<hbm>>) target(%arg11 : memref<128x128xf32, #tpu.memory_space<vmem>>) offsets(%dma_start3A_131 : memref<128xi32, #tpu.memory_space<vmem>>) semaphore(%arg15 : memref<!tpu.dma_semaphore, #tpu.memory_space<semaphore_mem>>)
      %dma_start3A_135 = arith.constant 1 : i32
      %dma_start3A_136 = arith.constant 0 : i32
      %dma_start3A_137 = tpu.memref_slice %arg9[%dma_start3A_135, %dma_start3A_136] : memref<40x128xi32, #tpu.memory_space<vmem>> -> memref<1x128xi32, #tpu.memory_space<vmem>>
      %dma_start3A_138 = tpu.memref_squeeze %dma_start3A_137 : memref<1x128xi32, #tpu.memory_space<vmem>> -> memref<128xi32, #tpu.memory_space<vmem>>
      %dma_start3A_139 = arith.constant 0 : i32
      %dma_start3A_140 = arith.constant 0 : i32
      %dma_start3A_141 = tpu.memref_slice %arg2[%dma_start3A_139, %dma_start3A_140] : memref<10240x128xf32, #tpu.memory_space<hbm>> -> memref<10240x128xf32, #tpu.memory_space<hbm>>
      tpu.enqueue_indirect_dma source(%dma_start3A_141 : memref<10240x128xf32, #tpu.memory_space<hbm>>) target(%arg12 : memref<128x128xf32, #tpu.memory_space<vmem>>) offsets(%dma_start3A_138 : memref<128xi32, #tpu.memory_space<vmem>>) semaphore(%arg16 : memref<!tpu.dma_semaphore, #tpu.memory_space<semaphore_mem>>)
      %scan3A_142 = arith.constant 0 : i32
      %scan3A_143 = arith.constant 0 : i32
      %scan3A_144 = arith.constant 19 : i32
      %scan3A_145 = arith.addi %scan3A_143, %scan3A_144 : i32
      %scan3A_146 = arith.constant 1 : i32
      scf.for %scan3A_190 = %scan3A_143 to %scan3A_145 step %scan3A_146  : i32 {
        %mul3A_191 = arith.constant 2 : i32
        %mul3A_192 = arith.muli %mul3A_191, %scan3A_190 : i32
        %add3A_193 = arith.constant 1 : i32
        %add3A_194 = arith.addi %mul3A_192, %add3A_193 : i32
        %dma_wait3A_195 = arith.constant 0 : i32
        %dma_wait3A_196 = tpu.memref_slice %arg9[%mul3A_192, %dma_wait3A_195] : memref<40x128xi32, #tpu.memory_space<vmem>> -> memref<1x128xi32, #tpu.memory_space<vmem>>
        %dma_wait3A_197 = tpu.memref_squeeze %dma_wait3A_196 : memref<1x128xi32, #tpu.memory_space<vmem>> -> memref<128xi32, #tpu.memory_space<vmem>>
        %dma_wait3A_198 = arith.constant 0 : i32
        %dma_wait3A_199 = arith.constant 0 : i32
        %dma_wait3A_200 = tpu.memref_slice %arg2[%dma_wait3A_198, %dma_wait3A_199] : memref<10240x128xf32, #tpu.memory_space<hbm>> -> memref<10240x128xf32, #tpu.memory_space<hbm>>
        tpu.wait_indirect_dma semaphore(%arg15 : memref<!tpu.dma_semaphore, #tpu.memory_space<semaphore_mem>>) src(%dma_wait3A_200 : memref<10240x128xf32, #tpu.memory_space<hbm>>) dst(%arg11 : memref<128x128xf32, #tpu.memory_space<vmem>>)
        %dma_start3A_201 = arith.constant 0 : i32
        %dma_start3A_202 = tpu.memref_slice %arg10[%mul3A_192, %dma_start3A_201] : memref<40x128xi32, #tpu.memory_space<vmem>> -> memref<1x128xi32, #tpu.memory_space<vmem>>
        %dma_start3A_203 = tpu.memref_squeeze %dma_start3A_202 : memref<1x128xi32, #tpu.memory_space<vmem>> -> memref<128xi32, #tpu.memory_space<vmem>>
        %dma_start3A_204 = arith.constant 0 : i32
        %dma_start3A_205 = arith.constant 0 : i32
        %dma_start3A_206 = tpu.memref_slice %arg8[%dma_start3A_204, %dma_start3A_205] : memref<10240x128xf32, #tpu.memory_space<vmem_shared>> -> memref<10240x128xf32, #tpu.memory_space<vmem_shared>>
        tpu.enqueue_indirect_dma source(%arg11 : memref<128x128xf32, #tpu.memory_space<vmem>>) target(%dma_start3A_206 : memref<10240x128xf32, #tpu.memory_space<vmem_shared>>) offsets(%dma_start3A_203 : memref<128xi32, #tpu.memory_space<vmem>>) semaphore(%arg17 : memref<!tpu.dma_semaphore, #tpu.memory_space<semaphore_mem>>) {add = true}
        %dma_wait3A_207 = arith.constant 0 : i32
        %dma_wait3A_208 = tpu.memref_slice %arg9[%add3A_194, %dma_wait3A_207] : memref<40x128xi32, #tpu.memory_space<vmem>> -> memref<1x128xi32, #tpu.memory_space<vmem>>
        %dma_wait3A_209 = tpu.memref_squeeze %dma_wait3A_208 : memref<1x128xi32, #tpu.memory_space<vmem>> -> memref<128xi32, #tpu.memory_space<vmem>>
        %dma_wait3A_210 = arith.constant 0 : i32
        %dma_wait3A_211 = arith.constant 0 : i32
        %dma_wait3A_212 = tpu.memref_slice %arg2[%dma_wait3A_210, %dma_wait3A_211] : memref<10240x128xf32, #tpu.memory_space<hbm>> -> memref<10240x128xf32, #tpu.memory_space<hbm>>
        tpu.wait_indirect_dma semaphore(%arg16 : memref<!tpu.dma_semaphore, #tpu.memory_space<semaphore_mem>>) src(%dma_wait3A_212 : memref<10240x128xf32, #tpu.memory_space<hbm>>) dst(%arg12 : memref<128x128xf32, #tpu.memory_space<vmem>>)
        %dma_start3A_213 = arith.constant 0 : i32
        %dma_start3A_214 = tpu.memref_slice %arg10[%add3A_194, %dma_start3A_213] : memref<40x128xi32, #tpu.memory_space<vmem>> -> memref<1x128xi32, #tpu.memory_space<vmem>>
        %dma_start3A_215 = tpu.memref_squeeze %dma_start3A_214 : memref<1x128xi32, #tpu.memory_space<vmem>> -> memref<128xi32, #tpu.memory_space<vmem>>
        %dma_start3A_216 = arith.constant 0 : i32
        %dma_start3A_217 = arith.constant 0 : i32
        %dma_start3A_218 = tpu.memref_slice %arg8[%dma_start3A_216, %dma_start3A_217] : memref<10240x128xf32, #tpu.memory_space<vmem_shared>> -> memref<10240x128xf32, #tpu.memory_space<vmem_shared>>
        tpu.enqueue_indirect_dma source(%arg12 : memref<128x128xf32, #tpu.memory_space<vmem>>) target(%dma_start3A_218 : memref<10240x128xf32, #tpu.memory_space<vmem_shared>>) offsets(%dma_start3A_215 : memref<128xi32, #tpu.memory_space<vmem>>) semaphore(%arg18 : memref<!tpu.dma_semaphore, #tpu.memory_space<semaphore_mem>>) {add = true}
        %dma_wait3A_219 = arith.constant 0 : i32
        %dma_wait3A_220 = tpu.memref_slice %arg10[%mul3A_192, %dma_wait3A_219] : memref<40x128xi32, #tpu.memory_space<vmem>> -> memref<1x128xi32, #tpu.memory_space<vmem>>
        %dma_wait3A_221 = tpu.memref_squeeze %dma_wait3A_220 : memref<1x128xi32, #tpu.memory_space<vmem>> -> memref<128xi32, #tpu.memory_space<vmem>>
        %dma_wait3A_222 = arith.constant 0 : i32
        %dma_wait3A_223 = arith.constant 0 : i32
        %dma_wait3A_224 = tpu.memref_slice %arg8[%dma_wait3A_222, %dma_wait3A_223] : memref<10240x128xf32, #tpu.memory_space<vmem_shared>> -> memref<10240x128xf32, #tpu.memory_space<vmem_shared>>
        tpu.wait_indirect_dma semaphore(%arg17 : memref<!tpu.dma_semaphore, #tpu.memory_space<semaphore_mem>>) src(%arg11 : memref<128x128xf32, #tpu.memory_space<vmem>>) dst(%dma_wait3A_224 : memref<10240x128xf32, #tpu.memory_space<vmem_shared>>)
        %add3A_225 = arith.constant 2 : i32
        %add3A_226 = arith.addi %mul3A_192, %add3A_225 : i32
        %dma_start3A_227 = arith.constant 0 : i32
        %dma_start3A_228 = tpu.memref_slice %arg9[%add3A_226, %dma_start3A_227] : memref<40x128xi32, #tpu.memory_space<vmem>> -> memref<1x128xi32, #tpu.memory_space<vmem>>
        %dma_start3A_229 = tpu.memref_squeeze %dma_start3A_228 : memref<1x128xi32, #tpu.memory_space<vmem>> -> memref<128xi32, #tpu.memory_space<vmem>>
        %dma_start3A_230 = arith.constant 0 : i32
        %dma_start3A_231 = arith.constant 0 : i32
        %dma_start3A_232 = tpu.memref_slice %arg2[%dma_start3A_230, %dma_start3A_231] : memref<10240x128xf32, #tpu.memory_space<hbm>> -> memref<10240x128xf32, #tpu.memory_space<hbm>>
        tpu.enqueue_indirect_dma source(%dma_start3A_232 : memref<10240x128xf32, #tpu.memory_space<hbm>>) target(%arg11 : memref<128x128xf32, #tpu.memory_space<vmem>>) offsets(%dma_start3A_229 : memref<128xi32, #tpu.memory_space<vmem>>) semaphore(%arg15 : memref<!tpu.dma_semaphore, #tpu.memory_space<semaphore_mem>>)
        %dma_wait3A_233 = arith.constant 0 : i32
        %dma_wait3A_234 = tpu.memref_slice %arg10[%add3A_194, %dma_wait3A_233] : memref<40x128xi32, #tpu.memory_space<vmem>> -> memref<1x128xi32, #tpu.memory_space<vmem>>
        %dma_wait3A_235 = tpu.memref_squeeze %dma_wait3A_234 : memref<1x128xi32, #tpu.memory_space<vmem>> -> memref<128xi32, #tpu.memory_space<vmem>>
        %dma_wait3A_236 = arith.constant 0 : i32
        %dma_wait3A_237 = arith.constant 0 : i32
        %dma_wait3A_238 = tpu.memref_slice %arg8[%dma_wait3A_236, %dma_wait3A_237] : memref<10240x128xf32, #tpu.memory_space<vmem_shared>> -> memref<10240x128xf32, #tpu.memory_space<vmem_shared>>
        tpu.wait_indirect_dma semaphore(%arg18 : memref<!tpu.dma_semaphore, #tpu.memory_space<semaphore_mem>>) src(%arg12 : memref<128x128xf32, #tpu.memory_space<vmem>>) dst(%dma_wait3A_238 : memref<10240x128xf32, #tpu.memory_space<vmem_shared>>)
        %add3A_239 = arith.constant 2 : i32
        %add3A_240 = arith.addi %add3A_194, %add3A_239 : i32
        %dma_start3A_241 = arith.constant 0 : i32
        %dma_start3A_242 = tpu.memref_slice %arg9[%add3A_240, %dma_start3A_241] : memref<40x128xi32, #tpu.memory_space<vmem>> -> memref<1x128xi32, #tpu.memory_space<vmem>>
        %dma_start3A_243 = tpu.memref_squeeze %dma_start3A_242 : memref<1x128xi32, #tpu.memory_space<vmem>> -> memref<128xi32, #tpu.memory_space<vmem>>
        %dma_start3A_244 = arith.constant 0 : i32
        %dma_start3A_245 = arith.constant 0 : i32
        %dma_start3A_246 = tpu.memref_slice %arg2[%dma_start3A_244, %dma_start3A_245] : memref<10240x128xf32, #tpu.memory_space<hbm>> -> memref<10240x128xf32, #tpu.memory_space<hbm>>
        tpu.enqueue_indirect_dma source(%dma_start3A_246 : memref<10240x128xf32, #tpu.memory_space<hbm>>) target(%arg12 : memref<128x128xf32, #tpu.memory_space<vmem>>) offsets(%dma_start3A_243 : memref<128xi32, #tpu.memory_space<vmem>>) semaphore(%arg16 : memref<!tpu.dma_semaphore, #tpu.memory_space<semaphore_mem>>)
      }
      %scan3A_147 = arith.constant 19 : i32
      %dma_wait3A_148 = arith.constant 38 : i32
      %dma_wait3A_149 = arith.constant 0 : i32
      %dma_wait3A_150 = tpu.memref_slice %arg9[%dma_wait3A_148, %dma_wait3A_149] : memref<40x128xi32, #tpu.memory_space<vmem>> -> memref<1x128xi32, #tpu.memory_space<vmem>>
      %dma_wait3A_151 = tpu.memref_squeeze %dma_wait3A_150 : memref<1x128xi32, #tpu.memory_space<vmem>> -> memref<128xi32, #tpu.memory_space<vmem>>
      %dma_wait3A_152 = arith.constant 0 : i32
      %dma_wait3A_153 = arith.constant 0 : i32
      %dma_wait3A_154 = tpu.memref_slice %arg2[%dma_wait3A_152, %dma_wait3A_153] : memref<10240x128xf32, #tpu.memory_space<hbm>> -> memref<10240x128xf32, #tpu.memory_space<hbm>>
      tpu.wait_indirect_dma semaphore(%arg15 : memref<!tpu.dma_semaphore, #tpu.memory_space<semaphore_mem>>) src(%dma_wait3A_154 : memref<10240x128xf32, #tpu.memory_space<hbm>>) dst(%arg11 : memref<128x128xf32, #tpu.memory_space<vmem>>)
      %dma_start3A_155 = arith.constant 38 : i32
      %dma_start3A_156 = arith.constant 0 : i32
      %dma_start3A_157 = tpu.memref_slice %arg10[%dma_start3A_155, %dma_start3A_156] : memref<40x128xi32, #tpu.memory_space<vmem>> -> memref<1x128xi32, #tpu.memory_space<vmem>>
      %dma_start3A_158 = tpu.memref_squeeze %dma_start3A_157 : memref<1x128xi32, #tpu.memory_space<vmem>> -> memref<128xi32, #tpu.memory_space<vmem>>
      %dma_start3A_159 = arith.constant 0 : i32
      %dma_start3A_160 = arith.constant 0 : i32
      %dma_start3A_161 = tpu.memref_slice %arg8[%dma_start3A_159, %dma_start3A_160] : memref<10240x128xf32, #tpu.memory_space<vmem_shared>> -> memref<10240x128xf32, #tpu.memory_space<vmem_shared>>
      tpu.enqueue_indirect_dma source(%arg11 : memref<128x128xf32, #tpu.memory_space<vmem>>) target(%dma_start3A_161 : memref<10240x128xf32, #tpu.memory_space<vmem_shared>>) offsets(%dma_start3A_158 : memref<128xi32, #tpu.memory_space<vmem>>) semaphore(%arg17 : memref<!tpu.dma_semaphore, #tpu.memory_space<semaphore_mem>>) {add = true}
      %dma_wait3A_162 = arith.constant 39 : i32
      %dma_wait3A_163 = arith.constant 0 : i32
      %dma_wait3A_164 = tpu.memref_slice %arg9[%dma_wait3A_162, %dma_wait3A_163] : memref<40x128xi32, #tpu.memory_space<vmem>> -> memref<1x128xi32, #tpu.memory_space<vmem>>
      %dma_wait3A_165 = tpu.memref_squeeze %dma_wait3A_164 : memref<1x128xi32, #tpu.memory_space<vmem>> -> memref<128xi32, #tpu.memory_space<vmem>>
      %dma_wait3A_166 = arith.constant 0 : i32
      %dma_wait3A_167 = arith.constant 0 : i32
      %dma_wait3A_168 = tpu.memref_slice %arg2[%dma_wait3A_166, %dma_wait3A_167] : memref<10240x128xf32, #tpu.memory_space<hbm>> -> memref<10240x128xf32, #tpu.memory_space<hbm>>
      tpu.wait_indirect_dma semaphore(%arg16 : memref<!tpu.dma_semaphore, #tpu.memory_space<semaphore_mem>>) src(%dma_wait3A_168 : memref<10240x128xf32, #tpu.memory_space<hbm>>) dst(%arg12 : memref<128x128xf32, #tpu.memory_space<vmem>>)
      %dma_start3A_169 = arith.constant 39 : i32
      %dma_start3A_170 = arith.constant 0 : i32
      %dma_start3A_171 = tpu.memref_slice %arg10[%dma_start3A_169, %dma_start3A_170] : memref<40x128xi32, #tpu.memory_space<vmem>> -> memref<1x128xi32, #tpu.memory_space<vmem>>
      %dma_start3A_172 = tpu.memref_squeeze %dma_start3A_171 : memref<1x128xi32, #tpu.memory_space<vmem>> -> memref<128xi32, #tpu.memory_space<vmem>>
      %dma_start3A_173 = arith.constant 0 : i32
      %dma_start3A_174 = arith.constant 0 : i32
      %dma_start3A_175 = tpu.memref_slice %arg8[%dma_start3A_173, %dma_start3A_174] : memref<10240x128xf32, #tpu.memory_space<vmem_shared>> -> memref<10240x128xf32, #tpu.memory_space<vmem_shared>>
      tpu.enqueue_indirect_dma source(%arg12 : memref<128x128xf32, #tpu.memory_space<vmem>>) target(%dma_start3A_175 : memref<10240x128xf32, #tpu.memory_space<vmem_shared>>) offsets(%dma_start3A_172 : memref<128xi32, #tpu.memory_space<vmem>>) semaphore(%arg18 : memref<!tpu.dma_semaphore, #tpu.memory_space<semaphore_mem>>) {add = true}
      %dma_wait3A_176 = arith.constant 38 : i32
      %dma_wait3A_177 = arith.constant 0 : i32
      %dma_wait3A_178 = tpu.memref_slice %arg10[%dma_wait3A_176, %dma_wait3A_177] : memref<40x128xi32, #tpu.memory_space<vmem>> -> memref<1x128xi32, #tpu.memory_space<vmem>>
      %dma_wait3A_179 = tpu.memref_squeeze %dma_wait3A_178 : memref<1x128xi32, #tpu.memory_space<vmem>> -> memref<128xi32, #tpu.memory_space<vmem>>
      %dma_wait3A_180 = arith.constant 0 : i32
      %dma_wait3A_181 = arith.constant 0 : i32
      %dma_wait3A_182 = tpu.memref_slice %arg8[%dma_wait3A_180, %dma_wait3A_181] : memref<10240x128xf32, #tpu.memory_space<vmem_shared>> -> memref<10240x128xf32, #tpu.memory_space<vmem_shared>>
      tpu.wait_indirect_dma semaphore(%arg17 : memref<!tpu.dma_semaphore, #tpu.memory_space<semaphore_mem>>) src(%arg11 : memref<128x128xf32, #tpu.memory_space<vmem>>) dst(%dma_wait3A_182 : memref<10240x128xf32, #tpu.memory_space<vmem_shared>>)
      %dma_wait3A_183 = arith.constant 39 : i32
      %dma_wait3A_184 = arith.constant 0 : i32
      %dma_wait3A_185 = tpu.memref_slice %arg10[%dma_wait3A_183, %dma_wait3A_184] : memref<40x128xi32, #tpu.memory_space<vmem>> -> memref<1x128xi32, #tpu.memory_space<vmem>>
      %dma_wait3A_186 = tpu.memref_squeeze %dma_wait3A_185 : memref<1x128xi32, #tpu.memory_space<vmem>> -> memref<128xi32, #tpu.memory_space<vmem>>
      %dma_wait3A_187 = arith.constant 0 : i32
      %dma_wait3A_188 = arith.constant 0 : i32
      %dma_wait3A_189 = tpu.memref_slice %arg8[%dma_wait3A_187, %dma_wait3A_188] : memref<10240x128xf32, #tpu.memory_space<vmem_shared>> -> memref<10240x128xf32, #tpu.memory_space<vmem_shared>>
      tpu.wait_indirect_dma semaphore(%arg18 : memref<!tpu.dma_semaphore, #tpu.memory_space<semaphore_mem>>) src(%arg12 : memref<128x128xf32, #tpu.memory_space<vmem>>) dst(%dma_wait3A_189 : memref<10240x128xf32, #tpu.memory_space<vmem_shared>>)
    } else {
    }
    %barrier3A_9 = arith.constant 0 : index
    tpu.barrier barrier_id(%barrier3A_9)
    %eq3A_10 = arith.constant 0 : i32
    %eq3A_11 = arith.cmpi eq, %arg0, %eq3A_10 : i32
    %convert_element_type3A_12 = arith.extui %eq3A_11 : i1 to i32
    %cond3A_13 = arith.constant 0 : i32
    %cond3A_14 = arith.cmpi ne, %convert_element_type3A_12, %cond3A_13 : i32
    scf.if %cond3A_14 {
      "tpu.region"() ({
        %run_scoped3A = tpu.sem_alloc : memref<!tpu.dma_semaphore, #tpu.memory_space<semaphore_mem>>
        %dma_start3A_20 = arith.constant 0 : i32
        %dma_start3A_21 = tpu.memref_slice %arg6[%mul3A_0, %dma_start3A_20] : memref<10240x128xf32, #tpu.memory_space<hbm>> -> memref<640x128xf32, #tpu.memory_space<hbm>>
        %dma_start3A_22 = arith.constant 0 : i32
        %dma_start3A_23 = tpu.memref_slice %arg8[%mul3A_0, %dma_start3A_22] : memref<10240x128xf32, #tpu.memory_space<vmem_shared>> -> memref<640x128xf32, #tpu.memory_space<vmem_shared>>
        tpu.enqueue_dma source(%dma_start3A_23 : memref<640x128xf32, #tpu.memory_space<vmem_shared>>) target(%dma_start3A_21 : memref<640x128xf32, #tpu.memory_space<hbm>>) target_semaphore(%run_scoped3A : memref<!tpu.dma_semaphore, #tpu.memory_space<semaphore_mem>>)
        %dma_wait3A_24 = arith.constant 0 : i32
        %dma_wait3A_25 = tpu.memref_slice %arg6[%mul3A_0, %dma_wait3A_24] : memref<10240x128xf32, #tpu.memory_space<hbm>> -> memref<640x128xf32, #tpu.memory_space<hbm>>
        %dma_wait3A_26 = arith.constant 0 : i32
        %dma_wait3A_27 = tpu.memref_slice %arg8[%mul3A_0, %dma_wait3A_26] : memref<10240x128xf32, #tpu.memory_space<vmem_shared>> -> memref<640x128xf32, #tpu.memory_space<vmem_shared>>
        tpu.wait_dma2 semaphore(%run_scoped3A : memref<!tpu.dma_semaphore, #tpu.memory_space<semaphore_mem>>) src(%dma_wait3A_27 : memref<640x128xf32, #tpu.memory_space<vmem_shared>>) dst(%dma_wait3A_25 : memref<640x128xf32, #tpu.memory_space<hbm>>)
        tpu.yield
      }) : () -> ()
    } else {
    }
    %eq3A_15 = arith.constant 1 : i32
    %eq3A_16 = arith.cmpi eq, %arg0, %eq3A_15 : i32
    %convert_element_type3A_17 = arith.extui %eq3A_16 : i1 to i32
    %cond3A_18 = arith.constant 0 : i32
    %cond3A_19 = arith.cmpi ne, %convert_element_type3A_17, %cond3A_18 : i32
    scf.if %cond3A_19 {
      "tpu.region"() ({
        %run_scoped3A = tpu.sem_alloc : memref<!tpu.dma_semaphore, #tpu.memory_space<semaphore_mem>>
        %dma_start3A_20 = arith.constant 0 : i32
        %dma_start3A_21 = tpu.memref_slice %arg7[%mul3A_0, %dma_start3A_20] : memref<10240x128xf32, #tpu.memory_space<hbm>> -> memref<640x128xf32, #tpu.memory_space<hbm>>
        %dma_start3A_22 = arith.constant 0 : i32
        %dma_start3A_23 = tpu.memref_slice %arg8[%mul3A_0, %dma_start3A_22] : memref<10240x128xf32, #tpu.memory_space<vmem_shared>> -> memref<640x128xf32, #tpu.memory_space<vmem_shared>>
        tpu.enqueue_dma source(%dma_start3A_23 : memref<640x128xf32, #tpu.memory_space<vmem_shared>>) target(%dma_start3A_21 : memref<640x128xf32, #tpu.memory_space<hbm>>) target_semaphore(%run_scoped3A : memref<!tpu.dma_semaphore, #tpu.memory_space<semaphore_mem>>)
        %dma_wait3A_24 = arith.constant 0 : i32
        %dma_wait3A_25 = tpu.memref_slice %arg7[%mul3A_0, %dma_wait3A_24] : memref<10240x128xf32, #tpu.memory_space<hbm>> -> memref<640x128xf32, #tpu.memory_space<hbm>>
        %dma_wait3A_26 = arith.constant 0 : i32
        %dma_wait3A_27 = tpu.memref_slice %arg8[%mul3A_0, %dma_wait3A_26] : memref<10240x128xf32, #tpu.memory_space<vmem_shared>> -> memref<640x128xf32, #tpu.memory_space<vmem_shared>>
        tpu.wait_dma2 semaphore(%run_scoped3A : memref<!tpu.dma_semaphore, #tpu.memory_space<semaphore_mem>>) src(%dma_wait3A_27 : memref<640x128xf32, #tpu.memory_space<vmem_shared>>) dst(%dma_wait3A_25 : memref<640x128xf32, #tpu.memory_space<hbm>>)
        tpu.yield
      }) : () -> ()
    } else {
    }
    return
  }
}

module attributes {stable_mosaic.version = 14 : i64} {
  func.func @_tc_in_body(%arg0: i32, %arg1: memref<512x128xf32, #tpu.memory_space<vmem>>, %arg2: memref<512x128xf32, #tpu.memory_space<vmem>>, %arg3: memref<512x1xi32, #tpu.memory_space<vmem>>, %arg4: memref<512x1xi32, #tpu.memory_space<vmem>>, %arg5: memref<256x16xf32, #tpu.memory_space<vmem>>, %arg6: memref<128x128xf32, #tpu.memory_space<vmem>>, %arg7: memref<128x128xf32, #tpu.memory_space<vmem>>, %arg8: memref<16x128xf32, #tpu.memory_space<vmem>>, %arg9: memref<128x128xf32, #tpu.memory_space<vmem>>, %arg10: memref<128x128xf32, #tpu.memory_space<vmem>>, %arg11: memref<16x128xf32, #tpu.memory_space<vmem>>, %arg12: memref<512x128xf32, #tpu.memory_space<vmem>>, %arg13: memref<512x128xf32, #tpu.memory_space<vmem>>) attributes {dimension_semantics = [#tpu.dimension_semantics<arbitrary>], iteration_bounds = array<i64: 20>, scalar_prefetch = 0 : i64, scratch_operands = 0 : i64, tpu.core_type = #tpu.core_type<tc>, window_params = [{transform_indices = @transform_0, window_bounds = array<i64: 512, 128>}, {transform_indices = @transform_1, window_bounds = array<i64: 512, 128>}, {transform_indices = @transform_2, window_bounds = array<i64: 512, 1>}, {transform_indices = @transform_3, window_bounds = array<i64: 512, 1>}, {pipeline_mode = #tpu.pipeline_mode<synchronous>, transform_indices = @transform_4, window_bounds = array<i64: 256, 16>}, {pipeline_mode = #tpu.pipeline_mode<synchronous>, transform_indices = @transform_5, window_bounds = array<i64: 128, 128>}, {pipeline_mode = #tpu.pipeline_mode<synchronous>, transform_indices = @transform_6, window_bounds = array<i64: 128, 128>}, {pipeline_mode = #tpu.pipeline_mode<synchronous>, transform_indices = @transform_7, window_bounds = array<i64: 16, 128>}, {pipeline_mode = #tpu.pipeline_mode<synchronous>, transform_indices = @transform_8, window_bounds = array<i64: 128, 128>}, {pipeline_mode = #tpu.pipeline_mode<synchronous>, transform_indices = @transform_9, window_bounds = array<i64: 128, 128>}, {pipeline_mode = #tpu.pipeline_mode<synchronous>, transform_indices = @transform_10, window_bounds = array<i64: 16, 128>}, {transform_indices = @transform_11, window_bounds = array<i64: 512, 128>}, {transform_indices = @transform_12, window_bounds = array<i64: 512, 128>}]} {
    %get3A = arith.constant 0 : index
    %get3A_0 = arith.constant 0 : index
    %get3A_1 = vector.load %arg1[%get3A, %get3A_0] : memref<512x128xf32, #tpu.memory_space<vmem>>, vector<512x128xf32>
    %iota3A = tpu.iota {dimensions = array<i32: 1>} : vector<512x128xi32>
    %shift_right_logical3A = arith.constant 4 : i32
    %shift_right_logical3A_2 = vector.broadcast %shift_right_logical3A : i32 to vector<512x128xi32>
    %shift_right_logical3A_3 = arith.shrui %iota3A, %shift_right_logical3A_2 : vector<512x128xi32>
    %get3A_4 = arith.constant 0 : index
    %get3A_5 = arith.constant 0 : index
    %get3A_6 = vector.load %arg3[%get3A_4, %get3A_5] : memref<512x1xi32, #tpu.memory_space<vmem>>, vector<512x1xi32>
    %and3A = arith.constant 7 : i32
    %and3A_7 = vector.broadcast %and3A : i32 to vector<512x1xi32>
    %and3A_8 = arith.andi %get3A_6, %and3A_7 : vector<512x1xi32>
    %eq3A = vector.broadcast %and3A_8 : vector<512x1xi32> to vector<512x128xi32>
    %eq3A_9 = arith.cmpi eq, %shift_right_logical3A_3, %eq3A : vector<512x128xi32>
    %get3A_10 = arith.constant 0 : index
    %get3A_11 = arith.constant 0 : index
    %get3A_12 = vector.load %arg2[%get3A_10, %get3A_11] : memref<512x128xf32, #tpu.memory_space<vmem>>, vector<512x128xf32>
    %jit3A = arith.constant 0.000000e+00 : f32
    %broadcast_in_dim3A = vector.broadcast %jit3A : f32 to vector<512x128xf32>
    %select_n3A = arith.select %eq3A_9, %get3A_12, %broadcast_in_dim3A : vector<512x128xi1>, vector<512x128xf32>
    %iota3A_13 = tpu.iota {dimensions = array<i32: 1>} : vector<512x128xi32>
    %get3A_14 = arith.constant 0 : index
    %get3A_15 = arith.constant 0 : index
    %get3A_16 = vector.load %arg4[%get3A_14, %get3A_15] : memref<512x1xi32, #tpu.memory_space<vmem>>, vector<512x1xi32>
    %eq3A_17 = vector.broadcast %get3A_16 : vector<512x1xi32> to vector<512x128xi32>
    %eq3A_18 = arith.cmpi eq, %eq3A_17, %iota3A_13 : vector<512x128xi32>
    %jit3A_19 = arith.constant 1.000000e+00 : f32
    %jit3A_20 = arith.constant 0.000000e+00 : f32
    %broadcast_in_dim3A_21 = vector.broadcast %jit3A_19 : f32 to vector<512x128xf32>
    %broadcast_in_dim3A_22 = vector.broadcast %jit3A_20 : f32 to vector<512x128xf32>
    %select_n3A_23 = arith.select %eq3A_18, %broadcast_in_dim3A_21, %broadcast_in_dim3A_22 : vector<512x128xi1>, vector<512x128xf32>
    %add3A = arith.constant 128 : i32
    %add3A_24 = vector.broadcast %add3A : i32 to vector<512x128xi32>
    %add3A_25 = arith.addi %iota3A_13, %add3A_24 : vector<512x128xi32>
    %eq3A_26 = vector.broadcast %get3A_16 : vector<512x1xi32> to vector<512x128xi32>
    %eq3A_27 = arith.cmpi eq, %eq3A_26, %add3A_25 : vector<512x128xi32>
    %jit3A_28 = arith.constant 1.000000e+00 : f32
    %jit3A_29 = arith.constant 0.000000e+00 : f32
    %broadcast_in_dim3A_30 = vector.broadcast %jit3A_28 : f32 to vector<512x128xf32>
    %broadcast_in_dim3A_31 = vector.broadcast %jit3A_29 : f32 to vector<512x128xf32>
    %select_n3A_32 = arith.select %eq3A_27, %broadcast_in_dim3A_30, %broadcast_in_dim3A_31 : vector<512x128xi1>, vector<512x128xf32>
    %get3A_33 = arith.constant 0 : index
    %get3A_34 = arith.constant 0 : index
    %get3A_35 = vector.load %arg5[%get3A_33, %get3A_34] : memref<256x16xf32, #tpu.memory_space<vmem>>, vector<128x16xf32>
    %dot_general3A = arith.constant dense<0.000000e+00> : vector<512x16xf32>
    %dot_general3A_36 = tpu.matmul %select_n3A_23, %get3A_35, %dot_general3A {dimension_numbers = #tpu.dot_dimension_numbers<[1], [0], [0], [1], [0, 0, 1, 1], [], []>, transpose_lhs_hint = false} : vector<512x128xf32>, vector<128x16xf32>, vector<512x16xf32> -> vector<512x16xf32>
    %get3A_37 = arith.constant 128 : index
    %get3A_38 = arith.constant 0 : index
    %get3A_39 = vector.load %arg5[%get3A_37, %get3A_38] : memref<256x16xf32, #tpu.memory_space<vmem>>, vector<128x16xf32>
    %dot_general3A_40 = arith.constant dense<0.000000e+00> : vector<512x16xf32>
    %dot_general3A_41 = tpu.matmul %select_n3A_32, %get3A_39, %dot_general3A_40 {dimension_numbers = #tpu.dot_dimension_numbers<[1], [0], [0], [1], [0, 0, 1, 1], [], []>, transpose_lhs_hint = false} : vector<512x128xf32>, vector<128x16xf32>, vector<512x16xf32> -> vector<512x16xf32>
    %add3A_42 = arith.addf %dot_general3A_36, %dot_general3A_41 : vector<512x16xf32>
    %get3A_43 = arith.constant 0 : index
    %get3A_44 = arith.constant 0 : index
    %get3A_45 = vector.load %arg6[%get3A_43, %get3A_44] : memref<128x128xf32, #tpu.memory_space<vmem>>, vector<128x128xf32>
    %dot_general3A_46 = arith.constant dense<0.000000e+00> : vector<512x128xf32>
    %dot_general3A_47 = tpu.matmul %get3A_1, %get3A_45, %dot_general3A_46 {dimension_numbers = #tpu.dot_dimension_numbers<[1], [0], [0], [1], [0, 0, 1, 1], [], []>, transpose_lhs_hint = false} : vector<512x128xf32>, vector<128x128xf32>, vector<512x128xf32> -> vector<512x128xf32>
    %get3A_48 = arith.constant 0 : index
    %get3A_49 = arith.constant 0 : index
    %get3A_50 = vector.load %arg7[%get3A_48, %get3A_49] : memref<128x128xf32, #tpu.memory_space<vmem>>, vector<128x128xf32>
    %dot_general3A_51 = arith.constant dense<0.000000e+00> : vector<512x128xf32>
    %dot_general3A_52 = tpu.matmul %select_n3A, %get3A_50, %dot_general3A_51 {dimension_numbers = #tpu.dot_dimension_numbers<[1], [0], [0], [1], [0, 0, 1, 1], [], []>, transpose_lhs_hint = false} : vector<512x128xf32>, vector<128x128xf32>, vector<512x128xf32> -> vector<512x128xf32>
    %add3A_53 = arith.addf %dot_general3A_47, %dot_general3A_52 : vector<512x128xf32>
    %get3A_54 = arith.constant 0 : index
    %get3A_55 = arith.constant 0 : index
    %get3A_56 = vector.load %arg8[%get3A_54, %get3A_55] : memref<16x128xf32, #tpu.memory_space<vmem>>, vector<16x128xf32>
    %dot_general3A_57 = arith.constant dense<0.000000e+00> : vector<512x128xf32>
    %dot_general3A_58 = tpu.matmul %add3A_42, %get3A_56, %dot_general3A_57 {dimension_numbers = #tpu.dot_dimension_numbers<[1], [0], [0], [1], [0, 0, 1, 1], [], []>, transpose_lhs_hint = false} : vector<512x16xf32>, vector<16x128xf32>, vector<512x128xf32> -> vector<512x128xf32>
    %add3A_59 = arith.addf %add3A_53, %dot_general3A_58 : vector<512x128xf32>
    %swap3A = arith.constant 0 : index
    %swap3A_60 = arith.constant 0 : index
    %swap3A_61 = vector.load %arg12[%swap3A, %swap3A_60] : memref<512x128xf32, #tpu.memory_space<vmem>>, vector<512x128xf32>
    tpu.vector_store %arg12[%swap3A, %swap3A_60], %add3A_59 {strides = array<i32>} : memref<512x128xf32, #tpu.memory_space<vmem>>, vector<512x128xf32>,
    %get3A_62 = arith.constant 0 : index
    %get3A_63 = arith.constant 0 : index
    %get3A_64 = vector.load %arg9[%get3A_62, %get3A_63] : memref<128x128xf32, #tpu.memory_space<vmem>>, vector<128x128xf32>
    %dot_general3A_65 = arith.constant dense<0.000000e+00> : vector<512x128xf32>
    %dot_general3A_66 = tpu.matmul %get3A_1, %get3A_64, %dot_general3A_65 {dimension_numbers = #tpu.dot_dimension_numbers<[1], [0], [0], [1], [0, 0, 1, 1], [], []>, transpose_lhs_hint = false} : vector<512x128xf32>, vector<128x128xf32>, vector<512x128xf32> -> vector<512x128xf32>
    %get3A_67 = arith.constant 0 : index
    %get3A_68 = arith.constant 0 : index
    %get3A_69 = vector.load %arg10[%get3A_67, %get3A_68] : memref<128x128xf32, #tpu.memory_space<vmem>>, vector<128x128xf32>
    %dot_general3A_70 = arith.constant dense<0.000000e+00> : vector<512x128xf32>
    %dot_general3A_71 = tpu.matmul %select_n3A, %get3A_69, %dot_general3A_70 {dimension_numbers = #tpu.dot_dimension_numbers<[1], [0], [0], [1], [0, 0, 1, 1], [], []>, transpose_lhs_hint = false} : vector<512x128xf32>, vector<128x128xf32>, vector<512x128xf32> -> vector<512x128xf32>
    %add3A_72 = arith.addf %dot_general3A_66, %dot_general3A_71 : vector<512x128xf32>
    %get3A_73 = arith.constant 0 : index
    %get3A_74 = arith.constant 0 : index
    %get3A_75 = vector.load %arg11[%get3A_73, %get3A_74] : memref<16x128xf32, #tpu.memory_space<vmem>>, vector<16x128xf32>
    %dot_general3A_76 = arith.constant dense<0.000000e+00> : vector<512x128xf32>
    %dot_general3A_77 = tpu.matmul %add3A_42, %get3A_75, %dot_general3A_76 {dimension_numbers = #tpu.dot_dimension_numbers<[1], [0], [0], [1], [0, 0, 1, 1], [], []>, transpose_lhs_hint = false} : vector<512x16xf32>, vector<16x128xf32>, vector<512x128xf32> -> vector<512x128xf32>
    %add3A_78 = arith.addf %add3A_72, %dot_general3A_77 : vector<512x128xf32>
    %swap3A_79 = arith.constant 0 : index
    %swap3A_80 = arith.constant 0 : index
    %swap3A_81 = vector.load %arg13[%swap3A_79, %swap3A_80] : memref<512x128xf32, #tpu.memory_space<vmem>>, vector<512x128xf32>
    tpu.vector_store %arg13[%swap3A_79, %swap3A_80], %add3A_78 {strides = array<i32>} : memref<512x128xf32, #tpu.memory_space<vmem>>, vector<512x128xf32>,
    return
  }
  func.func @transform_0(%arg0: i32) -> (i32, i32) {
    %c0_i32 = arith.constant 0 : i32
    %c0_i32_0 = arith.constant 0 : i32
    return %arg0, %c0_i32 : i32, i32
  }
  func.func @transform_1(%arg0: i32) -> (i32, i32) {
    %c0_i32 = arith.constant 0 : i32
    %c0_i32_0 = arith.constant 0 : i32
    return %arg0, %c0_i32 : i32, i32
  }
  func.func @transform_2(%arg0: i32) -> (i32, i32) {
    %c0_i32 = arith.constant 0 : i32
    %c0_i32_0 = arith.constant 0 : i32
    return %arg0, %c0_i32 : i32, i32
  }
  func.func @transform_3(%arg0: i32) -> (i32, i32) {
    %c0_i32 = arith.constant 0 : i32
    %c0_i32_0 = arith.constant 0 : i32
    return %arg0, %c0_i32 : i32, i32
  }
  func.func @transform_4(%arg0: i32) -> (i32, i32) {
    %c0_i32 = arith.constant 0 : i32
    %c0_i32_0 = arith.constant 0 : i32
    %c0_i32_1 = arith.constant 0 : i32
    return %c0_i32, %c0_i32_0 : i32, i32
  }
  func.func @transform_5(%arg0: i32) -> (i32, i32) {
    %c0_i32 = arith.constant 0 : i32
    %c0_i32_0 = arith.constant 0 : i32
    %c0_i32_1 = arith.constant 0 : i32
    return %c0_i32, %c0_i32_0 : i32, i32
  }
  func.func @transform_6(%arg0: i32) -> (i32, i32) {
    %c0_i32 = arith.constant 0 : i32
    %c0_i32_0 = arith.constant 0 : i32
    %c0_i32_1 = arith.constant 0 : i32
    return %c0_i32, %c0_i32_0 : i32, i32
  }
  func.func @transform_7(%arg0: i32) -> (i32, i32) {
    %c0_i32 = arith.constant 0 : i32
    %c0_i32_0 = arith.constant 0 : i32
    %c0_i32_1 = arith.constant 0 : i32
    return %c0_i32, %c0_i32_0 : i32, i32
  }
  func.func @transform_8(%arg0: i32) -> (i32, i32) {
    %c0_i32 = arith.constant 0 : i32
    %c0_i32_0 = arith.constant 0 : i32
    %c0_i32_1 = arith.constant 0 : i32
    return %c0_i32, %c0_i32_0 : i32, i32
  }
  func.func @transform_9(%arg0: i32) -> (i32, i32) {
    %c0_i32 = arith.constant 0 : i32
    %c0_i32_0 = arith.constant 0 : i32
    %c0_i32_1 = arith.constant 0 : i32
    return %c0_i32, %c0_i32_0 : i32, i32
  }
  func.func @transform_10(%arg0: i32) -> (i32, i32) {
    %c0_i32 = arith.constant 0 : i32
    %c0_i32_0 = arith.constant 0 : i32
    %c0_i32_1 = arith.constant 0 : i32
    return %c0_i32, %c0_i32_0 : i32, i32
  }
  func.func @transform_11(%arg0: i32) -> (i32, i32) {
    %c0_i32 = arith.constant 0 : i32
    %c0_i32_0 = arith.constant 0 : i32
    return %arg0, %c0_i32 : i32, i32
  }
  func.func @transform_12(%arg0: i32) -> (i32, i32) {
    %c0_i32 = arith.constant 0 : i32
    %c0_i32_0 = arith.constant 0 : i32
    return %arg0, %c0_i32 : i32, i32
  }
}

module attributes {stable_mosaic.version = 14 : i64} {
  func.func @_tc_mid_body(%arg0: i32, %arg1: memref<512x128xf32, #tpu.memory_space<vmem>>, %arg2: memref<512x128xf32, #tpu.memory_space<vmem>>, %arg3: memref<512x128xf32, #tpu.memory_space<vmem>>, %arg4: memref<1x128xf32, #tpu.memory_space<vmem>>, %arg5: memref<128x128xf32, #tpu.memory_space<vmem>>, %arg6: memref<128x128xf32, #tpu.memory_space<vmem>>, %arg7: memref<512x128xf32, #tpu.memory_space<vmem>>, %arg8: memref<512x128xf32, #tpu.memory_space<vmem>>) attributes {dimension_semantics = [#tpu.dimension_semantics<arbitrary>], iteration_bounds = array<i64: 20>, scalar_prefetch = 0 : i64, scratch_operands = 0 : i64, tpu.core_type = #tpu.core_type<tc>, window_params = [{transform_indices = @transform_0, window_bounds = array<i64: 512, 128>}, {transform_indices = @transform_1, window_bounds = array<i64: 512, 128>}, {transform_indices = @transform_2, window_bounds = array<i64: 512, 128>}, {pipeline_mode = #tpu.pipeline_mode<synchronous>, transform_indices = @transform_3, window_bounds = array<i64: 1, 128>}, {pipeline_mode = #tpu.pipeline_mode<synchronous>, transform_indices = @transform_4, window_bounds = array<i64: 128, 128>}, {pipeline_mode = #tpu.pipeline_mode<synchronous>, transform_indices = @transform_5, window_bounds = array<i64: 128, 128>}, {transform_indices = @transform_6, window_bounds = array<i64: 512, 128>}, {transform_indices = @transform_7, window_bounds = array<i64: 512, 128>}]} {
    %get3A = arith.constant 0 : index
    %get3A_0 = arith.constant 0 : index
    %get3A_1 = vector.load %arg1[%get3A, %get3A_0] : memref<512x128xf32, #tpu.memory_space<vmem>>, vector<512x128xf32>
    %get3A_2 = arith.constant 0 : index
    %get3A_3 = arith.constant 0 : index
    %get3A_4 = vector.load %arg2[%get3A_2, %get3A_3] : memref<512x128xf32, #tpu.memory_space<vmem>>, vector<512x128xf32>
    %add3A = arith.addf %get3A_1, %get3A_4 : vector<512x128xf32>
    %get3A_5 = arith.constant 0 : index
    %get3A_6 = arith.constant 0 : index
    %get3A_7 = vector.load %arg3[%get3A_5, %get3A_6] : memref<512x128xf32, #tpu.memory_space<vmem>>, vector<512x128xf32>
    %add3A_8 = arith.addf %add3A, %get3A_7 : vector<512x128xf32>
    %get3A_9 = arith.constant 0 : index
    %get3A_10 = arith.constant 0 : index
    %get3A_11 = vector.load %arg4[%get3A_9, %get3A_10] : memref<1x128xf32, #tpu.memory_space<vmem>>, vector<1x128xf32>
    %add3A_12 = vector.broadcast %get3A_11 : vector<1x128xf32> to vector<512x128xf32>
    %add3A_13 = arith.addf %add3A_8, %add3A_12 : vector<512x128xf32>
    %max3A = arith.constant 0.000000e+00 : f32
    %max3A_14 = vector.broadcast %max3A : f32 to vector<512x128xf32>
    %max3A_15 = arith.maximumf %add3A_13, %max3A_14 : vector<512x128xf32>
    %get3A_16 = arith.constant 0 : index
    %get3A_17 = arith.constant 0 : index
    %get3A_18 = vector.load %arg5[%get3A_16, %get3A_17] : memref<128x128xf32, #tpu.memory_space<vmem>>, vector<128x128xf32>
    %dot_general3A = arith.constant dense<0.000000e+00> : vector<512x128xf32>
    %dot_general3A_19 = tpu.matmul %max3A_15, %get3A_18, %dot_general3A {dimension_numbers = #tpu.dot_dimension_numbers<[1], [0], [0], [1], [0, 0, 1, 1], [], []>, transpose_lhs_hint = false} : vector<512x128xf32>, vector<128x128xf32>, vector<512x128xf32> -> vector<512x128xf32>
    %swap3A = arith.constant 0 : index
    %swap3A_20 = arith.constant 0 : index
    %swap3A_21 = vector.load %arg7[%swap3A, %swap3A_20] : memref<512x128xf32, #tpu.memory_space<vmem>>, vector<512x128xf32>
    tpu.vector_store %arg7[%swap3A, %swap3A_20], %dot_general3A_19 {strides = array<i32>} : memref<512x128xf32, #tpu.memory_space<vmem>>, vector<512x128xf32>,
    %get3A_22 = arith.constant 0 : index
    %get3A_23 = arith.constant 0 : index
    %get3A_24 = vector.load %arg6[%get3A_22, %get3A_23] : memref<128x128xf32, #tpu.memory_space<vmem>>, vector<128x128xf32>
    %dot_general3A_25 = arith.constant dense<0.000000e+00> : vector<512x128xf32>
    %dot_general3A_26 = tpu.matmul %max3A_15, %get3A_24, %dot_general3A_25 {dimension_numbers = #tpu.dot_dimension_numbers<[1], [0], [0], [1], [0, 0, 1, 1], [], []>, transpose_lhs_hint = false} : vector<512x128xf32>, vector<128x128xf32>, vector<512x128xf32> -> vector<512x128xf32>
    %swap3A_27 = arith.constant 0 : index
    %swap3A_28 = arith.constant 0 : index
    %swap3A_29 = vector.load %arg8[%swap3A_27, %swap3A_28] : memref<512x128xf32, #tpu.memory_space<vmem>>, vector<512x128xf32>
    tpu.vector_store %arg8[%swap3A_27, %swap3A_28], %dot_general3A_26 {strides = array<i32>} : memref<512x128xf32, #tpu.memory_space<vmem>>, vector<512x128xf32>,
    return
  }
  func.func @transform_0(%arg0: i32) -> (i32, i32) {
    %c0_i32 = arith.constant 0 : i32
    %c0_i32_0 = arith.constant 0 : i32
    return %arg0, %c0_i32 : i32, i32
  }
  func.func @transform_1(%arg0: i32) -> (i32, i32) {
    %c0_i32 = arith.constant 0 : i32
    %c0_i32_0 = arith.constant 0 : i32
    return %arg0, %c0_i32 : i32, i32
  }
  func.func @transform_2(%arg0: i32) -> (i32, i32) {
    %c0_i32 = arith.constant 0 : i32
    %c0_i32_0 = arith.constant 0 : i32
    return %arg0, %c0_i32 : i32, i32
  }
  func.func @transform_3(%arg0: i32) -> (i32, i32) {
    %c0_i32 = arith.constant 0 : i32
    %c0_i32_0 = arith.constant 0 : i32
    %c0_i32_1 = arith.constant 0 : i32
    return %c0_i32, %c0_i32_0 : i32, i32
  }
  func.func @transform_4(%arg0: i32) -> (i32, i32) {
    %c0_i32 = arith.constant 0 : i32
    %c0_i32_0 = arith.constant 0 : i32
    %c0_i32_1 = arith.constant 0 : i32
    return %c0_i32, %c0_i32_0 : i32, i32
  }
  func.func @transform_5(%arg0: i32) -> (i32, i32) {
    %c0_i32 = arith.constant 0 : i32
    %c0_i32_0 = arith.constant 0 : i32
    %c0_i32_1 = arith.constant 0 : i32
    return %c0_i32, %c0_i32_0 : i32, i32
  }
  func.func @transform_6(%arg0: i32) -> (i32, i32) {
    %c0_i32 = arith.constant 0 : i32
    %c0_i32_0 = arith.constant 0 : i32
    return %arg0, %c0_i32 : i32, i32
  }
  func.func @transform_7(%arg0: i32) -> (i32, i32) {
    %c0_i32 = arith.constant 0 : i32
    %c0_i32_0 = arith.constant 0 : i32
    return %arg0, %c0_i32 : i32, i32
  }
}

module attributes {stable_mosaic.version = 14 : i64} {
  func.func @_tc_fin_body(%arg0: i32, %arg1: memref<512x128xf32, #tpu.memory_space<vmem>>, %arg2: memref<512x128xf32, #tpu.memory_space<vmem>>, %arg3: memref<512x128xf32, #tpu.memory_space<vmem>>, %arg4: memref<1x128xf32, #tpu.memory_space<vmem>>, %arg5: memref<512x1xi32, #tpu.memory_space<vmem>>, %arg6: memref<128x128xf32, #tpu.memory_space<vmem>>, %arg7: memref<1x128xf32, #tpu.memory_space<vmem>>, %arg8: memref<128x128xf32, #tpu.memory_space<vmem>>, %arg9: memref<1x128xf32, #tpu.memory_space<vmem>>, %arg10: memref<128x128xf32, #tpu.memory_space<vmem>>, %arg11: memref<1x128xf32, #tpu.memory_space<vmem>>, %arg12: memref<64x128xf32, #tpu.memory_space<vmem>>, %arg13: memref<64x128xf32, #tpu.memory_space<vmem>>) attributes {dimension_semantics = [#tpu.dimension_semantics<arbitrary>], iteration_bounds = array<i64: 20>, scalar_prefetch = 0 : i64, scratch_operands = 1 : i64, tpu.core_type = #tpu.core_type<tc>, window_params = [{transform_indices = @transform_0, window_bounds = array<i64: 512, 128>}, {transform_indices = @transform_1, window_bounds = array<i64: 512, 128>}, {transform_indices = @transform_2, window_bounds = array<i64: 512, 128>}, {pipeline_mode = #tpu.pipeline_mode<synchronous>, transform_indices = @transform_3, window_bounds = array<i64: 1, 128>}, {transform_indices = @transform_4, window_bounds = array<i64: 512, 1>}, {pipeline_mode = #tpu.pipeline_mode<synchronous>, transform_indices = @transform_5, window_bounds = array<i64: 128, 128>}, {pipeline_mode = #tpu.pipeline_mode<synchronous>, transform_indices = @transform_6, window_bounds = array<i64: 1, 128>}, {pipeline_mode = #tpu.pipeline_mode<synchronous>, transform_indices = @transform_7, window_bounds = array<i64: 128, 128>}, {pipeline_mode = #tpu.pipeline_mode<synchronous>, transform_indices = @transform_8, window_bounds = array<i64: 1, 128>}, {pipeline_mode = #tpu.pipeline_mode<synchronous>, transform_indices = @transform_9, window_bounds = array<i64: 128, 128>}, {pipeline_mode = #tpu.pipeline_mode<synchronous>, transform_indices = @transform_10, window_bounds = array<i64: 1, 128>}, {pipeline_mode = #tpu.pipeline_mode<synchronous>, transform_indices = @transform_11, window_bounds = array<i64: 64, 128>}]} {
    %eq3A = arith.constant 0 : i32
    %eq3A_0 = arith.cmpi eq, %arg0, %eq3A : i32
    %convert_element_type3A = arith.extui %eq3A_0 : i1 to i32
    %cond3A = arith.constant 0 : i32
    %cond3A_1 = arith.cmpi ne, %convert_element_type3A, %cond3A : i32
    scf.if %cond3A_1 {
      %broadcast_in_dim3A = arith.constant 0xFF800000 : f32
      %broadcast_in_dim3A_44 = vector.broadcast %broadcast_in_dim3A : f32 to vector<64x128xf32>
      %swap3A = arith.constant 0 : index
      %swap3A_45 = arith.constant 0 : index
      %swap3A_46 = vector.load %arg13[%swap3A, %swap3A_45] : memref<64x128xf32, #tpu.memory_space<vmem>>, vector<64x128xf32>
      tpu.vector_store %arg13[%swap3A, %swap3A_45], %broadcast_in_dim3A_44 {strides = array<i32>} : memref<64x128xf32, #tpu.memory_space<vmem>>, vector<64x128xf32>,
    } else {
    }
    %get3A = arith.constant 0 : index
    %get3A_2 = arith.constant 0 : index
    %get3A_3 = vector.load %arg1[%get3A, %get3A_2] : memref<512x128xf32, #tpu.memory_space<vmem>>, vector<512x128xf32>
    %get3A_4 = arith.constant 0 : index
    %get3A_5 = arith.constant 0 : index
    %get3A_6 = vector.load %arg2[%get3A_4, %get3A_5] : memref<512x128xf32, #tpu.memory_space<vmem>>, vector<512x128xf32>
    %add3A = arith.addf %get3A_3, %get3A_6 : vector<512x128xf32>
    %get3A_7 = arith.constant 0 : index
    %get3A_8 = arith.constant 0 : index
    %get3A_9 = vector.load %arg3[%get3A_7, %get3A_8] : memref<512x128xf32, #tpu.memory_space<vmem>>, vector<512x128xf32>
    %add3A_10 = arith.addf %add3A, %get3A_9 : vector<512x128xf32>
    %get3A_11 = arith.constant 0 : index
    %get3A_12 = arith.constant 0 : index
    %get3A_13 = vector.load %arg4[%get3A_11, %get3A_12] : memref<1x128xf32, #tpu.memory_space<vmem>>, vector<1x128xf32>
    %add3A_14 = vector.broadcast %get3A_13 : vector<1x128xf32> to vector<512x128xf32>
    %add3A_15 = arith.addf %add3A_10, %add3A_14 : vector<512x128xf32>
    %max3A = arith.constant 0.000000e+00 : f32
    %max3A_16 = vector.broadcast %max3A : f32 to vector<512x128xf32>
    %max3A_17 = arith.maximumf %add3A_15, %max3A_16 : vector<512x128xf32>
    %get3A_18 = arith.constant 0 : index
    %get3A_19 = arith.constant 0 : index
    %get3A_20 = vector.load %arg5[%get3A_18, %get3A_19] : memref<512x1xi32, #tpu.memory_space<vmem>>, vector<512x1xi32>
    %reduce_min3A = vector.shape_cast %get3A_20 : vector<512x1xi32> to vector<1x512x1xi32>
    %reduce_min3A_21 = arith.constant dense<2147483647> : vector<1xi32>
    %reduce_min3A_22 = vector.multi_reduction <minsi>, %reduce_min3A, %reduce_min3A_21 [1, 2] : vector<1x512x1xi32> to vector<1xi32>
    %reduce_min3A_23 = vector.shape_cast %reduce_min3A_22 : vector<1xi32> to vector<1x1x1xi32>
    %reduce_min3A_24 = vector.extract %reduce_min3A_23[0, 0, 0] : i32 from vector<1x1x1xi32>
    %reduce_max3A = vector.shape_cast %get3A_20 : vector<512x1xi32> to vector<1x512x1xi32>
    %reduce_max3A_25 = arith.constant dense<-2147483648> : vector<1xi32>
    %reduce_max3A_26 = vector.multi_reduction <maxsi>, %reduce_max3A, %reduce_max3A_25 [1, 2] : vector<1x512x1xi32> to vector<1xi32>
    %reduce_max3A_27 = vector.shape_cast %reduce_max3A_26 : vector<1xi32> to vector<1x1x1xi32>
    %reduce_max3A_28 = vector.extract %reduce_max3A_27[0, 0, 0] : i32 from vector<1x1x1xi32>
    %add3A_29 = arith.constant 1 : i32
    %add3A_30 = arith.addi %reduce_max3A_28, %add3A_29 : i32
    %while3A = arith.constant 0 : i32
    %while3A_31 = arith.subi %add3A_30, %reduce_min3A_24 : i32
    %while3A_32 = arith.addi %reduce_min3A_24, %while3A_31 : i32
    %while3A_33 = arith.constant 1 : i32
    %while3A_34 = arith.divsi %while3A_31, %while3A_33 : i32
    %while3A_35 = arith.muli %while3A_34, %while3A_33 : i32
    %while3A_36 = arith.addi %reduce_min3A_24, %while3A_35 : i32
    %while3A_37 = arith.constant 1 : i32
    scf.for %while3A_44 = %reduce_min3A_24 to %while3A_36 step %while3A_37  : i32 {
      %eq3A_45 = vector.broadcast %while3A_44 : i32 to vector<512x1xi32>
      %eq3A_46 = arith.cmpi eq, %get3A_20, %eq3A_45 : vector<512x1xi32>
      %jit3A = arith.constant 0xFF800000 : f32
      %broadcast_in_dim3A = vector.shape_cast %eq3A_46 : vector<512x1xi1> to vector<512x1xi1>
      %broadcast_in_dim3A_47 = vector.broadcast %broadcast_in_dim3A : vector<512x1xi1> to vector<512x128xi1>
      %broadcast_in_dim3A_48 = vector.broadcast %jit3A : f32 to vector<512x128xf32>
      %select_n3A = arith.select %broadcast_in_dim3A_47, %max3A_17, %broadcast_in_dim3A_48 : vector<512x128xi1>, vector<512x128xf32>
      %reduce_max3A_49 = arith.constant dense<0xFF800000> : vector<128xf32>
      %reduce_max3A_50 = vector.multi_reduction <maximumf>, %select_n3A, %reduce_max3A_49 [0] : vector<512x128xf32> to vector<128xf32>
      %broadcast_in_dim3A_51 = vector.shape_cast %reduce_max3A_50 : vector<128xf32> to vector<1x128xf32>
      %min3A = arith.constant 63 : i32
      %min3A_52 = arith.minsi %while3A_44, %min3A : i32
      %lt3A = arith.constant 64 : i32
      %lt3A_53 = arith.cmpi slt, %while3A_44, %lt3A : i32
      %convert_element_type3A_54 = arith.extui %lt3A_53 : i1 to i32
      %cond3A_55 = arith.constant 0 : i32
      %cond3A_56 = arith.cmpi ne, %convert_element_type3A_54, %cond3A_55 : i32
      scf.if %cond3A_56 {
        %get3A_57 = arith.index_cast %min3A_52 : i32 to index
        %get3A_58 = arith.constant 0 : index
        %get3A_59 = vector.load %arg13[%get3A_57, %get3A_58] : memref<64x128xf32, #tpu.memory_space<vmem>>, vector<1x128xf32>
        %max3A_60 = arith.maximumf %get3A_59, %broadcast_in_dim3A_51 : vector<1x128xf32>
        %swap3A = arith.index_cast %min3A_52 : i32 to index
        %swap3A_61 = arith.constant 0 : index
        %swap3A_62 = vector.load %arg13[%swap3A, %swap3A_61] : memref<64x128xf32, #tpu.memory_space<vmem>>, vector<1x128xf32>
        tpu.vector_store %arg13[%swap3A, %swap3A_61], %max3A_60 {strides = array<i32>} : memref<64x128xf32, #tpu.memory_space<vmem>>, vector<1x128xf32>,
      } else {
      }
    }
    %while3A_38 = arith.constant 1 : i32
    scf.for %while3A_44 = %while3A_36 to %while3A_32 step %while3A_38  : i32 {
      %eq3A_45 = vector.broadcast %while3A_44 : i32 to vector<512x1xi32>
      %eq3A_46 = arith.cmpi eq, %get3A_20, %eq3A_45 : vector<512x1xi32>
      %jit3A = arith.constant 0xFF800000 : f32
      %broadcast_in_dim3A = vector.shape_cast %eq3A_46 : vector<512x1xi1> to vector<512x1xi1>
      %broadcast_in_dim3A_47 = vector.broadcast %broadcast_in_dim3A : vector<512x1xi1> to vector<512x128xi1>
      %broadcast_in_dim3A_48 = vector.broadcast %jit3A : f32 to vector<512x128xf32>
      %select_n3A = arith.select %broadcast_in_dim3A_47, %max3A_17, %broadcast_in_dim3A_48 : vector<512x128xi1>, vector<512x128xf32>
      %reduce_max3A_49 = arith.constant dense<0xFF800000> : vector<128xf32>
      %reduce_max3A_50 = vector.multi_reduction <maximumf>, %select_n3A, %reduce_max3A_49 [0] : vector<512x128xf32> to vector<128xf32>
      %broadcast_in_dim3A_51 = vector.shape_cast %reduce_max3A_50 : vector<128xf32> to vector<1x128xf32>
      %min3A = arith.constant 63 : i32
      %min3A_52 = arith.minsi %while3A_44, %min3A : i32
      %lt3A = arith.constant 64 : i32
      %lt3A_53 = arith.cmpi slt, %while3A_44, %lt3A : i32
      %convert_element_type3A_54 = arith.extui %lt3A_53 : i1 to i32
      %cond3A_55 = arith.constant 0 : i32
      %cond3A_56 = arith.cmpi ne, %convert_element_type3A_54, %cond3A_55 : i32
      scf.if %cond3A_56 {
        %get3A_57 = arith.index_cast %min3A_52 : i32 to index
        %get3A_58 = arith.constant 0 : index
        %get3A_59 = vector.load %arg13[%get3A_57, %get3A_58] : memref<64x128xf32, #tpu.memory_space<vmem>>, vector<1x128xf32>
        %max3A_60 = arith.maximumf %get3A_59, %broadcast_in_dim3A_51 : vector<1x128xf32>
        %swap3A = arith.index_cast %min3A_52 : i32 to index
        %swap3A_61 = arith.constant 0 : index
        %swap3A_62 = vector.load %arg13[%swap3A, %swap3A_61] : memref<64x128xf32, #tpu.memory_space<vmem>>, vector<1x128xf32>
        tpu.vector_store %arg13[%swap3A, %swap3A_61], %max3A_60 {strides = array<i32>} : memref<64x128xf32, #tpu.memory_space<vmem>>, vector<1x128xf32>,
      } else {
      }
    }
    %eq3A_39 = arith.constant 19 : i32
    %eq3A_40 = arith.cmpi eq, %arg0, %eq3A_39 : i32
    %convert_element_type3A_41 = arith.extui %eq3A_40 : i1 to i32
    %cond3A_42 = arith.constant 0 : i32
    %cond3A_43 = arith.cmpi ne, %convert_element_type3A_41, %cond3A_42 : i32
    scf.if %cond3A_43 {
      %get3A_44 = arith.constant 0 : index
      %get3A_45 = arith.constant 0 : index
      %get3A_46 = vector.load %arg13[%get3A_44, %get3A_45] : memref<64x128xf32, #tpu.memory_space<vmem>>, vector<64x128xf32>
      %get3A_47 = arith.constant 0 : index
      %get3A_48 = arith.constant 0 : index
      %get3A_49 = vector.load %arg6[%get3A_47, %get3A_48] : memref<128x128xf32, #tpu.memory_space<vmem>>, vector<128x128xf32>
      %dot_general3A = arith.constant dense<0.000000e+00> : vector<64x128xf32>
      %dot_general3A_50 = tpu.matmul %get3A_46, %get3A_49, %dot_general3A {dimension_numbers = #tpu.dot_dimension_numbers<[1], [0], [0], [1], [0, 0, 1, 1], [], []>, transpose_lhs_hint = false} : vector<64x128xf32>, vector<128x128xf32>, vector<64x128xf32> -> vector<64x128xf32>
      %get3A_51 = arith.constant 0 : index
      %get3A_52 = arith.constant 0 : index
      %get3A_53 = vector.load %arg7[%get3A_51, %get3A_52] : memref<1x128xf32, #tpu.memory_space<vmem>>, vector<1x128xf32>
      %add3A_54 = vector.broadcast %get3A_53 : vector<1x128xf32> to vector<64x128xf32>
      %add3A_55 = arith.addf %dot_general3A_50, %add3A_54 : vector<64x128xf32>
      %max3A_56 = arith.constant 0.000000e+00 : f32
      %max3A_57 = vector.broadcast %max3A_56 : f32 to vector<64x128xf32>
      %max3A_58 = arith.maximumf %add3A_55, %max3A_57 : vector<64x128xf32>
      %get3A_59 = arith.constant 0 : index
      %get3A_60 = arith.constant 0 : index
      %get3A_61 = vector.load %arg8[%get3A_59, %get3A_60] : memref<128x128xf32, #tpu.memory_space<vmem>>, vector<128x128xf32>
      %dot_general3A_62 = arith.constant dense<0.000000e+00> : vector<64x128xf32>
      %dot_general3A_63 = tpu.matmul %max3A_58, %get3A_61, %dot_general3A_62 {dimension_numbers = #tpu.dot_dimension_numbers<[1], [0], [0], [1], [0, 0, 1, 1], [], []>, transpose_lhs_hint = false} : vector<64x128xf32>, vector<128x128xf32>, vector<64x128xf32> -> vector<64x128xf32>
      %get3A_64 = arith.constant 0 : index
      %get3A_65 = arith.constant 0 : index
      %get3A_66 = vector.load %arg9[%get3A_64, %get3A_65] : memref<1x128xf32, #tpu.memory_space<vmem>>, vector<1x128xf32>
      %add3A_67 = vector.broadcast %get3A_66 : vector<1x128xf32> to vector<64x128xf32>
      %add3A_68 = arith.addf %dot_general3A_63, %add3A_67 : vector<64x128xf32>
      %max3A_69 = arith.constant 0.000000e+00 : f32
      %max3A_70 = vector.broadcast %max3A_69 : f32 to vector<64x128xf32>
      %max3A_71 = arith.maximumf %add3A_68, %max3A_70 : vector<64x128xf32>
      %get3A_72 = arith.constant 0 : index
      %get3A_73 = arith.constant 0 : index
      %get3A_74 = vector.load %arg10[%get3A_72, %get3A_73] : memref<128x128xf32, #tpu.memory_space<vmem>>, vector<128x128xf32>
      %dot_general3A_75 = arith.constant dense<0.000000e+00> : vector<64x128xf32>
      %dot_general3A_76 = tpu.matmul %max3A_71, %get3A_74, %dot_general3A_75 {dimension_numbers = #tpu.dot_dimension_numbers<[1], [0], [0], [1], [0, 0, 1, 1], [], []>, transpose_lhs_hint = false} : vector<64x128xf32>, vector<128x128xf32>, vector<64x128xf32> -> vector<64x128xf32>
      %get3A_77 = arith.constant 0 : index
      %get3A_78 = arith.constant 0 : index
      %get3A_79 = vector.load %arg11[%get3A_77, %get3A_78] : memref<1x128xf32, #tpu.memory_space<vmem>>, vector<1x128xf32>
      %add3A_80 = vector.broadcast %get3A_79 : vector<1x128xf32> to vector<64x128xf32>
      %add3A_81 = arith.addf %dot_general3A_76, %add3A_80 : vector<64x128xf32>
      %swap3A = arith.constant 0 : index
      %swap3A_82 = arith.constant 0 : index
      %swap3A_83 = vector.load %arg12[%swap3A, %swap3A_82] : memref<64x128xf32, #tpu.memory_space<vmem>>, vector<64x128xf32>
      tpu.vector_store %arg12[%swap3A, %swap3A_82], %add3A_81 {strides = array<i32>} : memref<64x128xf32, #tpu.memory_space<vmem>>, vector<64x128xf32>,
    } else {
    }
    return
  }
  func.func @transform_0(%arg0: i32) -> (i32, i32) {
    %c0_i32 = arith.constant 0 : i32
    %c0_i32_0 = arith.constant 0 : i32
    return %arg0, %c0_i32 : i32, i32
  }
  func.func @transform_1(%arg0: i32) -> (i32, i32) {
    %c0_i32 = arith.constant 0 : i32
    %c0_i32_0 = arith.constant 0 : i32
    return %arg0, %c0_i32 : i32, i32
  }
  func.func @transform_2(%arg0: i32) -> (i32, i32) {
    %c0_i32 = arith.constant 0 : i32
    %c0_i32_0 = arith.constant 0 : i32
    return %arg0, %c0_i32 : i32, i32
  }
  func.func @transform_3(%arg0: i32) -> (i32, i32) {
    %c0_i32 = arith.constant 0 : i32
    %c0_i32_0 = arith.constant 0 : i32
    %c0_i32_1 = arith.constant 0 : i32
    return %c0_i32, %c0_i32_0 : i32, i32
  }
  func.func @transform_4(%arg0: i32) -> (i32, i32) {
    %c0_i32 = arith.constant 0 : i32
    %c0_i32_0 = arith.constant 0 : i32
    return %arg0, %c0_i32 : i32, i32
  }
  func.func @transform_5(%arg0: i32) -> (i32, i32) {
    %c0_i32 = arith.constant 0 : i32
    %c0_i32_0 = arith.constant 0 : i32
    %c0_i32_1 = arith.constant 0 : i32
    return %c0_i32, %c0_i32_0 : i32, i32
  }
  func.func @transform_6(%arg0: i32) -> (i32, i32) {
    %c0_i32 = arith.constant 0 : i32
    %c0_i32_0 = arith.constant 0 : i32
    %c0_i32_1 = arith.constant 0 : i32
    return %c0_i32, %c0_i32_0 : i32, i32
  }
  func.func @transform_7(%arg0: i32) -> (i32, i32) {
    %c0_i32 = arith.constant 0 : i32
    %c0_i32_0 = arith.constant 0 : i32
    %c0_i32_1 = arith.constant 0 : i32
    return %c0_i32, %c0_i32_0 : i32, i32
  }
  func.func @transform_8(%arg0: i32) -> (i32, i32) {
    %c0_i32 = arith.constant 0 : i32
    %c0_i32_0 = arith.constant 0 : i32
    %c0_i32_1 = arith.constant 0 : i32
    return %c0_i32, %c0_i32_0 : i32, i32
  }
  func.func @transform_9(%arg0: i32) -> (i32, i32) {
    %c0_i32 = arith.constant 0 : i32
    %c0_i32_0 = arith.constant 0 : i32
    %c0_i32_1 = arith.constant 0 : i32
    return %c0_i32, %c0_i32_0 : i32, i32
  }
  func.func @transform_10(%arg0: i32) -> (i32, i32) {
    %c0_i32 = arith.constant 0 : i32
    %c0_i32_0 = arith.constant 0 : i32
    %c0_i32_1 = arith.constant 0 : i32
    return %c0_i32, %c0_i32_0 : i32, i32
  }
  func.func @transform_11(%arg0: i32) -> (i32, i32) {
    %c0_i32 = arith.constant 0 : i32
    %c0_i32_0 = arith.constant 0 : i32
    %c0_i32_1 = arith.constant 0 : i32
    return %c0_i32, %c0_i32_0 : i32, i32
  }
}

</mosaic_0001>

<sc_bundles>
// kernel: kernel.10.cloned.1.call-start
scs
__scs_entry_jumppad:
0x0: {  	(pc) =	sbr.rel $0x88, $3  }
0x1: {  	(tag) =	ssettag $0x0;
	lr =	simm.s32 $0x1  }
0x2: {  	[smem:$0x3F8B] =	sst lr;
	_ =	strace $0xD0000000  }
0x3: {  	_ = 	snop  }
0x4: {  	_ = 	snop  }
0x5: {  	_ = 	snop  }
0x6: {  	_ = 	snop  }
0x7: {  	_ = 	snop  }
__scs_overlays_trampoline_lowered:
0x8: {  	[smem:$0x3F9A] =	sst s0  }
0x9: {  	[smem:$0x3F9B] =	sst s1  }
0xa: {  	[smem:$0x3F9C] =	sst s2  }
0xb: {  	[smem:$0x3F9D] =	sst s3  }
0xc: {  	[smem:$0x3F9E] =	sst s4  }
0xd: {  	[smem:$0x3F9F] =	sst s5  }
0xe: {  	[smem:$0x3FA0] =	sst s6  }
0xf: {  	[smem:$0x3FA1] =	sst s7  }
0x10: {  	[smem:$0x3FA2] =	sst s8  }
0x11: {  	[smem:$0x3FA3] =	sst s9;
	s0 =	simm.s32 @!p0 $0x0  }
0x12: {  	s1 =	sld [smem:$0x3F89];
	s0 =	simm.s32 @p0 $0x1  }
0x13: {  	[smem:$0x3FA4] =	sst s0;
	s0 =	simm.s32 @!p1 $0x0  }
0x14: {  	s2 =	sld [smem:$0x3F88];
	s0 =	simm.s32 @p1 $0x1  }
0x15: {  	[smem:$0x3FA5] =	sst s0;
	s0 =	simm.s32 @!p2 $0x0  }
0x16: {  	s3 =	sld [smem:$0x3FDB];
	s0 =	simm.s32 @p2 $0x1  }
0x17: {  	s4 =	simm.s32 $0x1BF5;
	[smem:$0x3FA7] =	sst s0  }
0x18: {  	s0 =	sld [smem:$0x3F8A];
	_ =	swait.ge [sflag:s4], $0x0  }
0x19: {  	s7 =	sld [smem:$0x3F8B]  }
0x1a: {  	s8 =	sadd.s32 $0xFFFFE003, lr  }
0x1b: {  	s9 =	sadd.s32 $0xFFFFFEF7, lr;
	s5 =	simm.s32 $0xFFFFFFFF;
	p2 =	slt.u32 s8, $0xFFFFF086  }
0x1c: {  	p1 =	slt.u32 s9, $0xF7A;
	s5 =	simm.s32 @!p2 $0x0  }
0x1d: {  	s5 =	simm.s32 @p1 $0x1;
	p0 =	seq.s32 s7, s2  }
0x1e: {  	s7 =	smul.u32 @!p0 $0xF7A, s2;
	p2 =	seq.s32 @!p0 s5, $0x0  }
0x1f: {  	s9 =	smul.u32 $0xF7A, s1;
	s8 =	simm.s32 @!p0 $0x1BF5;
	p2 =	por !p2, p0  }
0x20: {  	[sflag:s8] =	ssyncset.s32 @!p0 $0xFFFFF086;
	s6 =	sadd.s32 @!p0 s3, s7;
	s7 =	simm.s32 @!p0 $0x108  }
0x21: {  	s3 =	sadd.s32 s3, s9;
	s6 =	sadd.s32 @!p0 $0x88, s6;
	s7 =	simm.s32 @p2 $0x1082  }
0x22: {  	[simem:s7], [sflag:s8] =	dma.local @!p0 [hbm:s6], $0xF7A  }
0x23: {  	s9 =	sor.u32 $0xD0000000, s2;
	s6 =	simm.s32 $0x108;
	_ =	swait.ge @!p0 [sflag:s8], $0x0  }
0x24: {  	s3 =	sadd.s32 $0x88, s3;
	s6 =	simm.s32 @!p1 $0x1082;
	[sflag:s4] =	ssyncset.s32 $0xFFFFF086  }
0x25: {  	[simem:s6], [sflag:s4] =	dma.local [hbm:s3], $0xF7A  }
0x26: {  	[smem:$0x3F8B] =	sst s1;
	(tag) =	ssettag s2;
	_ =	strace s9  }
0x27: {  	s1 =	sld [smem:$0x3F9B]  }
0x28: {  	s2 =	sld [smem:$0x3F9C]  }
0x29: {  	s4 =	sld [smem:$0x3F9E]  }
0x2a: {  	p0 =	seq.s32 s5, $0x0;
	s5 =	sld [smem:$0x3F9F]  }
0x2b: {  	s6 =	sld [smem:$0x3FA0]  }
0x2c: {  	s7 =	sld [smem:$0x3FA1]  }
0x2d: {  	s3 =	simm.s32 $0x108;
	s8 =	sld [smem:$0x3FA2]  }
0x2e: {  	s3 =	simm.s32 @!p0 $0x1082;
	s9 =	sld [smem:$0x3FA3]  }
0x2f: {  	lr =	sadd.s32 s0, s3;
	s0 =	sld [smem:$0x3F9A]  }
0x30: {  	s3 =	sld [smem:$0x3F9D]  }
0x31: {  	[smem:$0x3FA6] =	sst s10  }
0x32: {  	s10 =	sld [smem:$0x3FA4];
	_ =	sdelay $0x3  }
0x33: {  	p0 =	seq.s32 s10, $0x1;
	s10 =	sld [smem:$0x3FA6];
	_ =	sdelay $0x3  }
0x34: {  	[smem:$0x3FA6] =	sst s10  }
0x35: {  	s10 =	sld [smem:$0x3FA5];
	_ =	sdelay $0x3  }
0x36: {  	p1 =	seq.s32 s10, $0x1;
	s10 =	sld [smem:$0x3FA6];
	_ =	sdelay $0x3  }
0x37: {  	[smem:$0x3FA6] =	sst s10  }
0x38: {  	s10 =	sld [smem:$0x3FA7]  }
0x39: {  	_ = 	snop;
	(pc) =	sbr.ind lr, $3  }
0x3a: {  	_ = 	snop  }
0x3b: {  	_ = 	snop  }
0x3c: {  	p2 =	seq.s32 s10, $0x1;
	s10 =	sld [smem:$0x3FA6]  }
0x3d: {  	_ =	shalt  }
0x3e: {  	_ =	shalt  }
0x3f: {  	_ =	shalt  }
0x40: {  	_ =	shalt  }
0x41: {  	_ =	shalt  }
0x42: {  	_ =	shalt  }
0x43: {  	_ =	shalt  }
0x44: {  	_ =	shalt  }
0x45: {  	_ =	shalt  }
0x46: {  	_ =	shalt  }
0x47: {  	_ =	shalt  }
0x48: {  	_ =	shalt  }
0x49: {  	_ =	shalt  }
0x4a: {  	_ =	shalt  }
0x4b: {  	_ =	shalt  }
0x4c: {  	_ =	shalt  }
0x4d: {  	_ =	shalt  }
0x4e: {  	_ =	shalt  }
0x4f: {  	_ =	shalt  }
0x50: {  	_ =	shalt  }
0x51: {  	_ =	shalt  }
0x52: {  	_ =	shalt  }
0x53: {  	_ =	shalt  }
0x54: {  	_ =	shalt  }
0x55: {  	_ =	shalt  }
0x56: {  	_ =	shalt  }
0x57: {  	_ =	shalt  }
0x58: {  	_ =	shalt  }
0x59: {  	_ =	shalt  }
0x5a: {  	_ =	shalt  }
0x5b: {  	_ =	shalt  }
0x5c: {  	_ =	shalt  }
0x5d: {  	_ =	shalt  }
0x5e: {  	_ =	shalt  }
0x5f: {  	_ =	shalt  }
0x60: {  	_ =	shalt  }
0x61: {  	_ =	shalt  }
0x62: {  	_ =	shalt  }
0x63: {  	_ =	shalt  }
0x64: {  	_ =	shalt  }
0x65: {  	_ =	shalt  }
0x66: {  	_ =	shalt  }
0x67: {  	_ =	shalt  }
0x68: {  	_ =	shalt  }
0x69: {  	_ =	shalt  }
0x6a: {  	_ =	shalt  }
0x6b: {  	_ =	shalt  }
0x6c: {  	_ =	shalt  }
0x6d: {  	_ =	shalt  }
0x6e: {  	_ =	shalt  }
0x6f: {  	_ =	shalt  }
0x70: {  	_ =	shalt  }
0x71: {  	_ =	shalt  }
0x72: {  	_ =	shalt  }
0x73: {  	_ =	shalt  }
0x74: {  	_ =	shalt  }
0x75: {  	_ =	shalt  }
0x76: {  	_ =	shalt  }
0x77: {  	_ =	shalt  }
0x78: {  	_ =	shalt  }
0x79: {  	_ =	shalt  }
0x7a: {  	_ =	shalt  }
0x7b: {  	_ =	shalt  }
0x7c: {  	_ =	shalt  }
0x7d: {  	_ =	shalt  }
0x7e: {  	_ =	shalt  }
0x7f: {  	_ =	shalt  }
0x80: {  	_ =	shalt  }
0x81: {  	_ =	shalt  }
0x82: {  	_ =	shalt  }
0x83: {  	_ =	shalt  }
0x84: {  	_ =	shalt  }
0x85: {  	_ =	shalt  }
0x86: {  	_ =	shalt  }
0x87: {  	_ =	shalt  }
.Lfunc_end0:
.L_simem_size_0:
called_computation_lowered:
.L_overlay_start_0:
0x88: {  	s2 =	sld [smem:$0x3FD9]  }
0x89: {  	s3 =	sld [smem:$0x3FFE];
	_ =	sdelay $0x1  }
0x8a: {  	s1 =	srdreg.scid  }
0x8b: {  	s0 =	sand.u32 $0x1, s1  }
0x8c: {  	s16 =	sshll.u32 s0, $0xA;
	s2 =	sadd.s32 s3, s2  }
0x8d: {  	s2 =	sadd.s32 s2, s16  }
0x8e: {  	[smem:$0x3FB2] =	sst s2  }
0x8f: {  	_ = 	snop  }
0x90: {  	(tm) =	ssettm $0x1  }
0x91: {  	s17 =	sld [smem:$0x3FFB];
	_ =	sdelay $0x3  }
0x92: {  	_ =	strace s17  }
0x93: {  	s2 =	sld [smem:$0x3FFC];
	_ =	sdelay $0x3  }
0x94: {  	_ =	strace s2  }
0x95: {  	s2 =	sld [smem:$0x3FFD];
	_ =	sdelay $0x3  }
0x96: {  	_ =	strace s2  }
0x97: {  	_ =	strace $0x8FFFFFFF  }
0x98: {  	s18 =	sld [smem:$0x3FDB];
	_ =	sdelay $0x1  }
0x99: {  	s19 =	simm.s32 $_scs_section_size  }
0x9a: {  	s4 =	simm.s32 $_size__tile_overlayer_lowered;
	s5 =	simm.s32 $_tile_overlayer_lowered  }
0x9b: {  	s22 =	simm.s32 $0x1BFF;
	s21 =	sshll.u32 s5, $0x1;
	s2 =	sadd.s32 s19, s18  }
0x9c: {  	s6 =	simm.s32 $0x0;
	s20 =	sshll.u32 s4, $0x1;
	s4 =	sadd.s32 s21, s2  }
0x9d: {  	[timem:s6], [sflag:s22] =	dma.local [hbm:s4], s20  }
0x9e: {  	_ =	swait.ge [sflag:s22], s20  }
0x9f: {  	s3 =	ssub.s32 $0x0, s20;
	[sflag:s22] =	ssyncset.done $0x0  }
0xa0: {  	[sflag:s22] =	ssyncadd.s32 s3;
	_ =	sdelay $0x1  }
0xa1: {  	s23 =	simm.s32 $0x1B8B  }
0xa2: {  	_ =	swait.ge [sflag:s23], $0x1  }
0xa3: {  	[sflag:s23] =	ssyncset.done $0x0  }
0xa4: {  	s25 =	simm.s32 $0x1B8E;
	s24 =	sld [smem:$0x3FFE];
	[sflag:s23] =	ssyncadd.s32 $0xFFFFFFFF  }
0xa5: {  	s26 =	simm.s32 $execute0_lowered;
	[smem:$0x3FD2] =	sst s25  }
0xa6: {  	s4 =	sshll.u32 s26, $0x1;
	_ =	strace $0x80000046;
	[dreg:$0x1] =	wrdreg $0xFFFFFFFF  }
0xa7: {  	s28 =	simm.s32 $_size_execute0_lowered;
	s2 =	sadd.s32 s2, s4;
	[dreg:$0x0] =	wrdreg $0x0  }
0xa8: {  	s4 =	sshll.u32 s28, $0x1;
	[dreg:$0x2] =	wrdreg s2  }
0xa9: {  	[dreg:$0x3] =	wrdreg s4  }
0xaa: {  	[dreg:$0x4] =	wrdreg $0xC0  }
0xab: {  	_ =	task [dreg:s6], $0x5FFFF  }
0xac: {  	[dreg:$0x1] =	wrdreg $0xFFFFFFFF  }
0xad: {  	[dreg:$0x0] =	wrdreg $0x60  }
0xae: {  	[dreg:$0x2] =	wrdreg s24  }
0xaf: {  	[dreg:$0x3] =	wrdreg $0x9  }
0xb0: {  	_ =	task.clear_ibuf [dreg:s6], $0x4FFFF;
	_ =	strace $0x90000046  }
0xb1: {  	s29 =	simm.s32 $0x9;
	_ =	strace $0x80000048  }
0xb2: {  	_ =	swait.ge [sflag:s29], $0x1  }
0xb3: {  	[sflag:s29] =	ssyncadd.s32 $0xFFFFFFFF  }
0xb4: {  	_ =	strace $0x90000048  }
0xb5: {  	_ =	sfence  }
0xb6: {  	s30 =	sld [smem:$0x0];
	_ =	sdelay $0x2  }
0xb7: {  	s31 =	sshll.u32 s1, $0xD;
	s1 =	sshrl.u32 s1, $0x2  }
0xb8: {  	s3 =	sand.u32 $0x4000, s31;
	s1 =	sadd.s32 s1, s30  }
0xb9: {  	s0 =	sor.u32 s3, s0;
	s1 =	sshll.u32 s1, $0x11  }
0xba: {  	s0 =	sor.u32 s1, s0  }
0xbb: {  	s0 =	sadd.s32 $0x8F2B, s0  }
0xbc: {  	[sflag:s0] =	ssyncadd.remote.s32 $0x1  }
0xbd: {  	_ =	sfence.sel $0xFFFF  }
0xbe: {  	[dreg:$0x0] =	wrdreg $0xFFFFFFFF;
	(pc) =	sbr.abs _section_cstart, $3  }
0xbf: {  	[dreg:$0x1] =	wrdreg $0xFFFFFFFF  }
0xc0: {  	_ =	task.clear_ibuf [dreg:s6], $0x2FFFF;
	_ =	strace $0x9FFFFFFF  }
0xc1: {  	(tm) =	ssettm $0x7FFFFFFF  }
tec
execute0_lowered:
.L_overlay_start_1:
0x0: {  	(tag) =	ssettag $0x1  }
0x1: {  	s1 =	srdreg.scid;
	s0 =	stileid.u32  }
0x2: {  	s12 =	sand.u32 $0x1, s1;
	s28 =	sshll.u32 s0, $0x1  }
0x3: {  	s10 =	sor.u32 s12, s28  }
0x4: {  	s11 =	rddreg [dreg:$0x0];
	s15 =	smul.u32 $0x140, s10  }
0x5: {  	s2 =	simm.s32 $0x0;
	s1 =	rddreg [dreg:$0x1]  }
0x6: {  	[smem:$0x7FF] =	sst s2;
	s16 =	sadd.s32 $0x7600, s11;
	s3 =	sshrl.u32 s15, $0x3  }
0x7: {  	_ =	strace $0x80000047;
	s9 =	sadd.s32 s16, s3;
	s3 =	simm.s32 $0x2  }
0x8: {  	[tilespmem:s2], [sflag:$0x2] =	stream.linear.gather [hbm4b:s9+s2], $0x50, $0x38;
	[tilespmem:$0x2900] =	vst v63  }
0x9: {  	_ =	swait.ge [sflag:s3], $0x50  }
0xa: {  	[sflag:s3] =	ssyncset.done $0x0  }
0xb: {  	[sflag:s3] =	ssyncadd.s32 $0xFFFFFFB0  }
0xc: {  	v0 =	vld [tilespmem:$0x30]  }
0xd: {  	v1 =	vld [tilespmem:$0x40]  }
0xe: {  	v2 =	vld [tilespmem:$0x10]  }
0xf: {  	v3 =	vld [tilespmem:$0x0]  }
0x10: {  	v4 =	vld [tilespmem:$0x20]  }
0x11: {  	v0 =	vshrl.u32 v0, $0x3  }
0x12: {  	[tilespmem:$0xB0] =	vst v0;
	v0 =	vshrl.u32 v1, $0x3  }
0x13: {  	v1 =	vshrl.u32 v2, $0x3;
	[tilespmem:$0xC0] =	vst v0  }
0x14: {  	v0 =	vshrl.u32 v3, $0x3;
	[tilespmem:$0x90] =	vst v1  }
0x15: {  	s5 =	simm.s32 $0x50;
	s8 =	simm.s32 $0x80;
	[tilespmem:$0x80] =	vst v0;
	v0 =	vshrl.u32 v4, $0x3  }
0x16: {  	s6 =	simm.s32 $0x100;
	s7 =	simm.s32 $0x1;
	s4 =	sadd.s32 $0x107600, s11;
	[tilespmem:$0xA0] =	vst v0  }
0x17: {  	[tilespmem:s6], [sflag:$0x1] =	stream.indirect.gather [hbm4b:s4+s5], $0x80, s8, s5, $0xb8;
	[tilespmem:$0x2900] =	vst v63  }
0x18: {  	s10 =	smul.u32 $0x1400, s10;
	_ =	swait.ge [sflag:s7], $0x2800  }
0x19: {  	s17 =	sadd.s32 $0x7C00, s11;
	[sflag:s7] =	ssyncset.done $0x0  }
0x1a: {  	s10 =	sadd.s32 s17, s10;
	[sflag:s7] =	ssyncadd.s32 $0xFFFFD800  }
0x1b: {  	[hbm4b:s10+s2] =	stream.linear.scatter [tilespmem:s6], [sflag:$0x2], $0x2800, $0x38;
	[tilespmem:$0x2900] =	vst v63  }
0x1c: {  	s13 =	sadd.s32 $0x50, s15;
	_ =	swait.ge [sflag:s3], $0x2800  }
0x1d: {  	s29 =	sshrl.u32 s13, $0x3;
	[sflag:s3] =	ssyncset.done $0x0  }
0x1e: {  	s11 =	sadd.s32 s16, s29;
	[sflag:s3] =	ssyncadd.s32 $0xFFFFD800  }
0x1f: {  	[tilespmem:s2], [sflag:$0x2] =	stream.linear.gather [hbm4b:s11+s2], $0x50, $0x38;
	[tilespmem:$0x2900] =	vst v63  }
0x20: {  	_ =	swait.ge [sflag:s3], $0x50  }
0x21: {  	[sflag:s3] =	ssyncset.done $0x0  }
0x22: {  	[sflag:s3] =	ssyncadd.s32 $0xFFFFFFB0  }
0x23: {  	v0 =	vld [tilespmem:$0x0]  }
0x24: {  	v1 =	vld [tilespmem:$0x10]  }
0x25: {  	v2 =	vld [tilespmem:$0x20]  }
0x26: {  	v3 =	vld [tilespmem:$0x30]  }
0x27: {  	v63 =	vld [tilespmem:$0x40]  }
0x28: {  	v0 =	vshrl.u32 v0, $0x3  }
0x29: {  	[tilespmem:$0x80] =	vst v0;
	v0 =	vshrl.u32 v1, $0x3  }
0x2a: {  	[tilespmem:$0x90] =	vst v0;
	v0 =	vshrl.u32 v2, $0x3  }
0x2b: {  	[tilespmem:$0xA0] =	vst v0;
	v0 =	vshrl.u32 v3, $0x3  }
0x2c: {  	[tilespmem:$0xB0] =	vst v0;
	v0 =	vshrl.u32 v63, $0x3  }
0x2d: {  	[tilespmem:$0xC0] =	vst v0  }
0x2e: {  	[tilespmem:s6], [sflag:$0x1] =	stream.indirect.gather [hbm4b:s4+s5], $0x80, s8, s5, $0xb8;
	[tilespmem:$0x2900] =	vst v63  }
0x2f: {  	_ =	swait.ge [sflag:s7], $0x2800  }
0x30: {  	s13 =	sshll.u32 s13, $0x4;
	[sflag:s7] =	ssyncset.done $0x0  }
0x31: {  	s13 =	sadd.s32 s17, s13;
	[sflag:s7] =	ssyncadd.s32 $0xFFFFD800  }
0x32: {  	[hbm4b:s13+s2] =	stream.linear.scatter [tilespmem:s6], [sflag:$0x2], $0x2800, $0x38;
	[tilespmem:$0x2900] =	vst v63  }
0x33: {  	s18 =	sadd.s32 $0xA0, s15;
	_ =	swait.ge [sflag:s3], $0x2800  }
0x34: {  	s14 =	sshrl.u32 s18, $0x3;
	[sflag:s3] =	ssyncset.done $0x0  }
0x35: {  	s14 =	sadd.s32 s16, s14;
	[sflag:s3] =	ssyncadd.s32 $0xFFFFD800  }
0x36: {  	[tilespmem:s2], [sflag:$0x2] =	stream.linear.gather [hbm4b:s14+s2], $0x50, $0x38;
	[tilespmem:$0x2900] =	vst v63  }
0x37: {  	_ =	swait.ge [sflag:s3], $0x50  }
0x38: {  	[sflag:s3] =	ssyncset.done $0x0  }
0x39: {  	[sflag:s3] =	ssyncadd.s32 $0xFFFFFFB0  }
0x3a: {  	v0 =	vld [tilespmem:$0x10]  }
0x3b: {  	s12 =	ssub.s32 $0x2, s12  }
0x3c: {  	s19 =	sshrl.u32 s12, $0x1  }
0x3d: {  	s12 =	ssub.s32 s12, s19;
	v1 =	vld [tilespmem:$0x20]  }
0x3e: {  	s19 =	smax.u32 s12, $0x1;
	v2 =	vld [tilespmem:$0x30]  }
0x3f: {  	p0 =	sne.s32 s19, $0x1;
	v3 =	vld [tilespmem:$0x40];
	v0 =	vshrl.u32 v0, $0x3  }
.Ltmp0:
0x40: {  	[tilespmem:$0x90] =	vst v0;
	v0 =	vld [tilespmem:$0x0];
	(pc) =	sbr.rel @!p0 .LBB2_2-.Ltmp0, $4  }
0x41: {  	s20 =	sadd.s32 $0xF0, s15  }
0x42: {  	s15 =	sshrl.u32 s20, $0x3  }
0x43: {  	s30 =	sshll.u32 s18, $0x4;
	s31 =	sshll.u32 s20, $0x4;
	s15 =	sadd.s32 s16, s15;
	v2 =	vshrl.u32 v2, $0x3  }
0x44: {  	s16 =	sadd.s32 s17, s30;
	s12 =	sadd.s32 s17, s31;
	s17 =	sadd.s32 $0xFFFFFFFF, s19;
	v1 =	vshrl.u32 v1, $0x3;
	[tilespmem:$0xB0] =	vst v2;
	v2 =	vshrl.u32 v3, $0x3  }
.LBB2_1:
0x45: {  	p0 =	sne.s32 s17, $0x1;
	s17 =	sadd.s32 $0xFFFFFFFF, s17;
	v0 =	vshrl.u32 v0, $0x3;
	[tilespmem:$0xA0] =	vst v1  }
0x46: {  	[tilespmem:$0xC0] =	vst v2  }
0x47: {  	[tilespmem:$0x80] =	vst v0  }
0x48: {  	[tilespmem:s6], [sflag:$0x1] =	stream.indirect.gather [hbm4b:s4+s5], $0x80, s8, s5, $0xb8;
	[tilespmem:$0x2900] =	vst v63  }
0x49: {  	_ =	swait.ge [sflag:s7], $0x2800  }
0x4a: {  	[sflag:s7] =	ssyncset.done $0x0  }
0x4b: {  	[sflag:s7] =	ssyncadd.s32 $0xFFFFD800  }
0x4c: {  	[hbm4b:s16+s2] =	stream.linear.scatter [tilespmem:s6], [sflag:$0x2], $0x2800, $0x38;
	[tilespmem:$0x2900] =	vst v63  }
0x4d: {  	_ =	swait.ge [sflag:s3], $0x2800  }
0x4e: {  	[sflag:s3] =	ssyncset.done $0x0  }
0x4f: {  	[sflag:s3] =	ssyncadd.s32 $0xFFFFD800  }
0x50: {  	[tilespmem:s2], [sflag:$0x2] =	stream.linear.gather [hbm4b:s15+s2], $0x50, $0x38;
	[tilespmem:$0x2900] =	vst v63  }
0x51: {  	_ =	swait.ge [sflag:s3], $0x50  }
0x52: {  	[sflag:s3] =	ssyncset.done $0x0  }
0x53: {  	[sflag:s3] =	ssyncadd.s32 $0xFFFFFFB0  }
0x54: {  	v0 =	vld [tilespmem:$0x0]  }
0x55: {  	v1 =	vld [tilespmem:$0x10]  }
0x56: {  	v2 =	vld [tilespmem:$0x40]  }
0x57: {  	v3 =	vld [tilespmem:$0x30]  }
0x58: {  	v4 =	vld [tilespmem:$0x20]  }
0x59: {  	v0 =	vshrl.u32 v0, $0x3  }
0x5a: {  	[tilespmem:$0x80] =	vst v0;
	v0 =	vshrl.u32 v1, $0x3  }
0x5b: {  	[tilespmem:$0x90] =	vst v0;
	v0 =	vshrl.u32 v2, $0x3  }
0x5c: {  	v1 =	vshrl.u32 v3, $0x3;
	[tilespmem:$0xC0] =	vst v0  }
0x5d: {  	v0 =	vshrl.u32 v4, $0x3;
	[tilespmem:$0xB0] =	vst v1  }
0x5e: {  	[tilespmem:$0xA0] =	vst v0  }
0x5f: {  	[tilespmem:s6], [sflag:$0x1] =	stream.indirect.gather [hbm4b:s4+s5], $0x80, s8, s5, $0xb8;
	[tilespmem:$0x2900] =	vst v63  }
0x60: {  	_ =	swait.ge [sflag:s7], $0x2800  }
0x61: {  	[sflag:s7] =	ssyncset.done $0x0  }
0x62: {  	[sflag:s7] =	ssyncadd.s32 $0xFFFFD800  }
0x63: {  	[hbm4b:s12+s2] =	stream.linear.scatter [tilespmem:s6], [sflag:$0x2], $0x2800, $0x38;
	[tilespmem:$0x2900] =	vst v63  }
0x64: {  	_ =	swait.ge [sflag:s3], $0x2800  }
0x65: {  	[sflag:s3] =	ssyncset.done $0x0  }
0x66: {  	[sflag:s3] =	ssyncadd.s32 $0xFFFFD800  }
0x67: {  	[tilespmem:s2], [sflag:$0x2] =	stream.linear.gather [hbm4b:s9+s2], $0x50, $0x38;
	[tilespmem:$0x2900] =	vst v63  }
0x68: {  	_ =	swait.ge [sflag:s3], $0x50  }
0x69: {  	[sflag:s3] =	ssyncset.done $0x0  }
0x6a: {  	[sflag:s3] =	ssyncadd.s32 $0xFFFFFFB0  }
0x6b: {  	v0 =	vld [tilespmem:$0x30]  }
0x6c: {  	v1 =	vld [tilespmem:$0x40]  }
0x6d: {  	v2 =	vld [tilespmem:$0x10]  }
0x6e: {  	v3 =	vld [tilespmem:$0x0]  }
0x6f: {  	v4 =	vld [tilespmem:$0x20]  }
0x70: {  	v0 =	vshrl.u32 v0, $0x3  }
0x71: {  	[tilespmem:$0xB0] =	vst v0;
	v0 =	vshrl.u32 v1, $0x3  }
0x72: {  	v1 =	vshrl.u32 v2, $0x3;
	[tilespmem:$0xC0] =	vst v0  }
0x73: {  	v0 =	vshrl.u32 v3, $0x3;
	[tilespmem:$0x90] =	vst v1  }
0x74: {  	[tilespmem:$0x80] =	vst v0;
	v0 =	vshrl.u32 v4, $0x3  }
0x75: {  	[tilespmem:$0xA0] =	vst v0  }
0x76: {  	[tilespmem:s6], [sflag:$0x1] =	stream.indirect.gather [hbm4b:s4+s5], $0x80, s8, s5, $0xb8;
	[tilespmem:$0x2900] =	vst v63  }
0x77: {  	_ =	swait.ge [sflag:s7], $0x2800  }
0x78: {  	[sflag:s7] =	ssyncset.done $0x0  }
0x79: {  	[sflag:s7] =	ssyncadd.s32 $0xFFFFD800  }
0x7a: {  	[hbm4b:s10+s2] =	stream.linear.scatter [tilespmem:s6], [sflag:$0x2], $0x2800, $0x38;
	[tilespmem:$0x2900] =	vst v63  }
0x7b: {  	_ =	swait.ge [sflag:s3], $0x2800  }
0x7c: {  	[sflag:s3] =	ssyncset.done $0x0  }
0x7d: {  	[sflag:s3] =	ssyncadd.s32 $0xFFFFD800  }
0x7e: {  	[tilespmem:s2], [sflag:$0x2] =	stream.linear.gather [hbm4b:s11+s2], $0x50, $0x38;
	[tilespmem:$0x2900] =	vst v63  }
0x7f: {  	_ =	swait.ge [sflag:s3], $0x50  }
0x80: {  	[sflag:s3] =	ssyncset.done $0x0  }
0x81: {  	[sflag:s3] =	ssyncadd.s32 $0xFFFFFFB0  }
0x82: {  	v0 =	vld [tilespmem:$0x0]  }
0x83: {  	v1 =	vld [tilespmem:$0x10]  }
0x84: {  	v2 =	vld [tilespmem:$0x20]  }
0x85: {  	v3 =	vld [tilespmem:$0x30]  }
0x86: {  	v4 =	vld [tilespmem:$0x40]  }
0x87: {  	v0 =	vshrl.u32 v0, $0x3  }
0x88: {  	[tilespmem:$0x80] =	vst v0;
	v0 =	vshrl.u32 v1, $0x3  }
0x89: {  	[tilespmem:$0x90] =	vst v0;
	v0 =	vshrl.u32 v2, $0x3  }
0x8a: {  	[tilespmem:$0xA0] =	vst v0;
	v0 =	vshrl.u32 v3, $0x3  }
0x8b: {  	[tilespmem:$0xB0] =	vst v0;
	v0 =	vshrl.u32 v4, $0x3  }
0x8c: {  	[tilespmem:$0xC0] =	vst v0  }
0x8d: {  	[tilespmem:s6], [sflag:$0x1] =	stream.indirect.gather [hbm4b:s4+s5], $0x80, s8, s5, $0xb8;
	[tilespmem:$0x2900] =	vst v63  }
0x8e: {  	_ =	swait.ge [sflag:s7], $0x2800  }
0x8f: {  	[sflag:s7] =	ssyncset.done $0x0  }
0x90: {  	[sflag:s7] =	ssyncadd.s32 $0xFFFFD800  }
0x91: {  	[hbm4b:s13+s2] =	stream.linear.scatter [tilespmem:s6], [sflag:$0x2], $0x2800, $0x38;
	[tilespmem:$0x2900] =	vst v63  }
0x92: {  	_ =	swait.ge [sflag:s3], $0x2800  }
0x93: {  	[sflag:s3] =	ssyncset.done $0x0  }
0x94: {  	[sflag:s3] =	ssyncadd.s32 $0xFFFFD800  }
0x95: {  	[tilespmem:s2], [sflag:$0x2] =	stream.linear.gather [hbm4b:s14+s2], $0x50, $0x38;
	[tilespmem:$0x2900] =	vst v63  }
0x96: {  	_ =	swait.ge [sflag:s3], $0x50  }
0x97: {  	[sflag:s3] =	ssyncset.done $0x0  }
0x98: {  	[sflag:s3] =	ssyncadd.s32 $0xFFFFFFB0  }
0x99: {  	v1 =	vld [tilespmem:$0x20]  }
0x9a: {  	v2 =	vld [tilespmem:$0x10]  }
0x9b: {  	v3 =	vld [tilespmem:$0x30]  }
0x9c: {  	v4 =	vld [tilespmem:$0x40]  }
.Ltmp1:
0x9d: {  	v0 =	vld [tilespmem:$0x0];
	(pc) =	sbr.rel @p0 .LBB2_1-.Ltmp1, $4  }
0x9e: {  	_ = 	snop  }
0x9f: {  	v2 =	vshrl.u32 v2, $0x3  }
0xa0: {  	v1 =	vshrl.u32 v1, $0x3;
	[tilespmem:$0x90] =	vst v2;
	v2 =	vshrl.u32 v3, $0x3  }
0xa1: {  	[tilespmem:$0xB0] =	vst v2;
	v2 =	vshrl.u32 v4, $0x3  }
.LBB2_2:
0xa2: {  	[tilespmem:$0xA0] =	vst v1  }
0xa3: {  	v0 =	vshrl.u32 v0, $0x3;
	[tilespmem:$0xC0] =	vst v2  }
0xa4: {  	[tilespmem:$0x80] =	vst v0  }
0xa5: {  	[tilespmem:s6], [sflag:$0x1] =	stream.indirect.gather [hbm4b:s4+s5], $0x80, s8, s5, $0xb8;
	[tilespmem:$0x2900] =	vst v63  }
0xa6: {  	_ =	swait.ge [sflag:s7], $0x2800  }
0xa7: {  	[sflag:s7] =	ssyncset.done $0x0  }
0xa8: {  	[sflag:s7] =	ssyncadd.s32 $0xFFFFD800  }
0xa9: {  	[hbm4b:s16+s2] =	stream.linear.scatter [tilespmem:s6], [sflag:$0x2], $0x2800, $0x38;
	[tilespmem:$0x2900] =	vst v63  }
0xaa: {  	_ =	swait.ge [sflag:s3], $0x2800  }
0xab: {  	[sflag:s3] =	ssyncset.done $0x0  }
0xac: {  	[sflag:s3] =	ssyncadd.s32 $0xFFFFD800  }
0xad: {  	[tilespmem:s2], [sflag:$0x2] =	stream.linear.gather [hbm4b:s15+s2], $0x50, $0x38;
	[tilespmem:$0x2900] =	vst v63  }
0xae: {  	_ =	swait.ge [sflag:s3], $0x50  }
0xaf: {  	[sflag:s3] =	ssyncset.done $0x0  }
0xb0: {  	[sflag:s3] =	ssyncadd.s32 $0xFFFFFFB0  }
0xb1: {  	v57 =	vld [tilespmem:$0x0]  }
0xb2: {  	v58 =	vld [tilespmem:$0x10]  }
0xb3: {  	v59 =	vld [tilespmem:$0x40]  }
0xb4: {  	v3 =	vld [tilespmem:$0x30]  }
0xb5: {  	v4 =	vld [tilespmem:$0x20]  }
0xb6: {  	v0 =	vshrl.u32 v57, $0x3  }
0xb7: {  	v60 =	vshrl.u32 v58, $0x3;
	[tilespmem:$0x80] =	vst v0  }
0xb8: {  	v61 =	vshrl.u32 v59, $0x3;
	[tilespmem:$0x90] =	vst v60  }
0xb9: {  	v62 =	vshrl.u32 v3, $0x3;
	[tilespmem:$0xC0] =	vst v61  }
0xba: {  	v63 =	vshrl.u32 v4, $0x3;
	[tilespmem:$0xB0] =	vst v62  }
0xbb: {  	[tilespmem:$0xA0] =	vst v63  }
0xbc: {  	[tilespmem:s6], [sflag:$0x1] =	stream.indirect.gather [hbm4b:s4+s5], $0x80, s8, s5, $0xb8;
	[tilespmem:$0x2900] =	vst v63  }
0xbd: {  	_ =	swait.ge [sflag:s7], $0x2800  }
0xbe: {  	[sflag:s7] =	ssyncset.done $0x0  }
0xbf: {  	[sflag:s7] =	ssyncadd.s32 $0xFFFFD800  }
0xc0: {  	[hbm4b:s12+s2] =	stream.linear.scatter [tilespmem:s6], [sflag:$0x2], $0x2800, $0x38;
	[tilespmem:$0x2900] =	vst v63  }
0xc1: {  	_ =	swait.ge [sflag:s3], $0x2800  }
0xc2: {  	[sflag:s3] =	ssyncset.done $0x0  }
0xc3: {  	[sflag:s3] =	ssyncadd.s32 $0xFFFFD800  }
0xc4: {  	_ =	sfence.sel $0x180000  }
0xc5: {  	[bflag:$0x0] =	sbarrier.arrive $0xFFFF  }
0xc6: {  	p0 =	sne.s32 s0, $0x0;
	_ =	strace $0x90000047  }
0xc7: {  	s0 =	sadd.s32 @!p0 $0x100000, s1;
	[bflag:$0x2] =	sbarrier.arrive $0xFFFF  }
0xc8: {  	[sflag:s0] =	ssyncadd.tile.s32 @!p0 $0x1;
	_ =	shalt  }
.Lfunc_end2:
_tile_overlayer_lowered:
.L_overlay_start_2:
0xc9: {  	(tag) =	ssettag $0x2  }
0xca: {  	s0 =	rddreg [dreg:$0x0];
	s2 =	stileid.u32  }
0xcb: {  	s1 =	rddreg [dreg:$0x1];
	p0 =	sne.s32 s2, $0x0  }
0xcc: {  	s3 =	rddreg [dreg:$0x2];
	[bflag:$0x3] =	sbarrier.arrive $0xFFFF;
	s2 =	simm.s32 @!p0 $0x1C02  }
0xcd: {  	[timem:s3], [sflag:s2] =	dma.local @!p0 [hbm:s0], s1  }
0xce: {  	s0 =	simm.s32 @!p0 $0x2  }
0xcf: {  	_ =	swait.ge @!p0 [sflag:s0], s1  }
0xd0: {  	s1 =	ssub.s32 @!p0 $0x0, s1;
	[sflag:s0] =	ssyncset.done @!p0 $0x0  }
0xd1: {  	[sflag:s0] =	ssyncadd.s32 @!p0 s1  }
0xd2: {  	[bflag:$0x3] =	sbarrier.arrive $0xFFFF  }
0xd3: {  	_ =	shalt  }

// kernel: kernel.13.cloned.1.call-start
scs
__scs_entry_jumppad:
0x0: {  	(pc) =	sbr.rel $0x88, $3  }
0x1: {  	(tag) =	ssettag $0x0;
	lr =	simm.s32 $0x1  }
0x2: {  	[smem:$0x3F8B] =	sst lr;
	_ =	strace $0xD0000000  }
0x3: {  	_ = 	snop  }
0x4: {  	_ = 	snop  }
0x5: {  	_ = 	snop  }
0x6: {  	_ = 	snop  }
0x7: {  	_ = 	snop  }
__scs_overlays_trampoline_lowered:
0x8: {  	[smem:$0x3F9A] =	sst s0  }
0x9: {  	[smem:$0x3F9B] =	sst s1  }
0xa: {  	[smem:$0x3F9C] =	sst s2  }
0xb: {  	[smem:$0x3F9D] =	sst s3  }
0xc: {  	[smem:$0x3F9E] =	sst s4  }
0xd: {  	[smem:$0x3F9F] =	sst s5  }
0xe: {  	[smem:$0x3FA0] =	sst s6  }
0xf: {  	[smem:$0x3FA1] =	sst s7  }
0x10: {  	[smem:$0x3FA2] =	sst s8  }
0x11: {  	[smem:$0x3FA3] =	sst s9;
	s0 =	simm.s32 @!p0 $0x0  }
0x12: {  	s1 =	sld [smem:$0x3F89];
	s0 =	simm.s32 @p0 $0x1  }
0x13: {  	[smem:$0x3FA4] =	sst s0;
	s0 =	simm.s32 @!p1 $0x0  }
0x14: {  	s2 =	sld [smem:$0x3F88];
	s0 =	simm.s32 @p1 $0x1  }
0x15: {  	[smem:$0x3FA5] =	sst s0;
	s0 =	simm.s32 @!p2 $0x0  }
0x16: {  	s3 =	sld [smem:$0x3FDB];
	s0 =	simm.s32 @p2 $0x1  }
0x17: {  	s4 =	simm.s32 $0x1BF5;
	[smem:$0x3FA7] =	sst s0  }
0x18: {  	s0 =	sld [smem:$0x3F8A];
	_ =	swait.ge [sflag:s4], $0x0  }
0x19: {  	s7 =	sld [smem:$0x3F8B]  }
0x1a: {  	s8 =	sadd.s32 $0xFFFFE003, lr  }
0x1b: {  	s9 =	sadd.s32 $0xFFFFFEF7, lr;
	s5 =	simm.s32 $0xFFFFFFFF;
	p2 =	slt.u32 s8, $0xFFFFF086  }
0x1c: {  	p1 =	slt.u32 s9, $0xF7A;
	s5 =	simm.s32 @!p2 $0x0  }
0x1d: {  	s5 =	simm.s32 @p1 $0x1;
	p0 =	seq.s32 s7, s2  }
0x1e: {  	s7 =	smul.u32 @!p0 $0xF7A, s2;
	p2 =	seq.s32 @!p0 s5, $0x0  }
0x1f: {  	s9 =	smul.u32 $0xF7A, s1;
	s8 =	simm.s32 @!p0 $0x1BF5;
	p2 =	por !p2, p0  }
0x20: {  	[sflag:s8] =	ssyncset.s32 @!p0 $0xFFFFF086;
	s6 =	sadd.s32 @!p0 s3, s7;
	s7 =	simm.s32 @!p0 $0x108  }
0x21: {  	s3 =	sadd.s32 s3, s9;
	s6 =	sadd.s32 @!p0 $0x88, s6;
	s7 =	simm.s32 @p2 $0x1082  }
0x22: {  	[simem:s7], [sflag:s8] =	dma.local @!p0 [hbm:s6], $0xF7A  }
0x23: {  	s9 =	sor.u32 $0xD0000000, s2;
	s6 =	simm.s32 $0x108;
	_ =	swait.ge @!p0 [sflag:s8], $0x0  }
0x24: {  	s3 =	sadd.s32 $0x88, s3;
	s6 =	simm.s32 @!p1 $0x1082;
	[sflag:s4] =	ssyncset.s32 $0xFFFFF086  }
0x25: {  	[simem:s6], [sflag:s4] =	dma.local [hbm:s3], $0xF7A  }
0x26: {  	[smem:$0x3F8B] =	sst s1;
	(tag) =	ssettag s2;
	_ =	strace s9  }
0x27: {  	s1 =	sld [smem:$0x3F9B]  }
0x28: {  	s2 =	sld [smem:$0x3F9C]  }
0x29: {  	s4 =	sld [smem:$0x3F9E]  }
0x2a: {  	p0 =	seq.s32 s5, $0x0;
	s5 =	sld [smem:$0x3F9F]  }
0x2b: {  	s6 =	sld [smem:$0x3FA0]  }
0x2c: {  	s7 =	sld [smem:$0x3FA1]  }
0x2d: {  	s3 =	simm.s32 $0x108;
	s8 =	sld [smem:$0x3FA2]  }
0x2e: {  	s3 =	simm.s32 @!p0 $0x1082;
	s9 =	sld [smem:$0x3FA3]  }
0x2f: {  	lr =	sadd.s32 s0, s3;
	s0 =	sld [smem:$0x3F9A]  }
0x30: {  	s3 =	sld [smem:$0x3F9D]  }
0x31: {  	[smem:$0x3FA6] =	sst s10  }
0x32: {  	s10 =	sld [smem:$0x3FA4];
	_ =	sdelay $0x3  }
0x33: {  	p0 =	seq.s32 s10, $0x1;
	s10 =	sld [smem:$0x3FA6];
	_ =	sdelay $0x3  }
0x34: {  	[smem:$0x3FA6] =	sst s10  }
0x35: {  	s10 =	sld [smem:$0x3FA5];
	_ =	sdelay $0x3  }
0x36: {  	p1 =	seq.s32 s10, $0x1;
	s10 =	sld [smem:$0x3FA6];
	_ =	sdelay $0x3  }
0x37: {  	[smem:$0x3FA6] =	sst s10  }
0x38: {  	s10 =	sld [smem:$0x3FA7]  }
0x39: {  	_ = 	snop;
	(pc) =	sbr.ind lr, $3  }
0x3a: {  	_ = 	snop  }
0x3b: {  	_ = 	snop  }
0x3c: {  	p2 =	seq.s32 s10, $0x1;
	s10 =	sld [smem:$0x3FA6]  }
0x3d: {  	_ =	shalt  }
0x3e: {  	_ =	shalt  }
0x3f: {  	_ =	shalt  }
0x40: {  	_ =	shalt  }
0x41: {  	_ =	shalt  }
0x42: {  	_ =	shalt  }
0x43: {  	_ =	shalt  }
0x44: {  	_ =	shalt  }
0x45: {  	_ =	shalt  }
0x46: {  	_ =	shalt  }
0x47: {  	_ =	shalt  }
0x48: {  	_ =	shalt  }
0x49: {  	_ =	shalt  }
0x4a: {  	_ =	shalt  }
0x4b: {  	_ =	shalt  }
0x4c: {  	_ =	shalt  }
0x4d: {  	_ =	shalt  }
0x4e: {  	_ =	shalt  }
0x4f: {  	_ =	shalt  }
0x50: {  	_ =	shalt  }
0x51: {  	_ =	shalt  }
0x52: {  	_ =	shalt  }
0x53: {  	_ =	shalt  }
0x54: {  	_ =	shalt  }
0x55: {  	_ =	shalt  }
0x56: {  	_ =	shalt  }
0x57: {  	_ =	shalt  }
0x58: {  	_ =	shalt  }
0x59: {  	_ =	shalt  }
0x5a: {  	_ =	shalt  }
0x5b: {  	_ =	shalt  }
0x5c: {  	_ =	shalt  }
0x5d: {  	_ =	shalt  }
0x5e: {  	_ =	shalt  }
0x5f: {  	_ =	shalt  }
0x60: {  	_ =	shalt  }
0x61: {  	_ =	shalt  }
0x62: {  	_ =	shalt  }
0x63: {  	_ =	shalt  }
0x64: {  	_ =	shalt  }
0x65: {  	_ =	shalt  }
0x66: {  	_ =	shalt  }
0x67: {  	_ =	shalt  }
0x68: {  	_ =	shalt  }
0x69: {  	_ =	shalt  }
0x6a: {  	_ =	shalt  }
0x6b: {  	_ =	shalt  }
0x6c: {  	_ =	shalt  }
0x6d: {  	_ =	shalt  }
0x6e: {  	_ =	shalt  }
0x6f: {  	_ =	shalt  }
0x70: {  	_ =	shalt  }
0x71: {  	_ =	shalt  }
0x72: {  	_ =	shalt  }
0x73: {  	_ =	shalt  }
0x74: {  	_ =	shalt  }
0x75: {  	_ =	shalt  }
0x76: {  	_ =	shalt  }
0x77: {  	_ =	shalt  }
0x78: {  	_ =	shalt  }
0x79: {  	_ =	shalt  }
0x7a: {  	_ =	shalt  }
0x7b: {  	_ =	shalt  }
0x7c: {  	_ =	shalt  }
0x7d: {  	_ =	shalt  }
0x7e: {  	_ =	shalt  }
0x7f: {  	_ =	shalt  }
0x80: {  	_ =	shalt  }
0x81: {  	_ =	shalt  }
0x82: {  	_ =	shalt  }
0x83: {  	_ =	shalt  }
0x84: {  	_ =	shalt  }
0x85: {  	_ =	shalt  }
0x86: {  	_ =	shalt  }
0x87: {  	_ =	shalt  }
.Lfunc_end0:
.L_simem_size_0:
called_computation.1_lowered:
.L_overlay_start_0:
0x88: {  	s2 =	sld [smem:$0x3FD9]  }
0x89: {  	s3 =	sld [smem:$0x3FFE];
	_ =	sdelay $0x1  }
0x8a: {  	s1 =	srdreg.scid  }
0x8b: {  	s0 =	sand.u32 $0x1, s1  }
0x8c: {  	s16 =	sshll.u32 s0, $0xA;
	s2 =	sadd.s32 s3, s2  }
0x8d: {  	s2 =	sadd.s32 s2, s16  }
0x8e: {  	[smem:$0x3FB2] =	sst s2  }
0x8f: {  	_ = 	snop  }
0x90: {  	(tm) =	ssettm $0x1  }
0x91: {  	s17 =	sld [smem:$0x3FFB];
	_ =	sdelay $0x3  }
0x92: {  	_ =	strace s17  }
0x93: {  	s2 =	sld [smem:$0x3FFC];
	_ =	sdelay $0x3  }
0x94: {  	_ =	strace s2  }
0x95: {  	s2 =	sld [smem:$0x3FFD];
	_ =	sdelay $0x3  }
0x96: {  	_ =	strace s2  }
0x97: {  	_ =	strace $0x8FFFFFFF  }
0x98: {  	s18 =	sld [smem:$0x3FDB];
	_ =	sdelay $0x1  }
0x99: {  	s19 =	simm.s32 $_scs_section_size  }
0x9a: {  	s4 =	simm.s32 $_size__tile_overlayer_lowered;
	s5 =	simm.s32 $_tile_overlayer_lowered  }
0x9b: {  	s22 =	simm.s32 $0x1BFF;
	s21 =	sshll.u32 s5, $0x1;
	s2 =	sadd.s32 s19, s18  }
0x9c: {  	s6 =	simm.s32 $0x0;
	s20 =	sshll.u32 s4, $0x1;
	s4 =	sadd.s32 s21, s2  }
0x9d: {  	[timem:s6], [sflag:s22] =	dma.local [hbm:s4], s20  }
0x9e: {  	_ =	swait.ge [sflag:s22], s20  }
0x9f: {  	s3 =	ssub.s32 $0x0, s20;
	[sflag:s22] =	ssyncset.done $0x0  }
0xa0: {  	[sflag:s22] =	ssyncadd.s32 s3;
	_ =	sdelay $0x1  }
0xa1: {  	s23 =	simm.s32 $0x1B8B  }
0xa2: {  	_ =	swait.ge [sflag:s23], $0x1  }
0xa3: {  	[sflag:s23] =	ssyncset.done $0x0  }
0xa4: {  	s25 =	simm.s32 $0x1B8E;
	s24 =	sld [smem:$0x3FFE];
	[sflag:s23] =	ssyncadd.s32 $0xFFFFFFFF  }
0xa5: {  	s26 =	simm.s32 $execute0_lowered;
	[smem:$0x3FD2] =	sst s25  }
0xa6: {  	s4 =	sshll.u32 s26, $0x1;
	_ =	strace $0x80000049;
	[dreg:$0x1] =	wrdreg $0xFFFFFFFF  }
0xa7: {  	s28 =	simm.s32 $_size_execute0_lowered;
	s2 =	sadd.s32 s2, s4;
	[dreg:$0x0] =	wrdreg $0x0  }
0xa8: {  	s4 =	sshll.u32 s28, $0x1;
	[dreg:$0x2] =	wrdreg s2  }
0xa9: {  	[dreg:$0x3] =	wrdreg s4  }
0xaa: {  	[dreg:$0x4] =	wrdreg $0xC0  }
0xab: {  	_ =	task [dreg:s6], $0x5FFFF  }
0xac: {  	[dreg:$0x1] =	wrdreg $0xFFFFFFFF  }
0xad: {  	[dreg:$0x0] =	wrdreg $0x60  }
0xae: {  	[dreg:$0x2] =	wrdreg s24  }
0xaf: {  	[dreg:$0x3] =	wrdreg $0x0  }
0xb0: {  	[dreg:$0x4] =	wrdreg $0x9  }
0xb1: {  	_ =	task.clear_ibuf [dreg:s6], $0x5FFFF;
	_ =	strace $0x90000049  }
0xb2: {  	s29 =	simm.s32 $0x9;
	_ =	strace $0x8000004B  }
0xb3: {  	_ =	swait.ge [sflag:s29], $0x1  }
0xb4: {  	[sflag:s29] =	ssyncadd.s32 $0xFFFFFFFF  }
0xb5: {  	_ =	strace $0x9000004B  }
0xb6: {  	_ =	sfence  }
0xb7: {  	s30 =	sld [smem:$0x0];
	_ =	sdelay $0x2  }
0xb8: {  	s31 =	sshll.u32 s1, $0xD;
	s1 =	sshrl.u32 s1, $0x2  }
0xb9: {  	s3 =	sand.u32 $0x4000, s31;
	s1 =	sadd.s32 s1, s30  }
0xba: {  	s0 =	sor.u32 s3, s0;
	s1 =	sshll.u32 s1, $0x11  }
0xbb: {  	s0 =	sor.u32 s1, s0  }
0xbc: {  	s0 =	sadd.s32 $0x8F2B, s0  }
0xbd: {  	[sflag:s0] =	ssyncadd.remote.s32 $0x1  }
0xbe: {  	_ =	sfence.sel $0xFFFF  }
0xbf: {  	[dreg:$0x0] =	wrdreg $0xFFFFFFFF;
	(pc) =	sbr.abs _section_cstart, $3  }
0xc0: {  	[dreg:$0x1] =	wrdreg $0xFFFFFFFF  }
0xc1: {  	_ =	task.clear_ibuf [dreg:s6], $0x2FFFF;
	_ =	strace $0x9FFFFFFF  }
0xc2: {  	(tm) =	ssettm $0x7FFFFFFF  }
0xc3: {  	_ =	shalt  }
tec
execute0_lowered:
.L_overlay_start_1:
0x0: {  	(tag) =	ssettag $0x1  }
0x1: {  	s0 =	rddreg [dreg:$0x0]  }
0x2: {  	s1 =	rddreg [dreg:$0x1];
	s2 =	simm.s32 $0x0;
	s7 =	srdreg.scid  }
0x3: {  	s13 =	stileid.u32;
	s28 =	simm.s32 $0x14080;
	s29 =	simm.s32 $0x1A800  }
0x4: {  	s30 =	simm.s32 $0x3;
	s31 =	simm.s32 $0x4;
	[smem:$0x7FF] =	sst s2  }
0x5: {  	s3 =	sadd.s32 $0x7600, s0;
	s4 =	sadd.s32 $0x7FC00, s0;
	s6 =	sadd.s32 $0x89C00, s0  }
0x6: {  	s5 =	sadd.s32 $0x57600, s0;
	s7 =	sand.u32 $0x1, s7;
	s10 =	smul.u32 $0x50000, s13  }
0x7: {  	s8 =	sadd.s32 $0x93C00, s0;
	s0 =	sadd.s32 $0xBBC00, s0;
	s11 =	smul.u32 $0x500, s13  }
0x8: {  	_ =	strace $0x8000004A;
	[dreg:$0x3] =	wrdreg s8;
	s9 =	ssub.s32 $0x2, s7  }
0x9: {  	[dreg:$0x4] =	wrdreg s0;
	s8 =	smul.u32 $0x2800, s13;
	p0 =	seq.s32 s7, $0x0  }
0xa: {  	s7 =	simm.s32 $0x16780;
	s21 =	sshrl.u32 s9, $0x1;
	s22 =	sshrl.u32 s10, $0x2  }
0xb: {  	s14 =	sadd.s32 s4, s11;
	s11 =	sadd.s32 s6, s11;
	s0 =	ssub.s32 s9, s21  }
0xc: {  	s12 =	sadd.s32 s22, s1;
	s9 =	sshll.u32 s13, $0x6;
	[dreg:$0x5] =	wrdreg s14  }
0xd: {  	s23 =	sshrl.u32 s8, $0x3;
	[dreg:$0x6] =	wrdreg s11;
	s21 =	simm.s32 $0x1  }
0xe: {  	s22 =	simm.s32 $0x14000;
	s11 =	simm.s32 $0x7;
	s10 =	sor.u32 $0x1C01, s9  }
0xf: {  	s24 =	sadd.s32 $0x280, s23;
	s26 =	sadd.s32 $0x5000, s23;
	s13 =	sadd.s32 $0x5280, s23  }
0x10: {  	s19 =	smax.u32 s0, $0x1;
	s20 =	sshrl.u32 s12, $0x3;
	s23 =	simm.s32 $0x15400  }
.Ltmp0:
0x11: {  	s0 =	simm.s32 $0x5;
	s25 =	sadd.s32 s4, s24;
	(pc) =	sbr.rel .LBB2_1-.Ltmp0, $4  }
0x12: {  	s14 =	sadd.s32 s6, s24;
	s15 =	sadd.s32 s4, s26;
	s16 =	sadd.s32 s6, s26  }
0x13: {  	s17 =	sadd.s32 s4, s13;
	s18 =	sadd.s32 s6, s13;
	s24 =	simm.s32 $0x2  }
0x14: {  	s26 =	simm.s32 $0x16800;
	s4 =	simm.s32 $0x6;
	[dreg:$0x7] =	wrdreg s25  }
0x15: {  	s6 =	simm.s32 $0x16700;
	[dreg:$0x8] =	wrdreg s14;
	s25 =	simm.s32 $0x80  }
.LBB2_11:
0x16: {  	[tilespmem:s29], [sflag:$0x4] =	stream.indirect.gather [hbm4b:s3+s25], $0x80, s13, s25, $0xb8;
	[tilespmem:$0x1E800] =	vst v63  }
0x17: {  	s12 =	rddreg [dreg:$0x3]  }
.LBB2_12:
0x18: {  	_ =	swait.ge [sflag:s30], $0x4000  }
0x19: {  	[sflag:s30] =	ssyncset.done $0x0  }
0x1a: {  	[sflag:s30] =	ssyncadd.s32 $0xFFFFC000  }
0x1b: {  	[spmem:s1] =	stream.indirect.scatter.add.f32 [tilespmem:s26], [sflag:$0x5], $0x80, s6, s25, $0xb8;
	[tilespmem:$0x1E800] =	vst v63  }
0x1c: {  	_ =	swait.ge [sflag:s31], $0x4000  }
0x1d: {  	[sflag:s31] =	ssyncset.done $0x0  }
0x1e: {  	[sflag:s31] =	ssyncadd.s32 $0xFFFFC000  }
0x1f: {  	[spmem:s1] =	stream.indirect.scatter.add.f32 [tilespmem:s29], [sflag:$0x6], $0x80, s7, s25, $0xb8;
	[tilespmem:$0x1E800] =	vst v63  }
0x20: {  	_ =	swait.ge [sflag:s0], $0x4000  }
0x21: {  	[sflag:s0] =	ssyncset.done $0x0  }
0x22: {  	[sflag:s0] =	ssyncadd.s32 $0xFFFFC000  }
0x23: {  	_ =	swait.ge [sflag:s4], $0x4000  }
0x24: {  	s2 =	sadd.s32 $0x1, s2;
	[sflag:s4] =	ssyncset.done $0x0  }
0x25: {  	s12 =	sadd.s32 s12, s8;
	p1 =	sne.s32 s2, s19;
	[sflag:s4] =	ssyncadd.s32 $0xFFFFC000  }
.Ltmp1:
0x26: {  	s13 =	sor.u32 $0x1C07, s9;
	[bflag:$0x0] =	sbarrier.arrive $0xFFFF;
	(pc) =	sbr.rel @!p1 .LBB2_13-.Ltmp1, $4  }
0x27: {  	[hbm:s12], [sflag:s13] =	dma.local [spmem:s20], $0x2800  }
0x28: {  	_ =	swait.ge [sflag:s11], $0x2800  }
0x29: {  	[sflag:s11] =	ssyncset.done $0x0  }
0x2a: {  	[sflag:s11] =	ssyncadd.s32 $0xFFFFD800  }
.LBB2_1:
0x2b: {  	[spmem:s20], [sflag:s10] =	dma.local [hbm:s5], $0x2800  }
.Ltmp2:
0x2c: {  	_ =	swait.ge [sflag:s21], $0x2800;
	(pc) =	sbr.rel @!p0 .LBB2_2-.Ltmp2, $4  }
0x2d: {  	[sflag:s21] =	ssyncset.done $0x0  }
0x2e: {  	[sflag:s21] =	ssyncadd.s32 $0xFFFFD800  }
0x2f: {  	[bflag:$0x0] =	sbarrier.arrive $0xFFFF  }
0x30: {  	s12 =	simm.s32 $0x0  }
0x31: {  	[tilespmem:s22], [sflag:$0x2] =	stream.linear.gather [hbm4b:s15+s12], $0x1400, $0x38;
	[tilespmem:$0x1E800] =	vst v63  }
0x32: {  	_ = 	snop  }
0x33: {  	[tilespmem:s23], [sflag:$0x2] =	stream.linear.gather [hbm4b:s16+s12], $0x1400, $0x38;
	[tilespmem:$0x1E800] =	vst v63  }
0x34: {  	_ =	swait.ge [sflag:s24], $0x1400  }
0x35: {  	[sflag:s24] =	ssyncset.done $0x0  }
0x36: {  	[sflag:s24] =	ssyncadd.s32 $0xFFFFEC00  }
0x37: {  	_ =	swait.ge [sflag:s24], $0x1400  }
0x38: {  	[sflag:s24] =	ssyncset.done $0x0  }
0x39: {  	[sflag:s24] =	ssyncadd.s32 $0xFFFFEC00  }
0x3a: {  	[tilespmem:s26], [sflag:$0x3] =	stream.indirect.gather [hbm4b:s3+s25], $0x80, s22, s25, $0xb8;
	[tilespmem:$0x1E800] =	vst v63  }
0x3b: {  	_ = 	snop  }
0x3c: {  	[tilespmem:s29], [sflag:$0x4] =	stream.indirect.gather [hbm4b:s3+s25], $0x80, s28, s25, $0xb8;
	[tilespmem:$0x1E800] =	vst v63  }
0x3d: {  	_ =	swait.ge [sflag:s30], $0x4000  }
0x3e: {  	[sflag:s30] =	ssyncset.done $0x0  }
0x3f: {  	s14 =	simm.s32 $0x15400;
	[sflag:s30] =	ssyncadd.s32 $0xFFFFC000  }
0x40: {  	[spmem:s1] =	stream.indirect.scatter.add.f32 [tilespmem:s26], [sflag:$0x5], $0x80, s14, s25, $0xb8;
	[tilespmem:$0x1E800] =	vst v63  }
0x41: {  	_ =	swait.ge [sflag:s31], $0x4000  }
0x42: {  	[sflag:s31] =	ssyncset.done $0x0  }
0x43: {  	s13 =	simm.s32 $0x15480;
	[sflag:s31] =	ssyncadd.s32 $0xFFFFC000  }
0x44: {  	[spmem:s1] =	stream.indirect.scatter.add.f32 [tilespmem:s29], [sflag:$0x6], $0x80, s13, s25, $0xb8;
	[tilespmem:$0x1E800] =	vst v63  }
0x45: {  	_ =	swait.ge [sflag:s0], $0x4000  }
0x46: {  	[sflag:s0] =	ssyncset.done $0x0  }
0x47: {  	s14 =	simm.s32 $0x14100;
	[sflag:s0] =	ssyncadd.s32 $0xFFFFC000  }
0x48: {  	[tilespmem:s26], [sflag:$0x3] =	stream.indirect.gather [hbm4b:s3+s25], $0x80, s14, s25, $0xb8;
	[tilespmem:$0x1E800] =	vst v63  }
0x49: {  	_ =	swait.ge [sflag:s4], $0x4000  }
0x4a: {  	[sflag:s4] =	ssyncset.done $0x0  }
0x4b: {  	s12 =	simm.s32 $0x400;
	s13 =	simm.s32 $0x14180;
	[sflag:s4] =	ssyncadd.s32 $0xFFFFC000  }
.LBB2_8:
0x4c: {  	[tilespmem:s29], [sflag:$0x4] =	stream.indirect.gather [hbm4b:s3+s25], $0x80, s13, s25, $0xb8;
	[tilespmem:$0x1E800] =	vst v63  }
0x4d: {  	s13 =	smov.u32 s12  }
0x4e: {  	p1 =	sne.s32 s12, $0x4800;
	s12 =	sadd.s32 $0x400, s12;
	_ =	swait.ge [sflag:s30], $0x4000  }
0x4f: {  	s13 =	sshra.s32 s13, $0x2;
	[sflag:s30] =	ssyncset.done $0x0  }
0x50: {  	s14 =	sadd.s32 $0x15400, s13;
	[sflag:s30] =	ssyncadd.s32 $0xFFFFC000  }
0x51: {  	[spmem:s1] =	stream.indirect.scatter.add.f32 [tilespmem:s26], [sflag:$0x5], $0x80, s14, s25, $0xb8;
	[tilespmem:$0x1E800] =	vst v63  }
0x52: {  	_ =	swait.ge [sflag:s31], $0x4000  }
0x53: {  	[sflag:s31] =	ssyncset.done $0x0  }
0x54: {  	s14 =	sadd.s32 $0x15480, s13;
	[sflag:s31] =	ssyncadd.s32 $0xFFFFC000  }
0x55: {  	[spmem:s1] =	stream.indirect.scatter.add.f32 [tilespmem:s29], [sflag:$0x6], $0x80, s14, s25, $0xb8;
	[tilespmem:$0x1E800] =	vst v63  }
0x56: {  	_ =	swait.ge [sflag:s0], $0x4000  }
0x57: {  	[sflag:s0] =	ssyncset.done $0x0  }
.Ltmp3:
0x58: {  	s14 =	sadd.s32 $0x14100, s13;
	[sflag:s0] =	ssyncadd.s32 $0xFFFFC000;
	(pc) =	sbr.rel @p1 .LBB2_8-.Ltmp3, $4  }
0x59: {  	[tilespmem:s26], [sflag:$0x3] =	stream.indirect.gather [hbm4b:s3+s25], $0x80, s14, s25, $0xb8;
	[tilespmem:$0x1E800] =	vst v63  }
0x5a: {  	_ =	swait.ge [sflag:s4], $0x4000  }
0x5b: {  	[sflag:s4] =	ssyncset.done $0x0  }
0x5c: {  	s13 =	sadd.s32 $0x14180, s13;
	[sflag:s4] =	ssyncadd.s32 $0xFFFFC000  }
0x5d: {  	[tilespmem:s29], [sflag:$0x4] =	stream.indirect.gather [hbm4b:s3+s25], $0x80, s13, s25, $0xb8;
	[tilespmem:$0x1E800] =	vst v63  }
0x5e: {  	_ =	swait.ge [sflag:s30], $0x4000  }
0x5f: {  	[sflag:s30] =	ssyncset.done $0x0  }
0x60: {  	[sflag:s30] =	ssyncadd.s32 $0xFFFFC000  }
0x61: {  	[spmem:s1] =	stream.indirect.scatter.add.f32 [tilespmem:s26], [sflag:$0x5], $0x80, s6, s25, $0xb8;
	[tilespmem:$0x1E800] =	vst v63  }
0x62: {  	_ =	swait.ge [sflag:s31], $0x4000  }
0x63: {  	[sflag:s31] =	ssyncset.done $0x0  }
0x64: {  	[sflag:s31] =	ssyncadd.s32 $0xFFFFC000  }
0x65: {  	[spmem:s1] =	stream.indirect.scatter.add.f32 [tilespmem:s29], [sflag:$0x6], $0x80, s7, s25, $0xb8;
	[tilespmem:$0x1E800] =	vst v63  }
0x66: {  	_ =	swait.ge [sflag:s0], $0x4000  }
0x67: {  	[sflag:s0] =	ssyncset.done $0x0  }
0x68: {  	[sflag:s0] =	ssyncadd.s32 $0xFFFFC000  }
0x69: {  	_ =	swait.ge [sflag:s4], $0x4000  }
0x6a: {  	[sflag:s4] =	ssyncset.done $0x0  }
0x6b: {  	s12 =	simm.s32 $0x0;
	[sflag:s4] =	ssyncadd.s32 $0xFFFFC000  }
0x6c: {  	[tilespmem:s22], [sflag:$0x2] =	stream.linear.gather [hbm4b:s17+s12], $0x1400, $0x38;
	[tilespmem:$0x1E800] =	vst v63  }
0x6d: {  	_ = 	snop  }
0x6e: {  	[tilespmem:s23], [sflag:$0x2] =	stream.linear.gather [hbm4b:s18+s12], $0x1400, $0x38;
	[tilespmem:$0x1E800] =	vst v63  }
0x6f: {  	_ =	swait.ge [sflag:s24], $0x1400  }
0x70: {  	[sflag:s24] =	ssyncset.done $0x0  }
0x71: {  	[sflag:s24] =	ssyncadd.s32 $0xFFFFEC00  }
0x72: {  	_ =	swait.ge [sflag:s24], $0x1400  }
0x73: {  	[sflag:s24] =	ssyncset.done $0x0  }
0x74: {  	[sflag:s24] =	ssyncadd.s32 $0xFFFFEC00  }
0x75: {  	[tilespmem:s26], [sflag:$0x3] =	stream.indirect.gather [hbm4b:s3+s25], $0x80, s22, s25, $0xb8;
	[tilespmem:$0x1E800] =	vst v63  }
0x76: {  	_ = 	snop  }
0x77: {  	[tilespmem:s29], [sflag:$0x4] =	stream.indirect.gather [hbm4b:s3+s25], $0x80, s28, s25, $0xb8;
	[tilespmem:$0x1E800] =	vst v63  }
0x78: {  	_ =	swait.ge [sflag:s30], $0x4000  }
0x79: {  	[sflag:s30] =	ssyncset.done $0x0  }
0x7a: {  	s14 =	simm.s32 $0x15400;
	[sflag:s30] =	ssyncadd.s32 $0xFFFFC000  }
0x7b: {  	[spmem:s1] =	stream.indirect.scatter.add.f32 [tilespmem:s26], [sflag:$0x5], $0x80, s14, s25, $0xb8;
	[tilespmem:$0x1E800] =	vst v63  }
0x7c: {  	_ =	swait.ge [sflag:s31], $0x4000  }
0x7d: {  	[sflag:s31] =	ssyncset.done $0x0  }
0x7e: {  	s13 =	simm.s32 $0x15480;
	[sflag:s31] =	ssyncadd.s32 $0xFFFFC000  }
0x7f: {  	[spmem:s1] =	stream.indirect.scatter.add.f32 [tilespmem:s29], [sflag:$0x6], $0x80, s13, s25, $0xb8;
	[tilespmem:$0x1E800] =	vst v63  }
0x80: {  	_ =	swait.ge [sflag:s0], $0x4000  }
0x81: {  	[sflag:s0] =	ssyncset.done $0x0  }
0x82: {  	s14 =	simm.s32 $0x14100;
	[sflag:s0] =	ssyncadd.s32 $0xFFFFC000  }
0x83: {  	[tilespmem:s26], [sflag:$0x3] =	stream.indirect.gather [hbm4b:s3+s25], $0x80, s14, s25, $0xb8;
	[tilespmem:$0x1E800] =	vst v63  }
0x84: {  	_ =	swait.ge [sflag:s4], $0x4000  }
0x85: {  	[sflag:s4] =	ssyncset.done $0x0  }
0x86: {  	s12 =	simm.s32 $0x400;
	s13 =	simm.s32 $0x14180;
	[sflag:s4] =	ssyncadd.s32 $0xFFFFC000  }
.LBB2_10:
0x87: {  	[tilespmem:s29], [sflag:$0x4] =	stream.indirect.gather [hbm4b:s3+s25], $0x80, s13, s25, $0xb8;
	[tilespmem:$0x1E800] =	vst v63  }
0x88: {  	s13 =	smov.u32 s12  }
0x89: {  	p1 =	sne.s32 s12, $0x4800;
	s12 =	sadd.s32 $0x400, s12;
	_ =	swait.ge [sflag:s30], $0x4000  }
0x8a: {  	s13 =	sshra.s32 s13, $0x2;
	[sflag:s30] =	ssyncset.done $0x0  }
0x8b: {  	s14 =	sadd.s32 $0x15400, s13;
	[sflag:s30] =	ssyncadd.s32 $0xFFFFC000  }
0x8c: {  	[spmem:s1] =	stream.indirect.scatter.add.f32 [tilespmem:s26], [sflag:$0x5], $0x80, s14, s25, $0xb8;
	[tilespmem:$0x1E800] =	vst v63  }
0x8d: {  	_ =	swait.ge [sflag:s31], $0x4000  }
0x8e: {  	[sflag:s31] =	ssyncset.done $0x0  }
0x8f: {  	s14 =	sadd.s32 $0x15480, s13;
	[sflag:s31] =	ssyncadd.s32 $0xFFFFC000  }
0x90: {  	[spmem:s1] =	stream.indirect.scatter.add.f32 [tilespmem:s29], [sflag:$0x6], $0x80, s14, s25, $0xb8;
	[tilespmem:$0x1E800] =	vst v63  }
0x91: {  	_ =	swait.ge [sflag:s0], $0x4000  }
0x92: {  	[sflag:s0] =	ssyncset.done $0x0  }
.Ltmp4:
0x93: {  	s14 =	sadd.s32 $0x14100, s13;
	[sflag:s0] =	ssyncadd.s32 $0xFFFFC000;
	(pc) =	sbr.rel @p1 .LBB2_10-.Ltmp4, $4  }
0x94: {  	[tilespmem:s26], [sflag:$0x3] =	stream.indirect.gather [hbm4b:s3+s25], $0x80, s14, s25, $0xb8;
	[tilespmem:$0x1E800] =	vst v63  }
0x95: {  	_ =	swait.ge [sflag:s4], $0x4000  }
0x96: {  	[sflag:s4] =	ssyncset.done $0x0  }
0x97: {  	s13 =	sadd.s32 $0x14180, s13;
	[sflag:s4] =	ssyncadd.s32 $0xFFFFC000  }
.Ltmp5:
0x98: {  	_ = 	snop;
	(pc) =	sbr.rel .LBB2_11-.Ltmp5, $1  }
0x99: {  	_ =	sdelay $0x3  }
.LBB2_2:
0x9a: {  	s13 =	rddreg [dreg:$0x5]  }
0x9b: {  	[tilespmem:s22], [sflag:$0x2] =	stream.linear.gather [hbm4b:s13+s12], $0x1400, $0x38;
	[tilespmem:$0x1E800] =	vst v63  }
0x9c: {  	s14 =	rddreg [dreg:$0x6]  }
0x9d: {  	[tilespmem:s23], [sflag:$0x2] =	stream.linear.gather [hbm4b:s14+s12], $0x1400, $0x38;
	[tilespmem:$0x1E800] =	vst v63  }
0x9e: {  	_ =	swait.ge [sflag:s24], $0x1400  }
0x9f: {  	[sflag:s24] =	ssyncset.done $0x0  }
0xa0: {  	[sflag:s24] =	ssyncadd.s32 $0xFFFFEC00  }
0xa1: {  	_ =	swait.ge [sflag:s24], $0x1400  }
0xa2: {  	[sflag:s24] =	ssyncset.done $0x0  }
0xa3: {  	[sflag:s24] =	ssyncadd.s32 $0xFFFFEC00  }
0xa4: {  	[tilespmem:s26], [sflag:$0x3] =	stream.indirect.gather [hbm4b:s3+s25], $0x80, s22, s25, $0xb8;
	[tilespmem:$0x1E800] =	vst v63  }
0xa5: {  	_ = 	snop  }
0xa6: {  	[tilespmem:s29], [sflag:$0x4] =	stream.indirect.gather [hbm4b:s3+s25], $0x80, s28, s25, $0xb8;
	[tilespmem:$0x1E800] =	vst v63  }
0xa7: {  	_ =	swait.ge [sflag:s30], $0x4000  }
0xa8: {  	[sflag:s30] =	ssyncset.done $0x0  }
0xa9: {  	s14 =	simm.s32 $0x15400;
	[sflag:s30] =	ssyncadd.s32 $0xFFFFC000  }
0xaa: {  	[spmem:s1] =	stream.indirect.scatter.add.f32 [tilespmem:s26], [sflag:$0x5], $0x80, s14, s25, $0xb8;
	[tilespmem:$0x1E800] =	vst v63  }
0xab: {  	_ =	swait.ge [sflag:s31], $0x4000  }
0xac: {  	[sflag:s31] =	ssyncset.done $0x0  }
0xad: {  	s13 =	simm.s32 $0x15480;
	[sflag:s31] =	ssyncadd.s32 $0xFFFFC000  }
0xae: {  	[spmem:s1] =	stream.indirect.scatter.add.f32 [tilespmem:s29], [sflag:$0x6], $0x80, s13, s25, $0xb8;
	[tilespmem:$0x1E800] =	vst v63  }
0xaf: {  	_ =	swait.ge [sflag:s0], $0x4000  }
0xb0: {  	[sflag:s0] =	ssyncset.done $0x0  }
0xb1: {  	s14 =	simm.s32 $0x14100;
	[sflag:s0] =	ssyncadd.s32 $0xFFFFC000  }
0xb2: {  	[tilespmem:s26], [sflag:$0x3] =	stream.indirect.gather [hbm4b:s3+s25], $0x80, s14, s25, $0xb8;
	[tilespmem:$0x1E800] =	vst v63  }
0xb3: {  	_ =	swait.ge [sflag:s4], $0x4000  }
0xb4: {  	[sflag:s4] =	ssyncset.done $0x0  }
0xb5: {  	s12 =	simm.s32 $0x400;
	s13 =	simm.s32 $0x14180;
	[sflag:s4] =	ssyncadd.s32 $0xFFFFC000  }
.LBB2_3:
0xb6: {  	[tilespmem:s29], [sflag:$0x4] =	stream.indirect.gather [hbm4b:s3+s25], $0x80, s13, s25, $0xb8;
	[tilespmem:$0x1E800] =	vst v63  }
0xb7: {  	s13 =	smov.u32 s12  }
0xb8: {  	p1 =	sne.s32 s12, $0x4800;
	s12 =	sadd.s32 $0x400, s12;
	_ =	swait.ge [sflag:s30], $0x4000  }
0xb9: {  	s13 =	sshra.s32 s13, $0x2;
	[sflag:s30] =	ssyncset.done $0x0  }
0xba: {  	s14 =	sadd.s32 $0x15400, s13;
	[sflag:s30] =	ssyncadd.s32 $0xFFFFC000  }
0xbb: {  	[spmem:s1] =	stream.indirect.scatter.add.f32 [tilespmem:s26], [sflag:$0x5], $0x80, s14, s25, $0xb8;
	[tilespmem:$0x1E800] =	vst v63  }
0xbc: {  	_ =	swait.ge [sflag:s31], $0x4000  }
0xbd: {  	[sflag:s31] =	ssyncset.done $0x0  }
0xbe: {  	s14 =	sadd.s32 $0x15480, s13;
	[sflag:s31] =	ssyncadd.s32 $0xFFFFC000  }
0xbf: {  	[spmem:s1] =	stream.indirect.scatter.add.f32 [tilespmem:s29], [sflag:$0x6], $0x80, s14, s25, $0xb8;
	[tilespmem:$0x1E800] =	vst v63  }
0xc0: {  	_ =	swait.ge [sflag:s0], $0x4000  }
0xc1: {  	[sflag:s0] =	ssyncset.done $0x0  }
.Ltmp6:
0xc2: {  	s14 =	sadd.s32 $0x14100, s13;
	[sflag:s0] =	ssyncadd.s32 $0xFFFFC000;
	(pc) =	sbr.rel @p1 .LBB2_3-.Ltmp6, $4  }
0xc3: {  	[tilespmem:s26], [sflag:$0x3] =	stream.indirect.gather [hbm4b:s3+s25], $0x80, s14, s25, $0xb8;
	[tilespmem:$0x1E800] =	vst v63  }
0xc4: {  	_ =	swait.ge [sflag:s4], $0x4000  }
0xc5: {  	[sflag:s4] =	ssyncset.done $0x0  }
0xc6: {  	s13 =	sadd.s32 $0x14180, s13;
	[sflag:s4] =	ssyncadd.s32 $0xFFFFC000  }
0xc7: {  	[tilespmem:s29], [sflag:$0x4] =	stream.indirect.gather [hbm4b:s3+s25], $0x80, s13, s25, $0xb8;
	[tilespmem:$0x1E800] =	vst v63  }
0xc8: {  	_ =	swait.ge [sflag:s30], $0x4000  }
0xc9: {  	[sflag:s30] =	ssyncset.done $0x0  }
0xca: {  	[sflag:s30] =	ssyncadd.s32 $0xFFFFC000  }
0xcb: {  	[spmem:s1] =	stream.indirect.scatter.add.f32 [tilespmem:s26], [sflag:$0x5], $0x80, s6, s25, $0xb8;
	[tilespmem:$0x1E800] =	vst v63  }
0xcc: {  	_ =	swait.ge [sflag:s31], $0x4000  }
0xcd: {  	[sflag:s31] =	ssyncset.done $0x0  }
0xce: {  	[sflag:s31] =	ssyncadd.s32 $0xFFFFC000  }
0xcf: {  	[spmem:s1] =	stream.indirect.scatter.add.f32 [tilespmem:s29], [sflag:$0x6], $0x80, s7, s25, $0xb8;
	[tilespmem:$0x1E800] =	vst v63  }
0xd0: {  	_ =	swait.ge [sflag:s0], $0x4000  }
0xd1: {  	[sflag:s0] =	ssyncset.done $0x0  }
0xd2: {  	[sflag:s0] =	ssyncadd.s32 $0xFFFFC000  }
0xd3: {  	_ =	swait.ge [sflag:s4], $0x4000  }
0xd4: {  	[sflag:s4] =	ssyncset.done $0x0  }
0xd5: {  	s12 =	simm.s32 $0x0;
	s14 =	rddreg [dreg:$0x7];
	[sflag:s4] =	ssyncadd.s32 $0xFFFFC000  }
0xd6: {  	[tilespmem:s22], [sflag:$0x2] =	stream.linear.gather [hbm4b:s14+s12], $0x1400, $0x38;
	[tilespmem:$0x1E800] =	vst v63  }
0xd7: {  	s14 =	rddreg [dreg:$0x8]  }
0xd8: {  	[tilespmem:s23], [sflag:$0x2] =	stream.linear.gather [hbm4b:s14+s12], $0x1400, $0x38;
	[tilespmem:$0x1E800] =	vst v63  }
0xd9: {  	_ =	swait.ge [sflag:s24], $0x1400  }
0xda: {  	[sflag:s24] =	ssyncset.done $0x0  }
0xdb: {  	[sflag:s24] =	ssyncadd.s32 $0xFFFFEC00  }
0xdc: {  	_ =	swait.ge [sflag:s24], $0x1400  }
0xdd: {  	[sflag:s24] =	ssyncset.done $0x0  }
0xde: {  	[sflag:s24] =	ssyncadd.s32 $0xFFFFEC00  }
0xdf: {  	[tilespmem:s26], [sflag:$0x3] =	stream.indirect.gather [hbm4b:s3+s25], $0x80, s22, s25, $0xb8;
	[tilespmem:$0x1E800] =	vst v63  }
0xe0: {  	_ = 	snop  }
0xe1: {  	[tilespmem:s29], [sflag:$0x4] =	stream.indirect.gather [hbm4b:s3+s25], $0x80, s28, s25, $0xb8;
	[tilespmem:$0x1E800] =	vst v63  }
0xe2: {  	_ =	swait.ge [sflag:s30], $0x4000  }
0xe3: {  	[sflag:s30] =	ssyncset.done $0x0  }
0xe4: {  	s14 =	simm.s32 $0x15400;
	[sflag:s30] =	ssyncadd.s32 $0xFFFFC000  }
0xe5: {  	[spmem:s1] =	stream.indirect.scatter.add.f32 [tilespmem:s26], [sflag:$0x5], $0x80, s14, s25, $0xb8;
	[tilespmem:$0x1E800] =	vst v63  }
0xe6: {  	_ =	swait.ge [sflag:s31], $0x4000  }
0xe7: {  	[sflag:s31] =	ssyncset.done $0x0  }
0xe8: {  	s13 =	simm.s32 $0x15480;
	[sflag:s31] =	ssyncadd.s32 $0xFFFFC000  }
0xe9: {  	[spmem:s1] =	stream.indirect.scatter.add.f32 [tilespmem:s29], [sflag:$0x6], $0x80, s13, s25, $0xb8;
	[tilespmem:$0x1E800] =	vst v63  }
0xea: {  	_ =	swait.ge [sflag:s0], $0x4000  }
0xeb: {  	[sflag:s0] =	ssyncset.done $0x0  }
0xec: {  	s14 =	simm.s32 $0x14100;
	[sflag:s0] =	ssyncadd.s32 $0xFFFFC000  }
0xed: {  	[tilespmem:s26], [sflag:$0x3] =	stream.indirect.gather [hbm4b:s3+s25], $0x80, s14, s25, $0xb8;
	[tilespmem:$0x1E800] =	vst v63  }
0xee: {  	_ =	swait.ge [sflag:s4], $0x4000  }
0xef: {  	[sflag:s4] =	ssyncset.done $0x0  }
0xf0: {  	s12 =	simm.s32 $0x400;
	s13 =	simm.s32 $0x14180;
	[sflag:s4] =	ssyncadd.s32 $0xFFFFC000  }
.LBB2_5:
0xf1: {  	[tilespmem:s29], [sflag:$0x4] =	stream.indirect.gather [hbm4b:s3+s25], $0x80, s13, s25, $0xb8;
	[tilespmem:$0x1E800] =	vst v63  }
0xf2: {  	s13 =	smov.u32 s12  }
0xf3: {  	p1 =	seq.s32 s12, $0x4800;
	s12 =	sadd.s32 $0x400, s12;
	_ =	swait.ge [sflag:s30], $0x4000  }
0xf4: {  	s13 =	sshra.s32 s13, $0x2;
	[sflag:s30] =	ssyncset.done $0x0  }
0xf5: {  	s14 =	sadd.s32 $0x15400, s13;
	[sflag:s30] =	ssyncadd.s32 $0xFFFFC000  }
0xf6: {  	[spmem:s1] =	stream.indirect.scatter.add.f32 [tilespmem:s26], [sflag:$0x5], $0x80, s14, s25, $0xb8;
	[tilespmem:$0x1E800] =	vst v63  }
0xf7: {  	_ =	swait.ge [sflag:s31], $0x4000  }
0xf8: {  	[sflag:s31] =	ssyncset.done $0x0  }
0xf9: {  	s14 =	sadd.s32 $0x15480, s13;
	[sflag:s31] =	ssyncadd.s32 $0xFFFFC000  }
0xfa: {  	[spmem:s1] =	stream.indirect.scatter.add.f32 [tilespmem:s29], [sflag:$0x6], $0x80, s14, s25, $0xb8;
	[tilespmem:$0x1E800] =	vst v63  }
0xfb: {  	_ =	swait.ge [sflag:s0], $0x4000  }
0xfc: {  	[sflag:s0] =	ssyncset.done $0x0  }
.Ltmp7:
0xfd: {  	s14 =	sadd.s32 $0x14100, s13;
	[sflag:s0] =	ssyncadd.s32 $0xFFFFC000;
	(pc) =	sbr.rel @!p1 .LBB2_5-.Ltmp7, $4  }
0xfe: {  	[tilespmem:s26], [sflag:$0x3] =	stream.indirect.gather [hbm4b:s3+s25], $0x80, s14, s25, $0xb8;
	[tilespmem:$0x1E800] =	vst v63  }
0xff: {  	_ =	swait.ge [sflag:s4], $0x4000  }
0x100: {  	[sflag:s4] =	ssyncset.done $0x0  }
0x101: {  	s13 =	sadd.s32 $0x14180, s13;
	[sflag:s4] =	ssyncadd.s32 $0xFFFFC000  }
.Ltmp8:
0x102: {  	(pc) =	sbr.rel .LBB2_12-.Ltmp8, $3  }
0x103: {  	_ =	sdelay $0x1  }
0x104: {  	[tilespmem:s29], [sflag:$0x4] =	stream.indirect.gather [hbm4b:s3+s25], $0x80, s13, s25, $0xb8;
	[tilespmem:$0x1E800] =	vst v63  }
0x105: {  	s12 =	rddreg [dreg:$0x4]  }
.LBB2_13:
0x106: {  	_ =	sfence.sel $0x180000  }
0x107: {  	[bflag:$0x0] =	sbarrier.arrive $0xFFFF  }
0x108: {  	_ =	strace $0x9000004A  }
0x109: {  	s0 =	stileid.u32;
	[bflag:$0x2] =	sbarrier.arrive $0xFFFF  }
0x10a: {  	p0 =	sne.s32 s0, $0x0;
	s0 =	rddreg [dreg:$0x2]  }
0x10b: {  	s0 =	sadd.s32 @!p0 $0x100000, s0  }
0x10c: {  	[sflag:s0] =	ssyncadd.tile.s32 @!p0 $0x1;
	_ =	shalt  }
.Lfunc_end2:
_tile_overlayer_lowered:
.L_overlay_start_2:
0x10d: {  	(tag) =	ssettag $0x2  }
0x10e: {  	s0 =	rddreg [dreg:$0x0];
	s2 =	stileid.u32  }
0x10f: {  	s1 =	rddreg [dreg:$0x1];
	p0 =	sne.s32 s2, $0x0  }
0x110: {  	s3 =	rddreg [dreg:$0x2];
	[bflag:$0x3] =	sbarrier.arrive $0xFFFF;
	s2 =	simm.s32 @!p0 $0x1C07  }
0x111: {  	[timem:s3], [sflag:s2] =	dma.local @!p0 [hbm:s0], s1  }
0x112: {  	s0 =	simm.s32 @!p0 $0x7  }
0x113: {  	_ =	swait.ge @!p0 [sflag:s0], s1  }
0x114: {  	s1 =	ssub.s32 @!p0 $0x0, s1;
	[sflag:s0] =	ssyncset.done @!p0 $0x0  }
0x115: {  	[sflag:s0] =	ssyncadd.s32 @!p0 s1  }
0x116: {  	[bflag:$0x3] =	sbarrier.arrive $0xFFFF  }
0x117: {  	_ =	shalt  }

// kernel: kernel.16.cloned.1.call-start
scs
__scs_entry_jumppad:
0x0: {  	(pc) =	sbr.rel $0x88, $3  }
0x1: {  	(tag) =	ssettag $0x0;
	lr =	simm.s32 $0x1  }
0x2: {  	[smem:$0x3F8B] =	sst lr;
	_ =	strace $0xD0000000  }
0x3: {  	_ = 	snop  }
0x4: {  	_ = 	snop  }
0x5: {  	_ = 	snop  }
0x6: {  	_ = 	snop  }
0x7: {  	_ = 	snop  }
__scs_overlays_trampoline_lowered:
0x8: {  	[smem:$0x3F9A] =	sst s0  }
0x9: {  	[smem:$0x3F9B] =	sst s1  }
0xa: {  	[smem:$0x3F9C] =	sst s2  }
0xb: {  	[smem:$0x3F9D] =	sst s3  }
0xc: {  	[smem:$0x3F9E] =	sst s4  }
0xd: {  	[smem:$0x3F9F] =	sst s5  }
0xe: {  	[smem:$0x3FA0] =	sst s6  }
0xf: {  	[smem:$0x3FA1] =	sst s7  }
0x10: {  	[smem:$0x3FA2] =	sst s8  }
0x11: {  	[smem:$0x3FA3] =	sst s9;
	s0 =	simm.s32 @!p0 $0x0  }
0x12: {  	s1 =	sld [smem:$0x3F89];
	s0 =	simm.s32 @p0 $0x1  }
0x13: {  	[smem:$0x3FA4] =	sst s0;
	s0 =	simm.s32 @!p1 $0x0  }
0x14: {  	s2 =	sld [smem:$0x3F88];
	s0 =	simm.s32 @p1 $0x1  }
0x15: {  	[smem:$0x3FA5] =	sst s0;
	s0 =	simm.s32 @!p2 $0x0  }
0x16: {  	s3 =	sld [smem:$0x3FDB];
	s0 =	simm.s32 @p2 $0x1  }
0x17: {  	s4 =	simm.s32 $0x1BF5;
	[smem:$0x3FA7] =	sst s0  }
0x18: {  	s0 =	sld [smem:$0x3F8A];
	_ =	swait.ge [sflag:s4], $0x0  }
0x19: {  	s7 =	sld [smem:$0x3F8B]  }
0x1a: {  	s8 =	sadd.s32 $0xFFFFE003, lr  }
0x1b: {  	s9 =	sadd.s32 $0xFFFFFEF7, lr;
	s5 =	simm.s32 $0xFFFFFFFF;
	p2 =	slt.u32 s8, $0xFFFFF086  }
0x1c: {  	p1 =	slt.u32 s9, $0xF7A;
	s5 =	simm.s32 @!p2 $0x0  }
0x1d: {  	s5 =	simm.s32 @p1 $0x1;
	p0 =	seq.s32 s7, s2  }
0x1e: {  	s7 =	smul.u32 @!p0 $0xF7A, s2;
	p2 =	seq.s32 @!p0 s5, $0x0  }
0x1f: {  	s9 =	smul.u32 $0xF7A, s1;
	s8 =	simm.s32 @!p0 $0x1BF5;
	p2 =	por !p2, p0  }
0x20: {  	[sflag:s8] =	ssyncset.s32 @!p0 $0xFFFFF086;
	s6 =	sadd.s32 @!p0 s3, s7;
	s7 =	simm.s32 @!p0 $0x108  }
0x21: {  	s3 =	sadd.s32 s3, s9;
	s6 =	sadd.s32 @!p0 $0x88, s6;
	s7 =	simm.s32 @p2 $0x1082  }
0x22: {  	[simem:s7], [sflag:s8] =	dma.local @!p0 [hbm:s6], $0xF7A  }
0x23: {  	s9 =	sor.u32 $0xD0000000, s2;
	s6 =	simm.s32 $0x108;
	_ =	swait.ge @!p0 [sflag:s8], $0x0  }
0x24: {  	s3 =	sadd.s32 $0x88, s3;
	s6 =	simm.s32 @!p1 $0x1082;
	[sflag:s4] =	ssyncset.s32 $0xFFFFF086  }
0x25: {  	[simem:s6], [sflag:s4] =	dma.local [hbm:s3], $0xF7A  }
0x26: {  	[smem:$0x3F8B] =	sst s1;
	(tag) =	ssettag s2;
	_ =	strace s9  }
0x27: {  	s1 =	sld [smem:$0x3F9B]  }
0x28: {  	s2 =	sld [smem:$0x3F9C]  }
0x29: {  	s4 =	sld [smem:$0x3F9E]  }
0x2a: {  	p0 =	seq.s32 s5, $0x0;
	s5 =	sld [smem:$0x3F9F]  }
0x2b: {  	s6 =	sld [smem:$0x3FA0]  }
0x2c: {  	s7 =	sld [smem:$0x3FA1]  }
0x2d: {  	s3 =	simm.s32 $0x108;
	s8 =	sld [smem:$0x3FA2]  }
0x2e: {  	s3 =	simm.s32 @!p0 $0x1082;
	s9 =	sld [smem:$0x3FA3]  }
0x2f: {  	lr =	sadd.s32 s0, s3;
	s0 =	sld [smem:$0x3F9A]  }
0x30: {  	s3 =	sld [smem:$0x3F9D]  }
0x31: {  	[smem:$0x3FA6] =	sst s10  }
0x32: {  	s10 =	sld [smem:$0x3FA4];
	_ =	sdelay $0x3  }
0x33: {  	p0 =	seq.s32 s10, $0x1;
	s10 =	sld [smem:$0x3FA6];
	_ =	sdelay $0x3  }
0x34: {  	[smem:$0x3FA6] =	sst s10  }
0x35: {  	s10 =	sld [smem:$0x3FA5];
	_ =	sdelay $0x3  }
0x36: {  	p1 =	seq.s32 s10, $0x1;
	s10 =	sld [smem:$0x3FA6];
	_ =	sdelay $0x3  }
0x37: {  	[smem:$0x3FA6] =	sst s10  }
0x38: {  	s10 =	sld [smem:$0x3FA7]  }
0x39: {  	_ = 	snop;
	(pc) =	sbr.ind lr, $3  }
0x3a: {  	_ = 	snop  }
0x3b: {  	_ = 	snop  }
0x3c: {  	p2 =	seq.s32 s10, $0x1;
	s10 =	sld [smem:$0x3FA6]  }
0x3d: {  	_ =	shalt  }
0x3e: {  	_ =	shalt  }
0x3f: {  	_ =	shalt  }
0x40: {  	_ =	shalt  }
0x41: {  	_ =	shalt  }
0x42: {  	_ =	shalt  }
0x43: {  	_ =	shalt  }
0x44: {  	_ =	shalt  }
0x45: {  	_ =	shalt  }
0x46: {  	_ =	shalt  }
0x47: {  	_ =	shalt  }
0x48: {  	_ =	shalt  }
0x49: {  	_ =	shalt  }
0x4a: {  	_ =	shalt  }
0x4b: {  	_ =	shalt  }
0x4c: {  	_ =	shalt  }
0x4d: {  	_ =	shalt  }
0x4e: {  	_ =	shalt  }
0x4f: {  	_ =	shalt  }
0x50: {  	_ =	shalt  }
0x51: {  	_ =	shalt  }
0x52: {  	_ =	shalt  }
0x53: {  	_ =	shalt  }
0x54: {  	_ =	shalt  }
0x55: {  	_ =	shalt  }
0x56: {  	_ =	shalt  }
0x57: {  	_ =	shalt  }
0x58: {  	_ =	shalt  }
0x59: {  	_ =	shalt  }
0x5a: {  	_ =	shalt  }
0x5b: {  	_ =	shalt  }
0x5c: {  	_ =	shalt  }
0x5d: {  	_ =	shalt  }
0x5e: {  	_ =	shalt  }
0x5f: {  	_ =	shalt  }
0x60: {  	_ =	shalt  }
0x61: {  	_ =	shalt  }
0x62: {  	_ =	shalt  }
0x63: {  	_ =	shalt  }
0x64: {  	_ =	shalt  }
0x65: {  	_ =	shalt  }
0x66: {  	_ =	shalt  }
0x67: {  	_ =	shalt  }
0x68: {  	_ =	shalt  }
0x69: {  	_ =	shalt  }
0x6a: {  	_ =	shalt  }
0x6b: {  	_ =	shalt  }
0x6c: {  	_ =	shalt  }
0x6d: {  	_ =	shalt  }
0x6e: {  	_ =	shalt  }
0x6f: {  	_ =	shalt  }
0x70: {  	_ =	shalt  }
0x71: {  	_ =	shalt  }
0x72: {  	_ =	shalt  }
0x73: {  	_ =	shalt  }
0x74: {  	_ =	shalt  }
0x75: {  	_ =	shalt  }
0x76: {  	_ =	shalt  }
0x77: {  	_ =	shalt  }
0x78: {  	_ =	shalt  }
0x79: {  	_ =	shalt  }
0x7a: {  	_ =	shalt  }
0x7b: {  	_ =	shalt  }
0x7c: {  	_ =	shalt  }
0x7d: {  	_ =	shalt  }
0x7e: {  	_ =	shalt  }
0x7f: {  	_ =	shalt  }
0x80: {  	_ =	shalt  }
0x81: {  	_ =	shalt  }
0x82: {  	_ =	shalt  }
0x83: {  	_ =	shalt  }
0x84: {  	_ =	shalt  }
0x85: {  	_ =	shalt  }
0x86: {  	_ =	shalt  }
0x87: {  	_ =	shalt  }
.Lfunc_end0:
.L_simem_size_0:
called_computation.2_lowered:
.L_overlay_start_0:
0x88: {  	s2 =	sld [smem:$0x3FD9]  }
0x89: {  	s3 =	sld [smem:$0x3FFE];
	_ =	sdelay $0x1  }
0x8a: {  	s1 =	srdreg.scid  }
0x8b: {  	s0 =	sand.u32 $0x1, s1  }
0x8c: {  	s16 =	sshll.u32 s0, $0xA;
	s2 =	sadd.s32 s3, s2  }
0x8d: {  	s2 =	sadd.s32 s2, s16  }
0x8e: {  	[smem:$0x3FB2] =	sst s2  }
0x8f: {  	_ = 	snop  }
0x90: {  	(tm) =	ssettm $0x1  }
0x91: {  	s17 =	sld [smem:$0x3FFB];
	_ =	sdelay $0x3  }
0x92: {  	_ =	strace s17  }
0x93: {  	s2 =	sld [smem:$0x3FFC];
	_ =	sdelay $0x3  }
0x94: {  	_ =	strace s2  }
0x95: {  	s2 =	sld [smem:$0x3FFD];
	_ =	sdelay $0x3  }
0x96: {  	_ =	strace s2  }
0x97: {  	_ =	strace $0x8FFFFFFF  }
0x98: {  	s18 =	sld [smem:$0x3FDB];
	_ =	sdelay $0x1  }
0x99: {  	s19 =	simm.s32 $_scs_section_size  }
0x9a: {  	s4 =	simm.s32 $_size__tile_overlayer_lowered;
	s5 =	simm.s32 $_tile_overlayer_lowered  }
0x9b: {  	s22 =	simm.s32 $0x1BFF;
	s21 =	sshll.u32 s5, $0x1;
	s2 =	sadd.s32 s19, s18  }
0x9c: {  	s6 =	simm.s32 $0x0;
	s20 =	sshll.u32 s4, $0x1;
	s4 =	sadd.s32 s21, s2  }
0x9d: {  	[timem:s6], [sflag:s22] =	dma.local [hbm:s4], s20  }
0x9e: {  	_ =	swait.ge [sflag:s22], s20  }
0x9f: {  	s3 =	ssub.s32 $0x0, s20;
	[sflag:s22] =	ssyncset.done $0x0  }
0xa0: {  	[sflag:s22] =	ssyncadd.s32 s3;
	_ =	sdelay $0x1  }
0xa1: {  	s23 =	simm.s32 $0x1B8B  }
0xa2: {  	_ =	swait.ge [sflag:s23], $0x1  }
0xa3: {  	[sflag:s23] =	ssyncset.done $0x0  }
0xa4: {  	s25 =	simm.s32 $0x1B8E;
	s24 =	sld [smem:$0x3FFE];
	[sflag:s23] =	ssyncadd.s32 $0xFFFFFFFF  }
0xa5: {  	s26 =	simm.s32 $execute0_lowered;
	[smem:$0x3FD2] =	sst s25  }
0xa6: {  	s4 =	sshll.u32 s26, $0x1;
	_ =	strace $0x8000004C;
	[dreg:$0x1] =	wrdreg $0xFFFFFFFF  }
0xa7: {  	s28 =	simm.s32 $_size_execute0_lowered;
	s2 =	sadd.s32 s2, s4;
	[dreg:$0x0] =	wrdreg $0x0  }
0xa8: {  	s4 =	sshll.u32 s28, $0x1;
	[dreg:$0x2] =	wrdreg s2  }
0xa9: {  	[dreg:$0x3] =	wrdreg s4  }
0xaa: {  	[dreg:$0x4] =	wrdreg $0xC0  }
0xab: {  	_ =	task [dreg:s6], $0x5FFFF  }
0xac: {  	[dreg:$0x1] =	wrdreg $0xFFFFFFFF  }
0xad: {  	[dreg:$0x0] =	wrdreg $0x60  }
0xae: {  	[dreg:$0x2] =	wrdreg s24  }
0xaf: {  	[dreg:$0x3] =	wrdreg $0x0  }
0xb0: {  	[dreg:$0x4] =	wrdreg $0x9  }
0xb1: {  	_ =	task.clear_ibuf [dreg:s6], $0x5FFFF;
	_ =	strace $0x9000004C  }
0xb2: {  	s29 =	simm.s32 $0x9;
	_ =	strace $0x8000004E  }
0xb3: {  	_ =	swait.ge [sflag:s29], $0x1  }
0xb4: {  	[sflag:s29] =	ssyncadd.s32 $0xFFFFFFFF  }
0xb5: {  	_ =	strace $0x9000004E  }
0xb6: {  	_ =	sfence  }
0xb7: {  	s30 =	sld [smem:$0x0];
	_ =	sdelay $0x2  }
0xb8: {  	s31 =	sshll.u32 s1, $0xD;
	s1 =	sshrl.u32 s1, $0x2  }
0xb9: {  	s3 =	sand.u32 $0x4000, s31;
	s1 =	sadd.s32 s1, s30  }
0xba: {  	s0 =	sor.u32 s3, s0;
	s1 =	sshll.u32 s1, $0x11  }
0xbb: {  	s0 =	sor.u32 s1, s0  }
0xbc: {  	s0 =	sadd.s32 $0x8F2B, s0  }
0xbd: {  	[sflag:s0] =	ssyncadd.remote.s32 $0x1  }
0xbe: {  	_ =	sfence.sel $0xFFFF  }
0xbf: {  	[dreg:$0x0] =	wrdreg $0xFFFFFFFF;
	(pc) =	sbr.abs _section_cstart, $3  }
0xc0: {  	[dreg:$0x1] =	wrdreg $0xFFFFFFFF  }
0xc1: {  	_ =	task.clear_ibuf [dreg:s6], $0x2FFFF;
	_ =	strace $0x9FFFFFFF  }
0xc2: {  	(tm) =	ssettm $0x7FFFFFFF  }
0xc3: {  	_ =	shalt  }
tec
execute0_lowered:
.L_overlay_start_1:
0x0: {  	(tag) =	ssettag $0x1  }
0x1: {  	s0 =	rddreg [dreg:$0x0]  }
0x2: {  	s1 =	rddreg [dreg:$0x1];
	s2 =	simm.s32 $0x0;
	s7 =	srdreg.scid  }
0x3: {  	s13 =	stileid.u32;
	s28 =	simm.s32 $0x14080;
	s29 =	simm.s32 $0x1A800  }
0x4: {  	s30 =	simm.s32 $0x3;
	s31 =	simm.s32 $0x4;
	[smem:$0x7FF] =	sst s2  }
0x5: {  	s3 =	sadd.s32 $0x7600, s0;
	s4 =	sadd.s32 $0x7FC00, s0;
	s6 =	sadd.s32 $0x89C00, s0  }
0x6: {  	s5 =	sadd.s32 $0x57600, s0;
	s7 =	sand.u32 $0x1, s7;
	s10 =	smul.u32 $0x50000, s13  }
0x7: {  	s8 =	sadd.s32 $0x93C00, s0;
	s0 =	sadd.s32 $0xBBC00, s0;
	s11 =	smul.u32 $0x500, s13  }
0x8: {  	_ =	strace $0x8000004D;
	[dreg:$0x3] =	wrdreg s8;
	s9 =	ssub.s32 $0x2, s7  }
0x9: {  	[dreg:$0x4] =	wrdreg s0;
	s8 =	smul.u32 $0x2800, s13;
	p0 =	seq.s32 s7, $0x0  }
0xa: {  	s7 =	simm.s32 $0x16780;
	s21 =	sshrl.u32 s9, $0x1;
	s22 =	sshrl.u32 s10, $0x2  }
0xb: {  	s14 =	sadd.s32 s4, s11;
	s11 =	sadd.s32 s6, s11;
	s0 =	ssub.s32 s9, s21  }
0xc: {  	s12 =	sadd.s32 s22, s1;
	s9 =	sshll.u32 s13, $0x6;
	[dreg:$0x5] =	wrdreg s14  }
0xd: {  	s23 =	sshrl.u32 s8, $0x3;
	[dreg:$0x6] =	wrdreg s11;
	s21 =	simm.s32 $0x1  }
0xe: {  	s22 =	simm.s32 $0x14000;
	s11 =	simm.s32 $0x7;
	s10 =	sor.u32 $0x1C01, s9  }
0xf: {  	s24 =	sadd.s32 $0x280, s23;
	s26 =	sadd.s32 $0x5000, s23;
	s13 =	sadd.s32 $0x5280, s23  }
0x10: {  	s19 =	smax.u32 s0, $0x1;
	s20 =	sshrl.u32 s12, $0x3;
	s23 =	simm.s32 $0x15400  }
.Ltmp0:
0x11: {  	s0 =	simm.s32 $0x5;
	s25 =	sadd.s32 s4, s24;
	(pc) =	sbr.rel .LBB2_1-.Ltmp0, $4  }
0x12: {  	s14 =	sadd.s32 s6, s24;
	s15 =	sadd.s32 s4, s26;
	s16 =	sadd.s32 s6, s26  }
0x13: {  	s17 =	sadd.s32 s4, s13;
	s18 =	sadd.s32 s6, s13;
	s24 =	simm.s32 $0x2  }
0x14: {  	s26 =	simm.s32 $0x16800;
	s4 =	simm.s32 $0x6;
	[dreg:$0x7] =	wrdreg s25  }
0x15: {  	s6 =	simm.s32 $0x16700;
	[dreg:$0x8] =	wrdreg s14;
	s25 =	simm.s32 $0x80  }
.LBB2_11:
0x16: {  	[tilespmem:s29], [sflag:$0x4] =	stream.indirect.gather [hbm4b:s3+s25], $0x80, s13, s25, $0xb8;
	[tilespmem:$0x1E800] =	vst v63  }
0x17: {  	s12 =	rddreg [dreg:$0x3]  }
.LBB2_12:
0x18: {  	_ =	swait.ge [sflag:s30], $0x4000  }
0x19: {  	[sflag:s30] =	ssyncset.done $0x0  }
0x1a: {  	[sflag:s30] =	ssyncadd.s32 $0xFFFFC000  }
0x1b: {  	[spmem:s1] =	stream.indirect.scatter.add.f32 [tilespmem:s26], [sflag:$0x5], $0x80, s6, s25, $0xb8;
	[tilespmem:$0x1E800] =	vst v63  }
0x1c: {  	_ =	swait.ge [sflag:s31], $0x4000  }
0x1d: {  	[sflag:s31] =	ssyncset.done $0x0  }
0x1e: {  	[sflag:s31] =	ssyncadd.s32 $0xFFFFC000  }
0x1f: {  	[spmem:s1] =	stream.indirect.scatter.add.f32 [tilespmem:s29], [sflag:$0x6], $0x80, s7, s25, $0xb8;
	[tilespmem:$0x1E800] =	vst v63  }
0x20: {  	_ =	swait.ge [sflag:s0], $0x4000  }
0x21: {  	[sflag:s0] =	ssyncset.done $0x0  }
0x22: {  	[sflag:s0] =	ssyncadd.s32 $0xFFFFC000  }
0x23: {  	_ =	swait.ge [sflag:s4], $0x4000  }
0x24: {  	s2 =	sadd.s32 $0x1, s2;
	[sflag:s4] =	ssyncset.done $0x0  }
0x25: {  	s12 =	sadd.s32 s12, s8;
	p1 =	sne.s32 s2, s19;
	[sflag:s4] =	ssyncadd.s32 $0xFFFFC000  }
.Ltmp1:
0x26: {  	s13 =	sor.u32 $0x1C07, s9;
	[bflag:$0x0] =	sbarrier.arrive $0xFFFF;
	(pc) =	sbr.rel @!p1 .LBB2_13-.Ltmp1, $4  }
0x27: {  	[hbm:s12], [sflag:s13] =	dma.local [spmem:s20], $0x2800  }
0x28: {  	_ =	swait.ge [sflag:s11], $0x2800  }
0x29: {  	[sflag:s11] =	ssyncset.done $0x0  }
0x2a: {  	[sflag:s11] =	ssyncadd.s32 $0xFFFFD800  }
.LBB2_1:
0x2b: {  	[spmem:s20], [sflag:s10] =	dma.local [hbm:s5], $0x2800  }
.Ltmp2:
0x2c: {  	_ =	swait.ge [sflag:s21], $0x2800;
	(pc) =	sbr.rel @!p0 .LBB2_2-.Ltmp2, $4  }
0x2d: {  	[sflag:s21] =	ssyncset.done $0x0  }
0x2e: {  	[sflag:s21] =	ssyncadd.s32 $0xFFFFD800  }
0x2f: {  	[bflag:$0x0] =	sbarrier.arrive $0xFFFF  }
0x30: {  	s12 =	simm.s32 $0x0  }
0x31: {  	[tilespmem:s22], [sflag:$0x2] =	stream.linear.gather [hbm4b:s15+s12], $0x1400, $0x38;
	[tilespmem:$0x1E800] =	vst v63  }
0x32: {  	_ = 	snop  }
0x33: {  	[tilespmem:s23], [sflag:$0x2] =	stream.linear.gather [hbm4b:s16+s12], $0x1400, $0x38;
	[tilespmem:$0x1E800] =	vst v63  }
0x34: {  	_ =	swait.ge [sflag:s24], $0x1400  }
0x35: {  	[sflag:s24] =	ssyncset.done $0x0  }
0x36: {  	[sflag:s24] =	ssyncadd.s32 $0xFFFFEC00  }
0x37: {  	_ =	swait.ge [sflag:s24], $0x1400  }
0x38: {  	[sflag:s24] =	ssyncset.done $0x0  }
0x39: {  	[sflag:s24] =	ssyncadd.s32 $0xFFFFEC00  }
0x3a: {  	[tilespmem:s26], [sflag:$0x3] =	stream.indirect.gather [hbm4b:s3+s25], $0x80, s22, s25, $0xb8;
	[tilespmem:$0x1E800] =	vst v63  }
0x3b: {  	_ = 	snop  }
0x3c: {  	[tilespmem:s29], [sflag:$0x4] =	stream.indirect.gather [hbm4b:s3+s25], $0x80, s28, s25, $0xb8;
	[tilespmem:$0x1E800] =	vst v63  }
0x3d: {  	_ =	swait.ge [sflag:s30], $0x4000  }
0x3e: {  	[sflag:s30] =	ssyncset.done $0x0  }
0x3f: {  	s14 =	simm.s32 $0x15400;
	[sflag:s30] =	ssyncadd.s32 $0xFFFFC000  }
0x40: {  	[spmem:s1] =	stream.indirect.scatter.add.f32 [tilespmem:s26], [sflag:$0x5], $0x80, s14, s25, $0xb8;
	[tilespmem:$0x1E800] =	vst v63  }
0x41: {  	_ =	swait.ge [sflag:s31], $0x4000  }
0x42: {  	[sflag:s31] =	ssyncset.done $0x0  }
0x43: {  	s13 =	simm.s32 $0x15480;
	[sflag:s31] =	ssyncadd.s32 $0xFFFFC000  }
0x44: {  	[spmem:s1] =	stream.indirect.scatter.add.f32 [tilespmem:s29], [sflag:$0x6], $0x80, s13, s25, $0xb8;
	[tilespmem:$0x1E800] =	vst v63  }
0x45: {  	_ =	swait.ge [sflag:s0], $0x4000  }
0x46: {  	[sflag:s0] =	ssyncset.done $0x0  }
0x47: {  	s14 =	simm.s32 $0x14100;
	[sflag:s0] =	ssyncadd.s32 $0xFFFFC000  }
0x48: {  	[tilespmem:s26], [sflag:$0x3] =	stream.indirect.gather [hbm4b:s3+s25], $0x80, s14, s25, $0xb8;
	[tilespmem:$0x1E800] =	vst v63  }
0x49: {  	_ =	swait.ge [sflag:s4], $0x4000  }
0x4a: {  	[sflag:s4] =	ssyncset.done $0x0  }
0x4b: {  	s12 =	simm.s32 $0x400;
	s13 =	simm.s32 $0x14180;
	[sflag:s4] =	ssyncadd.s32 $0xFFFFC000  }
.LBB2_8:
0x4c: {  	[tilespmem:s29], [sflag:$0x4] =	stream.indirect.gather [hbm4b:s3+s25], $0x80, s13, s25, $0xb8;
	[tilespmem:$0x1E800] =	vst v63  }
0x4d: {  	s13 =	smov.u32 s12  }
0x4e: {  	p1 =	sne.s32 s12, $0x4800;
	s12 =	sadd.s32 $0x400, s12;
	_ =	swait.ge [sflag:s30], $0x4000  }
0x4f: {  	s13 =	sshra.s32 s13, $0x2;
	[sflag:s30] =	ssyncset.done $0x0  }
0x50: {  	s14 =	sadd.s32 $0x15400, s13;
	[sflag:s30] =	ssyncadd.s32 $0xFFFFC000  }
0x51: {  	[spmem:s1] =	stream.indirect.scatter.add.f32 [tilespmem:s26], [sflag:$0x5], $0x80, s14, s25, $0xb8;
	[tilespmem:$0x1E800] =	vst v63  }
0x52: {  	_ =	swait.ge [sflag:s31], $0x4000  }
0x53: {  	[sflag:s31] =	ssyncset.done $0x0  }
0x54: {  	s14 =	sadd.s32 $0x15480, s13;
	[sflag:s31] =	ssyncadd.s32 $0xFFFFC000  }
0x55: {  	[spmem:s1] =	stream.indirect.scatter.add.f32 [tilespmem:s29], [sflag:$0x6], $0x80, s14, s25, $0xb8;
	[tilespmem:$0x1E800] =	vst v63  }
0x56: {  	_ =	swait.ge [sflag:s0], $0x4000  }
0x57: {  	[sflag:s0] =	ssyncset.done $0x0  }
.Ltmp3:
0x58: {  	s14 =	sadd.s32 $0x14100, s13;
	[sflag:s0] =	ssyncadd.s32 $0xFFFFC000;
	(pc) =	sbr.rel @p1 .LBB2_8-.Ltmp3, $4  }
0x59: {  	[tilespmem:s26], [sflag:$0x3] =	stream.indirect.gather [hbm4b:s3+s25], $0x80, s14, s25, $0xb8;
	[tilespmem:$0x1E800] =	vst v63  }
0x5a: {  	_ =	swait.ge [sflag:s4], $0x4000  }
0x5b: {  	[sflag:s4] =	ssyncset.done $0x0  }
0x5c: {  	s13 =	sadd.s32 $0x14180, s13;
	[sflag:s4] =	ssyncadd.s32 $0xFFFFC000  }
0x5d: {  	[tilespmem:s29], [sflag:$0x4] =	stream.indirect.gather [hbm4b:s3+s25], $0x80, s13, s25, $0xb8;
	[tilespmem:$0x1E800] =	vst v63  }
0x5e: {  	_ =	swait.ge [sflag:s30], $0x4000  }
0x5f: {  	[sflag:s30] =	ssyncset.done $0x0  }
0x60: {  	[sflag:s30] =	ssyncadd.s32 $0xFFFFC000  }
0x61: {  	[spmem:s1] =	stream.indirect.scatter.add.f32 [tilespmem:s26], [sflag:$0x5], $0x80, s6, s25, $0xb8;
	[tilespmem:$0x1E800] =	vst v63  }
0x62: {  	_ =	swait.ge [sflag:s31], $0x4000  }
0x63: {  	[sflag:s31] =	ssyncset.done $0x0  }
0x64: {  	[sflag:s31] =	ssyncadd.s32 $0xFFFFC000  }
0x65: {  	[spmem:s1] =	stream.indirect.scatter.add.f32 [tilespmem:s29], [sflag:$0x6], $0x80, s7, s25, $0xb8;
	[tilespmem:$0x1E800] =	vst v63  }
0x66: {  	_ =	swait.ge [sflag:s0], $0x4000  }
0x67: {  	[sflag:s0] =	ssyncset.done $0x0  }
0x68: {  	[sflag:s0] =	ssyncadd.s32 $0xFFFFC000  }
0x69: {  	_ =	swait.ge [sflag:s4], $0x4000  }
0x6a: {  	[sflag:s4] =	ssyncset.done $0x0  }
0x6b: {  	s12 =	simm.s32 $0x0;
	[sflag:s4] =	ssyncadd.s32 $0xFFFFC000  }
0x6c: {  	[tilespmem:s22], [sflag:$0x2] =	stream.linear.gather [hbm4b:s17+s12], $0x1400, $0x38;
	[tilespmem:$0x1E800] =	vst v63  }
0x6d: {  	_ = 	snop  }
0x6e: {  	[tilespmem:s23], [sflag:$0x2] =	stream.linear.gather [hbm4b:s18+s12], $0x1400, $0x38;
	[tilespmem:$0x1E800] =	vst v63  }
0x6f: {  	_ =	swait.ge [sflag:s24], $0x1400  }
0x70: {  	[sflag:s24] =	ssyncset.done $0x0  }
0x71: {  	[sflag:s24] =	ssyncadd.s32 $0xFFFFEC00  }
0x72: {  	_ =	swait.ge [sflag:s24], $0x1400  }
0x73: {  	[sflag:s24] =	ssyncset.done $0x0  }
0x74: {  	[sflag:s24] =	ssyncadd.s32 $0xFFFFEC00  }
0x75: {  	[tilespmem:s26], [sflag:$0x3] =	stream.indirect.gather [hbm4b:s3+s25], $0x80, s22, s25, $0xb8;
	[tilespmem:$0x1E800] =	vst v63  }
0x76: {  	_ = 	snop  }
0x77: {  	[tilespmem:s29], [sflag:$0x4] =	stream.indirect.gather [hbm4b:s3+s25], $0x80, s28, s25, $0xb8;
	[tilespmem:$0x1E800] =	vst v63  }
0x78: {  	_ =	swait.ge [sflag:s30], $0x4000  }
0x79: {  	[sflag:s30] =	ssyncset.done $0x0  }
0x7a: {  	s14 =	simm.s32 $0x15400;
	[sflag:s30] =	ssyncadd.s32 $0xFFFFC000  }
0x7b: {  	[spmem:s1] =	stream.indirect.scatter.add.f32 [tilespmem:s26], [sflag:$0x5], $0x80, s14, s25, $0xb8;
	[tilespmem:$0x1E800] =	vst v63  }
0x7c: {  	_ =	swait.ge [sflag:s31], $0x4000  }
0x7d: {  	[sflag:s31] =	ssyncset.done $0x0  }
0x7e: {  	s13 =	simm.s32 $0x15480;
	[sflag:s31] =	ssyncadd.s32 $0xFFFFC000  }
0x7f: {  	[spmem:s1] =	stream.indirect.scatter.add.f32 [tilespmem:s29], [sflag:$0x6], $0x80, s13, s25, $0xb8;
	[tilespmem:$0x1E800] =	vst v63  }
0x80: {  	_ =	swait.ge [sflag:s0], $0x4000  }
0x81: {  	[sflag:s0] =	ssyncset.done $0x0  }
0x82: {  	s14 =	simm.s32 $0x14100;
	[sflag:s0] =	ssyncadd.s32 $0xFFFFC000  }
0x83: {  	[tilespmem:s26], [sflag:$0x3] =	stream.indirect.gather [hbm4b:s3+s25], $0x80, s14, s25, $0xb8;
	[tilespmem:$0x1E800] =	vst v63  }
0x84: {  	_ =	swait.ge [sflag:s4], $0x4000  }
0x85: {  	[sflag:s4] =	ssyncset.done $0x0  }
0x86: {  	s12 =	simm.s32 $0x400;
	s13 =	simm.s32 $0x14180;
	[sflag:s4] =	ssyncadd.s32 $0xFFFFC000  }
.LBB2_10:
0x87: {  	[tilespmem:s29], [sflag:$0x4] =	stream.indirect.gather [hbm4b:s3+s25], $0x80, s13, s25, $0xb8;
	[tilespmem:$0x1E800] =	vst v63  }
0x88: {  	s13 =	smov.u32 s12  }
0x89: {  	p1 =	sne.s32 s12, $0x4800;
	s12 =	sadd.s32 $0x400, s12;
	_ =	swait.ge [sflag:s30], $0x4000  }
0x8a: {  	s13 =	sshra.s32 s13, $0x2;
	[sflag:s30] =	ssyncset.done $0x0  }
0x8b: {  	s14 =	sadd.s32 $0x15400, s13;
	[sflag:s30] =	ssyncadd.s32 $0xFFFFC000  }
0x8c: {  	[spmem:s1] =	stream.indirect.scatter.add.f32 [tilespmem:s26], [sflag:$0x5], $0x80, s14, s25, $0xb8;
	[tilespmem:$0x1E800] =	vst v63  }
0x8d: {  	_ =	swait.ge [sflag:s31], $0x4000  }
0x8e: {  	[sflag:s31] =	ssyncset.done $0x0  }
0x8f: {  	s14 =	sadd.s32 $0x15480, s13;
	[sflag:s31] =	ssyncadd.s32 $0xFFFFC000  }
0x90: {  	[spmem:s1] =	stream.indirect.scatter.add.f32 [tilespmem:s29], [sflag:$0x6], $0x80, s14, s25, $0xb8;
	[tilespmem:$0x1E800] =	vst v63  }
0x91: {  	_ =	swait.ge [sflag:s0], $0x4000  }
0x92: {  	[sflag:s0] =	ssyncset.done $0x0  }
.Ltmp4:
0x93: {  	s14 =	sadd.s32 $0x14100, s13;
	[sflag:s0] =	ssyncadd.s32 $0xFFFFC000;
	(pc) =	sbr.rel @p1 .LBB2_10-.Ltmp4, $4  }
0x94: {  	[tilespmem:s26], [sflag:$0x3] =	stream.indirect.gather [hbm4b:s3+s25], $0x80, s14, s25, $0xb8;
	[tilespmem:$0x1E800] =	vst v63  }
0x95: {  	_ =	swait.ge [sflag:s4], $0x4000  }
0x96: {  	[sflag:s4] =	ssyncset.done $0x0  }
0x97: {  	s13 =	sadd.s32 $0x14180, s13;
	[sflag:s4] =	ssyncadd.s32 $0xFFFFC000  }
.Ltmp5:
0x98: {  	_ = 	snop;
	(pc) =	sbr.rel .LBB2_11-.Ltmp5, $1  }
0x99: {  	_ =	sdelay $0x3  }
.LBB2_2:
0x9a: {  	s13 =	rddreg [dreg:$0x5]  }
0x9b: {  	[tilespmem:s22], [sflag:$0x2] =	stream.linear.gather [hbm4b:s13+s12], $0x1400, $0x38;
	[tilespmem:$0x1E800] =	vst v63  }
0x9c: {  	s14 =	rddreg [dreg:$0x6]  }
0x9d: {  	[tilespmem:s23], [sflag:$0x2] =	stream.linear.gather [hbm4b:s14+s12], $0x1400, $0x38;
	[tilespmem:$0x1E800] =	vst v63  }
0x9e: {  	_ =	swait.ge [sflag:s24], $0x1400  }
0x9f: {  	[sflag:s24] =	ssyncset.done $0x0  }
0xa0: {  	[sflag:s24] =	ssyncadd.s32 $0xFFFFEC00  }
0xa1: {  	_ =	swait.ge [sflag:s24], $0x1400  }
0xa2: {  	[sflag:s24] =	ssyncset.done $0x0  }
0xa3: {  	[sflag:s24] =	ssyncadd.s32 $0xFFFFEC00  }
0xa4: {  	[tilespmem:s26], [sflag:$0x3] =	stream.indirect.gather [hbm4b:s3+s25], $0x80, s22, s25, $0xb8;
	[tilespmem:$0x1E800] =	vst v63  }
0xa5: {  	_ = 	snop  }
0xa6: {  	[tilespmem:s29], [sflag:$0x4] =	stream.indirect.gather [hbm4b:s3+s25], $0x80, s28, s25, $0xb8;
	[tilespmem:$0x1E800] =	vst v63  }
0xa7: {  	_ =	swait.ge [sflag:s30], $0x4000  }
0xa8: {  	[sflag:s30] =	ssyncset.done $0x0  }
0xa9: {  	s14 =	simm.s32 $0x15400;
	[sflag:s30] =	ssyncadd.s32 $0xFFFFC000  }
0xaa: {  	[spmem:s1] =	stream.indirect.scatter.add.f32 [tilespmem:s26], [sflag:$0x5], $0x80, s14, s25, $0xb8;
	[tilespmem:$0x1E800] =	vst v63  }
0xab: {  	_ =	swait.ge [sflag:s31], $0x4000  }
0xac: {  	[sflag:s31] =	ssyncset.done $0x0  }
0xad: {  	s13 =	simm.s32 $0x15480;
	[sflag:s31] =	ssyncadd.s32 $0xFFFFC000  }
0xae: {  	[spmem:s1] =	stream.indirect.scatter.add.f32 [tilespmem:s29], [sflag:$0x6], $0x80, s13, s25, $0xb8;
	[tilespmem:$0x1E800] =	vst v63  }
0xaf: {  	_ =	swait.ge [sflag:s0], $0x4000  }
0xb0: {  	[sflag:s0] =	ssyncset.done $0x0  }
0xb1: {  	s14 =	simm.s32 $0x14100;
	[sflag:s0] =	ssyncadd.s32 $0xFFFFC000  }
0xb2: {  	[tilespmem:s26], [sflag:$0x3] =	stream.indirect.gather [hbm4b:s3+s25], $0x80, s14, s25, $0xb8;
	[tilespmem:$0x1E800] =	vst v63  }
0xb3: {  	_ =	swait.ge [sflag:s4], $0x4000  }
0xb4: {  	[sflag:s4] =	ssyncset.done $0x0  }
0xb5: {  	s12 =	simm.s32 $0x400;
	s13 =	simm.s32 $0x14180;
	[sflag:s4] =	ssyncadd.s32 $0xFFFFC000  }
.LBB2_3:
0xb6: {  	[tilespmem:s29], [sflag:$0x4] =	stream.indirect.gather [hbm4b:s3+s25], $0x80, s13, s25, $0xb8;
	[tilespmem:$0x1E800] =	vst v63  }
0xb7: {  	s13 =	smov.u32 s12  }
0xb8: {  	p1 =	sne.s32 s12, $0x4800;
	s12 =	sadd.s32 $0x400, s12;
	_ =	swait.ge [sflag:s30], $0x4000  }
0xb9: {  	s13 =	sshra.s32 s13, $0x2;
	[sflag:s30] =	ssyncset.done $0x0  }
0xba: {  	s14 =	sadd.s32 $0x15400, s13;
	[sflag:s30] =	ssyncadd.s32 $0xFFFFC000  }
0xbb: {  	[spmem:s1] =	stream.indirect.scatter.add.f32 [tilespmem:s26], [sflag:$0x5], $0x80, s14, s25, $0xb8;
	[tilespmem:$0x1E800] =	vst v63  }
0xbc: {  	_ =	swait.ge [sflag:s31], $0x4000  }
0xbd: {  	[sflag:s31] =	ssyncset.done $0x0  }
0xbe: {  	s14 =	sadd.s32 $0x15480, s13;
	[sflag:s31] =	ssyncadd.s32 $0xFFFFC000  }
0xbf: {  	[spmem:s1] =	stream.indirect.scatter.add.f32 [tilespmem:s29], [sflag:$0x6], $0x80, s14, s25, $0xb8;
	[tilespmem:$0x1E800] =	vst v63  }
0xc0: {  	_ =	swait.ge [sflag:s0], $0x4000  }
0xc1: {  	[sflag:s0] =	ssyncset.done $0x0  }
.Ltmp6:
0xc2: {  	s14 =	sadd.s32 $0x14100, s13;
	[sflag:s0] =	ssyncadd.s32 $0xFFFFC000;
	(pc) =	sbr.rel @p1 .LBB2_3-.Ltmp6, $4  }
0xc3: {  	[tilespmem:s26], [sflag:$0x3] =	stream.indirect.gather [hbm4b:s3+s25], $0x80, s14, s25, $0xb8;
	[tilespmem:$0x1E800] =	vst v63  }
0xc4: {  	_ =	swait.ge [sflag:s4], $0x4000  }
0xc5: {  	[sflag:s4] =	ssyncset.done $0x0  }
0xc6: {  	s13 =	sadd.s32 $0x14180, s13;
	[sflag:s4] =	ssyncadd.s32 $0xFFFFC000  }
0xc7: {  	[tilespmem:s29], [sflag:$0x4] =	stream.indirect.gather [hbm4b:s3+s25], $0x80, s13, s25, $0xb8;
	[tilespmem:$0x1E800] =	vst v63  }
0xc8: {  	_ =	swait.ge [sflag:s30], $0x4000  }
0xc9: {  	[sflag:s30] =	ssyncset.done $0x0  }
0xca: {  	[sflag:s30] =	ssyncadd.s32 $0xFFFFC000  }
0xcb: {  	[spmem:s1] =	stream.indirect.scatter.add.f32 [tilespmem:s26], [sflag:$0x5], $0x80, s6, s25, $0xb8;
	[tilespmem:$0x1E800] =	vst v63  }
0xcc: {  	_ =	swait.ge [sflag:s31], $0x4000  }
0xcd: {  	[sflag:s31] =	ssyncset.done $0x0  }
0xce: {  	[sflag:s31] =	ssyncadd.s32 $0xFFFFC000  }
0xcf: {  	[spmem:s1] =	stream.indirect.scatter.add.f32 [tilespmem:s29], [sflag:$0x6], $0x80, s7, s25, $0xb8;
	[tilespmem:$0x1E800] =	vst v63  }
0xd0: {  	_ =	swait.ge [sflag:s0], $0x4000  }
0xd1: {  	[sflag:s0] =	ssyncset.done $0x0  }
0xd2: {  	[sflag:s0] =	ssyncadd.s32 $0xFFFFC000  }
0xd3: {  	_ =	swait.ge [sflag:s4], $0x4000  }
0xd4: {  	[sflag:s4] =	ssyncset.done $0x0  }
0xd5: {  	s12 =	simm.s32 $0x0;
	s14 =	rddreg [dreg:$0x7];
	[sflag:s4] =	ssyncadd.s32 $0xFFFFC000  }
0xd6: {  	[tilespmem:s22], [sflag:$0x2] =	stream.linear.gather [hbm4b:s14+s12], $0x1400, $0x38;
	[tilespmem:$0x1E800] =	vst v63  }
0xd7: {  	s14 =	rddreg [dreg:$0x8]  }
0xd8: {  	[tilespmem:s23], [sflag:$0x2] =	stream.linear.gather [hbm4b:s14+s12], $0x1400, $0x38;
	[tilespmem:$0x1E800] =	vst v63  }
0xd9: {  	_ =	swait.ge [sflag:s24], $0x1400  }
0xda: {  	[sflag:s24] =	ssyncset.done $0x0  }
0xdb: {  	[sflag:s24] =	ssyncadd.s32 $0xFFFFEC00  }
0xdc: {  	_ =	swait.ge [sflag:s24], $0x1400  }
0xdd: {  	[sflag:s24] =	ssyncset.done $0x0  }
0xde: {  	[sflag:s24] =	ssyncadd.s32 $0xFFFFEC00  }
0xdf: {  	[tilespmem:s26], [sflag:$0x3] =	stream.indirect.gather [hbm4b:s3+s25], $0x80, s22, s25, $0xb8;
	[tilespmem:$0x1E800] =	vst v63  }
0xe0: {  	_ = 	snop  }
0xe1: {  	[tilespmem:s29], [sflag:$0x4] =	stream.indirect.gather [hbm4b:s3+s25], $0x80, s28, s25, $0xb8;
	[tilespmem:$0x1E800] =	vst v63  }
0xe2: {  	_ =	swait.ge [sflag:s30], $0x4000  }
0xe3: {  	[sflag:s30] =	ssyncset.done $0x0  }
0xe4: {  	s14 =	simm.s32 $0x15400;
	[sflag:s30] =	ssyncadd.s32 $0xFFFFC000  }
0xe5: {  	[spmem:s1] =	stream.indirect.scatter.add.f32 [tilespmem:s26], [sflag:$0x5], $0x80, s14, s25, $0xb8;
	[tilespmem:$0x1E800] =	vst v63  }
0xe6: {  	_ =	swait.ge [sflag:s31], $0x4000  }
0xe7: {  	[sflag:s31] =	ssyncset.done $0x0  }
0xe8: {  	s13 =	simm.s32 $0x15480;
	[sflag:s31] =	ssyncadd.s32 $0xFFFFC000  }
0xe9: {  	[spmem:s1] =	stream.indirect.scatter.add.f32 [tilespmem:s29], [sflag:$0x6], $0x80, s13, s25, $0xb8;
	[tilespmem:$0x1E800] =	vst v63  }
0xea: {  	_ =	swait.ge [sflag:s0], $0x4000  }
0xeb: {  	[sflag:s0] =	ssyncset.done $0x0  }
0xec: {  	s14 =	simm.s32 $0x14100;
	[sflag:s0] =	ssyncadd.s32 $0xFFFFC000  }
0xed: {  	[tilespmem:s26], [sflag:$0x3] =	stream.indirect.gather [hbm4b:s3+s25], $0x80, s14, s25, $0xb8;
	[tilespmem:$0x1E800] =	vst v63  }
0xee: {  	_ =	swait.ge [sflag:s4], $0x4000  }
0xef: {  	[sflag:s4] =	ssyncset.done $0x0  }
0xf0: {  	s12 =	simm.s32 $0x400;
	s13 =	simm.s32 $0x14180;
	[sflag:s4] =	ssyncadd.s32 $0xFFFFC000  }
.LBB2_5:
0xf1: {  	[tilespmem:s29], [sflag:$0x4] =	stream.indirect.gather [hbm4b:s3+s25], $0x80, s13, s25, $0xb8;
	[tilespmem:$0x1E800] =	vst v63  }
0xf2: {  	s13 =	smov.u32 s12  }
0xf3: {  	p1 =	seq.s32 s12, $0x4800;
	s12 =	sadd.s32 $0x400, s12;
	_ =	swait.ge [sflag:s30], $0x4000  }
0xf4: {  	s13 =	sshra.s32 s13, $0x2;
	[sflag:s30] =	ssyncset.done $0x0  }
0xf5: {  	s14 =	sadd.s32 $0x15400, s13;
	[sflag:s30] =	ssyncadd.s32 $0xFFFFC000  }
0xf6: {  	[spmem:s1] =	stream.indirect.scatter.add.f32 [tilespmem:s26], [sflag:$0x5], $0x80, s14, s25, $0xb8;
	[tilespmem:$0x1E800] =	vst v63  }
0xf7: {  	_ =	swait.ge [sflag:s31], $0x4000  }
0xf8: {  	[sflag:s31] =	ssyncset.done $0x0  }
0xf9: {  	s14 =	sadd.s32 $0x15480, s13;
	[sflag:s31] =	ssyncadd.s32 $0xFFFFC000  }
0xfa: {  	[spmem:s1] =	stream.indirect.scatter.add.f32 [tilespmem:s29], [sflag:$0x6], $0x80, s14, s25, $0xb8;
	[tilespmem:$0x1E800] =	vst v63  }
0xfb: {  	_ =	swait.ge [sflag:s0], $0x4000  }
0xfc: {  	[sflag:s0] =	ssyncset.done $0x0  }
.Ltmp7:
0xfd: {  	s14 =	sadd.s32 $0x14100, s13;
	[sflag:s0] =	ssyncadd.s32 $0xFFFFC000;
	(pc) =	sbr.rel @!p1 .LBB2_5-.Ltmp7, $4  }
0xfe: {  	[tilespmem:s26], [sflag:$0x3] =	stream.indirect.gather [hbm4b:s3+s25], $0x80, s14, s25, $0xb8;
	[tilespmem:$0x1E800] =	vst v63  }
0xff: {  	_ =	swait.ge [sflag:s4], $0x4000  }
0x100: {  	[sflag:s4] =	ssyncset.done $0x0  }
0x101: {  	s13 =	sadd.s32 $0x14180, s13;
	[sflag:s4] =	ssyncadd.s32 $0xFFFFC000  }
.Ltmp8:
0x102: {  	(pc) =	sbr.rel .LBB2_12-.Ltmp8, $3  }
0x103: {  	_ =	sdelay $0x1  }
0x104: {  	[tilespmem:s29], [sflag:$0x4] =	stream.indirect.gather [hbm4b:s3+s25], $0x80, s13, s25, $0xb8;
	[tilespmem:$0x1E800] =	vst v63  }
0x105: {  	s12 =	rddreg [dreg:$0x4]  }
.LBB2_13:
0x106: {  	_ =	sfence.sel $0x180000  }
0x107: {  	[bflag:$0x0] =	sbarrier.arrive $0xFFFF  }
0x108: {  	_ =	strace $0x9000004D  }
0x109: {  	s0 =	stileid.u32;
	[bflag:$0x2] =	sbarrier.arrive $0xFFFF  }
0x10a: {  	p0 =	sne.s32 s0, $0x0;
	s0 =	rddreg [dreg:$0x2]  }
0x10b: {  	s0 =	sadd.s32 @!p0 $0x100000, s0  }
0x10c: {  	[sflag:s0] =	ssyncadd.tile.s32 @!p0 $0x1;
	_ =	shalt  }
.Lfunc_end2:
_tile_overlayer_lowered:
.L_overlay_start_2:
0x10d: {  	(tag) =	ssettag $0x2  }
0x10e: {  	s0 =	rddreg [dreg:$0x0];
	s2 =	stileid.u32  }
0x10f: {  	s1 =	rddreg [dreg:$0x1];
	p0 =	sne.s32 s2, $0x0  }
0x110: {  	s3 =	rddreg [dreg:$0x2];
	[bflag:$0x3] =	sbarrier.arrive $0xFFFF;
	s2 =	simm.s32 @!p0 $0x1C07  }
0x111: {  	[timem:s3], [sflag:s2] =	dma.local @!p0 [hbm:s0], s1  }
0x112: {  	s0 =	simm.s32 @!p0 $0x7  }
0x113: {  	_ =	swait.ge @!p0 [sflag:s0], s1  }
0x114: {  	s1 =	ssub.s32 @!p0 $0x0, s1;
	[sflag:s0] =	ssyncset.done @!p0 $0x0  }
0x115: {  	[sflag:s0] =	ssyncadd.s32 @!p0 s1  }
0x116: {  	[bflag:$0x3] =	sbarrier.arrive $0xFFFF  }
0x117: {  	_ =	shalt  }

// kernel: kernel.19.cloned.1.call-start
scs
__scs_entry_jumppad:
0x0: {  	(pc) =	sbr.rel $0x88, $3  }
0x1: {  	(tag) =	ssettag $0x0;
	lr =	simm.s32 $0x1  }
0x2: {  	[smem:$0x3F8B] =	sst lr;
	_ =	strace $0xD0000000  }
0x3: {  	_ = 	snop  }
0x4: {  	_ = 	snop  }
0x5: {  	_ = 	snop  }
0x6: {  	_ = 	snop  }
0x7: {  	_ = 	snop  }
__scs_overlays_trampoline_lowered:
0x8: {  	[smem:$0x3F9A] =	sst s0  }
0x9: {  	[smem:$0x3F9B] =	sst s1  }
0xa: {  	[smem:$0x3F9C] =	sst s2  }
0xb: {  	[smem:$0x3F9D] =	sst s3  }
0xc: {  	[smem:$0x3F9E] =	sst s4  }
0xd: {  	[smem:$0x3F9F] =	sst s5  }
0xe: {  	[smem:$0x3FA0] =	sst s6  }
0xf: {  	[smem:$0x3FA1] =	sst s7  }
0x10: {  	[smem:$0x3FA2] =	sst s8  }
0x11: {  	[smem:$0x3FA3] =	sst s9;
	s0 =	simm.s32 @!p0 $0x0  }
0x12: {  	s1 =	sld [smem:$0x3F89];
	s0 =	simm.s32 @p0 $0x1  }
0x13: {  	[smem:$0x3FA4] =	sst s0;
	s0 =	simm.s32 @!p1 $0x0  }
0x14: {  	s2 =	sld [smem:$0x3F88];
	s0 =	simm.s32 @p1 $0x1  }
0x15: {  	[smem:$0x3FA5] =	sst s0;
	s0 =	simm.s32 @!p2 $0x0  }
0x16: {  	s3 =	sld [smem:$0x3FDB];
	s0 =	simm.s32 @p2 $0x1  }
0x17: {  	s4 =	simm.s32 $0x1BF5;
	[smem:$0x3FA7] =	sst s0  }
0x18: {  	s0 =	sld [smem:$0x3F8A];
	_ =	swait.ge [sflag:s4], $0x0  }
0x19: {  	s7 =	sld [smem:$0x3F8B]  }
0x1a: {  	s8 =	sadd.s32 $0xFFFFE003, lr  }
0x1b: {  	s9 =	sadd.s32 $0xFFFFFEF7, lr;
	s5 =	simm.s32 $0xFFFFFFFF;
	p2 =	slt.u32 s8, $0xFFFFF086  }
0x1c: {  	p1 =	slt.u32 s9, $0xF7A;
	s5 =	simm.s32 @!p2 $0x0  }
0x1d: {  	s5 =	simm.s32 @p1 $0x1;
	p0 =	seq.s32 s7, s2  }
0x1e: {  	s7 =	smul.u32 @!p0 $0xF7A, s2;
	p2 =	seq.s32 @!p0 s5, $0x0  }
0x1f: {  	s9 =	smul.u32 $0xF7A, s1;
	s8 =	simm.s32 @!p0 $0x1BF5;
	p2 =	por !p2, p0  }
0x20: {  	[sflag:s8] =	ssyncset.s32 @!p0 $0xFFFFF086;
	s6 =	sadd.s32 @!p0 s3, s7;
	s7 =	simm.s32 @!p0 $0x108  }
0x21: {  	s3 =	sadd.s32 s3, s9;
	s6 =	sadd.s32 @!p0 $0x88, s6;
	s7 =	simm.s32 @p2 $0x1082  }
0x22: {  	[simem:s7], [sflag:s8] =	dma.local @!p0 [hbm:s6], $0xF7A  }
0x23: {  	s9 =	sor.u32 $0xD0000000, s2;
	s6 =	simm.s32 $0x108;
	_ =	swait.ge @!p0 [sflag:s8], $0x0  }
0x24: {  	s3 =	sadd.s32 $0x88, s3;
	s6 =	simm.s32 @!p1 $0x1082;
	[sflag:s4] =	ssyncset.s32 $0xFFFFF086  }
0x25: {  	[simem:s6], [sflag:s4] =	dma.local [hbm:s3], $0xF7A  }
0x26: {  	[smem:$0x3F8B] =	sst s1;
	(tag) =	ssettag s2;
	_ =	strace s9  }
0x27: {  	s1 =	sld [smem:$0x3F9B]  }
0x28: {  	s2 =	sld [smem:$0x3F9C]  }
0x29: {  	s4 =	sld [smem:$0x3F9E]  }
0x2a: {  	p0 =	seq.s32 s5, $0x0;
	s5 =	sld [smem:$0x3F9F]  }
0x2b: {  	s6 =	sld [smem:$0x3FA0]  }
0x2c: {  	s7 =	sld [smem:$0x3FA1]  }
0x2d: {  	s3 =	simm.s32 $0x108;
	s8 =	sld [smem:$0x3FA2]  }
0x2e: {  	s3 =	simm.s32 @!p0 $0x1082;
	s9 =	sld [smem:$0x3FA3]  }
0x2f: {  	lr =	sadd.s32 s0, s3;
	s0 =	sld [smem:$0x3F9A]  }
0x30: {  	s3 =	sld [smem:$0x3F9D]  }
0x31: {  	[smem:$0x3FA6] =	sst s10  }
0x32: {  	s10 =	sld [smem:$0x3FA4];
	_ =	sdelay $0x3  }
0x33: {  	p0 =	seq.s32 s10, $0x1;
	s10 =	sld [smem:$0x3FA6];
	_ =	sdelay $0x3  }
0x34: {  	[smem:$0x3FA6] =	sst s10  }
0x35: {  	s10 =	sld [smem:$0x3FA5];
	_ =	sdelay $0x3  }
0x36: {  	p1 =	seq.s32 s10, $0x1;
	s10 =	sld [smem:$0x3FA6];
	_ =	sdelay $0x3  }
0x37: {  	[smem:$0x3FA6] =	sst s10  }
0x38: {  	s10 =	sld [smem:$0x3FA7]  }
0x39: {  	_ = 	snop;
	(pc) =	sbr.ind lr, $3  }
0x3a: {  	_ = 	snop  }
0x3b: {  	_ = 	snop  }
0x3c: {  	p2 =	seq.s32 s10, $0x1;
	s10 =	sld [smem:$0x3FA6]  }
0x3d: {  	_ =	shalt  }
0x3e: {  	_ =	shalt  }
0x3f: {  	_ =	shalt  }
0x40: {  	_ =	shalt  }
0x41: {  	_ =	shalt  }
0x42: {  	_ =	shalt  }
0x43: {  	_ =	shalt  }
0x44: {  	_ =	shalt  }
0x45: {  	_ =	shalt  }
0x46: {  	_ =	shalt  }
0x47: {  	_ =	shalt  }
0x48: {  	_ =	shalt  }
0x49: {  	_ =	shalt  }
0x4a: {  	_ =	shalt  }
0x4b: {  	_ =	shalt  }
0x4c: {  	_ =	shalt  }
0x4d: {  	_ =	shalt  }
0x4e: {  	_ =	shalt  }
0x4f: {  	_ =	shalt  }
0x50: {  	_ =	shalt  }
0x51: {  	_ =	shalt  }
0x52: {  	_ =	shalt  }
0x53: {  	_ =	shalt  }
0x54: {  	_ =	shalt  }
0x55: {  	_ =	shalt  }
0x56: {  	_ =	shalt  }
0x57: {  	_ =	shalt  }
0x58: {  	_ =	shalt  }
0x59: {  	_ =	shalt  }
0x5a: {  	_ =	shalt  }
0x5b: {  	_ =	shalt  }
0x5c: {  	_ =	shalt  }
0x5d: {  	_ =	shalt  }
0x5e: {  	_ =	shalt  }
0x5f: {  	_ =	shalt  }
0x60: {  	_ =	shalt  }
0x61: {  	_ =	shalt  }
0x62: {  	_ =	shalt  }
0x63: {  	_ =	shalt  }
0x64: {  	_ =	shalt  }
0x65: {  	_ =	shalt  }
0x66: {  	_ =	shalt  }
0x67: {  	_ =	shalt  }
0x68: {  	_ =	shalt  }
0x69: {  	_ =	shalt  }
0x6a: {  	_ =	shalt  }
0x6b: {  	_ =	shalt  }
0x6c: {  	_ =	shalt  }
0x6d: {  	_ =	shalt  }
0x6e: {  	_ =	shalt  }
0x6f: {  	_ =	shalt  }
0x70: {  	_ =	shalt  }
0x71: {  	_ =	shalt  }
0x72: {  	_ =	shalt  }
0x73: {  	_ =	shalt  }
0x74: {  	_ =	shalt  }
0x75: {  	_ =	shalt  }
0x76: {  	_ =	shalt  }
0x77: {  	_ =	shalt  }
0x78: {  	_ =	shalt  }
0x79: {  	_ =	shalt  }
0x7a: {  	_ =	shalt  }
0x7b: {  	_ =	shalt  }
0x7c: {  	_ =	shalt  }
0x7d: {  	_ =	shalt  }
0x7e: {  	_ =	shalt  }
0x7f: {  	_ =	shalt  }
0x80: {  	_ =	shalt  }
0x81: {  	_ =	shalt  }
0x82: {  	_ =	shalt  }
0x83: {  	_ =	shalt  }
0x84: {  	_ =	shalt  }
0x85: {  	_ =	shalt  }
0x86: {  	_ =	shalt  }
0x87: {  	_ =	shalt  }
.Lfunc_end0:
.L_simem_size_0:
called_computation.3_lowered:
.L_overlay_start_0:
0x88: {  	s2 =	sld [smem:$0x3FD9]  }
0x89: {  	s3 =	sld [smem:$0x3FFE];
	_ =	sdelay $0x1  }
0x8a: {  	s1 =	srdreg.scid  }
0x8b: {  	s0 =	sand.u32 $0x1, s1  }
0x8c: {  	s16 =	sshll.u32 s0, $0xA;
	s2 =	sadd.s32 s3, s2  }
0x8d: {  	s2 =	sadd.s32 s2, s16  }
0x8e: {  	[smem:$0x3FB2] =	sst s2  }
0x8f: {  	_ = 	snop  }
0x90: {  	(tm) =	ssettm $0x1  }
0x91: {  	s17 =	sld [smem:$0x3FFB];
	_ =	sdelay $0x3  }
0x92: {  	_ =	strace s17  }
0x93: {  	s2 =	sld [smem:$0x3FFC];
	_ =	sdelay $0x3  }
0x94: {  	_ =	strace s2  }
0x95: {  	s2 =	sld [smem:$0x3FFD];
	_ =	sdelay $0x3  }
0x96: {  	_ =	strace s2  }
0x97: {  	_ =	strace $0x8FFFFFFF  }
0x98: {  	s18 =	sld [smem:$0x3FDB];
	_ =	sdelay $0x1  }
0x99: {  	s19 =	simm.s32 $_scs_section_size  }
0x9a: {  	s4 =	simm.s32 $_size__tile_overlayer_lowered;
	s5 =	simm.s32 $_tile_overlayer_lowered  }
0x9b: {  	s22 =	simm.s32 $0x1BFF;
	s21 =	sshll.u32 s5, $0x1;
	s2 =	sadd.s32 s19, s18  }
0x9c: {  	s6 =	simm.s32 $0x0;
	s20 =	sshll.u32 s4, $0x1;
	s4 =	sadd.s32 s21, s2  }
0x9d: {  	[timem:s6], [sflag:s22] =	dma.local [hbm:s4], s20  }
0x9e: {  	_ =	swait.ge [sflag:s22], s20  }
0x9f: {  	s3 =	ssub.s32 $0x0, s20;
	[sflag:s22] =	ssyncset.done $0x0  }
0xa0: {  	[sflag:s22] =	ssyncadd.s32 s3;
	_ =	sdelay $0x1  }
0xa1: {  	s23 =	simm.s32 $0x1B8B  }
0xa2: {  	_ =	swait.ge [sflag:s23], $0x1  }
0xa3: {  	[sflag:s23] =	ssyncset.done $0x0  }
0xa4: {  	s25 =	simm.s32 $0x1B8E;
	s24 =	sld [smem:$0x3FFE];
	[sflag:s23] =	ssyncadd.s32 $0xFFFFFFFF  }
0xa5: {  	s26 =	simm.s32 $execute0_lowered;
	[smem:$0x3FD2] =	sst s25  }
0xa6: {  	s4 =	sshll.u32 s26, $0x1;
	_ =	strace $0x8000004F;
	[dreg:$0x1] =	wrdreg $0xFFFFFFFF  }
0xa7: {  	s28 =	simm.s32 $_size_execute0_lowered;
	s2 =	sadd.s32 s2, s4;
	[dreg:$0x0] =	wrdreg $0x0  }
0xa8: {  	s4 =	sshll.u32 s28, $0x1;
	[dreg:$0x2] =	wrdreg s2  }
0xa9: {  	[dreg:$0x3] =	wrdreg s4  }
0xaa: {  	[dreg:$0x4] =	wrdreg $0xC0  }
0xab: {  	_ =	task [dreg:s6], $0x5FFFF  }
0xac: {  	[dreg:$0x1] =	wrdreg $0xFFFFFFFF  }
0xad: {  	[dreg:$0x0] =	wrdreg $0x60  }
0xae: {  	[dreg:$0x2] =	wrdreg s24  }
0xaf: {  	[dreg:$0x3] =	wrdreg $0x0  }
0xb0: {  	[dreg:$0x4] =	wrdreg $0x9  }
0xb1: {  	_ =	task.clear_ibuf [dreg:s6], $0x5FFFF;
	_ =	strace $0x9000004F  }
0xb2: {  	s29 =	simm.s32 $0x9;
	_ =	strace $0x80000051  }
0xb3: {  	_ =	swait.ge [sflag:s29], $0x1  }
0xb4: {  	[sflag:s29] =	ssyncadd.s32 $0xFFFFFFFF  }
0xb5: {  	_ =	strace $0x90000051  }
0xb6: {  	_ =	sfence  }
0xb7: {  	s30 =	sld [smem:$0x0];
	_ =	sdelay $0x2  }
0xb8: {  	s31 =	sshll.u32 s1, $0xD;
	s1 =	sshrl.u32 s1, $0x2  }
0xb9: {  	s3 =	sand.u32 $0x4000, s31;
	s1 =	sadd.s32 s1, s30  }
0xba: {  	s0 =	sor.u32 s3, s0;
	s1 =	sshll.u32 s1, $0x11  }
0xbb: {  	s0 =	sor.u32 s1, s0  }
0xbc: {  	s0 =	sadd.s32 $0x8F2B, s0  }
0xbd: {  	[sflag:s0] =	ssyncadd.remote.s32 $0x1  }
0xbe: {  	_ =	sfence.sel $0xFFFF  }
0xbf: {  	[dreg:$0x0] =	wrdreg $0xFFFFFFFF;
	(pc) =	sbr.abs _section_cstart, $3  }
0xc0: {  	[dreg:$0x1] =	wrdreg $0xFFFFFFFF  }
0xc1: {  	_ =	task.clear_ibuf [dreg:s6], $0x2FFFF;
	_ =	strace $0x9FFFFFFF  }
0xc2: {  	(tm) =	ssettm $0x7FFFFFFF  }
0xc3: {  	_ =	shalt  }
tec
execute0_lowered:
.L_overlay_start_1:
0x0: {  	(tag) =	ssettag $0x1  }
0x1: {  	s0 =	rddreg [dreg:$0x0]  }
0x2: {  	s1 =	rddreg [dreg:$0x1];
	s2 =	simm.s32 $0x0;
	s7 =	srdreg.scid  }
0x3: {  	s13 =	stileid.u32;
	s28 =	simm.s32 $0x14080;
	s29 =	simm.s32 $0x1A800  }
0x4: {  	s30 =	simm.s32 $0x3;
	s31 =	simm.s32 $0x4;
	[smem:$0x7FF] =	sst s2  }
0x5: {  	s3 =	sadd.s32 $0x7600, s0;
	s4 =	sadd.s32 $0x7FC00, s0;
	s6 =	sadd.s32 $0x89C00, s0  }
0x6: {  	s5 =	sadd.s32 $0x57600, s0;
	s7 =	sand.u32 $0x1, s7;
	s10 =	smul.u32 $0x50000, s13  }
0x7: {  	s8 =	sadd.s32 $0x2F600, s0;
	s0 =	sadd.s32 $0x93C00, s0;
	s11 =	smul.u32 $0x500, s13  }
0x8: {  	_ =	strace $0x80000050;
	[dreg:$0x3] =	wrdreg s8;
	s9 =	ssub.s32 $0x2, s7  }
0x9: {  	[dreg:$0x4] =	wrdreg s0;
	s8 =	smul.u32 $0x2800, s13;
	p0 =	seq.s32 s7, $0x0  }
0xa: {  	s7 =	simm.s32 $0x16780;
	s21 =	sshrl.u32 s9, $0x1;
	s22 =	sshrl.u32 s10, $0x2  }
0xb: {  	s14 =	sadd.s32 s4, s11;
	s11 =	sadd.s32 s6, s11;
	s0 =	ssub.s32 s9, s21  }
0xc: {  	s12 =	sadd.s32 s22, s1;
	s9 =	sshll.u32 s13, $0x6;
	[dreg:$0x5] =	wrdreg s14  }
0xd: {  	s23 =	sshrl.u32 s8, $0x3;
	[dreg:$0x6] =	wrdreg s11;
	s21 =	simm.s32 $0x1  }
0xe: {  	s22 =	simm.s32 $0x14000;
	s11 =	simm.s32 $0x7;
	s10 =	sor.u32 $0x1C01, s9  }
0xf: {  	s24 =	sadd.s32 $0x280, s23;
	s26 =	sadd.s32 $0x5000, s23;
	s13 =	sadd.s32 $0x5280, s23  }
0x10: {  	s19 =	smax.u32 s0, $0x1;
	s20 =	sshrl.u32 s12, $0x3;
	s23 =	simm.s32 $0x15400  }
.Ltmp0:
0x11: {  	s0 =	simm.s32 $0x5;
	s25 =	sadd.s32 s4, s24;
	(pc) =	sbr.rel .LBB2_1-.Ltmp0, $4  }
0x12: {  	s14 =	sadd.s32 s6, s24;
	s15 =	sadd.s32 s4, s26;
	s16 =	sadd.s32 s6, s26  }
0x13: {  	s17 =	sadd.s32 s4, s13;
	s18 =	sadd.s32 s6, s13;
	s24 =	simm.s32 $0x2  }
0x14: {  	s26 =	simm.s32 $0x16800;
	s4 =	simm.s32 $0x6;
	[dreg:$0x7] =	wrdreg s25  }
0x15: {  	s6 =	simm.s32 $0x16700;
	[dreg:$0x8] =	wrdreg s14;
	s25 =	simm.s32 $0x80  }
.LBB2_11:
0x16: {  	[tilespmem:s29], [sflag:$0x4] =	stream.indirect.gather [hbm4b:s3+s25], $0x80, s13, s25, $0xb8;
	[tilespmem:$0x1E800] =	vst v63  }
0x17: {  	s12 =	rddreg [dreg:$0x3]  }
.LBB2_12:
0x18: {  	_ =	swait.ge [sflag:s30], $0x4000  }
0x19: {  	[sflag:s30] =	ssyncset.done $0x0  }
0x1a: {  	[sflag:s30] =	ssyncadd.s32 $0xFFFFC000  }
0x1b: {  	[spmem:s1] =	stream.indirect.scatter.add.f32 [tilespmem:s26], [sflag:$0x5], $0x80, s6, s25, $0xb8;
	[tilespmem:$0x1E800] =	vst v63  }
0x1c: {  	_ =	swait.ge [sflag:s31], $0x4000  }
0x1d: {  	[sflag:s31] =	ssyncset.done $0x0  }
0x1e: {  	[sflag:s31] =	ssyncadd.s32 $0xFFFFC000  }
0x1f: {  	[spmem:s1] =	stream.indirect.scatter.add.f32 [tilespmem:s29], [sflag:$0x6], $0x80, s7, s25, $0xb8;
	[tilespmem:$0x1E800] =	vst v63  }
0x20: {  	_ =	swait.ge [sflag:s0], $0x4000  }
0x21: {  	[sflag:s0] =	ssyncset.done $0x0  }
0x22: {  	[sflag:s0] =	ssyncadd.s32 $0xFFFFC000  }
0x23: {  	_ =	swait.ge [sflag:s4], $0x4000  }
0x24: {  	s2 =	sadd.s32 $0x1, s2;
	[sflag:s4] =	ssyncset.done $0x0  }
0x25: {  	s12 =	sadd.s32 s12, s8;
	p1 =	sne.s32 s2, s19;
	[sflag:s4] =	ssyncadd.s32 $0xFFFFC000  }
.Ltmp1:
0x26: {  	s13 =	sor.u32 $0x1C07, s9;
	[bflag:$0x0] =	sbarrier.arrive $0xFFFF;
	(pc) =	sbr.rel @!p1 .LBB2_13-.Ltmp1, $4  }
0x27: {  	[hbm:s12], [sflag:s13] =	dma.local [spmem:s20], $0x2800  }
0x28: {  	_ =	swait.ge [sflag:s11], $0x2800  }
0x29: {  	[sflag:s11] =	ssyncset.done $0x0  }
0x2a: {  	[sflag:s11] =	ssyncadd.s32 $0xFFFFD800  }
.LBB2_1:
0x2b: {  	[spmem:s20], [sflag:s10] =	dma.local [hbm:s5], $0x2800  }
.Ltmp2:
0x2c: {  	_ =	swait.ge [sflag:s21], $0x2800;
	(pc) =	sbr.rel @!p0 .LBB2_2-.Ltmp2, $4  }
0x2d: {  	[sflag:s21] =	ssyncset.done $0x0  }
0x2e: {  	[sflag:s21] =	ssyncadd.s32 $0xFFFFD800  }
0x2f: {  	[bflag:$0x0] =	sbarrier.arrive $0xFFFF  }
0x30: {  	s12 =	simm.s32 $0x0  }
0x31: {  	[tilespmem:s22], [sflag:$0x2] =	stream.linear.gather [hbm4b:s15+s12], $0x1400, $0x38;
	[tilespmem:$0x1E800] =	vst v63  }
0x32: {  	_ = 	snop  }
0x33: {  	[tilespmem:s23], [sflag:$0x2] =	stream.linear.gather [hbm4b:s16+s12], $0x1400, $0x38;
	[tilespmem:$0x1E800] =	vst v63  }
0x34: {  	_ =	swait.ge [sflag:s24], $0x1400  }
0x35: {  	[sflag:s24] =	ssyncset.done $0x0  }
0x36: {  	[sflag:s24] =	ssyncadd.s32 $0xFFFFEC00  }
0x37: {  	_ =	swait.ge [sflag:s24], $0x1400  }
0x38: {  	[sflag:s24] =	ssyncset.done $0x0  }
0x39: {  	[sflag:s24] =	ssyncadd.s32 $0xFFFFEC00  }
0x3a: {  	[tilespmem:s26], [sflag:$0x3] =	stream.indirect.gather [hbm4b:s3+s25], $0x80, s22, s25, $0xb8;
	[tilespmem:$0x1E800] =	vst v63  }
0x3b: {  	_ = 	snop  }
0x3c: {  	[tilespmem:s29], [sflag:$0x4] =	stream.indirect.gather [hbm4b:s3+s25], $0x80, s28, s25, $0xb8;
	[tilespmem:$0x1E800] =	vst v63  }
0x3d: {  	_ =	swait.ge [sflag:s30], $0x4000  }
0x3e: {  	[sflag:s30] =	ssyncset.done $0x0  }
0x3f: {  	s14 =	simm.s32 $0x15400;
	[sflag:s30] =	ssyncadd.s32 $0xFFFFC000  }
0x40: {  	[spmem:s1] =	stream.indirect.scatter.add.f32 [tilespmem:s26], [sflag:$0x5], $0x80, s14, s25, $0xb8;
	[tilespmem:$0x1E800] =	vst v63  }
0x41: {  	_ =	swait.ge [sflag:s31], $0x4000  }
0x42: {  	[sflag:s31] =	ssyncset.done $0x0  }
0x43: {  	s13 =	simm.s32 $0x15480;
	[sflag:s31] =	ssyncadd.s32 $0xFFFFC000  }
0x44: {  	[spmem:s1] =	stream.indirect.scatter.add.f32 [tilespmem:s29], [sflag:$0x6], $0x80, s13, s25, $0xb8;
	[tilespmem:$0x1E800] =	vst v63  }
0x45: {  	_ =	swait.ge [sflag:s0], $0x4000  }
0x46: {  	[sflag:s0] =	ssyncset.done $0x0  }
0x47: {  	s14 =	simm.s32 $0x14100;
	[sflag:s0] =	ssyncadd.s32 $0xFFFFC000  }
0x48: {  	[tilespmem:s26], [sflag:$0x3] =	stream.indirect.gather [hbm4b:s3+s25], $0x80, s14, s25, $0xb8;
	[tilespmem:$0x1E800] =	vst v63  }
0x49: {  	_ =	swait.ge [sflag:s4], $0x4000  }
0x4a: {  	[sflag:s4] =	ssyncset.done $0x0  }
0x4b: {  	s12 =	simm.s32 $0x400;
	s13 =	simm.s32 $0x14180;
	[sflag:s4] =	ssyncadd.s32 $0xFFFFC000  }
.LBB2_8:
0x4c: {  	[tilespmem:s29], [sflag:$0x4] =	stream.indirect.gather [hbm4b:s3+s25], $0x80, s13, s25, $0xb8;
	[tilespmem:$0x1E800] =	vst v63  }
0x4d: {  	s13 =	smov.u32 s12  }
0x4e: {  	p1 =	sne.s32 s12, $0x4800;
	s12 =	sadd.s32 $0x400, s12;
	_ =	swait.ge [sflag:s30], $0x4000  }
0x4f: {  	s13 =	sshra.s32 s13, $0x2;
	[sflag:s30] =	ssyncset.done $0x0  }
0x50: {  	s14 =	sadd.s32 $0x15400, s13;
	[sflag:s30] =	ssyncadd.s32 $0xFFFFC000  }
0x51: {  	[spmem:s1] =	stream.indirect.scatter.add.f32 [tilespmem:s26], [sflag:$0x5], $0x80, s14, s25, $0xb8;
	[tilespmem:$0x1E800] =	vst v63  }
0x52: {  	_ =	swait.ge [sflag:s31], $0x4000  }
0x53: {  	[sflag:s31] =	ssyncset.done $0x0  }
0x54: {  	s14 =	sadd.s32 $0x15480, s13;
	[sflag:s31] =	ssyncadd.s32 $0xFFFFC000  }
0x55: {  	[spmem:s1] =	stream.indirect.scatter.add.f32 [tilespmem:s29], [sflag:$0x6], $0x80, s14, s25, $0xb8;
	[tilespmem:$0x1E800] =	vst v63  }
0x56: {  	_ =	swait.ge [sflag:s0], $0x4000  }
0x57: {  	[sflag:s0] =	ssyncset.done $0x0  }
.Ltmp3:
0x58: {  	s14 =	sadd.s32 $0x14100, s13;
	[sflag:s0] =	ssyncadd.s32 $0xFFFFC000;
	(pc) =	sbr.rel @p1 .LBB2_8-.Ltmp3, $4  }
0x59: {  	[tilespmem:s26], [sflag:$0x3] =	stream.indirect.gather [hbm4b:s3+s25], $0x80, s14, s25, $0xb8;
	[tilespmem:$0x1E800] =	vst v63  }
0x5a: {  	_ =	swait.ge [sflag:s4], $0x4000  }
0x5b: {  	[sflag:s4] =	ssyncset.done $0x0  }
0x5c: {  	s13 =	sadd.s32 $0x14180, s13;
	[sflag:s4] =	ssyncadd.s32 $0xFFFFC000  }
0x5d: {  	[tilespmem:s29], [sflag:$0x4] =	stream.indirect.gather [hbm4b:s3+s25], $0x80, s13, s25, $0xb8;
	[tilespmem:$0x1E800] =	vst v63  }
0x5e: {  	_ =	swait.ge [sflag:s30], $0x4000  }
0x5f: {  	[sflag:s30] =	ssyncset.done $0x0  }
0x60: {  	[sflag:s30] =	ssyncadd.s32 $0xFFFFC000  }
0x61: {  	[spmem:s1] =	stream.indirect.scatter.add.f32 [tilespmem:s26], [sflag:$0x5], $0x80, s6, s25, $0xb8;
	[tilespmem:$0x1E800] =	vst v63  }
0x62: {  	_ =	swait.ge [sflag:s31], $0x4000  }
0x63: {  	[sflag:s31] =	ssyncset.done $0x0  }
0x64: {  	[sflag:s31] =	ssyncadd.s32 $0xFFFFC000  }
0x65: {  	[spmem:s1] =	stream.indirect.scatter.add.f32 [tilespmem:s29], [sflag:$0x6], $0x80, s7, s25, $0xb8;
	[tilespmem:$0x1E800] =	vst v63  }
0x66: {  	_ =	swait.ge [sflag:s0], $0x4000  }
0x67: {  	[sflag:s0] =	ssyncset.done $0x0  }
0x68: {  	[sflag:s0] =	ssyncadd.s32 $0xFFFFC000  }
0x69: {  	_ =	swait.ge [sflag:s4], $0x4000  }
0x6a: {  	[sflag:s4] =	ssyncset.done $0x0  }
0x6b: {  	s12 =	simm.s32 $0x0;
	[sflag:s4] =	ssyncadd.s32 $0xFFFFC000  }
0x6c: {  	[tilespmem:s22], [sflag:$0x2] =	stream.linear.gather [hbm4b:s17+s12], $0x1400, $0x38;
	[tilespmem:$0x1E800] =	vst v63  }
0x6d: {  	_ = 	snop  }
0x6e: {  	[tilespmem:s23], [sflag:$0x2] =	stream.linear.gather [hbm4b:s18+s12], $0x1400, $0x38;
	[tilespmem:$0x1E800] =	vst v63  }
0x6f: {  	_ =	swait.ge [sflag:s24], $0x1400  }
0x70: {  	[sflag:s24] =	ssyncset.done $0x0  }
0x71: {  	[sflag:s24] =	ssyncadd.s32 $0xFFFFEC00  }
0x72: {  	_ =	swait.ge [sflag:s24], $0x1400  }
0x73: {  	[sflag:s24] =	ssyncset.done $0x0  }
0x74: {  	[sflag:s24] =	ssyncadd.s32 $0xFFFFEC00  }
0x75: {  	[tilespmem:s26], [sflag:$0x3] =	stream.indirect.gather [hbm4b:s3+s25], $0x80, s22, s25, $0xb8;
	[tilespmem:$0x1E800] =	vst v63  }
0x76: {  	_ = 	snop  }
0x77: {  	[tilespmem:s29], [sflag:$0x4] =	stream.indirect.gather [hbm4b:s3+s25], $0x80, s28, s25, $0xb8;
	[tilespmem:$0x1E800] =	vst v63  }
0x78: {  	_ =	swait.ge [sflag:s30], $0x4000  }
0x79: {  	[sflag:s30] =	ssyncset.done $0x0  }
0x7a: {  	s14 =	simm.s32 $0x15400;
	[sflag:s30] =	ssyncadd.s32 $0xFFFFC000  }
0x7b: {  	[spmem:s1] =	stream.indirect.scatter.add.f32 [tilespmem:s26], [sflag:$0x5], $0x80, s14, s25, $0xb8;
	[tilespmem:$0x1E800] =	vst v63  }
0x7c: {  	_ =	swait.ge [sflag:s31], $0x4000  }
0x7d: {  	[sflag:s31] =	ssyncset.done $0x0  }
0x7e: {  	s13 =	simm.s32 $0x15480;
	[sflag:s31] =	ssyncadd.s32 $0xFFFFC000  }
0x7f: {  	[spmem:s1] =	stream.indirect.scatter.add.f32 [tilespmem:s29], [sflag:$0x6], $0x80, s13, s25, $0xb8;
	[tilespmem:$0x1E800] =	vst v63  }
0x80: {  	_ =	swait.ge [sflag:s0], $0x4000  }
0x81: {  	[sflag:s0] =	ssyncset.done $0x0  }
0x82: {  	s14 =	simm.s32 $0x14100;
	[sflag:s0] =	ssyncadd.s32 $0xFFFFC000  }
0x83: {  	[tilespmem:s26], [sflag:$0x3] =	stream.indirect.gather [hbm4b:s3+s25], $0x80, s14, s25, $0xb8;
	[tilespmem:$0x1E800] =	vst v63  }
0x84: {  	_ =	swait.ge [sflag:s4], $0x4000  }
0x85: {  	[sflag:s4] =	ssyncset.done $0x0  }
0x86: {  	s12 =	simm.s32 $0x400;
	s13 =	simm.s32 $0x14180;
	[sflag:s4] =	ssyncadd.s32 $0xFFFFC000  }
.LBB2_10:
0x87: {  	[tilespmem:s29], [sflag:$0x4] =	stream.indirect.gather [hbm4b:s3+s25], $0x80, s13, s25, $0xb8;
	[tilespmem:$0x1E800] =	vst v63  }
0x88: {  	s13 =	smov.u32 s12  }
0x89: {  	p1 =	sne.s32 s12, $0x4800;
	s12 =	sadd.s32 $0x400, s12;
	_ =	swait.ge [sflag:s30], $0x4000  }
0x8a: {  	s13 =	sshra.s32 s13, $0x2;
	[sflag:s30] =	ssyncset.done $0x0  }
0x8b: {  	s14 =	sadd.s32 $0x15400, s13;
	[sflag:s30] =	ssyncadd.s32 $0xFFFFC000  }
0x8c: {  	[spmem:s1] =	stream.indirect.scatter.add.f32 [tilespmem:s26], [sflag:$0x5], $0x80, s14, s25, $0xb8;
	[tilespmem:$0x1E800] =	vst v63  }
0x8d: {  	_ =	swait.ge [sflag:s31], $0x4000  }
0x8e: {  	[sflag:s31] =	ssyncset.done $0x0  }
0x8f: {  	s14 =	sadd.s32 $0x15480, s13;
	[sflag:s31] =	ssyncadd.s32 $0xFFFFC000  }
0x90: {  	[spmem:s1] =	stream.indirect.scatter.add.f32 [tilespmem:s29], [sflag:$0x6], $0x80, s14, s25, $0xb8;
	[tilespmem:$0x1E800] =	vst v63  }
0x91: {  	_ =	swait.ge [sflag:s0], $0x4000  }
0x92: {  	[sflag:s0] =	ssyncset.done $0x0  }
.Ltmp4:
0x93: {  	s14 =	sadd.s32 $0x14100, s13;
	[sflag:s0] =	ssyncadd.s32 $0xFFFFC000;
	(pc) =	sbr.rel @p1 .LBB2_10-.Ltmp4, $4  }
0x94: {  	[tilespmem:s26], [sflag:$0x3] =	stream.indirect.gather [hbm4b:s3+s25], $0x80, s14, s25, $0xb8;
	[tilespmem:$0x1E800] =	vst v63  }
0x95: {  	_ =	swait.ge [sflag:s4], $0x4000  }
0x96: {  	[sflag:s4] =	ssyncset.done $0x0  }
0x97: {  	s13 =	sadd.s32 $0x14180, s13;
	[sflag:s4] =	ssyncadd.s32 $0xFFFFC000  }
.Ltmp5:
0x98: {  	_ = 	snop;
	(pc) =	sbr.rel .LBB2_11-.Ltmp5, $1  }
0x99: {  	_ =	sdelay $0x3  }
.LBB2_2:
0x9a: {  	s13 =	rddreg [dreg:$0x5]  }
0x9b: {  	[tilespmem:s22], [sflag:$0x2] =	stream.linear.gather [hbm4b:s13+s12], $0x1400, $0x38;
	[tilespmem:$0x1E800] =	vst v63  }
0x9c: {  	s14 =	rddreg [dreg:$0x6]  }
0x9d: {  	[tilespmem:s23], [sflag:$0x2] =	stream.linear.gather [hbm4b:s14+s12], $0x1400, $0x38;
	[tilespmem:$0x1E800] =	vst v63  }
0x9e: {  	_ =	swait.ge [sflag:s24], $0x1400  }
0x9f: {  	[sflag:s24] =	ssyncset.done $0x0  }
0xa0: {  	[sflag:s24] =	ssyncadd.s32 $0xFFFFEC00  }
0xa1: {  	_ =	swait.ge [sflag:s24], $0x1400  }
0xa2: {  	[sflag:s24] =	ssyncset.done $0x0  }
0xa3: {  	[sflag:s24] =	ssyncadd.s32 $0xFFFFEC00  }
0xa4: {  	[tilespmem:s26], [sflag:$0x3] =	stream.indirect.gather [hbm4b:s3+s25], $0x80, s22, s25, $0xb8;
	[tilespmem:$0x1E800] =	vst v63  }
0xa5: {  	_ = 	snop  }
0xa6: {  	[tilespmem:s29], [sflag:$0x4] =	stream.indirect.gather [hbm4b:s3+s25], $0x80, s28, s25, $0xb8;
	[tilespmem:$0x1E800] =	vst v63  }
0xa7: {  	_ =	swait.ge [sflag:s30], $0x4000  }
0xa8: {  	[sflag:s30] =	ssyncset.done $0x0  }
0xa9: {  	s14 =	simm.s32 $0x15400;
	[sflag:s30] =	ssyncadd.s32 $0xFFFFC000  }
0xaa: {  	[spmem:s1] =	stream.indirect.scatter.add.f32 [tilespmem:s26], [sflag:$0x5], $0x80, s14, s25, $0xb8;
	[tilespmem:$0x1E800] =	vst v63  }
0xab: {  	_ =	swait.ge [sflag:s31], $0x4000  }
0xac: {  	[sflag:s31] =	ssyncset.done $0x0  }
0xad: {  	s13 =	simm.s32 $0x15480;
	[sflag:s31] =	ssyncadd.s32 $0xFFFFC000  }
0xae: {  	[spmem:s1] =	stream.indirect.scatter.add.f32 [tilespmem:s29], [sflag:$0x6], $0x80, s13, s25, $0xb8;
	[tilespmem:$0x1E800] =	vst v63  }
0xaf: {  	_ =	swait.ge [sflag:s0], $0x4000  }
0xb0: {  	[sflag:s0] =	ssyncset.done $0x0  }
0xb1: {  	s14 =	simm.s32 $0x14100;
	[sflag:s0] =	ssyncadd.s32 $0xFFFFC000  }
0xb2: {  	[tilespmem:s26], [sflag:$0x3] =	stream.indirect.gather [hbm4b:s3+s25], $0x80, s14, s25, $0xb8;
	[tilespmem:$0x1E800] =	vst v63  }
0xb3: {  	_ =	swait.ge [sflag:s4], $0x4000  }
0xb4: {  	[sflag:s4] =	ssyncset.done $0x0  }
0xb5: {  	s12 =	simm.s32 $0x400;
	s13 =	simm.s32 $0x14180;
	[sflag:s4] =	ssyncadd.s32 $0xFFFFC000  }
.LBB2_3:
0xb6: {  	[tilespmem:s29], [sflag:$0x4] =	stream.indirect.gather [hbm4b:s3+s25], $0x80, s13, s25, $0xb8;
	[tilespmem:$0x1E800] =	vst v63  }
0xb7: {  	s13 =	smov.u32 s12  }
0xb8: {  	p1 =	sne.s32 s12, $0x4800;
	s12 =	sadd.s32 $0x400, s12;
	_ =	swait.ge [sflag:s30], $0x4000  }
0xb9: {  	s13 =	sshra.s32 s13, $0x2;
	[sflag:s30] =	ssyncset.done $0x0  }
0xba: {  	s14 =	sadd.s32 $0x15400, s13;
	[sflag:s30] =	ssyncadd.s32 $0xFFFFC000  }
0xbb: {  	[spmem:s1] =	stream.indirect.scatter.add.f32 [tilespmem:s26], [sflag:$0x5], $0x80, s14, s25, $0xb8;
	[tilespmem:$0x1E800] =	vst v63  }
0xbc: {  	_ =	swait.ge [sflag:s31], $0x4000  }
0xbd: {  	[sflag:s31] =	ssyncset.done $0x0  }
0xbe: {  	s14 =	sadd.s32 $0x15480, s13;
	[sflag:s31] =	ssyncadd.s32 $0xFFFFC000  }
0xbf: {  	[spmem:s1] =	stream.indirect.scatter.add.f32 [tilespmem:s29], [sflag:$0x6], $0x80, s14, s25, $0xb8;
	[tilespmem:$0x1E800] =	vst v63  }
0xc0: {  	_ =	swait.ge [sflag:s0], $0x4000  }
0xc1: {  	[sflag:s0] =	ssyncset.done $0x0  }
.Ltmp6:
0xc2: {  	s14 =	sadd.s32 $0x14100, s13;
	[sflag:s0] =	ssyncadd.s32 $0xFFFFC000;
	(pc) =	sbr.rel @p1 .LBB2_3-.Ltmp6, $4  }
0xc3: {  	[tilespmem:s26], [sflag:$0x3] =	stream.indirect.gather [hbm4b:s3+s25], $0x80, s14, s25, $0xb8;
	[tilespmem:$0x1E800] =	vst v63  }
0xc4: {  	_ =	swait.ge [sflag:s4], $0x4000  }
0xc5: {  	[sflag:s4] =	ssyncset.done $0x0  }
0xc6: {  	s13 =	sadd.s32 $0x14180, s13;
	[sflag:s4] =	ssyncadd.s32 $0xFFFFC000  }
0xc7: {  	[tilespmem:s29], [sflag:$0x4] =	stream.indirect.gather [hbm4b:s3+s25], $0x80, s13, s25, $0xb8;
	[tilespmem:$0x1E800] =	vst v63  }
0xc8: {  	_ =	swait.ge [sflag:s30], $0x4000  }
0xc9: {  	[sflag:s30] =	ssyncset.done $0x0  }
0xca: {  	[sflag:s30] =	ssyncadd.s32 $0xFFFFC000  }
0xcb: {  	[spmem:s1] =	stream.indirect.scatter.add.f32 [tilespmem:s26], [sflag:$0x5], $0x80, s6, s25, $0xb8;
	[tilespmem:$0x1E800] =	vst v63  }
0xcc: {  	_ =	swait.ge [sflag:s31], $0x4000  }
0xcd: {  	[sflag:s31] =	ssyncset.done $0x0  }
0xce: {  	[sflag:s31] =	ssyncadd.s32 $0xFFFFC000  }
0xcf: {  	[spmem:s1] =	stream.indirect.scatter.add.f32 [tilespmem:s29], [sflag:$0x6], $0x80, s7, s25, $0xb8;
	[tilespmem:$0x1E800] =	vst v63  }
0xd0: {  	_ =	swait.ge [sflag:s0], $0x4000  }
0xd1: {  	[sflag:s0] =	ssyncset.done $0x0  }
0xd2: {  	[sflag:s0] =	ssyncadd.s32 $0xFFFFC000  }
0xd3: {  	_ =	swait.ge [sflag:s4], $0x4000  }
0xd4: {  	[sflag:s4] =	ssyncset.done $0x0  }
0xd5: {  	s12 =	simm.s32 $0x0;
	s14 =	rddreg [dreg:$0x7];
	[sflag:s4] =	ssyncadd.s32 $0xFFFFC000  }
0xd6: {  	[tilespmem:s22], [sflag:$0x2] =	stream.linear.gather [hbm4b:s14+s12], $0x1400, $0x38;
	[tilespmem:$0x1E800] =	vst v63  }
0xd7: {  	s14 =	rddreg [dreg:$0x8]  }
0xd8: {  	[tilespmem:s23], [sflag:$0x2] =	stream.linear.gather [hbm4b:s14+s12], $0x1400, $0x38;
	[tilespmem:$0x1E800] =	vst v63  }
0xd9: {  	_ =	swait.ge [sflag:s24], $0x1400  }
0xda: {  	[sflag:s24] =	ssyncset.done $0x0  }
0xdb: {  	[sflag:s24] =	ssyncadd.s32 $0xFFFFEC00  }
0xdc: {  	_ =	swait.ge [sflag:s24], $0x1400  }
0xdd: {  	[sflag:s24] =	ssyncset.done $0x0  }
0xde: {  	[sflag:s24] =	ssyncadd.s32 $0xFFFFEC00  }
0xdf: {  	[tilespmem:s26], [sflag:$0x3] =	stream.indirect.gather [hbm4b:s3+s25], $0x80, s22, s25, $0xb8;
	[tilespmem:$0x1E800] =	vst v63  }
0xe0: {  	_ = 	snop  }
0xe1: {  	[tilespmem:s29], [sflag:$0x4] =	stream.indirect.gather [hbm4b:s3+s25], $0x80, s28, s25, $0xb8;
	[tilespmem:$0x1E800] =	vst v63  }
0xe2: {  	_ =	swait.ge [sflag:s30], $0x4000  }
0xe3: {  	[sflag:s30] =	ssyncset.done $0x0  }
0xe4: {  	s14 =	simm.s32 $0x15400;
	[sflag:s30] =	ssyncadd.s32 $0xFFFFC000  }
0xe5: {  	[spmem:s1] =	stream.indirect.scatter.add.f32 [tilespmem:s26], [sflag:$0x5], $0x80, s14, s25, $0xb8;
	[tilespmem:$0x1E800] =	vst v63  }
0xe6: {  	_ =	swait.ge [sflag:s31], $0x4000  }
0xe7: {  	[sflag:s31] =	ssyncset.done $0x0  }
0xe8: {  	s13 =	simm.s32 $0x15480;
	[sflag:s31] =	ssyncadd.s32 $0xFFFFC000  }
0xe9: {  	[spmem:s1] =	stream.indirect.scatter.add.f32 [tilespmem:s29], [sflag:$0x6], $0x80, s13, s25, $0xb8;
	[tilespmem:$0x1E800] =	vst v63  }
0xea: {  	_ =	swait.ge [sflag:s0], $0x4000  }
0xeb: {  	[sflag:s0] =	ssyncset.done $0x0  }
0xec: {  	s14 =	simm.s32 $0x14100;
	[sflag:s0] =	ssyncadd.s32 $0xFFFFC000  }
0xed: {  	[tilespmem:s26], [sflag:$0x3] =	stream.indirect.gather [hbm4b:s3+s25], $0x80, s14, s25, $0xb8;
	[tilespmem:$0x1E800] =	vst v63  }
0xee: {  	_ =	swait.ge [sflag:s4], $0x4000  }
0xef: {  	[sflag:s4] =	ssyncset.done $0x0  }
0xf0: {  	s12 =	simm.s32 $0x400;
	s13 =	simm.s32 $0x14180;
	[sflag:s4] =	ssyncadd.s32 $0xFFFFC000  }
.LBB2_5:
0xf1: {  	[tilespmem:s29], [sflag:$0x4] =	stream.indirect.gather [hbm4b:s3+s25], $0x80, s13, s25, $0xb8;
	[tilespmem:$0x1E800] =	vst v63  }
0xf2: {  	s13 =	smov.u32 s12  }
0xf3: {  	p1 =	seq.s32 s12, $0x4800;
	s12 =	sadd.s32 $0x400, s12;
	_ =	swait.ge [sflag:s30], $0x4000  }
0xf4: {  	s13 =	sshra.s32 s13, $0x2;
	[sflag:s30] =	ssyncset.done $0x0  }
0xf5: {  	s14 =	sadd.s32 $0x15400, s13;
	[sflag:s30] =	ssyncadd.s32 $0xFFFFC000  }
0xf6: {  	[spmem:s1] =	stream.indirect.scatter.add.f32 [tilespmem:s26], [sflag:$0x5], $0x80, s14, s25, $0xb8;
	[tilespmem:$0x1E800] =	vst v63  }
0xf7: {  	_ =	swait.ge [sflag:s31], $0x4000  }
0xf8: {  	[sflag:s31] =	ssyncset.done $0x0  }
0xf9: {  	s14 =	sadd.s32 $0x15480, s13;
	[sflag:s31] =	ssyncadd.s32 $0xFFFFC000  }
0xfa: {  	[spmem:s1] =	stream.indirect.scatter.add.f32 [tilespmem:s29], [sflag:$0x6], $0x80, s14, s25, $0xb8;
	[tilespmem:$0x1E800] =	vst v63  }
0xfb: {  	_ =	swait.ge [sflag:s0], $0x4000  }
0xfc: {  	[sflag:s0] =	ssyncset.done $0x0  }
.Ltmp7:
0xfd: {  	s14 =	sadd.s32 $0x14100, s13;
	[sflag:s0] =	ssyncadd.s32 $0xFFFFC000;
	(pc) =	sbr.rel @!p1 .LBB2_5-.Ltmp7, $4  }
0xfe: {  	[tilespmem:s26], [sflag:$0x3] =	stream.indirect.gather [hbm4b:s3+s25], $0x80, s14, s25, $0xb8;
	[tilespmem:$0x1E800] =	vst v63  }
0xff: {  	_ =	swait.ge [sflag:s4], $0x4000  }
0x100: {  	[sflag:s4] =	ssyncset.done $0x0  }
0x101: {  	s13 =	sadd.s32 $0x14180, s13;
	[sflag:s4] =	ssyncadd.s32 $0xFFFFC000  }
.Ltmp8:
0x102: {  	(pc) =	sbr.rel .LBB2_12-.Ltmp8, $3  }
0x103: {  	_ =	sdelay $0x1  }
0x104: {  	[tilespmem:s29], [sflag:$0x4] =	stream.indirect.gather [hbm4b:s3+s25], $0x80, s13, s25, $0xb8;
	[tilespmem:$0x1E800] =	vst v63  }
0x105: {  	s12 =	rddreg [dreg:$0x4]  }
.LBB2_13:
0x106: {  	_ =	sfence.sel $0x180000  }
0x107: {  	[bflag:$0x0] =	sbarrier.arrive $0xFFFF  }
0x108: {  	_ =	strace $0x90000050  }
0x109: {  	s0 =	stileid.u32;
	[bflag:$0x2] =	sbarrier.arrive $0xFFFF  }
0x10a: {  	p0 =	sne.s32 s0, $0x0;
	s0 =	rddreg [dreg:$0x2]  }
0x10b: {  	s0 =	sadd.s32 @!p0 $0x100000, s0  }
0x10c: {  	[sflag:s0] =	ssyncadd.tile.s32 @!p0 $0x1;
	_ =	shalt  }
.Lfunc_end2:
_tile_overlayer_lowered:
.L_overlay_start_2:
0x10d: {  	(tag) =	ssettag $0x2  }
0x10e: {  	s0 =	rddreg [dreg:$0x0];
	s2 =	stileid.u32  }
0x10f: {  	s1 =	rddreg [dreg:$0x1];
	p0 =	sne.s32 s2, $0x0  }
0x110: {  	s3 =	rddreg [dreg:$0x2];
	[bflag:$0x3] =	sbarrier.arrive $0xFFFF;
	s2 =	simm.s32 @!p0 $0x1C07  }
0x111: {  	[timem:s3], [sflag:s2] =	dma.local @!p0 [hbm:s0], s1  }
0x112: {  	s0 =	simm.s32 @!p0 $0x7  }
0x113: {  	_ =	swait.ge @!p0 [sflag:s0], s1  }
0x114: {  	s1 =	ssub.s32 @!p0 $0x0, s1;
	[sflag:s0] =	ssyncset.done @!p0 $0x0  }
0x115: {  	[sflag:s0] =	ssyncadd.s32 @!p0 s1  }
0x116: {  	[bflag:$0x3] =	sbarrier.arrive $0xFFFF  }
0x117: {  	_ =	shalt  }

</sc_bundles>
